<compile_context>
chip_gen: v7x
topology: tpu7x:2x2x1
jax: 0.10.2.dev20260603
libtpu: 0.0.44.dev20260713+nightly
codegen_flags: <defaults>
</compile_context>

<pallas_src>
import functools

import numpy as np
import jax
import jax.numpy as jnp
from jax import lax
from jax.experimental import pallas as pl
from jax.experimental.pallas import tpu as pltpu
from jax.experimental.pallas import tpu_sc as plsc

B = 16384
K = 16
D = 16
NREL = 32
KD = K * D
KR = K * NREL

NW = 32
BPW = B // NW
CHUNK = 128

N2 = (B * K) // NW
SB = 2048


def _f32(x):
    return np.asarray(x, np.float32)


def _group_consts():
    G = np.zeros((KD, K), np.float32)
    T2 = np.zeros((KD, D), np.float32)
    for k in range(K):
        for d in range(D):
            G[k * D + d, k] = 1.0
            T2[k * D + d, d] = 1.0
    G32T = np.zeros((K, KR), np.float32)
    T32 = np.zeros((NREL, KR), np.float32)
    for k in range(K):
        for j in range(NREL):
            G32T[k, k * NREL + j] = 1.0
            T32[j, k * NREL + j] = 1.0
    return G, G.T.copy(), T2, G32T, T32, G32T.T.copy()


_G, _GT, _T2, _G32T, _T32, _R512 = _group_consts()


_SC_PARAMS = pltpu.CompilerParams(use_tc_tiling_on_sc=False)


_TBLK = 32768


def _fold(x):
    bands = []
    for bb in range(_TBLK // 1024):
        m8 = jnp.concatenate([x[:, (8 * bb + m) * 128:(8 * bb + m + 1) * 128]
                              for m in range(8)], axis=0)
        bands.append(m8.T)
    return jnp.concatenate(bands, axis=0)


def _relayout_specs(n):
    ngrid = pl.cdiv(n, _TBLK)
    in_spec = pl.BlockSpec((D, _TBLK), lambda i: (0, i))
    out_spec = pl.BlockSpec((_TBLK // 8, 8 * D), lambda i: (i, 0))
    ns = ngrid * (_TBLK // 8)
    return ngrid, in_spec, out_spec, ns


def _relayout_adj_user(adj_entity, adj_relation, user_table):
    n = adj_entity.shape[0]
    ngrid, in_spec, out_spec, ns = _relayout_specs(n)

    def body(ae_ref, ar_ref, ut_ref, co_ref, uo_ref):
        co_ref[...] = _fold(ae_ref[...] | (ar_ref[...] << 20))
        uo_ref[...] = _fold(ut_ref[...])

    c8, u8 = pl.pallas_call(
        body,
        grid=(ngrid,),
        in_specs=[in_spec] * 3,
        out_specs=[out_spec] * 2,
        out_shape=[
            jax.ShapeDtypeStruct((ns, 8 * D), jnp.int32),
            jax.ShapeDtypeStruct((ns, 8 * D), jnp.float32),
        ],
    )(adj_entity.T, adj_relation.T, user_table.T)
    return c8.reshape(ns * 8, D), u8.reshape(ns * 8, D)


def _relayout_entity(entity_table):
    n = entity_table.shape[0]
    ngrid, in_spec, out_spec, ns = _relayout_specs(n)

    def body(et_ref, eo_ref):
        eo_ref[...] = _fold(et_ref[...])

    e8 = pl.pallas_call(
        body,
        grid=(ngrid,),
        in_specs=[in_spec],
        out_specs=out_spec,
        out_shape=jax.ShapeDtypeStruct((ns, 8 * D), jnp.float32),
    )(entity_table.T)
    return e8.reshape(ns * 8, D)


def _perm_rows(e):
    return (e & -1024) | ((e & 127) << 3) | ((e >> 7) & 7)


def _sc_phase1(users, items, comb_table, user_table):
    mesh = plsc.VectorSubcoreMesh(core_axis_name="c", subcore_axis_name="s")
    out_types = (
        jax.ShapeDtypeStruct((B, K), jnp.int32),
        jax.ShapeDtypeStruct((B, D), jnp.float32),
    )

    @functools.partial(
        pl.kernel,
        mesh=mesh,
        out_type=out_types,
        scratch_types=[
            pltpu.VMEM((BPW,), jnp.int32),
            pltpu.VMEM((BPW,), jnp.int32),
            pltpu.VMEM((BPW, K), jnp.int32),
            pltpu.VMEM((BPW, D), jnp.float32),
            pltpu.SemaphoreType.DMA,
        ],
        compiler_params=_SC_PARAMS,
    )
    def k(users_hbm, items_hbm, comb_hbm, ut_hbm,
          nbc_hbm, u_hbm,
          uidx_v, iidx_v, nbc_v, u_v, sem):
        wid = lax.axis_index("s") * 2 + lax.axis_index("c")
        base = pl.multiple_of(wid * BPW, BPW)
        pltpu.sync_copy(users_hbm.at[pl.ds(base, BPW)], uidx_v)
        pltpu.sync_copy(items_hbm.at[pl.ds(base, BPW)], iidx_v)

        @pl.loop(0, BPW, step=128)
        def _(o):
            o = pl.multiple_of(o, 128)
            for t in range(8):
                sl = pl.ds(o + t * 16, 16)
                uidx_v[sl] = _perm_rows(uidx_v[sl])
                iidx_v[sl] = _perm_rows(iidx_v[sl])

        copies = []
        for j in range(BPW // CHUNK):
            sl = pl.ds(j * CHUNK, CHUNK)
            copies.append(pltpu.async_copy(comb_hbm.at[iidx_v.at[sl]], nbc_v.at[sl], sem))
            copies.append(pltpu.async_copy(ut_hbm.at[uidx_v.at[sl]], u_v.at[sl], sem))
        for c in copies:
            c.wait()
        pltpu.sync_copy(nbc_v, nbc_hbm.at[pl.ds(base, BPW)])
        pltpu.sync_copy(u_v, u_hbm.at[pl.ds(base, BPW)])

    return k(users, items, comb_table, user_table)


def _sc_phase2(ids_flat, items, entity_table):
    mesh = plsc.VectorSubcoreMesh(core_axis_name="c", subcore_axis_name="s")
    out_types = (
        jax.ShapeDtypeStruct((B * K, D), jnp.float32),
        jax.ShapeDtypeStruct((B, D), jnp.float32),
    )

    @functools.partial(
        pl.kernel,
        mesh=mesh,
        out_type=out_types,
        scratch_types=[
            pltpu.VMEM((N2,), jnp.int32),
            pltpu.VMEM((BPW,), jnp.int32),
            pltpu.VMEM((SB, D), jnp.float32),
            pltpu.VMEM((BPW, D), jnp.float32),
            pltpu.SemaphoreType.DMA,
            pltpu.SemaphoreType.DMA,
        ],
        compiler_params=_SC_PARAMS,
    )
    def k(ids_hbm, items_hbm, et_hbm, out_hbm, i_hbm, idx_v, iidx_v, rows_v,
          i_v, sem, isem):
        wid = lax.axis_index("s") * 2 + lax.axis_index("c")
        base = pl.multiple_of(wid * N2, N2)
        base1 = pl.multiple_of(wid * BPW, BPW)
        pltpu.sync_copy(ids_hbm.at[pl.ds(base, N2)], idx_v)
        pltpu.sync_copy(items_hbm.at[pl.ds(base1, BPW)], iidx_v)

        @pl.loop(0, N2, step=128)
        def _(o):
            o = pl.multiple_of(o, 128)
            for t in range(8):
                sl = pl.ds(o + t * 16, 16)
                idx_v[sl] = _perm_rows(idx_v[sl] & 0xFFFFF)

        @pl.loop(0, BPW, step=128)
        def _(o):
            o = pl.multiple_of(o, 128)
            for t in range(8):
                sl = pl.ds(o + t * 16, 16)
                iidx_v[sl] = _perm_rows(iidx_v[sl])

        item_copies = []
        for j in range(BPW // CHUNK):
            sl = pl.ds(j * CHUNK, CHUNK)
            item_copies.append(pltpu.async_copy(et_hbm.at[iidx_v.at[sl]],
                                                i_v.at[sl], isem))

        @pl.loop(0, N2 // SB)
        def _(sb):
            off = pl.multiple_of(sb * SB, SB)
            copies = []
            for j in range(SB // CHUNK):
                copies.append(pltpu.async_copy(
                    et_hbm.at[idx_v.at[pl.ds(off + j * CHUNK, CHUNK)]],
                    rows_v.at[pl.ds(j * CHUNK, CHUNK)], sem))
            for c in copies:
                c.wait()
            pltpu.sync_copy(rows_v, out_hbm.at[pl.ds(base + off, SB)])

        for c in item_copies:
            c.wait()
        pltpu.sync_copy(i_v, i_hbm.at[pl.ds(base1, BPW)])

    return k(ids_flat, items, entity_table)


_EPS = 1e-7
_DEF = jax.lax.Precision.DEFAULT


def _dot1(a, bm, dims=(((1,), (0,)), ((), ()))):
    return jax.lax.dot_general(a, bm, dims,
                               precision=_DEF, preferred_element_type=jnp.float32)


def _split(a):
    hi = a.astype(jnp.bfloat16).astype(jnp.float32)
    return hi, a - hi


def _dot(a, bm):
    hi, lo = _split(a)
    return _dot1(hi, bm) + _dot1(lo, bm)


def _dot_t(a, bm):
    dims = (((1,), (1,)), ((), ()))
    ah, al = _split(a)
    bh, bl = _split(bm)
    return (_dot1(ah, bh, dims) + _dot1(ah, bl, dims)) + _dot1(al, bh, dims)


def _renorm_factor(sumsq):
    n = jnp.sqrt(sumsq)
    return jnp.minimum(1.0, 1.0 / jnp.maximum(n, _EPS))


def _tc_body(u_ref, i_ref, ent_ref, rid_ref, rel_ref, w_ref, b_ref,
             g_ref, gt_ref, t2_ref, g32t_ref, t32_ref, r512_ref,
             un_ref, out_ref):
    u = u_ref[...]
    un = u * _renorm_factor(jnp.sum(u * u, axis=1, keepdims=True))
    un_ref[...] = un

    it = i_ref[...]
    inr = it * _renorm_factor(jnp.sum(it * it, axis=1, keepdims=True))

    rel = rel_ref[...]
    relr = rel * _renorm_factor(jnp.sum(rel * rel, axis=1, keepdims=True))
    s_all = _dot_t(un, relr)

    rid = (rid_ref[...] >> 20).astype(jnp.float32)
    rid_t = _dot1(rid, g32t_ref[...])
    jj = (lax.broadcasted_iota(jnp.int32, rid_t.shape, 1) % NREL).astype(jnp.float32)
    onehot = (rid_t == jj).astype(jnp.float32)
    s_t = _dot(s_all, t32_ref[...])
    scores = _dot(onehot * s_t, r512_ref[...])

    m = jnp.max(scores, axis=1, keepdims=True)
    e = jnp.exp(scores - m)
    w = e / jnp.sum(e, axis=1, keepdims=True)

    ent = ent_ref[...]
    qe = _dot(ent * ent, g_ref[...])
    fw = _renorm_factor(qe) * w
    fw_t = _dot(fw, gt_ref[...])
    nv = _dot(ent * fw_t, t2_ref[...])

    out = _dot_t(inr + nv, w_ref[...]) + b_ref[...]
    out_ref[...] = jnp.maximum(out, 0.0)


def _tc_attention(u_raw, i_raw, ent_packed, relids, rel_table, W, b,
                  interpret=False):
    BB = 2048
    grid = (B // BB,)

    def row_spec(width):
        return pl.BlockSpec((BB, width), lambda i: (i, 0))

    def full_spec(shape):
        return pl.BlockSpec(shape, lambda i: (0,) * len(shape))

    return pl.pallas_call(
        _tc_body,
        grid=grid,
        in_specs=[
            row_spec(D),
            row_spec(D),
            row_spec(KD),
            row_spec(K),
            full_spec((NREL, D)),
            full_spec((D, D)),
            full_spec((1, D)),
            full_spec((KD, K)),
            full_spec((K, KD)),
            full_spec((KD, D)),
            full_spec((K, KR)),
            full_spec((NREL, KR)),
            full_spec((KR, K)),
        ],
        out_specs=[row_spec(D), row_spec(D)],
        out_shape=[
            jax.ShapeDtypeStruct((B, D), jnp.float32),
            jax.ShapeDtypeStruct((B, D), jnp.float32),
        ],
        interpret=interpret,
    )(u_raw, i_raw, ent_packed, relids, rel_table, W, b.reshape(1, D),
      _G, _GT, _T2, _G32T, _T32, _R512)


def kernel(users, items, adj_entity, adj_relation, user_table, entity_table,
           rel_table, W, b):
    comb, ut_lin = _relayout_adj_user(adj_entity, adj_relation, user_table)
    et_lin = _relayout_entity(entity_table)
    nbc, u_raw = _sc_phase1(users, items, comb, ut_lin)
    ent_rows, i_raw = _sc_phase2(nbc.reshape(B * K), items, et_lin)
    ent_packed = ent_rows.reshape(B, KD)
    un, out = _tc_attention(u_raw, i_raw, ent_packed, nbc, rel_table, W, b)
    return (un, out)

# --- scband reference (transcript-rebuilt; emitter-appended) ---
"""Pipeline reference for scband-kgcn-79783312491281 (READ-ONLY COPY).

The authoritative reference and input builder live on the scoring server;
editing this copy changes nothing except your own understanding.
"""

import jax, jax.numpy as jnp
import numpy as np

N_USERS = 1000000
N_ENT = 1000000
N_REL = 32
K = 16   # n_neighbors
D = 16   # e_dim
B = 16384


def _renorm(v):
    # emulate nn.Embedding(max_norm=1): looked-up rows are renormalized to max L2 norm 1
    n = jnp.linalg.norm(v, axis=-1, keepdims=True)
    return v * jnp.minimum(1.0, 1.0 / jnp.maximum(n, 1e-7))


def setup_inputs(seed: int = 0) -> dict:
    key = jax.random.key(seed)
    ks = jax.random.split(key, 8)
    users = jax.random.randint(ks[0], (B,), 0, N_USERS, dtype=jnp.int32)
    items = jax.random.randint(ks[1], (B,), 0, N_ENT, dtype=jnp.int32)
    adj_entity = jax.random.randint(ks[2], (N_ENT, K), 0, N_ENT, dtype=jnp.int32)
    adj_relation = jax.random.randint(ks[3], (N_ENT, K), 0, N_REL, dtype=jnp.int32)
    user_table = jax.random.normal(ks[4], (N_USERS, D), dtype=jnp.float32) * 0.1
    entity_table = jax.random.normal(ks[5], (N_ENT, D), dtype=jnp.float32) * 0.1
    rel_table = jax.random.normal(ks[6], (N_REL, D), dtype=jnp.float32) * 0.1
    W = jax.random.normal(ks[7], (D, D), dtype=jnp.float32) * (1.0 / np.sqrt(D))
    b = jnp.zeros((D,), dtype=jnp.float32)
    return {
        "users": users,
        "items": items,
        "adj_entity": adj_entity,
        "adj_relation": adj_relation,
        "user_table": user_table,
        "entity_table": entity_table,
        "rel_table": rel_table,
        "W": W,
        "b": b,
    }


def reference(users, items, adj_entity, adj_relation, user_table, entity_table, rel_table, W, b):
    # get_neighbors: gather 1-hop neighbor entity ids and relation ids for each item
    nb_ent_ids = jnp.take(adj_entity, items, axis=0)      # [B, K]
    nb_rel_ids = jnp.take(adj_relation, items, axis=0)    # [B, K]

    user_embeddings = _renorm(jnp.take(user_table, users, axis=0))      # [B, D]
    item_embeddings = _renorm(jnp.take(entity_table, items, axis=0))    # [B, D]
    neighbor_entitys = _renorm(jnp.take(entity_table, nb_ent_ids.reshape(-1), axis=0).reshape(B, K, D))
    neighbor_relations = _renorm(jnp.take(rel_table, nb_rel_ids.reshape(-1), axis=0).reshape(B, K, D))

    # __get_neighbor_vectors: user-relation attention over neighbors
    u = jnp.broadcast_to(user_embeddings[:, None, :], (B, K, D))
    user_relation_scores = jnp.sum(u * neighbor_relations, axis=2)                 # [B, K]
    user_relation_scores_normalized = jax.nn.softmax(user_relation_scores, axis=-1)[:, :, None]
    neighbor_vectors = jnp.sum(user_relation_scores_normalized * neighbor_entitys, axis=1)  # [B, D]

    # aggregator 'sum' (is_evaluate=True path: dropout omitted for determinism)
    output = item_embeddings + neighbor_vectors
    output = jax.nn.relu(output @ W.T + b)
    return (user_embeddings, output)

if __name__ == "__main__":
    import jax
    _d = setup_inputs()
    print(jax.jit(kernel)(*tuple(_d.values())))

</pallas_src>

<mosaic_0001>
#map = affine_map<(d0, d1) -> (0)>
#map1 = affine_map<(d0, d1) -> (0, 0)>
module attributes {stable_mosaic.version = 14 : i64} {
  func.func @k(%arg0: i32, %arg1: i32, %arg2: memref<16384xi32, #tpu.memory_space<hbm>>, %arg3: memref<16384xi32, #tpu.memory_space<hbm>>, %arg4: memref<1015808x16xi32, #tpu.memory_space<hbm>>, %arg5: memref<1015808x16xf32, #tpu.memory_space<hbm>>, %arg6: memref<16384x16xi32, #tpu.memory_space<hbm>>, %arg7: memref<16384x16xf32, #tpu.memory_space<hbm>>, %arg8: memref<512xi32, #tpu.memory_space<vmem>>, %arg9: memref<512xi32, #tpu.memory_space<vmem>>, %arg10: memref<512x16xi32, #tpu.memory_space<vmem>>, %arg11: memref<512x16xf32, #tpu.memory_space<vmem>>, %arg12: memref<!tpu.dma_semaphore, #tpu.memory_space<semaphore_mem>>) attributes {dimension_semantics = [#tpu.dimension_semantics<core_parallel>, #tpu.dimension_semantics<subcore_parallel>], iteration_bounds = array<i64: 2, 16>, scalar_prefetch = 0 : i64, scratch_operands = 5 : i64, tpu.core_type = #tpu.core_type<sc_vector_subcore>, window_params = [{transform_indices = #map}, {transform_indices = #map}, {transform_indices = #map1}, {transform_indices = #map1}, {transform_indices = #map1}, {transform_indices = #map1}]} {
    %mul3A = arith.constant 2 : i32
    %mul3A_0 = arith.muli %arg1, %mul3A : i32
    %add3A = arith.addi %mul3A_0, %arg0 : i32
    %mul3A_1 = arith.constant 512 : i32
    %mul3A_2 = arith.muli %add3A, %mul3A_1 : i32
    %multiple_of3A = tpu.assume_multiple %mul3A_2, 512 : i32
    "tpu.region"() ({
      %run_scoped3A = tpu.sem_alloc : memref<!tpu.dma_semaphore, #tpu.memory_space<semaphore_mem>>
      %dma_start3A_133 = tpu.memref_slice %arg2[%multiple_of3A] : memref<16384xi32, #tpu.memory_space<hbm>> -> memref<512xi32, #tpu.memory_space<hbm>>
      %dma_start3A_134 = tpu.memref_slice %arg2[%multiple_of3A] : memref<16384xi32, #tpu.memory_space<hbm>> -> memref<512xi32, #tpu.memory_space<hbm>>
      tpu.enqueue_dma source(%dma_start3A_134 : memref<512xi32, #tpu.memory_space<hbm>>) target(%arg8 : memref<512xi32, #tpu.memory_space<vmem>>) target_semaphore(%run_scoped3A : memref<!tpu.dma_semaphore, #tpu.memory_space<semaphore_mem>>)
      %dma_wait3A_135 = tpu.memref_slice %arg2[%multiple_of3A] : memref<16384xi32, #tpu.memory_space<hbm>> -> memref<512xi32, #tpu.memory_space<hbm>>
      %dma_wait3A_136 = tpu.memref_slice %arg2[%multiple_of3A] : memref<16384xi32, #tpu.memory_space<hbm>> -> memref<512xi32, #tpu.memory_space<hbm>>
      tpu.wait_dma2 semaphore(%run_scoped3A : memref<!tpu.dma_semaphore, #tpu.memory_space<semaphore_mem>>) src(%dma_wait3A_136 : memref<512xi32, #tpu.memory_space<hbm>>) dst(%arg8 : memref<512xi32, #tpu.memory_space<vmem>>)
      tpu.yield
    }) : () -> ()
    "tpu.region"() ({
      %run_scoped3A = tpu.sem_alloc : memref<!tpu.dma_semaphore, #tpu.memory_space<semaphore_mem>>
      %dma_start3A_133 = tpu.memref_slice %arg3[%multiple_of3A] : memref<16384xi32, #tpu.memory_space<hbm>> -> memref<512xi32, #tpu.memory_space<hbm>>
      %dma_start3A_134 = tpu.memref_slice %arg3[%multiple_of3A] : memref<16384xi32, #tpu.memory_space<hbm>> -> memref<512xi32, #tpu.memory_space<hbm>>
      tpu.enqueue_dma source(%dma_start3A_134 : memref<512xi32, #tpu.memory_space<hbm>>) target(%arg9 : memref<512xi32, #tpu.memory_space<vmem>>) target_semaphore(%run_scoped3A : memref<!tpu.dma_semaphore, #tpu.memory_space<semaphore_mem>>)
      %dma_wait3A_135 = tpu.memref_slice %arg3[%multiple_of3A] : memref<16384xi32, #tpu.memory_space<hbm>> -> memref<512xi32, #tpu.memory_space<hbm>>
      %dma_wait3A_136 = tpu.memref_slice %arg3[%multiple_of3A] : memref<16384xi32, #tpu.memory_space<hbm>> -> memref<512xi32, #tpu.memory_space<hbm>>
      tpu.wait_dma2 semaphore(%run_scoped3A : memref<!tpu.dma_semaphore, #tpu.memory_space<semaphore_mem>>) src(%dma_wait3A_136 : memref<512xi32, #tpu.memory_space<hbm>>) dst(%arg9 : memref<512xi32, #tpu.memory_space<vmem>>)
      tpu.yield
    }) : () -> ()
    %scan3A = arith.constant 0 : i32
    %scan3A_3 = arith.constant 4 : i32
    %scan3A_4 = arith.addi %scan3A, %scan3A_3 : i32
    %scan3A_5 = arith.constant 1 : i32
    scf.for %scan3A_133 = %scan3A to %scan3A_4 step %scan3A_5  : i32 {
      %mul3A_134 = arith.constant 128 : i32
      %mul3A_135 = arith.muli %scan3A_133, %mul3A_134 : i32
      %add3A_136 = arith.constant 0 : i32
      %add3A_137 = arith.addi %add3A_136, %mul3A_135 : i32
      %multiple_of3A_138 = tpu.assume_multiple %add3A_137, 128 : i32
      %add3A_139 = arith.constant 0 : i32
      %add3A_140 = arith.addi %multiple_of3A_138, %add3A_139 : i32
      %get3A = arith.index_cast %add3A_140 : i32 to index
      %get3A_141 = tpu.vector_load %arg8[%get3A] {strides = array<i32>} : memref<512xi32, #tpu.memory_space<vmem>>, vector<16xi32>,
      %get3A_142 = vector.shape_cast %get3A_141 : vector<16xi32> to vector<16xi32>
      %and3A = arith.constant -1024 : i32
      %and3A_143 = vector.broadcast %and3A : i32 to vector<16xi32>
      %and3A_144 = arith.andi %get3A_142, %and3A_143 : vector<16xi32>
      %and3A_145 = arith.constant 127 : i32
      %and3A_146 = vector.broadcast %and3A_145 : i32 to vector<16xi32>
      %and3A_147 = arith.andi %get3A_142, %and3A_146 : vector<16xi32>
      %shift_left3A = arith.constant 3 : i32
      %shift_left3A_148 = vector.broadcast %shift_left3A : i32 to vector<16xi32>
      %shift_left3A_149 = arith.shli %and3A_147, %shift_left3A_148 : vector<16xi32>
      %or3A = arith.ori %and3A_144, %shift_left3A_149 : vector<16xi32>
      %shift_right_arithmetic3A = arith.constant 7 : i32
      %shift_right_arithmetic3A_150 = vector.broadcast %shift_right_arithmetic3A : i32 to vector<16xi32>
      %shift_right_arithmetic3A_151 = arith.shrsi %get3A_142, %shift_right_arithmetic3A_150 : vector<16xi32>
      %and3A_152 = arith.constant 7 : i32
      %and3A_153 = vector.broadcast %and3A_152 : i32 to vector<16xi32>
      %and3A_154 = arith.andi %shift_right_arithmetic3A_151, %and3A_153 : vector<16xi32>
      %or3A_155 = arith.ori %or3A, %and3A_154 : vector<16xi32>
      %swap3A = arith.index_cast %add3A_140 : i32 to index
      %swap3A_156 = tpu.vector_load %arg8[%swap3A] {strides = array<i32>} : memref<512xi32, #tpu.memory_space<vmem>>, vector<16xi32>,
      %swap3A_157 = vector.shape_cast %swap3A_156 : vector<16xi32> to vector<16xi32>
      %swap3A_158 = vector.shape_cast %or3A_155 : vector<16xi32> to vector<16xi32>
      tpu.vector_store %arg8[%swap3A], %swap3A_158 {strides = array<i32>} : memref<512xi32, #tpu.memory_space<vmem>>, vector<16xi32>,
      %get3A_159 = arith.index_cast %add3A_140 : i32 to index
      %get3A_160 = tpu.vector_load %arg9[%get3A_159] {strides = array<i32>} : memref<512xi32, #tpu.memory_space<vmem>>, vector<16xi32>,
      %get3A_161 = vector.shape_cast %get3A_160 : vector<16xi32> to vector<16xi32>
      %and3A_162 = arith.constant -1024 : i32
      %and3A_163 = vector.broadcast %and3A_162 : i32 to vector<16xi32>
      %and3A_164 = arith.andi %get3A_161, %and3A_163 : vector<16xi32>
      %and3A_165 = arith.constant 127 : i32
      %and3A_166 = vector.broadcast %and3A_165 : i32 to vector<16xi32>
      %and3A_167 = arith.andi %get3A_161, %and3A_166 : vector<16xi32>
      %shift_left3A_168 = arith.constant 3 : i32
      %shift_left3A_169 = vector.broadcast %shift_left3A_168 : i32 to vector<16xi32>
      %shift_left3A_170 = arith.shli %and3A_167, %shift_left3A_169 : vector<16xi32>
      %or3A_171 = arith.ori %and3A_164, %shift_left3A_170 : vector<16xi32>
      %shift_right_arithmetic3A_172 = arith.constant 7 : i32
      %shift_right_arithmetic3A_173 = vector.broadcast %shift_right_arithmetic3A_172 : i32 to vector<16xi32>
      %shift_right_arithmetic3A_174 = arith.shrsi %get3A_161, %shift_right_arithmetic3A_173 : vector<16xi32>
      %and3A_175 = arith.constant 7 : i32
      %and3A_176 = vector.broadcast %and3A_175 : i32 to vector<16xi32>
      %and3A_177 = arith.andi %shift_right_arithmetic3A_174, %and3A_176 : vector<16xi32>
      %or3A_178 = arith.ori %or3A_171, %and3A_177 : vector<16xi32>
      %swap3A_179 = arith.index_cast %add3A_140 : i32 to index
      %swap3A_180 = tpu.vector_load %arg9[%swap3A_179] {strides = array<i32>} : memref<512xi32, #tpu.memory_space<vmem>>, vector<16xi32>,
      %swap3A_181 = vector.shape_cast %swap3A_180 : vector<16xi32> to vector<16xi32>
      %swap3A_182 = vector.shape_cast %or3A_178 : vector<16xi32> to vector<16xi32>
      tpu.vector_store %arg9[%swap3A_179], %swap3A_182 {strides = array<i32>} : memref<512xi32, #tpu.memory_space<vmem>>, vector<16xi32>,
      %add3A_183 = arith.constant 16 : i32
      %add3A_184 = arith.addi %multiple_of3A_138, %add3A_183 : i32
      %get3A_185 = arith.index_cast %add3A_184 : i32 to index
      %get3A_186 = tpu.vector_load %arg8[%get3A_185] {strides = array<i32>} : memref<512xi32, #tpu.memory_space<vmem>>, vector<16xi32>,
      %get3A_187 = vector.shape_cast %get3A_186 : vector<16xi32> to vector<16xi32>
      %and3A_188 = arith.constant -1024 : i32
      %and3A_189 = vector.broadcast %and3A_188 : i32 to vector<16xi32>
      %and3A_190 = arith.andi %get3A_187, %and3A_189 : vector<16xi32>
      %and3A_191 = arith.constant 127 : i32
      %and3A_192 = vector.broadcast %and3A_191 : i32 to vector<16xi32>
      %and3A_193 = arith.andi %get3A_187, %and3A_192 : vector<16xi32>
      %shift_left3A_194 = arith.constant 3 : i32
      %shift_left3A_195 = vector.broadcast %shift_left3A_194 : i32 to vector<16xi32>
      %shift_left3A_196 = arith.shli %and3A_193, %shift_left3A_195 : vector<16xi32>
      %or3A_197 = arith.ori %and3A_190, %shift_left3A_196 : vector<16xi32>
      %shift_right_arithmetic3A_198 = arith.constant 7 : i32
      %shift_right_arithmetic3A_199 = vector.broadcast %shift_right_arithmetic3A_198 : i32 to vector<16xi32>
      %shift_right_arithmetic3A_200 = arith.shrsi %get3A_187, %shift_right_arithmetic3A_199 : vector<16xi32>
      %and3A_201 = arith.constant 7 : i32
      %and3A_202 = vector.broadcast %and3A_201 : i32 to vector<16xi32>
      %and3A_203 = arith.andi %shift_right_arithmetic3A_200, %and3A_202 : vector<16xi32>
      %or3A_204 = arith.ori %or3A_197, %and3A_203 : vector<16xi32>
      %swap3A_205 = arith.index_cast %add3A_184 : i32 to index
      %swap3A_206 = tpu.vector_load %arg8[%swap3A_205] {strides = array<i32>} : memref<512xi32, #tpu.memory_space<vmem>>, vector<16xi32>,
      %swap3A_207 = vector.shape_cast %swap3A_206 : vector<16xi32> to vector<16xi32>
      %swap3A_208 = vector.shape_cast %or3A_204 : vector<16xi32> to vector<16xi32>
      tpu.vector_store %arg8[%swap3A_205], %swap3A_208 {strides = array<i32>} : memref<512xi32, #tpu.memory_space<vmem>>, vector<16xi32>,
      %get3A_209 = arith.index_cast %add3A_184 : i32 to index
      %get3A_210 = tpu.vector_load %arg9[%get3A_209] {strides = array<i32>} : memref<512xi32, #tpu.memory_space<vmem>>, vector<16xi32>,
      %get3A_211 = vector.shape_cast %get3A_210 : vector<16xi32> to vector<16xi32>
      %and3A_212 = arith.constant -1024 : i32
      %and3A_213 = vector.broadcast %and3A_212 : i32 to vector<16xi32>
      %and3A_214 = arith.andi %get3A_211, %and3A_213 : vector<16xi32>
      %and3A_215 = arith.constant 127 : i32
      %and3A_216 = vector.broadcast %and3A_215 : i32 to vector<16xi32>
      %and3A_217 = arith.andi %get3A_211, %and3A_216 : vector<16xi32>
      %shift_left3A_218 = arith.constant 3 : i32
      %shift_left3A_219 = vector.broadcast %shift_left3A_218 : i32 to vector<16xi32>
      %shift_left3A_220 = arith.shli %and3A_217, %shift_left3A_219 : vector<16xi32>
      %or3A_221 = arith.ori %and3A_214, %shift_left3A_220 : vector<16xi32>
      %shift_right_arithmetic3A_222 = arith.constant 7 : i32
      %shift_right_arithmetic3A_223 = vector.broadcast %shift_right_arithmetic3A_222 : i32 to vector<16xi32>
      %shift_right_arithmetic3A_224 = arith.shrsi %get3A_211, %shift_right_arithmetic3A_223 : vector<16xi32>
      %and3A_225 = arith.constant 7 : i32
      %and3A_226 = vector.broadcast %and3A_225 : i32 to vector<16xi32>
      %and3A_227 = arith.andi %shift_right_arithmetic3A_224, %and3A_226 : vector<16xi32>
      %or3A_228 = arith.ori %or3A_221, %and3A_227 : vector<16xi32>
      %swap3A_229 = arith.index_cast %add3A_184 : i32 to index
      %swap3A_230 = tpu.vector_load %arg9[%swap3A_229] {strides = array<i32>} : memref<512xi32, #tpu.memory_space<vmem>>, vector<16xi32>,
      %swap3A_231 = vector.shape_cast %swap3A_230 : vector<16xi32> to vector<16xi32>
      %swap3A_232 = vector.shape_cast %or3A_228 : vector<16xi32> to vector<16xi32>
      tpu.vector_store %arg9[%swap3A_229], %swap3A_232 {strides = array<i32>} : memref<512xi32, #tpu.memory_space<vmem>>, vector<16xi32>,
      %add3A_233 = arith.constant 32 : i32
      %add3A_234 = arith.addi %multiple_of3A_138, %add3A_233 : i32
      %get3A_235 = arith.index_cast %add3A_234 : i32 to index
      %get3A_236 = tpu.vector_load %arg8[%get3A_235] {strides = array<i32>} : memref<512xi32, #tpu.memory_space<vmem>>, vector<16xi32>,
      %get3A_237 = vector.shape_cast %get3A_236 : vector<16xi32> to vector<16xi32>
      %and3A_238 = arith.constant -1024 : i32
      %and3A_239 = vector.broadcast %and3A_238 : i32 to vector<16xi32>
      %and3A_240 = arith.andi %get3A_237, %and3A_239 : vector<16xi32>
      %and3A_241 = arith.constant 127 : i32
      %and3A_242 = vector.broadcast %and3A_241 : i32 to vector<16xi32>
      %and3A_243 = arith.andi %get3A_237, %and3A_242 : vector<16xi32>
      %shift_left3A_244 = arith.constant 3 : i32
      %shift_left3A_245 = vector.broadcast %shift_left3A_244 : i32 to vector<16xi32>
      %shift_left3A_246 = arith.shli %and3A_243, %shift_left3A_245 : vector<16xi32>
      %or3A_247 = arith.ori %and3A_240, %shift_left3A_246 : vector<16xi32>
      %shift_right_arithmetic3A_248 = arith.constant 7 : i32
      %shift_right_arithmetic3A_249 = vector.broadcast %shift_right_arithmetic3A_248 : i32 to vector<16xi32>
      %shift_right_arithmetic3A_250 = arith.shrsi %get3A_237, %shift_right_arithmetic3A_249 : vector<16xi32>
      %and3A_251 = arith.constant 7 : i32
      %and3A_252 = vector.broadcast %and3A_251 : i32 to vector<16xi32>
      %and3A_253 = arith.andi %shift_right_arithmetic3A_250, %and3A_252 : vector<16xi32>
      %or3A_254 = arith.ori %or3A_247, %and3A_253 : vector<16xi32>
      %swap3A_255 = arith.index_cast %add3A_234 : i32 to index
      %swap3A_256 = tpu.vector_load %arg8[%swap3A_255] {strides = array<i32>} : memref<512xi32, #tpu.memory_space<vmem>>, vector<16xi32>,
      %swap3A_257 = vector.shape_cast %swap3A_256 : vector<16xi32> to vector<16xi32>
      %swap3A_258 = vector.shape_cast %or3A_254 : vector<16xi32> to vector<16xi32>
      tpu.vector_store %arg8[%swap3A_255], %swap3A_258 {strides = array<i32>} : memref<512xi32, #tpu.memory_space<vmem>>, vector<16xi32>,
      %get3A_259 = arith.index_cast %add3A_234 : i32 to index
      %get3A_260 = tpu.vector_load %arg9[%get3A_259] {strides = array<i32>} : memref<512xi32, #tpu.memory_space<vmem>>, vector<16xi32>,
      %get3A_261 = vector.shape_cast %get3A_260 : vector<16xi32> to vector<16xi32>
      %and3A_262 = arith.constant -1024 : i32
      %and3A_263 = vector.broadcast %and3A_262 : i32 to vector<16xi32>
      %and3A_264 = arith.andi %get3A_261, %and3A_263 : vector<16xi32>
      %and3A_265 = arith.constant 127 : i32
      %and3A_266 = vector.broadcast %and3A_265 : i32 to vector<16xi32>
      %and3A_267 = arith.andi %get3A_261, %and3A_266 : vector<16xi32>
      %shift_left3A_268 = arith.constant 3 : i32
      %shift_left3A_269 = vector.broadcast %shift_left3A_268 : i32 to vector<16xi32>
      %shift_left3A_270 = arith.shli %and3A_267, %shift_left3A_269 : vector<16xi32>
      %or3A_271 = arith.ori %and3A_264, %shift_left3A_270 : vector<16xi32>
      %shift_right_arithmetic3A_272 = arith.constant 7 : i32
      %shift_right_arithmetic3A_273 = vector.broadcast %shift_right_arithmetic3A_272 : i32 to vector<16xi32>
      %shift_right_arithmetic3A_274 = arith.shrsi %get3A_261, %shift_right_arithmetic3A_273 : vector<16xi32>
      %and3A_275 = arith.constant 7 : i32
      %and3A_276 = vector.broadcast %and3A_275 : i32 to vector<16xi32>
      %and3A_277 = arith.andi %shift_right_arithmetic3A_274, %and3A_276 : vector<16xi32>
      %or3A_278 = arith.ori %or3A_271, %and3A_277 : vector<16xi32>
      %swap3A_279 = arith.index_cast %add3A_234 : i32 to index
      %swap3A_280 = tpu.vector_load %arg9[%swap3A_279] {strides = array<i32>} : memref<512xi32, #tpu.memory_space<vmem>>, vector<16xi32>,
      %swap3A_281 = vector.shape_cast %swap3A_280 : vector<16xi32> to vector<16xi32>
      %swap3A_282 = vector.shape_cast %or3A_278 : vector<16xi32> to vector<16xi32>
      tpu.vector_store %arg9[%swap3A_279], %swap3A_282 {strides = array<i32>} : memref<512xi32, #tpu.memory_space<vmem>>, vector<16xi32>,
      %add3A_283 = arith.constant 48 : i32
      %add3A_284 = arith.addi %multiple_of3A_138, %add3A_283 : i32
      %get3A_285 = arith.index_cast %add3A_284 : i32 to index
      %get3A_286 = tpu.vector_load %arg8[%get3A_285] {strides = array<i32>} : memref<512xi32, #tpu.memory_space<vmem>>, vector<16xi32>,
      %get3A_287 = vector.shape_cast %get3A_286 : vector<16xi32> to vector<16xi32>
      %and3A_288 = arith.constant -1024 : i32
      %and3A_289 = vector.broadcast %and3A_288 : i32 to vector<16xi32>
      %and3A_290 = arith.andi %get3A_287, %and3A_289 : vector<16xi32>
      %and3A_291 = arith.constant 127 : i32
      %and3A_292 = vector.broadcast %and3A_291 : i32 to vector<16xi32>
      %and3A_293 = arith.andi %get3A_287, %and3A_292 : vector<16xi32>
      %shift_left3A_294 = arith.constant 3 : i32
      %shift_left3A_295 = vector.broadcast %shift_left3A_294 : i32 to vector<16xi32>
      %shift_left3A_296 = arith.shli %and3A_293, %shift_left3A_295 : vector<16xi32>
      %or3A_297 = arith.ori %and3A_290, %shift_left3A_296 : vector<16xi32>
      %shift_right_arithmetic3A_298 = arith.constant 7 : i32
      %shift_right_arithmetic3A_299 = vector.broadcast %shift_right_arithmetic3A_298 : i32 to vector<16xi32>
      %shift_right_arithmetic3A_300 = arith.shrsi %get3A_287, %shift_right_arithmetic3A_299 : vector<16xi32>
      %and3A_301 = arith.constant 7 : i32
      %and3A_302 = vector.broadcast %and3A_301 : i32 to vector<16xi32>
      %and3A_303 = arith.andi %shift_right_arithmetic3A_300, %and3A_302 : vector<16xi32>
      %or3A_304 = arith.ori %or3A_297, %and3A_303 : vector<16xi32>
      %swap3A_305 = arith.index_cast %add3A_284 : i32 to index
      %swap3A_306 = tpu.vector_load %arg8[%swap3A_305] {strides = array<i32>} : memref<512xi32, #tpu.memory_space<vmem>>, vector<16xi32>,
      %swap3A_307 = vector.shape_cast %swap3A_306 : vector<16xi32> to vector<16xi32>
      %swap3A_308 = vector.shape_cast %or3A_304 : vector<16xi32> to vector<16xi32>
      tpu.vector_store %arg8[%swap3A_305], %swap3A_308 {strides = array<i32>} : memref<512xi32, #tpu.memory_space<vmem>>, vector<16xi32>,
      %get3A_309 = arith.index_cast %add3A_284 : i32 to index
      %get3A_310 = tpu.vector_load %arg9[%get3A_309] {strides = array<i32>} : memref<512xi32, #tpu.memory_space<vmem>>, vector<16xi32>,
      %get3A_311 = vector.shape_cast %get3A_310 : vector<16xi32> to vector<16xi32>
      %and3A_312 = arith.constant -1024 : i32
      %and3A_313 = vector.broadcast %and3A_312 : i32 to vector<16xi32>
      %and3A_314 = arith.andi %get3A_311, %and3A_313 : vector<16xi32>
      %and3A_315 = arith.constant 127 : i32
      %and3A_316 = vector.broadcast %and3A_315 : i32 to vector<16xi32>
      %and3A_317 = arith.andi %get3A_311, %and3A_316 : vector<16xi32>
      %shift_left3A_318 = arith.constant 3 : i32
      %shift_left3A_319 = vector.broadcast %shift_left3A_318 : i32 to vector<16xi32>
      %shift_left3A_320 = arith.shli %and3A_317, %shift_left3A_319 : vector<16xi32>
      %or3A_321 = arith.ori %and3A_314, %shift_left3A_320 : vector<16xi32>
      %shift_right_arithmetic3A_322 = arith.constant 7 : i32
      %shift_right_arithmetic3A_323 = vector.broadcast %shift_right_arithmetic3A_322 : i32 to vector<16xi32>
      %shift_right_arithmetic3A_324 = arith.shrsi %get3A_311, %shift_right_arithmetic3A_323 : vector<16xi32>
      %and3A_325 = arith.constant 7 : i32
      %and3A_326 = vector.broadcast %and3A_325 : i32 to vector<16xi32>
      %and3A_327 = arith.andi %shift_right_arithmetic3A_324, %and3A_326 : vector<16xi32>
      %or3A_328 = arith.ori %or3A_321, %and3A_327 : vector<16xi32>
      %swap3A_329 = arith.index_cast %add3A_284 : i32 to index
      %swap3A_330 = tpu.vector_load %arg9[%swap3A_329] {strides = array<i32>} : memref<512xi32, #tpu.memory_space<vmem>>, vector<16xi32>,
      %swap3A_331 = vector.shape_cast %swap3A_330 : vector<16xi32> to vector<16xi32>
      %swap3A_332 = vector.shape_cast %or3A_328 : vector<16xi32> to vector<16xi32>
      tpu.vector_store %arg9[%swap3A_329], %swap3A_332 {strides = array<i32>} : memref<512xi32, #tpu.memory_space<vmem>>, vector<16xi32>,
      %add3A_333 = arith.constant 64 : i32
      %add3A_334 = arith.addi %multiple_of3A_138, %add3A_333 : i32
      %get3A_335 = arith.index_cast %add3A_334 : i32 to index
      %get3A_336 = tpu.vector_load %arg8[%get3A_335] {strides = array<i32>} : memref<512xi32, #tpu.memory_space<vmem>>, vector<16xi32>,
      %get3A_337 = vector.shape_cast %get3A_336 : vector<16xi32> to vector<16xi32>
      %and3A_338 = arith.constant -1024 : i32
      %and3A_339 = vector.broadcast %and3A_338 : i32 to vector<16xi32>
      %and3A_340 = arith.andi %get3A_337, %and3A_339 : vector<16xi32>
      %and3A_341 = arith.constant 127 : i32
      %and3A_342 = vector.broadcast %and3A_341 : i32 to vector<16xi32>
      %and3A_343 = arith.andi %get3A_337, %and3A_342 : vector<16xi32>
      %shift_left3A_344 = arith.constant 3 : i32
      %shift_left3A_345 = vector.broadcast %shift_left3A_344 : i32 to vector<16xi32>
      %shift_left3A_346 = arith.shli %and3A_343, %shift_left3A_345 : vector<16xi32>
      %or3A_347 = arith.ori %and3A_340, %shift_left3A_346 : vector<16xi32>
      %shift_right_arithmetic3A_348 = arith.constant 7 : i32
      %shift_right_arithmetic3A_349 = vector.broadcast %shift_right_arithmetic3A_348 : i32 to vector<16xi32>
      %shift_right_arithmetic3A_350 = arith.shrsi %get3A_337, %shift_right_arithmetic3A_349 : vector<16xi32>
      %and3A_351 = arith.constant 7 : i32
      %and3A_352 = vector.broadcast %and3A_351 : i32 to vector<16xi32>
      %and3A_353 = arith.andi %shift_right_arithmetic3A_350, %and3A_352 : vector<16xi32>
      %or3A_354 = arith.ori %or3A_347, %and3A_353 : vector<16xi32>
      %swap3A_355 = arith.index_cast %add3A_334 : i32 to index
      %swap3A_356 = tpu.vector_load %arg8[%swap3A_355] {strides = array<i32>} : memref<512xi32, #tpu.memory_space<vmem>>, vector<16xi32>,
      %swap3A_357 = vector.shape_cast %swap3A_356 : vector<16xi32> to vector<16xi32>
      %swap3A_358 = vector.shape_cast %or3A_354 : vector<16xi32> to vector<16xi32>
      tpu.vector_store %arg8[%swap3A_355], %swap3A_358 {strides = array<i32>} : memref<512xi32, #tpu.memory_space<vmem>>, vector<16xi32>,
      %get3A_359 = arith.index_cast %add3A_334 : i32 to index
      %get3A_360 = tpu.vector_load %arg9[%get3A_359] {strides = array<i32>} : memref<512xi32, #tpu.memory_space<vmem>>, vector<16xi32>,
      %get3A_361 = vector.shape_cast %get3A_360 : vector<16xi32> to vector<16xi32>
      %and3A_362 = arith.constant -1024 : i32
      %and3A_363 = vector.broadcast %and3A_362 : i32 to vector<16xi32>
      %and3A_364 = arith.andi %get3A_361, %and3A_363 : vector<16xi32>
      %and3A_365 = arith.constant 127 : i32
      %and3A_366 = vector.broadcast %and3A_365 : i32 to vector<16xi32>
      %and3A_367 = arith.andi %get3A_361, %and3A_366 : vector<16xi32>
      %shift_left3A_368 = arith.constant 3 : i32
      %shift_left3A_369 = vector.broadcast %shift_left3A_368 : i32 to vector<16xi32>
      %shift_left3A_370 = arith.shli %and3A_367, %shift_left3A_369 : vector<16xi32>
      %or3A_371 = arith.ori %and3A_364, %shift_left3A_370 : vector<16xi32>
      %shift_right_arithmetic3A_372 = arith.constant 7 : i32
      %shift_right_arithmetic3A_373 = vector.broadcast %shift_right_arithmetic3A_372 : i32 to vector<16xi32>
      %shift_right_arithmetic3A_374 = arith.shrsi %get3A_361, %shift_right_arithmetic3A_373 : vector<16xi32>
      %and3A_375 = arith.constant 7 : i32
      %and3A_376 = vector.broadcast %and3A_375 : i32 to vector<16xi32>
      %and3A_377 = arith.andi %shift_right_arithmetic3A_374, %and3A_376 : vector<16xi32>
      %or3A_378 = arith.ori %or3A_371, %and3A_377 : vector<16xi32>
      %swap3A_379 = arith.index_cast %add3A_334 : i32 to index
      %swap3A_380 = tpu.vector_load %arg9[%swap3A_379] {strides = array<i32>} : memref<512xi32, #tpu.memory_space<vmem>>, vector<16xi32>,
      %swap3A_381 = vector.shape_cast %swap3A_380 : vector<16xi32> to vector<16xi32>
      %swap3A_382 = vector.shape_cast %or3A_378 : vector<16xi32> to vector<16xi32>
      tpu.vector_store %arg9[%swap3A_379], %swap3A_382 {strides = array<i32>} : memref<512xi32, #tpu.memory_space<vmem>>, vector<16xi32>,
      %add3A_383 = arith.constant 80 : i32
      %add3A_384 = arith.addi %multiple_of3A_138, %add3A_383 : i32
      %get3A_385 = arith.index_cast %add3A_384 : i32 to index
      %get3A_386 = tpu.vector_load %arg8[%get3A_385] {strides = array<i32>} : memref<512xi32, #tpu.memory_space<vmem>>, vector<16xi32>,
      %get3A_387 = vector.shape_cast %get3A_386 : vector<16xi32> to vector<16xi32>
      %and3A_388 = arith.constant -1024 : i32
      %and3A_389 = vector.broadcast %and3A_388 : i32 to vector<16xi32>
      %and3A_390 = arith.andi %get3A_387, %and3A_389 : vector<16xi32>
      %and3A_391 = arith.constant 127 : i32
      %and3A_392 = vector.broadcast %and3A_391 : i32 to vector<16xi32>
      %and3A_393 = arith.andi %get3A_387, %and3A_392 : vector<16xi32>
      %shift_left3A_394 = arith.constant 3 : i32
      %shift_left3A_395 = vector.broadcast %shift_left3A_394 : i32 to vector<16xi32>
      %shift_left3A_396 = arith.shli %and3A_393, %shift_left3A_395 : vector<16xi32>
      %or3A_397 = arith.ori %and3A_390, %shift_left3A_396 : vector<16xi32>
      %shift_right_arithmetic3A_398 = arith.constant 7 : i32
      %shift_right_arithmetic3A_399 = vector.broadcast %shift_right_arithmetic3A_398 : i32 to vector<16xi32>
      %shift_right_arithmetic3A_400 = arith.shrsi %get3A_387, %shift_right_arithmetic3A_399 : vector<16xi32>
      %and3A_401 = arith.constant 7 : i32
      %and3A_402 = vector.broadcast %and3A_401 : i32 to vector<16xi32>
      %and3A_403 = arith.andi %shift_right_arithmetic3A_400, %and3A_402 : vector<16xi32>
      %or3A_404 = arith.ori %or3A_397, %and3A_403 : vector<16xi32>
      %swap3A_405 = arith.index_cast %add3A_384 : i32 to index
      %swap3A_406 = tpu.vector_load %arg8[%swap3A_405] {strides = array<i32>} : memref<512xi32, #tpu.memory_space<vmem>>, vector<16xi32>,
      %swap3A_407 = vector.shape_cast %swap3A_406 : vector<16xi32> to vector<16xi32>
      %swap3A_408 = vector.shape_cast %or3A_404 : vector<16xi32> to vector<16xi32>
      tpu.vector_store %arg8[%swap3A_405], %swap3A_408 {strides = array<i32>} : memref<512xi32, #tpu.memory_space<vmem>>, vector<16xi32>,
      %get3A_409 = arith.index_cast %add3A_384 : i32 to index
      %get3A_410 = tpu.vector_load %arg9[%get3A_409] {strides = array<i32>} : memref<512xi32, #tpu.memory_space<vmem>>, vector<16xi32>,
      %get3A_411 = vector.shape_cast %get3A_410 : vector<16xi32> to vector<16xi32>
      %and3A_412 = arith.constant -1024 : i32
      %and3A_413 = vector.broadcast %and3A_412 : i32 to vector<16xi32>
      %and3A_414 = arith.andi %get3A_411, %and3A_413 : vector<16xi32>
      %and3A_415 = arith.constant 127 : i32
      %and3A_416 = vector.broadcast %and3A_415 : i32 to vector<16xi32>
      %and3A_417 = arith.andi %get3A_411, %and3A_416 : vector<16xi32>
      %shift_left3A_418 = arith.constant 3 : i32
      %shift_left3A_419 = vector.broadcast %shift_left3A_418 : i32 to vector<16xi32>
      %shift_left3A_420 = arith.shli %and3A_417, %shift_left3A_419 : vector<16xi32>
      %or3A_421 = arith.ori %and3A_414, %shift_left3A_420 : vector<16xi32>
      %shift_right_arithmetic3A_422 = arith.constant 7 : i32
      %shift_right_arithmetic3A_423 = vector.broadcast %shift_right_arithmetic3A_422 : i32 to vector<16xi32>
      %shift_right_arithmetic3A_424 = arith.shrsi %get3A_411, %shift_right_arithmetic3A_423 : vector<16xi32>
      %and3A_425 = arith.constant 7 : i32
      %and3A_426 = vector.broadcast %and3A_425 : i32 to vector<16xi32>
      %and3A_427 = arith.andi %shift_right_arithmetic3A_424, %and3A_426 : vector<16xi32>
      %or3A_428 = arith.ori %or3A_421, %and3A_427 : vector<16xi32>
      %swap3A_429 = arith.index_cast %add3A_384 : i32 to index
      %swap3A_430 = tpu.vector_load %arg9[%swap3A_429] {strides = array<i32>} : memref<512xi32, #tpu.memory_space<vmem>>, vector<16xi32>,
      %swap3A_431 = vector.shape_cast %swap3A_430 : vector<16xi32> to vector<16xi32>
      %swap3A_432 = vector.shape_cast %or3A_428 : vector<16xi32> to vector<16xi32>
      tpu.vector_store %arg9[%swap3A_429], %swap3A_432 {strides = array<i32>} : memref<512xi32, #tpu.memory_space<vmem>>, vector<16xi32>,
      %add3A_433 = arith.constant 96 : i32
      %add3A_434 = arith.addi %multiple_of3A_138, %add3A_433 : i32
      %get3A_435 = arith.index_cast %add3A_434 : i32 to index
      %get3A_436 = tpu.vector_load %arg8[%get3A_435] {strides = array<i32>} : memref<512xi32, #tpu.memory_space<vmem>>, vector<16xi32>,
      %get3A_437 = vector.shape_cast %get3A_436 : vector<16xi32> to vector<16xi32>
      %and3A_438 = arith.constant -1024 : i32
      %and3A_439 = vector.broadcast %and3A_438 : i32 to vector<16xi32>
      %and3A_440 = arith.andi %get3A_437, %and3A_439 : vector<16xi32>
      %and3A_441 = arith.constant 127 : i32
      %and3A_442 = vector.broadcast %and3A_441 : i32 to vector<16xi32>
      %and3A_443 = arith.andi %get3A_437, %and3A_442 : vector<16xi32>
      %shift_left3A_444 = arith.constant 3 : i32
      %shift_left3A_445 = vector.broadcast %shift_left3A_444 : i32 to vector<16xi32>
      %shift_left3A_446 = arith.shli %and3A_443, %shift_left3A_445 : vector<16xi32>
      %or3A_447 = arith.ori %and3A_440, %shift_left3A_446 : vector<16xi32>
      %shift_right_arithmetic3A_448 = arith.constant 7 : i32
      %shift_right_arithmetic3A_449 = vector.broadcast %shift_right_arithmetic3A_448 : i32 to vector<16xi32>
      %shift_right_arithmetic3A_450 = arith.shrsi %get3A_437, %shift_right_arithmetic3A_449 : vector<16xi32>
      %and3A_451 = arith.constant 7 : i32
      %and3A_452 = vector.broadcast %and3A_451 : i32 to vector<16xi32>
      %and3A_453 = arith.andi %shift_right_arithmetic3A_450, %and3A_452 : vector<16xi32>
      %or3A_454 = arith.ori %or3A_447, %and3A_453 : vector<16xi32>
      %swap3A_455 = arith.index_cast %add3A_434 : i32 to index
      %swap3A_456 = tpu.vector_load %arg8[%swap3A_455] {strides = array<i32>} : memref<512xi32, #tpu.memory_space<vmem>>, vector<16xi32>,
      %swap3A_457 = vector.shape_cast %swap3A_456 : vector<16xi32> to vector<16xi32>
      %swap3A_458 = vector.shape_cast %or3A_454 : vector<16xi32> to vector<16xi32>
      tpu.vector_store %arg8[%swap3A_455], %swap3A_458 {strides = array<i32>} : memref<512xi32, #tpu.memory_space<vmem>>, vector<16xi32>,
      %get3A_459 = arith.index_cast %add3A_434 : i32 to index
      %get3A_460 = tpu.vector_load %arg9[%get3A_459] {strides = array<i32>} : memref<512xi32, #tpu.memory_space<vmem>>, vector<16xi32>,
      %get3A_461 = vector.shape_cast %get3A_460 : vector<16xi32> to vector<16xi32>
      %and3A_462 = arith.constant -1024 : i32
      %and3A_463 = vector.broadcast %and3A_462 : i32 to vector<16xi32>
      %and3A_464 = arith.andi %get3A_461, %and3A_463 : vector<16xi32>
      %and3A_465 = arith.constant 127 : i32
      %and3A_466 = vector.broadcast %and3A_465 : i32 to vector<16xi32>
      %and3A_467 = arith.andi %get3A_461, %and3A_466 : vector<16xi32>
      %shift_left3A_468 = arith.constant 3 : i32
      %shift_left3A_469 = vector.broadcast %shift_left3A_468 : i32 to vector<16xi32>
      %shift_left3A_470 = arith.shli %and3A_467, %shift_left3A_469 : vector<16xi32>
      %or3A_471 = arith.ori %and3A_464, %shift_left3A_470 : vector<16xi32>
      %shift_right_arithmetic3A_472 = arith.constant 7 : i32
      %shift_right_arithmetic3A_473 = vector.broadcast %shift_right_arithmetic3A_472 : i32 to vector<16xi32>
      %shift_right_arithmetic3A_474 = arith.shrsi %get3A_461, %shift_right_arithmetic3A_473 : vector<16xi32>
      %and3A_475 = arith.constant 7 : i32
      %and3A_476 = vector.broadcast %and3A_475 : i32 to vector<16xi32>
      %and3A_477 = arith.andi %shift_right_arithmetic3A_474, %and3A_476 : vector<16xi32>
      %or3A_478 = arith.ori %or3A_471, %and3A_477 : vector<16xi32>
      %swap3A_479 = arith.index_cast %add3A_434 : i32 to index
      %swap3A_480 = tpu.vector_load %arg9[%swap3A_479] {strides = array<i32>} : memref<512xi32, #tpu.memory_space<vmem>>, vector<16xi32>,
      %swap3A_481 = vector.shape_cast %swap3A_480 : vector<16xi32> to vector<16xi32>
      %swap3A_482 = vector.shape_cast %or3A_478 : vector<16xi32> to vector<16xi32>
      tpu.vector_store %arg9[%swap3A_479], %swap3A_482 {strides = array<i32>} : memref<512xi32, #tpu.memory_space<vmem>>, vector<16xi32>,
      %add3A_483 = arith.constant 112 : i32
      %add3A_484 = arith.addi %multiple_of3A_138, %add3A_483 : i32
      %get3A_485 = arith.index_cast %add3A_484 : i32 to index
      %get3A_486 = tpu.vector_load %arg8[%get3A_485] {strides = array<i32>} : memref<512xi32, #tpu.memory_space<vmem>>, vector<16xi32>,
      %get3A_487 = vector.shape_cast %get3A_486 : vector<16xi32> to vector<16xi32>
      %and3A_488 = arith.constant -1024 : i32
      %and3A_489 = vector.broadcast %and3A_488 : i32 to vector<16xi32>
      %and3A_490 = arith.andi %get3A_487, %and3A_489 : vector<16xi32>
      %and3A_491 = arith.constant 127 : i32
      %and3A_492 = vector.broadcast %and3A_491 : i32 to vector<16xi32>
      %and3A_493 = arith.andi %get3A_487, %and3A_492 : vector<16xi32>
      %shift_left3A_494 = arith.constant 3 : i32
      %shift_left3A_495 = vector.broadcast %shift_left3A_494 : i32 to vector<16xi32>
      %shift_left3A_496 = arith.shli %and3A_493, %shift_left3A_495 : vector<16xi32>
      %or3A_497 = arith.ori %and3A_490, %shift_left3A_496 : vector<16xi32>
      %shift_right_arithmetic3A_498 = arith.constant 7 : i32
      %shift_right_arithmetic3A_499 = vector.broadcast %shift_right_arithmetic3A_498 : i32 to vector<16xi32>
      %shift_right_arithmetic3A_500 = arith.shrsi %get3A_487, %shift_right_arithmetic3A_499 : vector<16xi32>
      %and3A_501 = arith.constant 7 : i32
      %and3A_502 = vector.broadcast %and3A_501 : i32 to vector<16xi32>
      %and3A_503 = arith.andi %shift_right_arithmetic3A_500, %and3A_502 : vector<16xi32>
      %or3A_504 = arith.ori %or3A_497, %and3A_503 : vector<16xi32>
      %swap3A_505 = arith.index_cast %add3A_484 : i32 to index
      %swap3A_506 = tpu.vector_load %arg8[%swap3A_505] {strides = array<i32>} : memref<512xi32, #tpu.memory_space<vmem>>, vector<16xi32>,
      %swap3A_507 = vector.shape_cast %swap3A_506 : vector<16xi32> to vector<16xi32>
      %swap3A_508 = vector.shape_cast %or3A_504 : vector<16xi32> to vector<16xi32>
      tpu.vector_store %arg8[%swap3A_505], %swap3A_508 {strides = array<i32>} : memref<512xi32, #tpu.memory_space<vmem>>, vector<16xi32>,
      %get3A_509 = arith.index_cast %add3A_484 : i32 to index
      %get3A_510 = tpu.vector_load %arg9[%get3A_509] {strides = array<i32>} : memref<512xi32, #tpu.memory_space<vmem>>, vector<16xi32>,
      %get3A_511 = vector.shape_cast %get3A_510 : vector<16xi32> to vector<16xi32>
      %and3A_512 = arith.constant -1024 : i32
      %and3A_513 = vector.broadcast %and3A_512 : i32 to vector<16xi32>
      %and3A_514 = arith.andi %get3A_511, %and3A_513 : vector<16xi32>
      %and3A_515 = arith.constant 127 : i32
      %and3A_516 = vector.broadcast %and3A_515 : i32 to vector<16xi32>
      %and3A_517 = arith.andi %get3A_511, %and3A_516 : vector<16xi32>
      %shift_left3A_518 = arith.constant 3 : i32
      %shift_left3A_519 = vector.broadcast %shift_left3A_518 : i32 to vector<16xi32>
      %shift_left3A_520 = arith.shli %and3A_517, %shift_left3A_519 : vector<16xi32>
      %or3A_521 = arith.ori %and3A_514, %shift_left3A_520 : vector<16xi32>
      %shift_right_arithmetic3A_522 = arith.constant 7 : i32
      %shift_right_arithmetic3A_523 = vector.broadcast %shift_right_arithmetic3A_522 : i32 to vector<16xi32>
      %shift_right_arithmetic3A_524 = arith.shrsi %get3A_511, %shift_right_arithmetic3A_523 : vector<16xi32>
      %and3A_525 = arith.constant 7 : i32
      %and3A_526 = vector.broadcast %and3A_525 : i32 to vector<16xi32>
      %and3A_527 = arith.andi %shift_right_arithmetic3A_524, %and3A_526 : vector<16xi32>
      %or3A_528 = arith.ori %or3A_521, %and3A_527 : vector<16xi32>
      %swap3A_529 = arith.index_cast %add3A_484 : i32 to index
      %swap3A_530 = tpu.vector_load %arg9[%swap3A_529] {strides = array<i32>} : memref<512xi32, #tpu.memory_space<vmem>>, vector<16xi32>,
      %swap3A_531 = vector.shape_cast %swap3A_530 : vector<16xi32> to vector<16xi32>
      %swap3A_532 = vector.shape_cast %or3A_528 : vector<16xi32> to vector<16xi32>
      tpu.vector_store %arg9[%swap3A_529], %swap3A_532 {strides = array<i32>} : memref<512xi32, #tpu.memory_space<vmem>>, vector<16xi32>,
    }
    %scan3A_6 = arith.constant 4 : i32
    %dma_start3A = arith.constant 0 : i32
    %dma_start3A_7 = arith.constant 0 : i32
    %dma_start3A_8 = tpu.memref_slice %arg10[%dma_start3A, %dma_start3A_7] : memref<512x16xi32, #tpu.memory_space<vmem>> -> memref<128x16xi32, #tpu.memory_space<vmem>>
    %dma_start3A_9 = arith.constant 0 : i32
    %dma_start3A_10 = tpu.memref_slice %arg9[%dma_start3A_9] : memref<512xi32, #tpu.memory_space<vmem>> -> memref<128xi32, #tpu.memory_space<vmem>>
    %dma_start3A_11 = arith.constant 0 : i32
    %dma_start3A_12 = arith.constant 0 : i32
    %dma_start3A_13 = tpu.memref_slice %arg4[%dma_start3A_11, %dma_start3A_12] : memref<1015808x16xi32, #tpu.memory_space<hbm>> -> memref<1015808x16xi32, #tpu.memory_space<hbm>>
    tpu.enqueue_indirect_dma source(%dma_start3A_13 : memref<1015808x16xi32, #tpu.memory_space<hbm>>) target(%dma_start3A_8 : memref<128x16xi32, #tpu.memory_space<vmem>>) offsets(%dma_start3A_10 : memref<128xi32, #tpu.memory_space<vmem>>) semaphore(%arg12 : memref<!tpu.dma_semaphore, #tpu.memory_space<semaphore_mem>>)
    %dma_start3A_14 = arith.constant 0 : i32
    %dma_start3A_15 = arith.constant 0 : i32
    %dma_start3A_16 = tpu.memref_slice %arg11[%dma_start3A_14, %dma_start3A_15] : memref<512x16xf32, #tpu.memory_space<vmem>> -> memref<128x16xf32, #tpu.memory_space<vmem>>
    %dma_start3A_17 = arith.constant 0 : i32
    %dma_start3A_18 = tpu.memref_slice %arg8[%dma_start3A_17] : memref<512xi32, #tpu.memory_space<vmem>> -> memref<128xi32, #tpu.memory_space<vmem>>
    %dma_start3A_19 = arith.constant 0 : i32
    %dma_start3A_20 = arith.constant 0 : i32
    %dma_start3A_21 = tpu.memref_slice %arg5[%dma_start3A_19, %dma_start3A_20] : memref<1015808x16xf32, #tpu.memory_space<hbm>> -> memref<1015808x16xf32, #tpu.memory_space<hbm>>
    tpu.enqueue_indirect_dma source(%dma_start3A_21 : memref<1015808x16xf32, #tpu.memory_space<hbm>>) target(%dma_start3A_16 : memref<128x16xf32, #tpu.memory_space<vmem>>) offsets(%dma_start3A_18 : memref<128xi32, #tpu.memory_space<vmem>>) semaphore(%arg12 : memref<!tpu.dma_semaphore, #tpu.memory_space<semaphore_mem>>)
    %dma_start3A_22 = arith.constant 128 : i32
    %dma_start3A_23 = arith.constant 0 : i32
    %dma_start3A_24 = tpu.memref_slice %arg10[%dma_start3A_22, %dma_start3A_23] : memref<512x16xi32, #tpu.memory_space<vmem>> -> memref<128x16xi32, #tpu.memory_space<vmem>>
    %dma_start3A_25 = arith.constant 128 : i32
    %dma_start3A_26 = tpu.memref_slice %arg9[%dma_start3A_25] : memref<512xi32, #tpu.memory_space<vmem>> -> memref<128xi32, #tpu.memory_space<vmem>>
    %dma_start3A_27 = arith.constant 0 : i32
    %dma_start3A_28 = arith.constant 0 : i32
    %dma_start3A_29 = tpu.memref_slice %arg4[%dma_start3A_27, %dma_start3A_28] : memref<1015808x16xi32, #tpu.memory_space<hbm>> -> memref<1015808x16xi32, #tpu.memory_space<hbm>>
    tpu.enqueue_indirect_dma source(%dma_start3A_29 : memref<1015808x16xi32, #tpu.memory_space<hbm>>) target(%dma_start3A_24 : memref<128x16xi32, #tpu.memory_space<vmem>>) offsets(%dma_start3A_26 : memref<128xi32, #tpu.memory_space<vmem>>) semaphore(%arg12 : memref<!tpu.dma_semaphore, #tpu.memory_space<semaphore_mem>>)
    %dma_start3A_30 = arith.constant 128 : i32
    %dma_start3A_31 = arith.constant 0 : i32
    %dma_start3A_32 = tpu.memref_slice %arg11[%dma_start3A_30, %dma_start3A_31] : memref<512x16xf32, #tpu.memory_space<vmem>> -> memref<128x16xf32, #tpu.memory_space<vmem>>
    %dma_start3A_33 = arith.constant 128 : i32
    %dma_start3A_34 = tpu.memref_slice %arg8[%dma_start3A_33] : memref<512xi32, #tpu.memory_space<vmem>> -> memref<128xi32, #tpu.memory_space<vmem>>
    %dma_start3A_35 = arith.constant 0 : i32
    %dma_start3A_36 = arith.constant 0 : i32
    %dma_start3A_37 = tpu.memref_slice %arg5[%dma_start3A_35, %dma_start3A_36] : memref<1015808x16xf32, #tpu.memory_space<hbm>> -> memref<1015808x16xf32, #tpu.memory_space<hbm>>
    tpu.enqueue_indirect_dma source(%dma_start3A_37 : memref<1015808x16xf32, #tpu.memory_space<hbm>>) target(%dma_start3A_32 : memref<128x16xf32, #tpu.memory_space<vmem>>) offsets(%dma_start3A_34 : memref<128xi32, #tpu.memory_space<vmem>>) semaphore(%arg12 : memref<!tpu.dma_semaphore, #tpu.memory_space<semaphore_mem>>)
    %dma_start3A_38 = arith.constant 256 : i32
    %dma_start3A_39 = arith.constant 0 : i32
    %dma_start3A_40 = tpu.memref_slice %arg10[%dma_start3A_38, %dma_start3A_39] : memref<512x16xi32, #tpu.memory_space<vmem>> -> memref<128x16xi32, #tpu.memory_space<vmem>>
    %dma_start3A_41 = arith.constant 256 : i32
    %dma_start3A_42 = tpu.memref_slice %arg9[%dma_start3A_41] : memref<512xi32, #tpu.memory_space<vmem>> -> memref<128xi32, #tpu.memory_space<vmem>>
    %dma_start3A_43 = arith.constant 0 : i32
    %dma_start3A_44 = arith.constant 0 : i32
    %dma_start3A_45 = tpu.memref_slice %arg4[%dma_start3A_43, %dma_start3A_44] : memref<1015808x16xi32, #tpu.memory_space<hbm>> -> memref<1015808x16xi32, #tpu.memory_space<hbm>>
    tpu.enqueue_indirect_dma source(%dma_start3A_45 : memref<1015808x16xi32, #tpu.memory_space<hbm>>) target(%dma_start3A_40 : memref<128x16xi32, #tpu.memory_space<vmem>>) offsets(%dma_start3A_42 : memref<128xi32, #tpu.memory_space<vmem>>) semaphore(%arg12 : memref<!tpu.dma_semaphore, #tpu.memory_space<semaphore_mem>>)
    %dma_start3A_46 = arith.constant 256 : i32
    %dma_start3A_47 = arith.constant 0 : i32
    %dma_start3A_48 = tpu.memref_slice %arg11[%dma_start3A_46, %dma_start3A_47] : memref<512x16xf32, #tpu.memory_space<vmem>> -> memref<128x16xf32, #tpu.memory_space<vmem>>
    %dma_start3A_49 = arith.constant 256 : i32
    %dma_start3A_50 = tpu.memref_slice %arg8[%dma_start3A_49] : memref<512xi32, #tpu.memory_space<vmem>> -> memref<128xi32, #tpu.memory_space<vmem>>
    %dma_start3A_51 = arith.constant 0 : i32
    %dma_start3A_52 = arith.constant 0 : i32
    %dma_start3A_53 = tpu.memref_slice %arg5[%dma_start3A_51, %dma_start3A_52] : memref<1015808x16xf32, #tpu.memory_space<hbm>> -> memref<1015808x16xf32, #tpu.memory_space<hbm>>
    tpu.enqueue_indirect_dma source(%dma_start3A_53 : memref<1015808x16xf32, #tpu.memory_space<hbm>>) target(%dma_start3A_48 : memref<128x16xf32, #tpu.memory_space<vmem>>) offsets(%dma_start3A_50 : memref<128xi32, #tpu.memory_space<vmem>>) semaphore(%arg12 : memref<!tpu.dma_semaphore, #tpu.memory_space<semaphore_mem>>)
    %dma_start3A_54 = arith.constant 384 : i32
    %dma_start3A_55 = arith.constant 0 : i32
    %dma_start3A_56 = tpu.memref_slice %arg10[%dma_start3A_54, %dma_start3A_55] : memref<512x16xi32, #tpu.memory_space<vmem>> -> memref<128x16xi32, #tpu.memory_space<vmem>>
    %dma_start3A_57 = arith.constant 384 : i32
    %dma_start3A_58 = tpu.memref_slice %arg9[%dma_start3A_57] : memref<512xi32, #tpu.memory_space<vmem>> -> memref<128xi32, #tpu.memory_space<vmem>>
    %dma_start3A_59 = arith.constant 0 : i32
    %dma_start3A_60 = arith.constant 0 : i32
    %dma_start3A_61 = tpu.memref_slice %arg4[%dma_start3A_59, %dma_start3A_60] : memref<1015808x16xi32, #tpu.memory_space<hbm>> -> memref<1015808x16xi32, #tpu.memory_space<hbm>>
    tpu.enqueue_indirect_dma source(%dma_start3A_61 : memref<1015808x16xi32, #tpu.memory_space<hbm>>) target(%dma_start3A_56 : memref<128x16xi32, #tpu.memory_space<vmem>>) offsets(%dma_start3A_58 : memref<128xi32, #tpu.memory_space<vmem>>) semaphore(%arg12 : memref<!tpu.dma_semaphore, #tpu.memory_space<semaphore_mem>>)
    %dma_start3A_62 = arith.constant 384 : i32
    %dma_start3A_63 = arith.constant 0 : i32
    %dma_start3A_64 = tpu.memref_slice %arg11[%dma_start3A_62, %dma_start3A_63] : memref<512x16xf32, #tpu.memory_space<vmem>> -> memref<128x16xf32, #tpu.memory_space<vmem>>
    %dma_start3A_65 = arith.constant 384 : i32
    %dma_start3A_66 = tpu.memref_slice %arg8[%dma_start3A_65] : memref<512xi32, #tpu.memory_space<vmem>> -> memref<128xi32, #tpu.memory_space<vmem>>
    %dma_start3A_67 = arith.constant 0 : i32
    %dma_start3A_68 = arith.constant 0 : i32
    %dma_start3A_69 = tpu.memref_slice %arg5[%dma_start3A_67, %dma_start3A_68] : memref<1015808x16xf32, #tpu.memory_space<hbm>> -> memref<1015808x16xf32, #tpu.memory_space<hbm>>
    tpu.enqueue_indirect_dma source(%dma_start3A_69 : memref<1015808x16xf32, #tpu.memory_space<hbm>>) target(%dma_start3A_64 : memref<128x16xf32, #tpu.memory_space<vmem>>) offsets(%dma_start3A_66 : memref<128xi32, #tpu.memory_space<vmem>>) semaphore(%arg12 : memref<!tpu.dma_semaphore, #tpu.memory_space<semaphore_mem>>)
    %dma_wait3A = arith.constant 0 : i32
    %dma_wait3A_70 = arith.constant 0 : i32
    %dma_wait3A_71 = tpu.memref_slice %arg10[%dma_wait3A, %dma_wait3A_70] : memref<512x16xi32, #tpu.memory_space<vmem>> -> memref<128x16xi32, #tpu.memory_space<vmem>>
    %dma_wait3A_72 = arith.constant 0 : i32
    %dma_wait3A_73 = tpu.memref_slice %arg9[%dma_wait3A_72] : memref<512xi32, #tpu.memory_space<vmem>> -> memref<128xi32, #tpu.memory_space<vmem>>
    %dma_wait3A_74 = arith.constant 0 : i32
    %dma_wait3A_75 = arith.constant 0 : i32
    %dma_wait3A_76 = tpu.memref_slice %arg4[%dma_wait3A_74, %dma_wait3A_75] : memref<1015808x16xi32, #tpu.memory_space<hbm>> -> memref<1015808x16xi32, #tpu.memory_space<hbm>>
    tpu.wait_indirect_dma semaphore(%arg12 : memref<!tpu.dma_semaphore, #tpu.memory_space<semaphore_mem>>) src(%dma_wait3A_76 : memref<1015808x16xi32, #tpu.memory_space<hbm>>) dst(%dma_wait3A_71 : memref<128x16xi32, #tpu.memory_space<vmem>>)
    %dma_wait3A_77 = arith.constant 0 : i32
    %dma_wait3A_78 = arith.constant 0 : i32
    %dma_wait3A_79 = tpu.memref_slice %arg11[%dma_wait3A_77, %dma_wait3A_78] : memref<512x16xf32, #tpu.memory_space<vmem>> -> memref<128x16xf32, #tpu.memory_space<vmem>>
    %dma_wait3A_80 = arith.constant 0 : i32
    %dma_wait3A_81 = tpu.memref_slice %arg8[%dma_wait3A_80] : memref<512xi32, #tpu.memory_space<vmem>> -> memref<128xi32, #tpu.memory_space<vmem>>
    %dma_wait3A_82 = arith.constant 0 : i32
    %dma_wait3A_83 = arith.constant 0 : i32
    %dma_wait3A_84 = tpu.memref_slice %arg5[%dma_wait3A_82, %dma_wait3A_83] : memref<1015808x16xf32, #tpu.memory_space<hbm>> -> memref<1015808x16xf32, #tpu.memory_space<hbm>>
    tpu.wait_indirect_dma semaphore(%arg12 : memref<!tpu.dma_semaphore, #tpu.memory_space<semaphore_mem>>) src(%dma_wait3A_84 : memref<1015808x16xf32, #tpu.memory_space<hbm>>) dst(%dma_wait3A_79 : memref<128x16xf32, #tpu.memory_space<vmem>>)
    %dma_wait3A_85 = arith.constant 128 : i32
    %dma_wait3A_86 = arith.constant 0 : i32
    %dma_wait3A_87 = tpu.memref_slice %arg10[%dma_wait3A_85, %dma_wait3A_86] : memref<512x16xi32, #tpu.memory_space<vmem>> -> memref<128x16xi32, #tpu.memory_space<vmem>>
    %dma_wait3A_88 = arith.constant 128 : i32
    %dma_wait3A_89 = tpu.memref_slice %arg9[%dma_wait3A_88] : memref<512xi32, #tpu.memory_space<vmem>> -> memref<128xi32, #tpu.memory_space<vmem>>
    %dma_wait3A_90 = arith.constant 0 : i32
    %dma_wait3A_91 = arith.constant 0 : i32
    %dma_wait3A_92 = tpu.memref_slice %arg4[%dma_wait3A_90, %dma_wait3A_91] : memref<1015808x16xi32, #tpu.memory_space<hbm>> -> memref<1015808x16xi32, #tpu.memory_space<hbm>>
    tpu.wait_indirect_dma semaphore(%arg12 : memref<!tpu.dma_semaphore, #tpu.memory_space<semaphore_mem>>) src(%dma_wait3A_92 : memref<1015808x16xi32, #tpu.memory_space<hbm>>) dst(%dma_wait3A_87 : memref<128x16xi32, #tpu.memory_space<vmem>>)
    %dma_wait3A_93 = arith.constant 128 : i32
    %dma_wait3A_94 = arith.constant 0 : i32
    %dma_wait3A_95 = tpu.memref_slice %arg11[%dma_wait3A_93, %dma_wait3A_94] : memref<512x16xf32, #tpu.memory_space<vmem>> -> memref<128x16xf32, #tpu.memory_space<vmem>>
    %dma_wait3A_96 = arith.constant 128 : i32
    %dma_wait3A_97 = tpu.memref_slice %arg8[%dma_wait3A_96] : memref<512xi32, #tpu.memory_space<vmem>> -> memref<128xi32, #tpu.memory_space<vmem>>
    %dma_wait3A_98 = arith.constant 0 : i32
    %dma_wait3A_99 = arith.constant 0 : i32
    %dma_wait3A_100 = tpu.memref_slice %arg5[%dma_wait3A_98, %dma_wait3A_99] : memref<1015808x16xf32, #tpu.memory_space<hbm>> -> memref<1015808x16xf32, #tpu.memory_space<hbm>>
    tpu.wait_indirect_dma semaphore(%arg12 : memref<!tpu.dma_semaphore, #tpu.memory_space<semaphore_mem>>) src(%dma_wait3A_100 : memref<1015808x16xf32, #tpu.memory_space<hbm>>) dst(%dma_wait3A_95 : memref<128x16xf32, #tpu.memory_space<vmem>>)
    %dma_wait3A_101 = arith.constant 256 : i32
    %dma_wait3A_102 = arith.constant 0 : i32
    %dma_wait3A_103 = tpu.memref_slice %arg10[%dma_wait3A_101, %dma_wait3A_102] : memref<512x16xi32, #tpu.memory_space<vmem>> -> memref<128x16xi32, #tpu.memory_space<vmem>>
    %dma_wait3A_104 = arith.constant 256 : i32
    %dma_wait3A_105 = tpu.memref_slice %arg9[%dma_wait3A_104] : memref<512xi32, #tpu.memory_space<vmem>> -> memref<128xi32, #tpu.memory_space<vmem>>
    %dma_wait3A_106 = arith.constant 0 : i32
    %dma_wait3A_107 = arith.constant 0 : i32
    %dma_wait3A_108 = tpu.memref_slice %arg4[%dma_wait3A_106, %dma_wait3A_107] : memref<1015808x16xi32, #tpu.memory_space<hbm>> -> memref<1015808x16xi32, #tpu.memory_space<hbm>>
    tpu.wait_indirect_dma semaphore(%arg12 : memref<!tpu.dma_semaphore, #tpu.memory_space<semaphore_mem>>) src(%dma_wait3A_108 : memref<1015808x16xi32, #tpu.memory_space<hbm>>) dst(%dma_wait3A_103 : memref<128x16xi32, #tpu.memory_space<vmem>>)
    %dma_wait3A_109 = arith.constant 256 : i32
    %dma_wait3A_110 = arith.constant 0 : i32
    %dma_wait3A_111 = tpu.memref_slice %arg11[%dma_wait3A_109, %dma_wait3A_110] : memref<512x16xf32, #tpu.memory_space<vmem>> -> memref<128x16xf32, #tpu.memory_space<vmem>>
    %dma_wait3A_112 = arith.constant 256 : i32
    %dma_wait3A_113 = tpu.memref_slice %arg8[%dma_wait3A_112] : memref<512xi32, #tpu.memory_space<vmem>> -> memref<128xi32, #tpu.memory_space<vmem>>
    %dma_wait3A_114 = arith.constant 0 : i32
    %dma_wait3A_115 = arith.constant 0 : i32
    %dma_wait3A_116 = tpu.memref_slice %arg5[%dma_wait3A_114, %dma_wait3A_115] : memref<1015808x16xf32, #tpu.memory_space<hbm>> -> memref<1015808x16xf32, #tpu.memory_space<hbm>>
    tpu.wait_indirect_dma semaphore(%arg12 : memref<!tpu.dma_semaphore, #tpu.memory_space<semaphore_mem>>) src(%dma_wait3A_116 : memref<1015808x16xf32, #tpu.memory_space<hbm>>) dst(%dma_wait3A_111 : memref<128x16xf32, #tpu.memory_space<vmem>>)
    %dma_wait3A_117 = arith.constant 384 : i32
    %dma_wait3A_118 = arith.constant 0 : i32
    %dma_wait3A_119 = tpu.memref_slice %arg10[%dma_wait3A_117, %dma_wait3A_118] : memref<512x16xi32, #tpu.memory_space<vmem>> -> memref<128x16xi32, #tpu.memory_space<vmem>>
    %dma_wait3A_120 = arith.constant 384 : i32
    %dma_wait3A_121 = tpu.memref_slice %arg9[%dma_wait3A_120] : memref<512xi32, #tpu.memory_space<vmem>> -> memref<128xi32, #tpu.memory_space<vmem>>
    %dma_wait3A_122 = arith.constant 0 : i32
    %dma_wait3A_123 = arith.constant 0 : i32
    %dma_wait3A_124 = tpu.memref_slice %arg4[%dma_wait3A_122, %dma_wait3A_123] : memref<1015808x16xi32, #tpu.memory_space<hbm>> -> memref<1015808x16xi32, #tpu.memory_space<hbm>>
    tpu.wait_indirect_dma semaphore(%arg12 : memref<!tpu.dma_semaphore, #tpu.memory_space<semaphore_mem>>) src(%dma_wait3A_124 : memref<1015808x16xi32, #tpu.memory_space<hbm>>) dst(%dma_wait3A_119 : memref<128x16xi32, #tpu.memory_space<vmem>>)
    %dma_wait3A_125 = arith.constant 384 : i32
    %dma_wait3A_126 = arith.constant 0 : i32
    %dma_wait3A_127 = tpu.memref_slice %arg11[%dma_wait3A_125, %dma_wait3A_126] : memref<512x16xf32, #tpu.memory_space<vmem>> -> memref<128x16xf32, #tpu.memory_space<vmem>>
    %dma_wait3A_128 = arith.constant 384 : i32
    %dma_wait3A_129 = tpu.memref_slice %arg8[%dma_wait3A_128] : memref<512xi32, #tpu.memory_space<vmem>> -> memref<128xi32, #tpu.memory_space<vmem>>
    %dma_wait3A_130 = arith.constant 0 : i32
    %dma_wait3A_131 = arith.constant 0 : i32
    %dma_wait3A_132 = tpu.memref_slice %arg5[%dma_wait3A_130, %dma_wait3A_131] : memref<1015808x16xf32, #tpu.memory_space<hbm>> -> memref<1015808x16xf32, #tpu.memory_space<hbm>>
    tpu.wait_indirect_dma semaphore(%arg12 : memref<!tpu.dma_semaphore, #tpu.memory_space<semaphore_mem>>) src(%dma_wait3A_132 : memref<1015808x16xf32, #tpu.memory_space<hbm>>) dst(%dma_wait3A_127 : memref<128x16xf32, #tpu.memory_space<vmem>>)
    "tpu.region"() ({
      %run_scoped3A = tpu.sem_alloc : memref<!tpu.dma_semaphore, #tpu.memory_space<semaphore_mem>>
      %dma_start3A_133 = arith.constant 0 : i32
      %dma_start3A_134 = tpu.memref_slice %arg6[%multiple_of3A, %dma_start3A_133] : memref<16384x16xi32, #tpu.memory_space<hbm>> -> memref<512x16xi32, #tpu.memory_space<hbm>>
      %dma_start3A_135 = arith.constant 0 : i32
      %dma_start3A_136 = tpu.memref_slice %arg6[%multiple_of3A, %dma_start3A_135] : memref<16384x16xi32, #tpu.memory_space<hbm>> -> memref<512x16xi32, #tpu.memory_space<hbm>>
      tpu.enqueue_dma source(%arg10 : memref<512x16xi32, #tpu.memory_space<vmem>>) target(%dma_start3A_136 : memref<512x16xi32, #tpu.memory_space<hbm>>) target_semaphore(%run_scoped3A : memref<!tpu.dma_semaphore, #tpu.memory_space<semaphore_mem>>)
      %dma_wait3A_137 = arith.constant 0 : i32
      %dma_wait3A_138 = tpu.memref_slice %arg6[%multiple_of3A, %dma_wait3A_137] : memref<16384x16xi32, #tpu.memory_space<hbm>> -> memref<512x16xi32, #tpu.memory_space<hbm>>
      %dma_wait3A_139 = arith.constant 0 : i32
      %dma_wait3A_140 = tpu.memref_slice %arg6[%multiple_of3A, %dma_wait3A_139] : memref<16384x16xi32, #tpu.memory_space<hbm>> -> memref<512x16xi32, #tpu.memory_space<hbm>>
      tpu.wait_dma2 semaphore(%run_scoped3A : memref<!tpu.dma_semaphore, #tpu.memory_space<semaphore_mem>>) src(%arg10 : memref<512x16xi32, #tpu.memory_space<vmem>>) dst(%dma_wait3A_140 : memref<512x16xi32, #tpu.memory_space<hbm>>)
      tpu.yield
    }) : () -> ()
    "tpu.region"() ({
      %run_scoped3A = tpu.sem_alloc : memref<!tpu.dma_semaphore, #tpu.memory_space<semaphore_mem>>
      %dma_start3A_133 = arith.constant 0 : i32
      %dma_start3A_134 = tpu.memref_slice %arg7[%multiple_of3A, %dma_start3A_133] : memref<16384x16xf32, #tpu.memory_space<hbm>> -> memref<512x16xf32, #tpu.memory_space<hbm>>
      %dma_start3A_135 = arith.constant 0 : i32
      %dma_start3A_136 = tpu.memref_slice %arg7[%multiple_of3A, %dma_start3A_135] : memref<16384x16xf32, #tpu.memory_space<hbm>> -> memref<512x16xf32, #tpu.memory_space<hbm>>
      tpu.enqueue_dma source(%arg11 : memref<512x16xf32, #tpu.memory_space<vmem>>) target(%dma_start3A_136 : memref<512x16xf32, #tpu.memory_space<hbm>>) target_semaphore(%run_scoped3A : memref<!tpu.dma_semaphore, #tpu.memory_space<semaphore_mem>>)
      %dma_wait3A_137 = arith.constant 0 : i32
      %dma_wait3A_138 = tpu.memref_slice %arg7[%multiple_of3A, %dma_wait3A_137] : memref<16384x16xf32, #tpu.memory_space<hbm>> -> memref<512x16xf32, #tpu.memory_space<hbm>>
      %dma_wait3A_139 = arith.constant 0 : i32
      %dma_wait3A_140 = tpu.memref_slice %arg7[%multiple_of3A, %dma_wait3A_139] : memref<16384x16xf32, #tpu.memory_space<hbm>> -> memref<512x16xf32, #tpu.memory_space<hbm>>
      tpu.wait_dma2 semaphore(%run_scoped3A : memref<!tpu.dma_semaphore, #tpu.memory_space<semaphore_mem>>) src(%arg11 : memref<512x16xf32, #tpu.memory_space<vmem>>) dst(%dma_wait3A_140 : memref<512x16xf32, #tpu.memory_space<hbm>>)
      tpu.yield
    }) : () -> ()
    return
  }
}

#map = affine_map<(d0, d1) -> (0)>
#map1 = affine_map<(d0, d1) -> (0, 0)>
module attributes {stable_mosaic.version = 14 : i64} {
  func.func @k(%arg0: i32, %arg1: i32, %arg2: memref<262144xi32, #tpu.memory_space<hbm>>, %arg3: memref<16384xi32, #tpu.memory_space<hbm>>, %arg4: memref<1015808x16xf32, #tpu.memory_space<hbm>>, %arg5: memref<262144x16xf32, #tpu.memory_space<hbm>>, %arg6: memref<16384x16xf32, #tpu.memory_space<hbm>>, %arg7: memref<8192xi32, #tpu.memory_space<vmem>>, %arg8: memref<512xi32, #tpu.memory_space<vmem>>, %arg9: memref<2048x16xf32, #tpu.memory_space<vmem>>, %arg10: memref<512x16xf32, #tpu.memory_space<vmem>>, %arg11: memref<!tpu.dma_semaphore, #tpu.memory_space<semaphore_mem>>, %arg12: memref<!tpu.dma_semaphore, #tpu.memory_space<semaphore_mem>>) attributes {dimension_semantics = [#tpu.dimension_semantics<core_parallel>, #tpu.dimension_semantics<subcore_parallel>], iteration_bounds = array<i64: 2, 16>, scalar_prefetch = 0 : i64, scratch_operands = 6 : i64, tpu.core_type = #tpu.core_type<sc_vector_subcore>, window_params = [{transform_indices = #map}, {transform_indices = #map}, {transform_indices = #map1}, {transform_indices = #map1}, {transform_indices = #map1}]} {
    %mul3A = arith.constant 2 : i32
    %mul3A_0 = arith.muli %arg1, %mul3A : i32
    %add3A = arith.addi %mul3A_0, %arg0 : i32
    %mul3A_1 = arith.constant 8192 : i32
    %mul3A_2 = arith.muli %add3A, %mul3A_1 : i32
    %multiple_of3A = tpu.assume_multiple %mul3A_2, 8192 : i32
    %mul3A_3 = arith.constant 512 : i32
    %mul3A_4 = arith.muli %add3A, %mul3A_3 : i32
    %multiple_of3A_5 = tpu.assume_multiple %mul3A_4, 512 : i32
    "tpu.region"() ({
      %run_scoped3A = tpu.sem_alloc : memref<!tpu.dma_semaphore, #tpu.memory_space<semaphore_mem>>
      %dma_start3A_82 = tpu.memref_slice %arg2[%multiple_of3A] : memref<262144xi32, #tpu.memory_space<hbm>> -> memref<8192xi32, #tpu.memory_space<hbm>>
      %dma_start3A_83 = tpu.memref_slice %arg2[%multiple_of3A] : memref<262144xi32, #tpu.memory_space<hbm>> -> memref<8192xi32, #tpu.memory_space<hbm>>
      tpu.enqueue_dma source(%dma_start3A_83 : memref<8192xi32, #tpu.memory_space<hbm>>) target(%arg7 : memref<8192xi32, #tpu.memory_space<vmem>>) target_semaphore(%run_scoped3A : memref<!tpu.dma_semaphore, #tpu.memory_space<semaphore_mem>>)
      %dma_wait3A_84 = tpu.memref_slice %arg2[%multiple_of3A] : memref<262144xi32, #tpu.memory_space<hbm>> -> memref<8192xi32, #tpu.memory_space<hbm>>
      %dma_wait3A_85 = tpu.memref_slice %arg2[%multiple_of3A] : memref<262144xi32, #tpu.memory_space<hbm>> -> memref<8192xi32, #tpu.memory_space<hbm>>
      tpu.wait_dma2 semaphore(%run_scoped3A : memref<!tpu.dma_semaphore, #tpu.memory_space<semaphore_mem>>) src(%dma_wait3A_85 : memref<8192xi32, #tpu.memory_space<hbm>>) dst(%arg7 : memref<8192xi32, #tpu.memory_space<vmem>>)
      tpu.yield
    }) : () -> ()
    "tpu.region"() ({
      %run_scoped3A = tpu.sem_alloc : memref<!tpu.dma_semaphore, #tpu.memory_space<semaphore_mem>>
      %dma_start3A_82 = tpu.memref_slice %arg3[%multiple_of3A_5] : memref<16384xi32, #tpu.memory_space<hbm>> -> memref<512xi32, #tpu.memory_space<hbm>>
      %dma_start3A_83 = tpu.memref_slice %arg3[%multiple_of3A_5] : memref<16384xi32, #tpu.memory_space<hbm>> -> memref<512xi32, #tpu.memory_space<hbm>>
      tpu.enqueue_dma source(%dma_start3A_83 : memref<512xi32, #tpu.memory_space<hbm>>) target(%arg8 : memref<512xi32, #tpu.memory_space<vmem>>) target_semaphore(%run_scoped3A : memref<!tpu.dma_semaphore, #tpu.memory_space<semaphore_mem>>)
      %dma_wait3A_84 = tpu.memref_slice %arg3[%multiple_of3A_5] : memref<16384xi32, #tpu.memory_space<hbm>> -> memref<512xi32, #tpu.memory_space<hbm>>
      %dma_wait3A_85 = tpu.memref_slice %arg3[%multiple_of3A_5] : memref<16384xi32, #tpu.memory_space<hbm>> -> memref<512xi32, #tpu.memory_space<hbm>>
      tpu.wait_dma2 semaphore(%run_scoped3A : memref<!tpu.dma_semaphore, #tpu.memory_space<semaphore_mem>>) src(%dma_wait3A_85 : memref<512xi32, #tpu.memory_space<hbm>>) dst(%arg8 : memref<512xi32, #tpu.memory_space<vmem>>)
      tpu.yield
    }) : () -> ()
    %scan3A = arith.constant 0 : i32
    %scan3A_6 = arith.constant 64 : i32
    %scan3A_7 = arith.addi %scan3A, %scan3A_6 : i32
    %scan3A_8 = arith.constant 1 : i32
    scf.for %scan3A_82 = %scan3A to %scan3A_7 step %scan3A_8  : i32 {
      %mul3A_83 = arith.constant 128 : i32
      %mul3A_84 = arith.muli %scan3A_82, %mul3A_83 : i32
      %add3A_85 = arith.constant 0 : i32
      %add3A_86 = arith.addi %add3A_85, %mul3A_84 : i32
      %multiple_of3A_87 = tpu.assume_multiple %add3A_86, 128 : i32
      %add3A_88 = arith.constant 0 : i32
      %add3A_89 = arith.addi %multiple_of3A_87, %add3A_88 : i32
      %get3A = arith.index_cast %add3A_89 : i32 to index
      %get3A_90 = tpu.vector_load %arg7[%get3A] {strides = array<i32>} : memref<8192xi32, #tpu.memory_space<vmem>>, vector<16xi32>,
      %get3A_91 = vector.shape_cast %get3A_90 : vector<16xi32> to vector<16xi32>
      %and3A = arith.constant 1048575 : i32
      %and3A_92 = vector.broadcast %and3A : i32 to vector<16xi32>
      %and3A_93 = arith.andi %get3A_91, %and3A_92 : vector<16xi32>
      %and3A_94 = arith.constant -1024 : i32
      %and3A_95 = vector.broadcast %and3A_94 : i32 to vector<16xi32>
      %and3A_96 = arith.andi %and3A_93, %and3A_95 : vector<16xi32>
      %and3A_97 = arith.constant 127 : i32
      %and3A_98 = vector.broadcast %and3A_97 : i32 to vector<16xi32>
      %and3A_99 = arith.andi %and3A_93, %and3A_98 : vector<16xi32>
      %shift_left3A = arith.constant 3 : i32
      %shift_left3A_100 = vector.broadcast %shift_left3A : i32 to vector<16xi32>
      %shift_left3A_101 = arith.shli %and3A_99, %shift_left3A_100 : vector<16xi32>
      %or3A = arith.ori %and3A_96, %shift_left3A_101 : vector<16xi32>
      %shift_right_arithmetic3A = arith.constant 7 : i32
      %shift_right_arithmetic3A_102 = vector.broadcast %shift_right_arithmetic3A : i32 to vector<16xi32>
      %shift_right_arithmetic3A_103 = arith.shrsi %and3A_93, %shift_right_arithmetic3A_102 : vector<16xi32>
      %and3A_104 = arith.constant 7 : i32
      %and3A_105 = vector.broadcast %and3A_104 : i32 to vector<16xi32>
      %and3A_106 = arith.andi %shift_right_arithmetic3A_103, %and3A_105 : vector<16xi32>
      %or3A_107 = arith.ori %or3A, %and3A_106 : vector<16xi32>
      %swap3A = arith.index_cast %add3A_89 : i32 to index
      %swap3A_108 = tpu.vector_load %arg7[%swap3A] {strides = array<i32>} : memref<8192xi32, #tpu.memory_space<vmem>>, vector<16xi32>,
      %swap3A_109 = vector.shape_cast %swap3A_108 : vector<16xi32> to vector<16xi32>
      %swap3A_110 = vector.shape_cast %or3A_107 : vector<16xi32> to vector<16xi32>
      tpu.vector_store %arg7[%swap3A], %swap3A_110 {strides = array<i32>} : memref<8192xi32, #tpu.memory_space<vmem>>, vector<16xi32>,
      %add3A_111 = arith.constant 16 : i32
      %add3A_112 = arith.addi %multiple_of3A_87, %add3A_111 : i32
      %get3A_113 = arith.index_cast %add3A_112 : i32 to index
      %get3A_114 = tpu.vector_load %arg7[%get3A_113] {strides = array<i32>} : memref<8192xi32, #tpu.memory_space<vmem>>, vector<16xi32>,
      %get3A_115 = vector.shape_cast %get3A_114 : vector<16xi32> to vector<16xi32>
      %and3A_116 = arith.constant 1048575 : i32
      %and3A_117 = vector.broadcast %and3A_116 : i32 to vector<16xi32>
      %and3A_118 = arith.andi %get3A_115, %and3A_117 : vector<16xi32>
      %and3A_119 = arith.constant -1024 : i32
      %and3A_120 = vector.broadcast %and3A_119 : i32 to vector<16xi32>
      %and3A_121 = arith.andi %and3A_118, %and3A_120 : vector<16xi32>
      %and3A_122 = arith.constant 127 : i32
      %and3A_123 = vector.broadcast %and3A_122 : i32 to vector<16xi32>
      %and3A_124 = arith.andi %and3A_118, %and3A_123 : vector<16xi32>
      %shift_left3A_125 = arith.constant 3 : i32
      %shift_left3A_126 = vector.broadcast %shift_left3A_125 : i32 to vector<16xi32>
      %shift_left3A_127 = arith.shli %and3A_124, %shift_left3A_126 : vector<16xi32>
      %or3A_128 = arith.ori %and3A_121, %shift_left3A_127 : vector<16xi32>
      %shift_right_arithmetic3A_129 = arith.constant 7 : i32
      %shift_right_arithmetic3A_130 = vector.broadcast %shift_right_arithmetic3A_129 : i32 to vector<16xi32>
      %shift_right_arithmetic3A_131 = arith.shrsi %and3A_118, %shift_right_arithmetic3A_130 : vector<16xi32>
      %and3A_132 = arith.constant 7 : i32
      %and3A_133 = vector.broadcast %and3A_132 : i32 to vector<16xi32>
      %and3A_134 = arith.andi %shift_right_arithmetic3A_131, %and3A_133 : vector<16xi32>
      %or3A_135 = arith.ori %or3A_128, %and3A_134 : vector<16xi32>
      %swap3A_136 = arith.index_cast %add3A_112 : i32 to index
      %swap3A_137 = tpu.vector_load %arg7[%swap3A_136] {strides = array<i32>} : memref<8192xi32, #tpu.memory_space<vmem>>, vector<16xi32>,
      %swap3A_138 = vector.shape_cast %swap3A_137 : vector<16xi32> to vector<16xi32>
      %swap3A_139 = vector.shape_cast %or3A_135 : vector<16xi32> to vector<16xi32>
      tpu.vector_store %arg7[%swap3A_136], %swap3A_139 {strides = array<i32>} : memref<8192xi32, #tpu.memory_space<vmem>>, vector<16xi32>,
      %add3A_140 = arith.constant 32 : i32
      %add3A_141 = arith.addi %multiple_of3A_87, %add3A_140 : i32
      %get3A_142 = arith.index_cast %add3A_141 : i32 to index
      %get3A_143 = tpu.vector_load %arg7[%get3A_142] {strides = array<i32>} : memref<8192xi32, #tpu.memory_space<vmem>>, vector<16xi32>,
      %get3A_144 = vector.shape_cast %get3A_143 : vector<16xi32> to vector<16xi32>
      %and3A_145 = arith.constant 1048575 : i32
      %and3A_146 = vector.broadcast %and3A_145 : i32 to vector<16xi32>
      %and3A_147 = arith.andi %get3A_144, %and3A_146 : vector<16xi32>
      %and3A_148 = arith.constant -1024 : i32
      %and3A_149 = vector.broadcast %and3A_148 : i32 to vector<16xi32>
      %and3A_150 = arith.andi %and3A_147, %and3A_149 : vector<16xi32>
      %and3A_151 = arith.constant 127 : i32
      %and3A_152 = vector.broadcast %and3A_151 : i32 to vector<16xi32>
      %and3A_153 = arith.andi %and3A_147, %and3A_152 : vector<16xi32>
      %shift_left3A_154 = arith.constant 3 : i32
      %shift_left3A_155 = vector.broadcast %shift_left3A_154 : i32 to vector<16xi32>
      %shift_left3A_156 = arith.shli %and3A_153, %shift_left3A_155 : vector<16xi32>
      %or3A_157 = arith.ori %and3A_150, %shift_left3A_156 : vector<16xi32>
      %shift_right_arithmetic3A_158 = arith.constant 7 : i32
      %shift_right_arithmetic3A_159 = vector.broadcast %shift_right_arithmetic3A_158 : i32 to vector<16xi32>
      %shift_right_arithmetic3A_160 = arith.shrsi %and3A_147, %shift_right_arithmetic3A_159 : vector<16xi32>
      %and3A_161 = arith.constant 7 : i32
      %and3A_162 = vector.broadcast %and3A_161 : i32 to vector<16xi32>
      %and3A_163 = arith.andi %shift_right_arithmetic3A_160, %and3A_162 : vector<16xi32>
      %or3A_164 = arith.ori %or3A_157, %and3A_163 : vector<16xi32>
      %swap3A_165 = arith.index_cast %add3A_141 : i32 to index
      %swap3A_166 = tpu.vector_load %arg7[%swap3A_165] {strides = array<i32>} : memref<8192xi32, #tpu.memory_space<vmem>>, vector<16xi32>,
      %swap3A_167 = vector.shape_cast %swap3A_166 : vector<16xi32> to vector<16xi32>
      %swap3A_168 = vector.shape_cast %or3A_164 : vector<16xi32> to vector<16xi32>
      tpu.vector_store %arg7[%swap3A_165], %swap3A_168 {strides = array<i32>} : memref<8192xi32, #tpu.memory_space<vmem>>, vector<16xi32>,
      %add3A_169 = arith.constant 48 : i32
      %add3A_170 = arith.addi %multiple_of3A_87, %add3A_169 : i32
      %get3A_171 = arith.index_cast %add3A_170 : i32 to index
      %get3A_172 = tpu.vector_load %arg7[%get3A_171] {strides = array<i32>} : memref<8192xi32, #tpu.memory_space<vmem>>, vector<16xi32>,
      %get3A_173 = vector.shape_cast %get3A_172 : vector<16xi32> to vector<16xi32>
      %and3A_174 = arith.constant 1048575 : i32
      %and3A_175 = vector.broadcast %and3A_174 : i32 to vector<16xi32>
      %and3A_176 = arith.andi %get3A_173, %and3A_175 : vector<16xi32>
      %and3A_177 = arith.constant -1024 : i32
      %and3A_178 = vector.broadcast %and3A_177 : i32 to vector<16xi32>
      %and3A_179 = arith.andi %and3A_176, %and3A_178 : vector<16xi32>
      %and3A_180 = arith.constant 127 : i32
      %and3A_181 = vector.broadcast %and3A_180 : i32 to vector<16xi32>
      %and3A_182 = arith.andi %and3A_176, %and3A_181 : vector<16xi32>
      %shift_left3A_183 = arith.constant 3 : i32
      %shift_left3A_184 = vector.broadcast %shift_left3A_183 : i32 to vector<16xi32>
      %shift_left3A_185 = arith.shli %and3A_182, %shift_left3A_184 : vector<16xi32>
      %or3A_186 = arith.ori %and3A_179, %shift_left3A_185 : vector<16xi32>
      %shift_right_arithmetic3A_187 = arith.constant 7 : i32
      %shift_right_arithmetic3A_188 = vector.broadcast %shift_right_arithmetic3A_187 : i32 to vector<16xi32>
      %shift_right_arithmetic3A_189 = arith.shrsi %and3A_176, %shift_right_arithmetic3A_188 : vector<16xi32>
      %and3A_190 = arith.constant 7 : i32
      %and3A_191 = vector.broadcast %and3A_190 : i32 to vector<16xi32>
      %and3A_192 = arith.andi %shift_right_arithmetic3A_189, %and3A_191 : vector<16xi32>
      %or3A_193 = arith.ori %or3A_186, %and3A_192 : vector<16xi32>
      %swap3A_194 = arith.index_cast %add3A_170 : i32 to index
      %swap3A_195 = tpu.vector_load %arg7[%swap3A_194] {strides = array<i32>} : memref<8192xi32, #tpu.memory_space<vmem>>, vector<16xi32>,
      %swap3A_196 = vector.shape_cast %swap3A_195 : vector<16xi32> to vector<16xi32>
      %swap3A_197 = vector.shape_cast %or3A_193 : vector<16xi32> to vector<16xi32>
      tpu.vector_store %arg7[%swap3A_194], %swap3A_197 {strides = array<i32>} : memref<8192xi32, #tpu.memory_space<vmem>>, vector<16xi32>,
      %add3A_198 = arith.constant 64 : i32
      %add3A_199 = arith.addi %multiple_of3A_87, %add3A_198 : i32
      %get3A_200 = arith.index_cast %add3A_199 : i32 to index
      %get3A_201 = tpu.vector_load %arg7[%get3A_200] {strides = array<i32>} : memref<8192xi32, #tpu.memory_space<vmem>>, vector<16xi32>,
      %get3A_202 = vector.shape_cast %get3A_201 : vector<16xi32> to vector<16xi32>
      %and3A_203 = arith.constant 1048575 : i32
      %and3A_204 = vector.broadcast %and3A_203 : i32 to vector<16xi32>
      %and3A_205 = arith.andi %get3A_202, %and3A_204 : vector<16xi32>
      %and3A_206 = arith.constant -1024 : i32
      %and3A_207 = vector.broadcast %and3A_206 : i32 to vector<16xi32>
      %and3A_208 = arith.andi %and3A_205, %and3A_207 : vector<16xi32>
      %and3A_209 = arith.constant 127 : i32
      %and3A_210 = vector.broadcast %and3A_209 : i32 to vector<16xi32>
      %and3A_211 = arith.andi %and3A_205, %and3A_210 : vector<16xi32>
      %shift_left3A_212 = arith.constant 3 : i32
      %shift_left3A_213 = vector.broadcast %shift_left3A_212 : i32 to vector<16xi32>
      %shift_left3A_214 = arith.shli %and3A_211, %shift_left3A_213 : vector<16xi32>
      %or3A_215 = arith.ori %and3A_208, %shift_left3A_214 : vector<16xi32>
      %shift_right_arithmetic3A_216 = arith.constant 7 : i32
      %shift_right_arithmetic3A_217 = vector.broadcast %shift_right_arithmetic3A_216 : i32 to vector<16xi32>
      %shift_right_arithmetic3A_218 = arith.shrsi %and3A_205, %shift_right_arithmetic3A_217 : vector<16xi32>
      %and3A_219 = arith.constant 7 : i32
      %and3A_220 = vector.broadcast %and3A_219 : i32 to vector<16xi32>
      %and3A_221 = arith.andi %shift_right_arithmetic3A_218, %and3A_220 : vector<16xi32>
      %or3A_222 = arith.ori %or3A_215, %and3A_221 : vector<16xi32>
      %swap3A_223 = arith.index_cast %add3A_199 : i32 to index
      %swap3A_224 = tpu.vector_load %arg7[%swap3A_223] {strides = array<i32>} : memref<8192xi32, #tpu.memory_space<vmem>>, vector<16xi32>,
      %swap3A_225 = vector.shape_cast %swap3A_224 : vector<16xi32> to vector<16xi32>
      %swap3A_226 = vector.shape_cast %or3A_222 : vector<16xi32> to vector<16xi32>
      tpu.vector_store %arg7[%swap3A_223], %swap3A_226 {strides = array<i32>} : memref<8192xi32, #tpu.memory_space<vmem>>, vector<16xi32>,
      %add3A_227 = arith.constant 80 : i32
      %add3A_228 = arith.addi %multiple_of3A_87, %add3A_227 : i32
      %get3A_229 = arith.index_cast %add3A_228 : i32 to index
      %get3A_230 = tpu.vector_load %arg7[%get3A_229] {strides = array<i32>} : memref<8192xi32, #tpu.memory_space<vmem>>, vector<16xi32>,
      %get3A_231 = vector.shape_cast %get3A_230 : vector<16xi32> to vector<16xi32>
      %and3A_232 = arith.constant 1048575 : i32
      %and3A_233 = vector.broadcast %and3A_232 : i32 to vector<16xi32>
      %and3A_234 = arith.andi %get3A_231, %and3A_233 : vector<16xi32>
      %and3A_235 = arith.constant -1024 : i32
      %and3A_236 = vector.broadcast %and3A_235 : i32 to vector<16xi32>
      %and3A_237 = arith.andi %and3A_234, %and3A_236 : vector<16xi32>
      %and3A_238 = arith.constant 127 : i32
      %and3A_239 = vector.broadcast %and3A_238 : i32 to vector<16xi32>
      %and3A_240 = arith.andi %and3A_234, %and3A_239 : vector<16xi32>
      %shift_left3A_241 = arith.constant 3 : i32
      %shift_left3A_242 = vector.broadcast %shift_left3A_241 : i32 to vector<16xi32>
      %shift_left3A_243 = arith.shli %and3A_240, %shift_left3A_242 : vector<16xi32>
      %or3A_244 = arith.ori %and3A_237, %shift_left3A_243 : vector<16xi32>
      %shift_right_arithmetic3A_245 = arith.constant 7 : i32
      %shift_right_arithmetic3A_246 = vector.broadcast %shift_right_arithmetic3A_245 : i32 to vector<16xi32>
      %shift_right_arithmetic3A_247 = arith.shrsi %and3A_234, %shift_right_arithmetic3A_246 : vector<16xi32>
      %and3A_248 = arith.constant 7 : i32
      %and3A_249 = vector.broadcast %and3A_248 : i32 to vector<16xi32>
      %and3A_250 = arith.andi %shift_right_arithmetic3A_247, %and3A_249 : vector<16xi32>
      %or3A_251 = arith.ori %or3A_244, %and3A_250 : vector<16xi32>
      %swap3A_252 = arith.index_cast %add3A_228 : i32 to index
      %swap3A_253 = tpu.vector_load %arg7[%swap3A_252] {strides = array<i32>} : memref<8192xi32, #tpu.memory_space<vmem>>, vector<16xi32>,
      %swap3A_254 = vector.shape_cast %swap3A_253 : vector<16xi32> to vector<16xi32>
      %swap3A_255 = vector.shape_cast %or3A_251 : vector<16xi32> to vector<16xi32>
      tpu.vector_store %arg7[%swap3A_252], %swap3A_255 {strides = array<i32>} : memref<8192xi32, #tpu.memory_space<vmem>>, vector<16xi32>,
      %add3A_256 = arith.constant 96 : i32
      %add3A_257 = arith.addi %multiple_of3A_87, %add3A_256 : i32
      %get3A_258 = arith.index_cast %add3A_257 : i32 to index
      %get3A_259 = tpu.vector_load %arg7[%get3A_258] {strides = array<i32>} : memref<8192xi32, #tpu.memory_space<vmem>>, vector<16xi32>,
      %get3A_260 = vector.shape_cast %get3A_259 : vector<16xi32> to vector<16xi32>
      %and3A_261 = arith.constant 1048575 : i32
      %and3A_262 = vector.broadcast %and3A_261 : i32 to vector<16xi32>
      %and3A_263 = arith.andi %get3A_260, %and3A_262 : vector<16xi32>
      %and3A_264 = arith.constant -1024 : i32
      %and3A_265 = vector.broadcast %and3A_264 : i32 to vector<16xi32>
      %and3A_266 = arith.andi %and3A_263, %and3A_265 : vector<16xi32>
      %and3A_267 = arith.constant 127 : i32
      %and3A_268 = vector.broadcast %and3A_267 : i32 to vector<16xi32>
      %and3A_269 = arith.andi %and3A_263, %and3A_268 : vector<16xi32>
      %shift_left3A_270 = arith.constant 3 : i32
      %shift_left3A_271 = vector.broadcast %shift_left3A_270 : i32 to vector<16xi32>
      %shift_left3A_272 = arith.shli %and3A_269, %shift_left3A_271 : vector<16xi32>
      %or3A_273 = arith.ori %and3A_266, %shift_left3A_272 : vector<16xi32>
      %shift_right_arithmetic3A_274 = arith.constant 7 : i32
      %shift_right_arithmetic3A_275 = vector.broadcast %shift_right_arithmetic3A_274 : i32 to vector<16xi32>
      %shift_right_arithmetic3A_276 = arith.shrsi %and3A_263, %shift_right_arithmetic3A_275 : vector<16xi32>
      %and3A_277 = arith.constant 7 : i32
      %and3A_278 = vector.broadcast %and3A_277 : i32 to vector<16xi32>
      %and3A_279 = arith.andi %shift_right_arithmetic3A_276, %and3A_278 : vector<16xi32>
      %or3A_280 = arith.ori %or3A_273, %and3A_279 : vector<16xi32>
      %swap3A_281 = arith.index_cast %add3A_257 : i32 to index
      %swap3A_282 = tpu.vector_load %arg7[%swap3A_281] {strides = array<i32>} : memref<8192xi32, #tpu.memory_space<vmem>>, vector<16xi32>,
      %swap3A_283 = vector.shape_cast %swap3A_282 : vector<16xi32> to vector<16xi32>
      %swap3A_284 = vector.shape_cast %or3A_280 : vector<16xi32> to vector<16xi32>
      tpu.vector_store %arg7[%swap3A_281], %swap3A_284 {strides = array<i32>} : memref<8192xi32, #tpu.memory_space<vmem>>, vector<16xi32>,
      %add3A_285 = arith.constant 112 : i32
      %add3A_286 = arith.addi %multiple_of3A_87, %add3A_285 : i32
      %get3A_287 = arith.index_cast %add3A_286 : i32 to index
      %get3A_288 = tpu.vector_load %arg7[%get3A_287] {strides = array<i32>} : memref<8192xi32, #tpu.memory_space<vmem>>, vector<16xi32>,
      %get3A_289 = vector.shape_cast %get3A_288 : vector<16xi32> to vector<16xi32>
      %and3A_290 = arith.constant 1048575 : i32
      %and3A_291 = vector.broadcast %and3A_290 : i32 to vector<16xi32>
      %and3A_292 = arith.andi %get3A_289, %and3A_291 : vector<16xi32>
      %and3A_293 = arith.constant -1024 : i32
      %and3A_294 = vector.broadcast %and3A_293 : i32 to vector<16xi32>
      %and3A_295 = arith.andi %and3A_292, %and3A_294 : vector<16xi32>
      %and3A_296 = arith.constant 127 : i32
      %and3A_297 = vector.broadcast %and3A_296 : i32 to vector<16xi32>
      %and3A_298 = arith.andi %and3A_292, %and3A_297 : vector<16xi32>
      %shift_left3A_299 = arith.constant 3 : i32
      %shift_left3A_300 = vector.broadcast %shift_left3A_299 : i32 to vector<16xi32>
      %shift_left3A_301 = arith.shli %and3A_298, %shift_left3A_300 : vector<16xi32>
      %or3A_302 = arith.ori %and3A_295, %shift_left3A_301 : vector<16xi32>
      %shift_right_arithmetic3A_303 = arith.constant 7 : i32
      %shift_right_arithmetic3A_304 = vector.broadcast %shift_right_arithmetic3A_303 : i32 to vector<16xi32>
      %shift_right_arithmetic3A_305 = arith.shrsi %and3A_292, %shift_right_arithmetic3A_304 : vector<16xi32>
      %and3A_306 = arith.constant 7 : i32
      %and3A_307 = vector.broadcast %and3A_306 : i32 to vector<16xi32>
      %and3A_308 = arith.andi %shift_right_arithmetic3A_305, %and3A_307 : vector<16xi32>
      %or3A_309 = arith.ori %or3A_302, %and3A_308 : vector<16xi32>
      %swap3A_310 = arith.index_cast %add3A_286 : i32 to index
      %swap3A_311 = tpu.vector_load %arg7[%swap3A_310] {strides = array<i32>} : memref<8192xi32, #tpu.memory_space<vmem>>, vector<16xi32>,
      %swap3A_312 = vector.shape_cast %swap3A_311 : vector<16xi32> to vector<16xi32>
      %swap3A_313 = vector.shape_cast %or3A_309 : vector<16xi32> to vector<16xi32>
      tpu.vector_store %arg7[%swap3A_310], %swap3A_313 {strides = array<i32>} : memref<8192xi32, #tpu.memory_space<vmem>>, vector<16xi32>,
    }
    %scan3A_9 = arith.constant 64 : i32
    %scan3A_10 = arith.constant 0 : i32
    %scan3A_11 = arith.constant 4 : i32
    %scan3A_12 = arith.addi %scan3A_10, %scan3A_11 : i32
    %scan3A_13 = arith.constant 1 : i32
    scf.for %scan3A_82 = %scan3A_10 to %scan3A_12 step %scan3A_13  : i32 {
      %mul3A_83 = arith.constant 128 : i32
      %mul3A_84 = arith.muli %scan3A_82, %mul3A_83 : i32
      %add3A_85 = arith.constant 0 : i32
      %add3A_86 = arith.addi %add3A_85, %mul3A_84 : i32
      %multiple_of3A_87 = tpu.assume_multiple %add3A_86, 128 : i32
      %add3A_88 = arith.constant 0 : i32
      %add3A_89 = arith.addi %multiple_of3A_87, %add3A_88 : i32
      %get3A = arith.index_cast %add3A_89 : i32 to index
      %get3A_90 = tpu.vector_load %arg8[%get3A] {strides = array<i32>} : memref<512xi32, #tpu.memory_space<vmem>>, vector<16xi32>,
      %get3A_91 = vector.shape_cast %get3A_90 : vector<16xi32> to vector<16xi32>
      %and3A = arith.constant -1024 : i32
      %and3A_92 = vector.broadcast %and3A : i32 to vector<16xi32>
      %and3A_93 = arith.andi %get3A_91, %and3A_92 : vector<16xi32>
      %and3A_94 = arith.constant 127 : i32
      %and3A_95 = vector.broadcast %and3A_94 : i32 to vector<16xi32>
      %and3A_96 = arith.andi %get3A_91, %and3A_95 : vector<16xi32>
      %shift_left3A = arith.constant 3 : i32
      %shift_left3A_97 = vector.broadcast %shift_left3A : i32 to vector<16xi32>
      %shift_left3A_98 = arith.shli %and3A_96, %shift_left3A_97 : vector<16xi32>
      %or3A = arith.ori %and3A_93, %shift_left3A_98 : vector<16xi32>
      %shift_right_arithmetic3A = arith.constant 7 : i32
      %shift_right_arithmetic3A_99 = vector.broadcast %shift_right_arithmetic3A : i32 to vector<16xi32>
      %shift_right_arithmetic3A_100 = arith.shrsi %get3A_91, %shift_right_arithmetic3A_99 : vector<16xi32>
      %and3A_101 = arith.constant 7 : i32
      %and3A_102 = vector.broadcast %and3A_101 : i32 to vector<16xi32>
      %and3A_103 = arith.andi %shift_right_arithmetic3A_100, %and3A_102 : vector<16xi32>
      %or3A_104 = arith.ori %or3A, %and3A_103 : vector<16xi32>
      %swap3A = arith.index_cast %add3A_89 : i32 to index
      %swap3A_105 = tpu.vector_load %arg8[%swap3A] {strides = array<i32>} : memref<512xi32, #tpu.memory_space<vmem>>, vector<16xi32>,
      %swap3A_106 = vector.shape_cast %swap3A_105 : vector<16xi32> to vector<16xi32>
      %swap3A_107 = vector.shape_cast %or3A_104 : vector<16xi32> to vector<16xi32>
      tpu.vector_store %arg8[%swap3A], %swap3A_107 {strides = array<i32>} : memref<512xi32, #tpu.memory_space<vmem>>, vector<16xi32>,
      %add3A_108 = arith.constant 16 : i32
      %add3A_109 = arith.addi %multiple_of3A_87, %add3A_108 : i32
      %get3A_110 = arith.index_cast %add3A_109 : i32 to index
      %get3A_111 = tpu.vector_load %arg8[%get3A_110] {strides = array<i32>} : memref<512xi32, #tpu.memory_space<vmem>>, vector<16xi32>,
      %get3A_112 = vector.shape_cast %get3A_111 : vector<16xi32> to vector<16xi32>
      %and3A_113 = arith.constant -1024 : i32
      %and3A_114 = vector.broadcast %and3A_113 : i32 to vector<16xi32>
      %and3A_115 = arith.andi %get3A_112, %and3A_114 : vector<16xi32>
      %and3A_116 = arith.constant 127 : i32
      %and3A_117 = vector.broadcast %and3A_116 : i32 to vector<16xi32>
      %and3A_118 = arith.andi %get3A_112, %and3A_117 : vector<16xi32>
      %shift_left3A_119 = arith.constant 3 : i32
      %shift_left3A_120 = vector.broadcast %shift_left3A_119 : i32 to vector<16xi32>
      %shift_left3A_121 = arith.shli %and3A_118, %shift_left3A_120 : vector<16xi32>
      %or3A_122 = arith.ori %and3A_115, %shift_left3A_121 : vector<16xi32>
      %shift_right_arithmetic3A_123 = arith.constant 7 : i32
      %shift_right_arithmetic3A_124 = vector.broadcast %shift_right_arithmetic3A_123 : i32 to vector<16xi32>
      %shift_right_arithmetic3A_125 = arith.shrsi %get3A_112, %shift_right_arithmetic3A_124 : vector<16xi32>
      %and3A_126 = arith.constant 7 : i32
      %and3A_127 = vector.broadcast %and3A_126 : i32 to vector<16xi32>
      %and3A_128 = arith.andi %shift_right_arithmetic3A_125, %and3A_127 : vector<16xi32>
      %or3A_129 = arith.ori %or3A_122, %and3A_128 : vector<16xi32>
      %swap3A_130 = arith.index_cast %add3A_109 : i32 to index
      %swap3A_131 = tpu.vector_load %arg8[%swap3A_130] {strides = array<i32>} : memref<512xi32, #tpu.memory_space<vmem>>, vector<16xi32>,
      %swap3A_132 = vector.shape_cast %swap3A_131 : vector<16xi32> to vector<16xi32>
      %swap3A_133 = vector.shape_cast %or3A_129 : vector<16xi32> to vector<16xi32>
      tpu.vector_store %arg8[%swap3A_130], %swap3A_133 {strides = array<i32>} : memref<512xi32, #tpu.memory_space<vmem>>, vector<16xi32>,
      %add3A_134 = arith.constant 32 : i32
      %add3A_135 = arith.addi %multiple_of3A_87, %add3A_134 : i32
      %get3A_136 = arith.index_cast %add3A_135 : i32 to index
      %get3A_137 = tpu.vector_load %arg8[%get3A_136] {strides = array<i32>} : memref<512xi32, #tpu.memory_space<vmem>>, vector<16xi32>,
      %get3A_138 = vector.shape_cast %get3A_137 : vector<16xi32> to vector<16xi32>
      %and3A_139 = arith.constant -1024 : i32
      %and3A_140 = vector.broadcast %and3A_139 : i32 to vector<16xi32>
      %and3A_141 = arith.andi %get3A_138, %and3A_140 : vector<16xi32>
      %and3A_142 = arith.constant 127 : i32
      %and3A_143 = vector.broadcast %and3A_142 : i32 to vector<16xi32>
      %and3A_144 = arith.andi %get3A_138, %and3A_143 : vector<16xi32>
      %shift_left3A_145 = arith.constant 3 : i32
      %shift_left3A_146 = vector.broadcast %shift_left3A_145 : i32 to vector<16xi32>
      %shift_left3A_147 = arith.shli %and3A_144, %shift_left3A_146 : vector<16xi32>
      %or3A_148 = arith.ori %and3A_141, %shift_left3A_147 : vector<16xi32>
      %shift_right_arithmetic3A_149 = arith.constant 7 : i32
      %shift_right_arithmetic3A_150 = vector.broadcast %shift_right_arithmetic3A_149 : i32 to vector<16xi32>
      %shift_right_arithmetic3A_151 = arith.shrsi %get3A_138, %shift_right_arithmetic3A_150 : vector<16xi32>
      %and3A_152 = arith.constant 7 : i32
      %and3A_153 = vector.broadcast %and3A_152 : i32 to vector<16xi32>
      %and3A_154 = arith.andi %shift_right_arithmetic3A_151, %and3A_153 : vector<16xi32>
      %or3A_155 = arith.ori %or3A_148, %and3A_154 : vector<16xi32>
      %swap3A_156 = arith.index_cast %add3A_135 : i32 to index
      %swap3A_157 = tpu.vector_load %arg8[%swap3A_156] {strides = array<i32>} : memref<512xi32, #tpu.memory_space<vmem>>, vector<16xi32>,
      %swap3A_158 = vector.shape_cast %swap3A_157 : vector<16xi32> to vector<16xi32>
      %swap3A_159 = vector.shape_cast %or3A_155 : vector<16xi32> to vector<16xi32>
      tpu.vector_store %arg8[%swap3A_156], %swap3A_159 {strides = array<i32>} : memref<512xi32, #tpu.memory_space<vmem>>, vector<16xi32>,
      %add3A_160 = arith.constant 48 : i32
      %add3A_161 = arith.addi %multiple_of3A_87, %add3A_160 : i32
      %get3A_162 = arith.index_cast %add3A_161 : i32 to index
      %get3A_163 = tpu.vector_load %arg8[%get3A_162] {strides = array<i32>} : memref<512xi32, #tpu.memory_space<vmem>>, vector<16xi32>,
      %get3A_164 = vector.shape_cast %get3A_163 : vector<16xi32> to vector<16xi32>
      %and3A_165 = arith.constant -1024 : i32
      %and3A_166 = vector.broadcast %and3A_165 : i32 to vector<16xi32>
      %and3A_167 = arith.andi %get3A_164, %and3A_166 : vector<16xi32>
      %and3A_168 = arith.constant 127 : i32
      %and3A_169 = vector.broadcast %and3A_168 : i32 to vector<16xi32>
      %and3A_170 = arith.andi %get3A_164, %and3A_169 : vector<16xi32>
      %shift_left3A_171 = arith.constant 3 : i32
      %shift_left3A_172 = vector.broadcast %shift_left3A_171 : i32 to vector<16xi32>
      %shift_left3A_173 = arith.shli %and3A_170, %shift_left3A_172 : vector<16xi32>
      %or3A_174 = arith.ori %and3A_167, %shift_left3A_173 : vector<16xi32>
      %shift_right_arithmetic3A_175 = arith.constant 7 : i32
      %shift_right_arithmetic3A_176 = vector.broadcast %shift_right_arithmetic3A_175 : i32 to vector<16xi32>
      %shift_right_arithmetic3A_177 = arith.shrsi %get3A_164, %shift_right_arithmetic3A_176 : vector<16xi32>
      %and3A_178 = arith.constant 7 : i32
      %and3A_179 = vector.broadcast %and3A_178 : i32 to vector<16xi32>
      %and3A_180 = arith.andi %shift_right_arithmetic3A_177, %and3A_179 : vector<16xi32>
      %or3A_181 = arith.ori %or3A_174, %and3A_180 : vector<16xi32>
      %swap3A_182 = arith.index_cast %add3A_161 : i32 to index
      %swap3A_183 = tpu.vector_load %arg8[%swap3A_182] {strides = array<i32>} : memref<512xi32, #tpu.memory_space<vmem>>, vector<16xi32>,
      %swap3A_184 = vector.shape_cast %swap3A_183 : vector<16xi32> to vector<16xi32>
      %swap3A_185 = vector.shape_cast %or3A_181 : vector<16xi32> to vector<16xi32>
      tpu.vector_store %arg8[%swap3A_182], %swap3A_185 {strides = array<i32>} : memref<512xi32, #tpu.memory_space<vmem>>, vector<16xi32>,
      %add3A_186 = arith.constant 64 : i32
      %add3A_187 = arith.addi %multiple_of3A_87, %add3A_186 : i32
      %get3A_188 = arith.index_cast %add3A_187 : i32 to index
      %get3A_189 = tpu.vector_load %arg8[%get3A_188] {strides = array<i32>} : memref<512xi32, #tpu.memory_space<vmem>>, vector<16xi32>,
      %get3A_190 = vector.shape_cast %get3A_189 : vector<16xi32> to vector<16xi32>
      %and3A_191 = arith.constant -1024 : i32
      %and3A_192 = vector.broadcast %and3A_191 : i32 to vector<16xi32>
      %and3A_193 = arith.andi %get3A_190, %and3A_192 : vector<16xi32>
      %and3A_194 = arith.constant 127 : i32
      %and3A_195 = vector.broadcast %and3A_194 : i32 to vector<16xi32>
      %and3A_196 = arith.andi %get3A_190, %and3A_195 : vector<16xi32>
      %shift_left3A_197 = arith.constant 3 : i32
      %shift_left3A_198 = vector.broadcast %shift_left3A_197 : i32 to vector<16xi32>
      %shift_left3A_199 = arith.shli %and3A_196, %shift_left3A_198 : vector<16xi32>
      %or3A_200 = arith.ori %and3A_193, %shift_left3A_199 : vector<16xi32>
      %shift_right_arithmetic3A_201 = arith.constant 7 : i32
      %shift_right_arithmetic3A_202 = vector.broadcast %shift_right_arithmetic3A_201 : i32 to vector<16xi32>
      %shift_right_arithmetic3A_203 = arith.shrsi %get3A_190, %shift_right_arithmetic3A_202 : vector<16xi32>
      %and3A_204 = arith.constant 7 : i32
      %and3A_205 = vector.broadcast %and3A_204 : i32 to vector<16xi32>
      %and3A_206 = arith.andi %shift_right_arithmetic3A_203, %and3A_205 : vector<16xi32>
      %or3A_207 = arith.ori %or3A_200, %and3A_206 : vector<16xi32>
      %swap3A_208 = arith.index_cast %add3A_187 : i32 to index
      %swap3A_209 = tpu.vector_load %arg8[%swap3A_208] {strides = array<i32>} : memref<512xi32, #tpu.memory_space<vmem>>, vector<16xi32>,
      %swap3A_210 = vector.shape_cast %swap3A_209 : vector<16xi32> to vector<16xi32>
      %swap3A_211 = vector.shape_cast %or3A_207 : vector<16xi32> to vector<16xi32>
      tpu.vector_store %arg8[%swap3A_208], %swap3A_211 {strides = array<i32>} : memref<512xi32, #tpu.memory_space<vmem>>, vector<16xi32>,
      %add3A_212 = arith.constant 80 : i32
      %add3A_213 = arith.addi %multiple_of3A_87, %add3A_212 : i32
      %get3A_214 = arith.index_cast %add3A_213 : i32 to index
      %get3A_215 = tpu.vector_load %arg8[%get3A_214] {strides = array<i32>} : memref<512xi32, #tpu.memory_space<vmem>>, vector<16xi32>,
      %get3A_216 = vector.shape_cast %get3A_215 : vector<16xi32> to vector<16xi32>
      %and3A_217 = arith.constant -1024 : i32
      %and3A_218 = vector.broadcast %and3A_217 : i32 to vector<16xi32>
      %and3A_219 = arith.andi %get3A_216, %and3A_218 : vector<16xi32>
      %and3A_220 = arith.constant 127 : i32
      %and3A_221 = vector.broadcast %and3A_220 : i32 to vector<16xi32>
      %and3A_222 = arith.andi %get3A_216, %and3A_221 : vector<16xi32>
      %shift_left3A_223 = arith.constant 3 : i32
      %shift_left3A_224 = vector.broadcast %shift_left3A_223 : i32 to vector<16xi32>
      %shift_left3A_225 = arith.shli %and3A_222, %shift_left3A_224 : vector<16xi32>
      %or3A_226 = arith.ori %and3A_219, %shift_left3A_225 : vector<16xi32>
      %shift_right_arithmetic3A_227 = arith.constant 7 : i32
      %shift_right_arithmetic3A_228 = vector.broadcast %shift_right_arithmetic3A_227 : i32 to vector<16xi32>
      %shift_right_arithmetic3A_229 = arith.shrsi %get3A_216, %shift_right_arithmetic3A_228 : vector<16xi32>
      %and3A_230 = arith.constant 7 : i32
      %and3A_231 = vector.broadcast %and3A_230 : i32 to vector<16xi32>
      %and3A_232 = arith.andi %shift_right_arithmetic3A_229, %and3A_231 : vector<16xi32>
      %or3A_233 = arith.ori %or3A_226, %and3A_232 : vector<16xi32>
      %swap3A_234 = arith.index_cast %add3A_213 : i32 to index
      %swap3A_235 = tpu.vector_load %arg8[%swap3A_234] {strides = array<i32>} : memref<512xi32, #tpu.memory_space<vmem>>, vector<16xi32>,
      %swap3A_236 = vector.shape_cast %swap3A_235 : vector<16xi32> to vector<16xi32>
      %swap3A_237 = vector.shape_cast %or3A_233 : vector<16xi32> to vector<16xi32>
      tpu.vector_store %arg8[%swap3A_234], %swap3A_237 {strides = array<i32>} : memref<512xi32, #tpu.memory_space<vmem>>, vector<16xi32>,
      %add3A_238 = arith.constant 96 : i32
      %add3A_239 = arith.addi %multiple_of3A_87, %add3A_238 : i32
      %get3A_240 = arith.index_cast %add3A_239 : i32 to index
      %get3A_241 = tpu.vector_load %arg8[%get3A_240] {strides = array<i32>} : memref<512xi32, #tpu.memory_space<vmem>>, vector<16xi32>,
      %get3A_242 = vector.shape_cast %get3A_241 : vector<16xi32> to vector<16xi32>
      %and3A_243 = arith.constant -1024 : i32
      %and3A_244 = vector.broadcast %and3A_243 : i32 to vector<16xi32>
      %and3A_245 = arith.andi %get3A_242, %and3A_244 : vector<16xi32>
      %and3A_246 = arith.constant 127 : i32
      %and3A_247 = vector.broadcast %and3A_246 : i32 to vector<16xi32>
      %and3A_248 = arith.andi %get3A_242, %and3A_247 : vector<16xi32>
      %shift_left3A_249 = arith.constant 3 : i32
      %shift_left3A_250 = vector.broadcast %shift_left3A_249 : i32 to vector<16xi32>
      %shift_left3A_251 = arith.shli %and3A_248, %shift_left3A_250 : vector<16xi32>
      %or3A_252 = arith.ori %and3A_245, %shift_left3A_251 : vector<16xi32>
      %shift_right_arithmetic3A_253 = arith.constant 7 : i32
      %shift_right_arithmetic3A_254 = vector.broadcast %shift_right_arithmetic3A_253 : i32 to vector<16xi32>
      %shift_right_arithmetic3A_255 = arith.shrsi %get3A_242, %shift_right_arithmetic3A_254 : vector<16xi32>
      %and3A_256 = arith.constant 7 : i32
      %and3A_257 = vector.broadcast %and3A_256 : i32 to vector<16xi32>
      %and3A_258 = arith.andi %shift_right_arithmetic3A_255, %and3A_257 : vector<16xi32>
      %or3A_259 = arith.ori %or3A_252, %and3A_258 : vector<16xi32>
      %swap3A_260 = arith.index_cast %add3A_239 : i32 to index
      %swap3A_261 = tpu.vector_load %arg8[%swap3A_260] {strides = array<i32>} : memref<512xi32, #tpu.memory_space<vmem>>, vector<16xi32>,
      %swap3A_262 = vector.shape_cast %swap3A_261 : vector<16xi32> to vector<16xi32>
      %swap3A_263 = vector.shape_cast %or3A_259 : vector<16xi32> to vector<16xi32>
      tpu.vector_store %arg8[%swap3A_260], %swap3A_263 {strides = array<i32>} : memref<512xi32, #tpu.memory_space<vmem>>, vector<16xi32>,
      %add3A_264 = arith.constant 112 : i32
      %add3A_265 = arith.addi %multiple_of3A_87, %add3A_264 : i32
      %get3A_266 = arith.index_cast %add3A_265 : i32 to index
      %get3A_267 = tpu.vector_load %arg8[%get3A_266] {strides = array<i32>} : memref<512xi32, #tpu.memory_space<vmem>>, vector<16xi32>,
      %get3A_268 = vector.shape_cast %get3A_267 : vector<16xi32> to vector<16xi32>
      %and3A_269 = arith.constant -1024 : i32
      %and3A_270 = vector.broadcast %and3A_269 : i32 to vector<16xi32>
      %and3A_271 = arith.andi %get3A_268, %and3A_270 : vector<16xi32>
      %and3A_272 = arith.constant 127 : i32
      %and3A_273 = vector.broadcast %and3A_272 : i32 to vector<16xi32>
      %and3A_274 = arith.andi %get3A_268, %and3A_273 : vector<16xi32>
      %shift_left3A_275 = arith.constant 3 : i32
      %shift_left3A_276 = vector.broadcast %shift_left3A_275 : i32 to vector<16xi32>
      %shift_left3A_277 = arith.shli %and3A_274, %shift_left3A_276 : vector<16xi32>
      %or3A_278 = arith.ori %and3A_271, %shift_left3A_277 : vector<16xi32>
      %shift_right_arithmetic3A_279 = arith.constant 7 : i32
      %shift_right_arithmetic3A_280 = vector.broadcast %shift_right_arithmetic3A_279 : i32 to vector<16xi32>
      %shift_right_arithmetic3A_281 = arith.shrsi %get3A_268, %shift_right_arithmetic3A_280 : vector<16xi32>
      %and3A_282 = arith.constant 7 : i32
      %and3A_283 = vector.broadcast %and3A_282 : i32 to vector<16xi32>
      %and3A_284 = arith.andi %shift_right_arithmetic3A_281, %and3A_283 : vector<16xi32>
      %or3A_285 = arith.ori %or3A_278, %and3A_284 : vector<16xi32>
      %swap3A_286 = arith.index_cast %add3A_265 : i32 to index
      %swap3A_287 = tpu.vector_load %arg8[%swap3A_286] {strides = array<i32>} : memref<512xi32, #tpu.memory_space<vmem>>, vector<16xi32>,
      %swap3A_288 = vector.shape_cast %swap3A_287 : vector<16xi32> to vector<16xi32>
      %swap3A_289 = vector.shape_cast %or3A_285 : vector<16xi32> to vector<16xi32>
      tpu.vector_store %arg8[%swap3A_286], %swap3A_289 {strides = array<i32>} : memref<512xi32, #tpu.memory_space<vmem>>, vector<16xi32>,
    }
    %scan3A_14 = arith.constant 4 : i32
    %dma_start3A = arith.constant 0 : i32
    %dma_start3A_15 = arith.constant 0 : i32
    %dma_start3A_16 = tpu.memref_slice %arg10[%dma_start3A, %dma_start3A_15] : memref<512x16xf32, #tpu.memory_space<vmem>> -> memref<128x16xf32, #tpu.memory_space<vmem>>
    %dma_start3A_17 = arith.constant 0 : i32
    %dma_start3A_18 = tpu.memref_slice %arg8[%dma_start3A_17] : memref<512xi32, #tpu.memory_space<vmem>> -> memref<128xi32, #tpu.memory_space<vmem>>
    %dma_start3A_19 = arith.constant 0 : i32
    %dma_start3A_20 = arith.constant 0 : i32
    %dma_start3A_21 = tpu.memref_slice %arg4[%dma_start3A_19, %dma_start3A_20] : memref<1015808x16xf32, #tpu.memory_space<hbm>> -> memref<1015808x16xf32, #tpu.memory_space<hbm>>
    tpu.enqueue_indirect_dma source(%dma_start3A_21 : memref<1015808x16xf32, #tpu.memory_space<hbm>>) target(%dma_start3A_16 : memref<128x16xf32, #tpu.memory_space<vmem>>) offsets(%dma_start3A_18 : memref<128xi32, #tpu.memory_space<vmem>>) semaphore(%arg12 : memref<!tpu.dma_semaphore, #tpu.memory_space<semaphore_mem>>)
    %dma_start3A_22 = arith.constant 128 : i32
    %dma_start3A_23 = arith.constant 0 : i32
    %dma_start3A_24 = tpu.memref_slice %arg10[%dma_start3A_22, %dma_start3A_23] : memref<512x16xf32, #tpu.memory_space<vmem>> -> memref<128x16xf32, #tpu.memory_space<vmem>>
    %dma_start3A_25 = arith.constant 128 : i32
    %dma_start3A_26 = tpu.memref_slice %arg8[%dma_start3A_25] : memref<512xi32, #tpu.memory_space<vmem>> -> memref<128xi32, #tpu.memory_space<vmem>>
    %dma_start3A_27 = arith.constant 0 : i32
    %dma_start3A_28 = arith.constant 0 : i32
    %dma_start3A_29 = tpu.memref_slice %arg4[%dma_start3A_27, %dma_start3A_28] : memref<1015808x16xf32, #tpu.memory_space<hbm>> -> memref<1015808x16xf32, #tpu.memory_space<hbm>>
    tpu.enqueue_indirect_dma source(%dma_start3A_29 : memref<1015808x16xf32, #tpu.memory_space<hbm>>) target(%dma_start3A_24 : memref<128x16xf32, #tpu.memory_space<vmem>>) offsets(%dma_start3A_26 : memref<128xi32, #tpu.memory_space<vmem>>) semaphore(%arg12 : memref<!tpu.dma_semaphore, #tpu.memory_space<semaphore_mem>>)
    %dma_start3A_30 = arith.constant 256 : i32
    %dma_start3A_31 = arith.constant 0 : i32
    %dma_start3A_32 = tpu.memref_slice %arg10[%dma_start3A_30, %dma_start3A_31] : memref<512x16xf32, #tpu.memory_space<vmem>> -> memref<128x16xf32, #tpu.memory_space<vmem>>
    %dma_start3A_33 = arith.constant 256 : i32
    %dma_start3A_34 = tpu.memref_slice %arg8[%dma_start3A_33] : memref<512xi32, #tpu.memory_space<vmem>> -> memref<128xi32, #tpu.memory_space<vmem>>
    %dma_start3A_35 = arith.constant 0 : i32
    %dma_start3A_36 = arith.constant 0 : i32
    %dma_start3A_37 = tpu.memref_slice %arg4[%dma_start3A_35, %dma_start3A_36] : memref<1015808x16xf32, #tpu.memory_space<hbm>> -> memref<1015808x16xf32, #tpu.memory_space<hbm>>
    tpu.enqueue_indirect_dma source(%dma_start3A_37 : memref<1015808x16xf32, #tpu.memory_space<hbm>>) target(%dma_start3A_32 : memref<128x16xf32, #tpu.memory_space<vmem>>) offsets(%dma_start3A_34 : memref<128xi32, #tpu.memory_space<vmem>>) semaphore(%arg12 : memref<!tpu.dma_semaphore, #tpu.memory_space<semaphore_mem>>)
    %dma_start3A_38 = arith.constant 384 : i32
    %dma_start3A_39 = arith.constant 0 : i32
    %dma_start3A_40 = tpu.memref_slice %arg10[%dma_start3A_38, %dma_start3A_39] : memref<512x16xf32, #tpu.memory_space<vmem>> -> memref<128x16xf32, #tpu.memory_space<vmem>>
    %dma_start3A_41 = arith.constant 384 : i32
    %dma_start3A_42 = tpu.memref_slice %arg8[%dma_start3A_41] : memref<512xi32, #tpu.memory_space<vmem>> -> memref<128xi32, #tpu.memory_space<vmem>>
    %dma_start3A_43 = arith.constant 0 : i32
    %dma_start3A_44 = arith.constant 0 : i32
    %dma_start3A_45 = tpu.memref_slice %arg4[%dma_start3A_43, %dma_start3A_44] : memref<1015808x16xf32, #tpu.memory_space<hbm>> -> memref<1015808x16xf32, #tpu.memory_space<hbm>>
    tpu.enqueue_indirect_dma source(%dma_start3A_45 : memref<1015808x16xf32, #tpu.memory_space<hbm>>) target(%dma_start3A_40 : memref<128x16xf32, #tpu.memory_space<vmem>>) offsets(%dma_start3A_42 : memref<128xi32, #tpu.memory_space<vmem>>) semaphore(%arg12 : memref<!tpu.dma_semaphore, #tpu.memory_space<semaphore_mem>>)
    %scan3A_46 = arith.constant 0 : i32
    %scan3A_47 = arith.constant 4 : i32
    %scan3A_48 = arith.addi %scan3A_46, %scan3A_47 : i32
    %scan3A_49 = arith.constant 1 : i32
    scf.for %scan3A_82 = %scan3A_46 to %scan3A_48 step %scan3A_49  : i32 {
      %mul3A_83 = arith.constant 1 : i32
      %mul3A_84 = arith.muli %scan3A_82, %mul3A_83 : i32
      %add3A_85 = arith.constant 0 : i32
      %add3A_86 = arith.addi %add3A_85, %mul3A_84 : i32
      %mul3A_87 = arith.constant 2048 : i32
      %mul3A_88 = arith.muli %add3A_86, %mul3A_87 : i32
      %multiple_of3A_89 = tpu.assume_multiple %mul3A_88, 2048 : i32
      %add3A_90 = arith.constant 0 : i32
      %add3A_91 = arith.addi %multiple_of3A_89, %add3A_90 : i32
      %dma_start3A_92 = arith.constant 0 : i32
      %dma_start3A_93 = arith.constant 0 : i32
      %dma_start3A_94 = tpu.memref_slice %arg9[%dma_start3A_92, %dma_start3A_93] : memref<2048x16xf32, #tpu.memory_space<vmem>> -> memref<128x16xf32, #tpu.memory_space<vmem>>
      %dma_start3A_95 = tpu.memref_slice %arg7[%add3A_91] : memref<8192xi32, #tpu.memory_space<vmem>> -> memref<128xi32, #tpu.memory_space<vmem>>
      %dma_start3A_96 = arith.constant 0 : i32
      %dma_start3A_97 = arith.constant 0 : i32
      %dma_start3A_98 = tpu.memref_slice %arg4[%dma_start3A_96, %dma_start3A_97] : memref<1015808x16xf32, #tpu.memory_space<hbm>> -> memref<1015808x16xf32, #tpu.memory_space<hbm>>
      tpu.enqueue_indirect_dma source(%dma_start3A_98 : memref<1015808x16xf32, #tpu.memory_space<hbm>>) target(%dma_start3A_94 : memref<128x16xf32, #tpu.memory_space<vmem>>) offsets(%dma_start3A_95 : memref<128xi32, #tpu.memory_space<vmem>>) semaphore(%arg11 : memref<!tpu.dma_semaphore, #tpu.memory_space<semaphore_mem>>)
      %add3A_99 = arith.constant 128 : i32
      %add3A_100 = arith.addi %multiple_of3A_89, %add3A_99 : i32
      %dma_start3A_101 = arith.constant 128 : i32
      %dma_start3A_102 = arith.constant 0 : i32
      %dma_start3A_103 = tpu.memref_slice %arg9[%dma_start3A_101, %dma_start3A_102] : memref<2048x16xf32, #tpu.memory_space<vmem>> -> memref<128x16xf32, #tpu.memory_space<vmem>>
      %dma_start3A_104 = tpu.memref_slice %arg7[%add3A_100] : memref<8192xi32, #tpu.memory_space<vmem>> -> memref<128xi32, #tpu.memory_space<vmem>>
      %dma_start3A_105 = arith.constant 0 : i32
      %dma_start3A_106 = arith.constant 0 : i32
      %dma_start3A_107 = tpu.memref_slice %arg4[%dma_start3A_105, %dma_start3A_106] : memref<1015808x16xf32, #tpu.memory_space<hbm>> -> memref<1015808x16xf32, #tpu.memory_space<hbm>>
      tpu.enqueue_indirect_dma source(%dma_start3A_107 : memref<1015808x16xf32, #tpu.memory_space<hbm>>) target(%dma_start3A_103 : memref<128x16xf32, #tpu.memory_space<vmem>>) offsets(%dma_start3A_104 : memref<128xi32, #tpu.memory_space<vmem>>) semaphore(%arg11 : memref<!tpu.dma_semaphore, #tpu.memory_space<semaphore_mem>>)
      %add3A_108 = arith.constant 256 : i32
      %add3A_109 = arith.addi %multiple_of3A_89, %add3A_108 : i32
      %dma_start3A_110 = arith.constant 256 : i32
      %dma_start3A_111 = arith.constant 0 : i32
      %dma_start3A_112 = tpu.memref_slice %arg9[%dma_start3A_110, %dma_start3A_111] : memref<2048x16xf32, #tpu.memory_space<vmem>> -> memref<128x16xf32, #tpu.memory_space<vmem>>
      %dma_start3A_113 = tpu.memref_slice %arg7[%add3A_109] : memref<8192xi32, #tpu.memory_space<vmem>> -> memref<128xi32, #tpu.memory_space<vmem>>
      %dma_start3A_114 = arith.constant 0 : i32
      %dma_start3A_115 = arith.constant 0 : i32
      %dma_start3A_116 = tpu.memref_slice %arg4[%dma_start3A_114, %dma_start3A_115] : memref<1015808x16xf32, #tpu.memory_space<hbm>> -> memref<1015808x16xf32, #tpu.memory_space<hbm>>
      tpu.enqueue_indirect_dma source(%dma_start3A_116 : memref<1015808x16xf32, #tpu.memory_space<hbm>>) target(%dma_start3A_112 : memref<128x16xf32, #tpu.memory_space<vmem>>) offsets(%dma_start3A_113 : memref<128xi32, #tpu.memory_space<vmem>>) semaphore(%arg11 : memref<!tpu.dma_semaphore, #tpu.memory_space<semaphore_mem>>)
      %add3A_117 = arith.constant 384 : i32
      %add3A_118 = arith.addi %multiple_of3A_89, %add3A_117 : i32
      %dma_start3A_119 = arith.constant 384 : i32
      %dma_start3A_120 = arith.constant 0 : i32
      %dma_start3A_121 = tpu.memref_slice %arg9[%dma_start3A_119, %dma_start3A_120] : memref<2048x16xf32, #tpu.memory_space<vmem>> -> memref<128x16xf32, #tpu.memory_space<vmem>>
      %dma_start3A_122 = tpu.memref_slice %arg7[%add3A_118] : memref<8192xi32, #tpu.memory_space<vmem>> -> memref<128xi32, #tpu.memory_space<vmem>>
      %dma_start3A_123 = arith.constant 0 : i32
      %dma_start3A_124 = arith.constant 0 : i32
      %dma_start3A_125 = tpu.memref_slice %arg4[%dma_start3A_123, %dma_start3A_124] : memref<1015808x16xf32, #tpu.memory_space<hbm>> -> memref<1015808x16xf32, #tpu.memory_space<hbm>>
      tpu.enqueue_indirect_dma source(%dma_start3A_125 : memref<1015808x16xf32, #tpu.memory_space<hbm>>) target(%dma_start3A_121 : memref<128x16xf32, #tpu.memory_space<vmem>>) offsets(%dma_start3A_122 : memref<128xi32, #tpu.memory_space<vmem>>) semaphore(%arg11 : memref<!tpu.dma_semaphore, #tpu.memory_space<semaphore_mem>>)
      %add3A_126 = arith.constant 512 : i32
      %add3A_127 = arith.addi %multiple_of3A_89, %add3A_126 : i32
      %dma_start3A_128 = arith.constant 512 : i32
      %dma_start3A_129 = arith.constant 0 : i32
      %dma_start3A_130 = tpu.memref_slice %arg9[%dma_start3A_128, %dma_start3A_129] : memref<2048x16xf32, #tpu.memory_space<vmem>> -> memref<128x16xf32, #tpu.memory_space<vmem>>
      %dma_start3A_131 = tpu.memref_slice %arg7[%add3A_127] : memref<8192xi32, #tpu.memory_space<vmem>> -> memref<128xi32, #tpu.memory_space<vmem>>
      %dma_start3A_132 = arith.constant 0 : i32
      %dma_start3A_133 = arith.constant 0 : i32
      %dma_start3A_134 = tpu.memref_slice %arg4[%dma_start3A_132, %dma_start3A_133] : memref<1015808x16xf32, #tpu.memory_space<hbm>> -> memref<1015808x16xf32, #tpu.memory_space<hbm>>
      tpu.enqueue_indirect_dma source(%dma_start3A_134 : memref<1015808x16xf32, #tpu.memory_space<hbm>>) target(%dma_start3A_130 : memref<128x16xf32, #tpu.memory_space<vmem>>) offsets(%dma_start3A_131 : memref<128xi32, #tpu.memory_space<vmem>>) semaphore(%arg11 : memref<!tpu.dma_semaphore, #tpu.memory_space<semaphore_mem>>)
      %add3A_135 = arith.constant 640 : i32
      %add3A_136 = arith.addi %multiple_of3A_89, %add3A_135 : i32
      %dma_start3A_137 = arith.constant 640 : i32
      %dma_start3A_138 = arith.constant 0 : i32
      %dma_start3A_139 = tpu.memref_slice %arg9[%dma_start3A_137, %dma_start3A_138] : memref<2048x16xf32, #tpu.memory_space<vmem>> -> memref<128x16xf32, #tpu.memory_space<vmem>>
      %dma_start3A_140 = tpu.memref_slice %arg7[%add3A_136] : memref<8192xi32, #tpu.memory_space<vmem>> -> memref<128xi32, #tpu.memory_space<vmem>>
      %dma_start3A_141 = arith.constant 0 : i32
      %dma_start3A_142 = arith.constant 0 : i32
      %dma_start3A_143 = tpu.memref_slice %arg4[%dma_start3A_141, %dma_start3A_142] : memref<1015808x16xf32, #tpu.memory_space<hbm>> -> memref<1015808x16xf32, #tpu.memory_space<hbm>>
      tpu.enqueue_indirect_dma source(%dma_start3A_143 : memref<1015808x16xf32, #tpu.memory_space<hbm>>) target(%dma_start3A_139 : memref<128x16xf32, #tpu.memory_space<vmem>>) offsets(%dma_start3A_140 : memref<128xi32, #tpu.memory_space<vmem>>) semaphore(%arg11 : memref<!tpu.dma_semaphore, #tpu.memory_space<semaphore_mem>>)
      %add3A_144 = arith.constant 768 : i32
      %add3A_145 = arith.addi %multiple_of3A_89, %add3A_144 : i32
      %dma_start3A_146 = arith.constant 768 : i32
      %dma_start3A_147 = arith.constant 0 : i32
      %dma_start3A_148 = tpu.memref_slice %arg9[%dma_start3A_146, %dma_start3A_147] : memref<2048x16xf32, #tpu.memory_space<vmem>> -> memref<128x16xf32, #tpu.memory_space<vmem>>
      %dma_start3A_149 = tpu.memref_slice %arg7[%add3A_145] : memref<8192xi32, #tpu.memory_space<vmem>> -> memref<128xi32, #tpu.memory_space<vmem>>
      %dma_start3A_150 = arith.constant 0 : i32
      %dma_start3A_151 = arith.constant 0 : i32
      %dma_start3A_152 = tpu.memref_slice %arg4[%dma_start3A_150, %dma_start3A_151] : memref<1015808x16xf32, #tpu.memory_space<hbm>> -> memref<1015808x16xf32, #tpu.memory_space<hbm>>
      tpu.enqueue_indirect_dma source(%dma_start3A_152 : memref<1015808x16xf32, #tpu.memory_space<hbm>>) target(%dma_start3A_148 : memref<128x16xf32, #tpu.memory_space<vmem>>) offsets(%dma_start3A_149 : memref<128xi32, #tpu.memory_space<vmem>>) semaphore(%arg11 : memref<!tpu.dma_semaphore, #tpu.memory_space<semaphore_mem>>)
      %add3A_153 = arith.constant 896 : i32
      %add3A_154 = arith.addi %multiple_of3A_89, %add3A_153 : i32
      %dma_start3A_155 = arith.constant 896 : i32
      %dma_start3A_156 = arith.constant 0 : i32
      %dma_start3A_157 = tpu.memref_slice %arg9[%dma_start3A_155, %dma_start3A_156] : memref<2048x16xf32, #tpu.memory_space<vmem>> -> memref<128x16xf32, #tpu.memory_space<vmem>>
      %dma_start3A_158 = tpu.memref_slice %arg7[%add3A_154] : memref<8192xi32, #tpu.memory_space<vmem>> -> memref<128xi32, #tpu.memory_space<vmem>>
      %dma_start3A_159 = arith.constant 0 : i32
      %dma_start3A_160 = arith.constant 0 : i32
      %dma_start3A_161 = tpu.memref_slice %arg4[%dma_start3A_159, %dma_start3A_160] : memref<1015808x16xf32, #tpu.memory_space<hbm>> -> memref<1015808x16xf32, #tpu.memory_space<hbm>>
      tpu.enqueue_indirect_dma source(%dma_start3A_161 : memref<1015808x16xf32, #tpu.memory_space<hbm>>) target(%dma_start3A_157 : memref<128x16xf32, #tpu.memory_space<vmem>>) offsets(%dma_start3A_158 : memref<128xi32, #tpu.memory_space<vmem>>) semaphore(%arg11 : memref<!tpu.dma_semaphore, #tpu.memory_space<semaphore_mem>>)
      %add3A_162 = arith.constant 1024 : i32
      %add3A_163 = arith.addi %multiple_of3A_89, %add3A_162 : i32
      %dma_start3A_164 = arith.constant 1024 : i32
      %dma_start3A_165 = arith.constant 0 : i32
      %dma_start3A_166 = tpu.memref_slice %arg9[%dma_start3A_164, %dma_start3A_165] : memref<2048x16xf32, #tpu.memory_space<vmem>> -> memref<128x16xf32, #tpu.memory_space<vmem>>
      %dma_start3A_167 = tpu.memref_slice %arg7[%add3A_163] : memref<8192xi32, #tpu.memory_space<vmem>> -> memref<128xi32, #tpu.memory_space<vmem>>
      %dma_start3A_168 = arith.constant 0 : i32
      %dma_start3A_169 = arith.constant 0 : i32
      %dma_start3A_170 = tpu.memref_slice %arg4[%dma_start3A_168, %dma_start3A_169] : memref<1015808x16xf32, #tpu.memory_space<hbm>> -> memref<1015808x16xf32, #tpu.memory_space<hbm>>
      tpu.enqueue_indirect_dma source(%dma_start3A_170 : memref<1015808x16xf32, #tpu.memory_space<hbm>>) target(%dma_start3A_166 : memref<128x16xf32, #tpu.memory_space<vmem>>) offsets(%dma_start3A_167 : memref<128xi32, #tpu.memory_space<vmem>>) semaphore(%arg11 : memref<!tpu.dma_semaphore, #tpu.memory_space<semaphore_mem>>)
      %add3A_171 = arith.constant 1152 : i32
      %add3A_172 = arith.addi %multiple_of3A_89, %add3A_171 : i32
      %dma_start3A_173 = arith.constant 1152 : i32
      %dma_start3A_174 = arith.constant 0 : i32
      %dma_start3A_175 = tpu.memref_slice %arg9[%dma_start3A_173, %dma_start3A_174] : memref<2048x16xf32, #tpu.memory_space<vmem>> -> memref<128x16xf32, #tpu.memory_space<vmem>>
      %dma_start3A_176 = tpu.memref_slice %arg7[%add3A_172] : memref<8192xi32, #tpu.memory_space<vmem>> -> memref<128xi32, #tpu.memory_space<vmem>>
      %dma_start3A_177 = arith.constant 0 : i32
      %dma_start3A_178 = arith.constant 0 : i32
      %dma_start3A_179 = tpu.memref_slice %arg4[%dma_start3A_177, %dma_start3A_178] : memref<1015808x16xf32, #tpu.memory_space<hbm>> -> memref<1015808x16xf32, #tpu.memory_space<hbm>>
      tpu.enqueue_indirect_dma source(%dma_start3A_179 : memref<1015808x16xf32, #tpu.memory_space<hbm>>) target(%dma_start3A_175 : memref<128x16xf32, #tpu.memory_space<vmem>>) offsets(%dma_start3A_176 : memref<128xi32, #tpu.memory_space<vmem>>) semaphore(%arg11 : memref<!tpu.dma_semaphore, #tpu.memory_space<semaphore_mem>>)
      %add3A_180 = arith.constant 1280 : i32
      %add3A_181 = arith.addi %multiple_of3A_89, %add3A_180 : i32
      %dma_start3A_182 = arith.constant 1280 : i32
      %dma_start3A_183 = arith.constant 0 : i32
      %dma_start3A_184 = tpu.memref_slice %arg9[%dma_start3A_182, %dma_start3A_183] : memref<2048x16xf32, #tpu.memory_space<vmem>> -> memref<128x16xf32, #tpu.memory_space<vmem>>
      %dma_start3A_185 = tpu.memref_slice %arg7[%add3A_181] : memref<8192xi32, #tpu.memory_space<vmem>> -> memref<128xi32, #tpu.memory_space<vmem>>
      %dma_start3A_186 = arith.constant 0 : i32
      %dma_start3A_187 = arith.constant 0 : i32
      %dma_start3A_188 = tpu.memref_slice %arg4[%dma_start3A_186, %dma_start3A_187] : memref<1015808x16xf32, #tpu.memory_space<hbm>> -> memref<1015808x16xf32, #tpu.memory_space<hbm>>
      tpu.enqueue_indirect_dma source(%dma_start3A_188 : memref<1015808x16xf32, #tpu.memory_space<hbm>>) target(%dma_start3A_184 : memref<128x16xf32, #tpu.memory_space<vmem>>) offsets(%dma_start3A_185 : memref<128xi32, #tpu.memory_space<vmem>>) semaphore(%arg11 : memref<!tpu.dma_semaphore, #tpu.memory_space<semaphore_mem>>)
      %add3A_189 = arith.constant 1408 : i32
      %add3A_190 = arith.addi %multiple_of3A_89, %add3A_189 : i32
      %dma_start3A_191 = arith.constant 1408 : i32
      %dma_start3A_192 = arith.constant 0 : i32
      %dma_start3A_193 = tpu.memref_slice %arg9[%dma_start3A_191, %dma_start3A_192] : memref<2048x16xf32, #tpu.memory_space<vmem>> -> memref<128x16xf32, #tpu.memory_space<vmem>>
      %dma_start3A_194 = tpu.memref_slice %arg7[%add3A_190] : memref<8192xi32, #tpu.memory_space<vmem>> -> memref<128xi32, #tpu.memory_space<vmem>>
      %dma_start3A_195 = arith.constant 0 : i32
      %dma_start3A_196 = arith.constant 0 : i32
      %dma_start3A_197 = tpu.memref_slice %arg4[%dma_start3A_195, %dma_start3A_196] : memref<1015808x16xf32, #tpu.memory_space<hbm>> -> memref<1015808x16xf32, #tpu.memory_space<hbm>>
      tpu.enqueue_indirect_dma source(%dma_start3A_197 : memref<1015808x16xf32, #tpu.memory_space<hbm>>) target(%dma_start3A_193 : memref<128x16xf32, #tpu.memory_space<vmem>>) offsets(%dma_start3A_194 : memref<128xi32, #tpu.memory_space<vmem>>) semaphore(%arg11 : memref<!tpu.dma_semaphore, #tpu.memory_space<semaphore_mem>>)
      %add3A_198 = arith.constant 1536 : i32
      %add3A_199 = arith.addi %multiple_of3A_89, %add3A_198 : i32
      %dma_start3A_200 = arith.constant 1536 : i32
      %dma_start3A_201 = arith.constant 0 : i32
      %dma_start3A_202 = tpu.memref_slice %arg9[%dma_start3A_200, %dma_start3A_201] : memref<2048x16xf32, #tpu.memory_space<vmem>> -> memref<128x16xf32, #tpu.memory_space<vmem>>
      %dma_start3A_203 = tpu.memref_slice %arg7[%add3A_199] : memref<8192xi32, #tpu.memory_space<vmem>> -> memref<128xi32, #tpu.memory_space<vmem>>
      %dma_start3A_204 = arith.constant 0 : i32
      %dma_start3A_205 = arith.constant 0 : i32
      %dma_start3A_206 = tpu.memref_slice %arg4[%dma_start3A_204, %dma_start3A_205] : memref<1015808x16xf32, #tpu.memory_space<hbm>> -> memref<1015808x16xf32, #tpu.memory_space<hbm>>
      tpu.enqueue_indirect_dma source(%dma_start3A_206 : memref<1015808x16xf32, #tpu.memory_space<hbm>>) target(%dma_start3A_202 : memref<128x16xf32, #tpu.memory_space<vmem>>) offsets(%dma_start3A_203 : memref<128xi32, #tpu.memory_space<vmem>>) semaphore(%arg11 : memref<!tpu.dma_semaphore, #tpu.memory_space<semaphore_mem>>)
      %add3A_207 = arith.constant 1664 : i32
      %add3A_208 = arith.addi %multiple_of3A_89, %add3A_207 : i32
      %dma_start3A_209 = arith.constant 1664 : i32
      %dma_start3A_210 = arith.constant 0 : i32
      %dma_start3A_211 = tpu.memref_slice %arg9[%dma_start3A_209, %dma_start3A_210] : memref<2048x16xf32, #tpu.memory_space<vmem>> -> memref<128x16xf32, #tpu.memory_space<vmem>>
      %dma_start3A_212 = tpu.memref_slice %arg7[%add3A_208] : memref<8192xi32, #tpu.memory_space<vmem>> -> memref<128xi32, #tpu.memory_space<vmem>>
      %dma_start3A_213 = arith.constant 0 : i32
      %dma_start3A_214 = arith.constant 0 : i32
      %dma_start3A_215 = tpu.memref_slice %arg4[%dma_start3A_213, %dma_start3A_214] : memref<1015808x16xf32, #tpu.memory_space<hbm>> -> memref<1015808x16xf32, #tpu.memory_space<hbm>>
      tpu.enqueue_indirect_dma source(%dma_start3A_215 : memref<1015808x16xf32, #tpu.memory_space<hbm>>) target(%dma_start3A_211 : memref<128x16xf32, #tpu.memory_space<vmem>>) offsets(%dma_start3A_212 : memref<128xi32, #tpu.memory_space<vmem>>) semaphore(%arg11 : memref<!tpu.dma_semaphore, #tpu.memory_space<semaphore_mem>>)
      %add3A_216 = arith.constant 1792 : i32
      %add3A_217 = arith.addi %multiple_of3A_89, %add3A_216 : i32
      %dma_start3A_218 = arith.constant 1792 : i32
      %dma_start3A_219 = arith.constant 0 : i32
      %dma_start3A_220 = tpu.memref_slice %arg9[%dma_start3A_218, %dma_start3A_219] : memref<2048x16xf32, #tpu.memory_space<vmem>> -> memref<128x16xf32, #tpu.memory_space<vmem>>
      %dma_start3A_221 = tpu.memref_slice %arg7[%add3A_217] : memref<8192xi32, #tpu.memory_space<vmem>> -> memref<128xi32, #tpu.memory_space<vmem>>
      %dma_start3A_222 = arith.constant 0 : i32
      %dma_start3A_223 = arith.constant 0 : i32
      %dma_start3A_224 = tpu.memref_slice %arg4[%dma_start3A_222, %dma_start3A_223] : memref<1015808x16xf32, #tpu.memory_space<hbm>> -> memref<1015808x16xf32, #tpu.memory_space<hbm>>
      tpu.enqueue_indirect_dma source(%dma_start3A_224 : memref<1015808x16xf32, #tpu.memory_space<hbm>>) target(%dma_start3A_220 : memref<128x16xf32, #tpu.memory_space<vmem>>) offsets(%dma_start3A_221 : memref<128xi32, #tpu.memory_space<vmem>>) semaphore(%arg11 : memref<!tpu.dma_semaphore, #tpu.memory_space<semaphore_mem>>)
      %add3A_225 = arith.constant 1920 : i32
      %add3A_226 = arith.addi %multiple_of3A_89, %add3A_225 : i32
      %dma_start3A_227 = arith.constant 1920 : i32
      %dma_start3A_228 = arith.constant 0 : i32
      %dma_start3A_229 = tpu.memref_slice %arg9[%dma_start3A_227, %dma_start3A_228] : memref<2048x16xf32, #tpu.memory_space<vmem>> -> memref<128x16xf32, #tpu.memory_space<vmem>>
      %dma_start3A_230 = tpu.memref_slice %arg7[%add3A_226] : memref<8192xi32, #tpu.memory_space<vmem>> -> memref<128xi32, #tpu.memory_space<vmem>>
      %dma_start3A_231 = arith.constant 0 : i32
      %dma_start3A_232 = arith.constant 0 : i32
      %dma_start3A_233 = tpu.memref_slice %arg4[%dma_start3A_231, %dma_start3A_232] : memref<1015808x16xf32, #tpu.memory_space<hbm>> -> memref<1015808x16xf32, #tpu.memory_space<hbm>>
      tpu.enqueue_indirect_dma source(%dma_start3A_233 : memref<1015808x16xf32, #tpu.memory_space<hbm>>) target(%dma_start3A_229 : memref<128x16xf32, #tpu.memory_space<vmem>>) offsets(%dma_start3A_230 : memref<128xi32, #tpu.memory_space<vmem>>) semaphore(%arg11 : memref<!tpu.dma_semaphore, #tpu.memory_space<semaphore_mem>>)
      %dma_wait3A_234 = arith.constant 0 : i32
      %dma_wait3A_235 = arith.constant 0 : i32
      %dma_wait3A_236 = tpu.memref_slice %arg9[%dma_wait3A_234, %dma_wait3A_235] : memref<2048x16xf32, #tpu.memory_space<vmem>> -> memref<128x16xf32, #tpu.memory_space<vmem>>
      %dma_wait3A_237 = tpu.memref_slice %arg7[%add3A_91] : memref<8192xi32, #tpu.memory_space<vmem>> -> memref<128xi32, #tpu.memory_space<vmem>>
      %dma_wait3A_238 = arith.constant 0 : i32
      %dma_wait3A_239 = arith.constant 0 : i32
      %dma_wait3A_240 = tpu.memref_slice %arg4[%dma_wait3A_238, %dma_wait3A_239] : memref<1015808x16xf32, #tpu.memory_space<hbm>> -> memref<1015808x16xf32, #tpu.memory_space<hbm>>
      tpu.wait_indirect_dma semaphore(%arg11 : memref<!tpu.dma_semaphore, #tpu.memory_space<semaphore_mem>>) src(%dma_wait3A_240 : memref<1015808x16xf32, #tpu.memory_space<hbm>>) dst(%dma_wait3A_236 : memref<128x16xf32, #tpu.memory_space<vmem>>)
      %dma_wait3A_241 = arith.constant 128 : i32
      %dma_wait3A_242 = arith.constant 0 : i32
      %dma_wait3A_243 = tpu.memref_slice %arg9[%dma_wait3A_241, %dma_wait3A_242] : memref<2048x16xf32, #tpu.memory_space<vmem>> -> memref<128x16xf32, #tpu.memory_space<vmem>>
      %dma_wait3A_244 = tpu.memref_slice %arg7[%add3A_100] : memref<8192xi32, #tpu.memory_space<vmem>> -> memref<128xi32, #tpu.memory_space<vmem>>
      %dma_wait3A_245 = arith.constant 0 : i32
      %dma_wait3A_246 = arith.constant 0 : i32
      %dma_wait3A_247 = tpu.memref_slice %arg4[%dma_wait3A_245, %dma_wait3A_246] : memref<1015808x16xf32, #tpu.memory_space<hbm>> -> memref<1015808x16xf32, #tpu.memory_space<hbm>>
      tpu.wait_indirect_dma semaphore(%arg11 : memref<!tpu.dma_semaphore, #tpu.memory_space<semaphore_mem>>) src(%dma_wait3A_247 : memref<1015808x16xf32, #tpu.memory_space<hbm>>) dst(%dma_wait3A_243 : memref<128x16xf32, #tpu.memory_space<vmem>>)
      %dma_wait3A_248 = arith.constant 256 : i32
      %dma_wait3A_249 = arith.constant 0 : i32
      %dma_wait3A_250 = tpu.memref_slice %arg9[%dma_wait3A_248, %dma_wait3A_249] : memref<2048x16xf32, #tpu.memory_space<vmem>> -> memref<128x16xf32, #tpu.memory_space<vmem>>
      %dma_wait3A_251 = tpu.memref_slice %arg7[%add3A_109] : memref<8192xi32, #tpu.memory_space<vmem>> -> memref<128xi32, #tpu.memory_space<vmem>>
      %dma_wait3A_252 = arith.constant 0 : i32
      %dma_wait3A_253 = arith.constant 0 : i32
      %dma_wait3A_254 = tpu.memref_slice %arg4[%dma_wait3A_252, %dma_wait3A_253] : memref<1015808x16xf32, #tpu.memory_space<hbm>> -> memref<1015808x16xf32, #tpu.memory_space<hbm>>
      tpu.wait_indirect_dma semaphore(%arg11 : memref<!tpu.dma_semaphore, #tpu.memory_space<semaphore_mem>>) src(%dma_wait3A_254 : memref<1015808x16xf32, #tpu.memory_space<hbm>>) dst(%dma_wait3A_250 : memref<128x16xf32, #tpu.memory_space<vmem>>)
      %dma_wait3A_255 = arith.constant 384 : i32
      %dma_wait3A_256 = arith.constant 0 : i32
      %dma_wait3A_257 = tpu.memref_slice %arg9[%dma_wait3A_255, %dma_wait3A_256] : memref<2048x16xf32, #tpu.memory_space<vmem>> -> memref<128x16xf32, #tpu.memory_space<vmem>>
      %dma_wait3A_258 = tpu.memref_slice %arg7[%add3A_118] : memref<8192xi32, #tpu.memory_space<vmem>> -> memref<128xi32, #tpu.memory_space<vmem>>
      %dma_wait3A_259 = arith.constant 0 : i32
      %dma_wait3A_260 = arith.constant 0 : i32
      %dma_wait3A_261 = tpu.memref_slice %arg4[%dma_wait3A_259, %dma_wait3A_260] : memref<1015808x16xf32, #tpu.memory_space<hbm>> -> memref<1015808x16xf32, #tpu.memory_space<hbm>>
      tpu.wait_indirect_dma semaphore(%arg11 : memref<!tpu.dma_semaphore, #tpu.memory_space<semaphore_mem>>) src(%dma_wait3A_261 : memref<1015808x16xf32, #tpu.memory_space<hbm>>) dst(%dma_wait3A_257 : memref<128x16xf32, #tpu.memory_space<vmem>>)
      %dma_wait3A_262 = arith.constant 512 : i32
      %dma_wait3A_263 = arith.constant 0 : i32
      %dma_wait3A_264 = tpu.memref_slice %arg9[%dma_wait3A_262, %dma_wait3A_263] : memref<2048x16xf32, #tpu.memory_space<vmem>> -> memref<128x16xf32, #tpu.memory_space<vmem>>
      %dma_wait3A_265 = tpu.memref_slice %arg7[%add3A_127] : memref<8192xi32, #tpu.memory_space<vmem>> -> memref<128xi32, #tpu.memory_space<vmem>>
      %dma_wait3A_266 = arith.constant 0 : i32
      %dma_wait3A_267 = arith.constant 0 : i32
      %dma_wait3A_268 = tpu.memref_slice %arg4[%dma_wait3A_266, %dma_wait3A_267] : memref<1015808x16xf32, #tpu.memory_space<hbm>> -> memref<1015808x16xf32, #tpu.memory_space<hbm>>
      tpu.wait_indirect_dma semaphore(%arg11 : memref<!tpu.dma_semaphore, #tpu.memory_space<semaphore_mem>>) src(%dma_wait3A_268 : memref<1015808x16xf32, #tpu.memory_space<hbm>>) dst(%dma_wait3A_264 : memref<128x16xf32, #tpu.memory_space<vmem>>)
      %dma_wait3A_269 = arith.constant 640 : i32
      %dma_wait3A_270 = arith.constant 0 : i32
      %dma_wait3A_271 = tpu.memref_slice %arg9[%dma_wait3A_269, %dma_wait3A_270] : memref<2048x16xf32, #tpu.memory_space<vmem>> -> memref<128x16xf32, #tpu.memory_space<vmem>>
      %dma_wait3A_272 = tpu.memref_slice %arg7[%add3A_136] : memref<8192xi32, #tpu.memory_space<vmem>> -> memref<128xi32, #tpu.memory_space<vmem>>
      %dma_wait3A_273 = arith.constant 0 : i32
      %dma_wait3A_274 = arith.constant 0 : i32
      %dma_wait3A_275 = tpu.memref_slice %arg4[%dma_wait3A_273, %dma_wait3A_274] : memref<1015808x16xf32, #tpu.memory_space<hbm>> -> memref<1015808x16xf32, #tpu.memory_space<hbm>>
      tpu.wait_indirect_dma semaphore(%arg11 : memref<!tpu.dma_semaphore, #tpu.memory_space<semaphore_mem>>) src(%dma_wait3A_275 : memref<1015808x16xf32, #tpu.memory_space<hbm>>) dst(%dma_wait3A_271 : memref<128x16xf32, #tpu.memory_space<vmem>>)
      %dma_wait3A_276 = arith.constant 768 : i32
      %dma_wait3A_277 = arith.constant 0 : i32
      %dma_wait3A_278 = tpu.memref_slice %arg9[%dma_wait3A_276, %dma_wait3A_277] : memref<2048x16xf32, #tpu.memory_space<vmem>> -> memref<128x16xf32, #tpu.memory_space<vmem>>
      %dma_wait3A_279 = tpu.memref_slice %arg7[%add3A_145] : memref<8192xi32, #tpu.memory_space<vmem>> -> memref<128xi32, #tpu.memory_space<vmem>>
      %dma_wait3A_280 = arith.constant 0 : i32
      %dma_wait3A_281 = arith.constant 0 : i32
      %dma_wait3A_282 = tpu.memref_slice %arg4[%dma_wait3A_280, %dma_wait3A_281] : memref<1015808x16xf32, #tpu.memory_space<hbm>> -> memref<1015808x16xf32, #tpu.memory_space<hbm>>
      tpu.wait_indirect_dma semaphore(%arg11 : memref<!tpu.dma_semaphore, #tpu.memory_space<semaphore_mem>>) src(%dma_wait3A_282 : memref<1015808x16xf32, #tpu.memory_space<hbm>>) dst(%dma_wait3A_278 : memref<128x16xf32, #tpu.memory_space<vmem>>)
      %dma_wait3A_283 = arith.constant 896 : i32
      %dma_wait3A_284 = arith.constant 0 : i32
      %dma_wait3A_285 = tpu.memref_slice %arg9[%dma_wait3A_283, %dma_wait3A_284] : memref<2048x16xf32, #tpu.memory_space<vmem>> -> memref<128x16xf32, #tpu.memory_space<vmem>>
      %dma_wait3A_286 = tpu.memref_slice %arg7[%add3A_154] : memref<8192xi32, #tpu.memory_space<vmem>> -> memref<128xi32, #tpu.memory_space<vmem>>
      %dma_wait3A_287 = arith.constant 0 : i32
      %dma_wait3A_288 = arith.constant 0 : i32
      %dma_wait3A_289 = tpu.memref_slice %arg4[%dma_wait3A_287, %dma_wait3A_288] : memref<1015808x16xf32, #tpu.memory_space<hbm>> -> memref<1015808x16xf32, #tpu.memory_space<hbm>>
      tpu.wait_indirect_dma semaphore(%arg11 : memref<!tpu.dma_semaphore, #tpu.memory_space<semaphore_mem>>) src(%dma_wait3A_289 : memref<1015808x16xf32, #tpu.memory_space<hbm>>) dst(%dma_wait3A_285 : memref<128x16xf32, #tpu.memory_space<vmem>>)
      %dma_wait3A_290 = arith.constant 1024 : i32
      %dma_wait3A_291 = arith.constant 0 : i32
      %dma_wait3A_292 = tpu.memref_slice %arg9[%dma_wait3A_290, %dma_wait3A_291] : memref<2048x16xf32, #tpu.memory_space<vmem>> -> memref<128x16xf32, #tpu.memory_space<vmem>>
      %dma_wait3A_293 = tpu.memref_slice %arg7[%add3A_163] : memref<8192xi32, #tpu.memory_space<vmem>> -> memref<128xi32, #tpu.memory_space<vmem>>
      %dma_wait3A_294 = arith.constant 0 : i32
      %dma_wait3A_295 = arith.constant 0 : i32
      %dma_wait3A_296 = tpu.memref_slice %arg4[%dma_wait3A_294, %dma_wait3A_295] : memref<1015808x16xf32, #tpu.memory_space<hbm>> -> memref<1015808x16xf32, #tpu.memory_space<hbm>>
      tpu.wait_indirect_dma semaphore(%arg11 : memref<!tpu.dma_semaphore, #tpu.memory_space<semaphore_mem>>) src(%dma_wait3A_296 : memref<1015808x16xf32, #tpu.memory_space<hbm>>) dst(%dma_wait3A_292 : memref<128x16xf32, #tpu.memory_space<vmem>>)
      %dma_wait3A_297 = arith.constant 1152 : i32
      %dma_wait3A_298 = arith.constant 0 : i32
      %dma_wait3A_299 = tpu.memref_slice %arg9[%dma_wait3A_297, %dma_wait3A_298] : memref<2048x16xf32, #tpu.memory_space<vmem>> -> memref<128x16xf32, #tpu.memory_space<vmem>>
      %dma_wait3A_300 = tpu.memref_slice %arg7[%add3A_172] : memref<8192xi32, #tpu.memory_space<vmem>> -> memref<128xi32, #tpu.memory_space<vmem>>
      %dma_wait3A_301 = arith.constant 0 : i32
      %dma_wait3A_302 = arith.constant 0 : i32
      %dma_wait3A_303 = tpu.memref_slice %arg4[%dma_wait3A_301, %dma_wait3A_302] : memref<1015808x16xf32, #tpu.memory_space<hbm>> -> memref<1015808x16xf32, #tpu.memory_space<hbm>>
      tpu.wait_indirect_dma semaphore(%arg11 : memref<!tpu.dma_semaphore, #tpu.memory_space<semaphore_mem>>) src(%dma_wait3A_303 : memref<1015808x16xf32, #tpu.memory_space<hbm>>) dst(%dma_wait3A_299 : memref<128x16xf32, #tpu.memory_space<vmem>>)
      %dma_wait3A_304 = arith.constant 1280 : i32
      %dma_wait3A_305 = arith.constant 0 : i32
      %dma_wait3A_306 = tpu.memref_slice %arg9[%dma_wait3A_304, %dma_wait3A_305] : memref<2048x16xf32, #tpu.memory_space<vmem>> -> memref<128x16xf32, #tpu.memory_space<vmem>>
      %dma_wait3A_307 = tpu.memref_slice %arg7[%add3A_181] : memref<8192xi32, #tpu.memory_space<vmem>> -> memref<128xi32, #tpu.memory_space<vmem>>
      %dma_wait3A_308 = arith.constant 0 : i32
      %dma_wait3A_309 = arith.constant 0 : i32
      %dma_wait3A_310 = tpu.memref_slice %arg4[%dma_wait3A_308, %dma_wait3A_309] : memref<1015808x16xf32, #tpu.memory_space<hbm>> -> memref<1015808x16xf32, #tpu.memory_space<hbm>>
      tpu.wait_indirect_dma semaphore(%arg11 : memref<!tpu.dma_semaphore, #tpu.memory_space<semaphore_mem>>) src(%dma_wait3A_310 : memref<1015808x16xf32, #tpu.memory_space<hbm>>) dst(%dma_wait3A_306 : memref<128x16xf32, #tpu.memory_space<vmem>>)
      %dma_wait3A_311 = arith.constant 1408 : i32
      %dma_wait3A_312 = arith.constant 0 : i32
      %dma_wait3A_313 = tpu.memref_slice %arg9[%dma_wait3A_311, %dma_wait3A_312] : memref<2048x16xf32, #tpu.memory_space<vmem>> -> memref<128x16xf32, #tpu.memory_space<vmem>>
      %dma_wait3A_314 = tpu.memref_slice %arg7[%add3A_190] : memref<8192xi32, #tpu.memory_space<vmem>> -> memref<128xi32, #tpu.memory_space<vmem>>
      %dma_wait3A_315 = arith.constant 0 : i32
      %dma_wait3A_316 = arith.constant 0 : i32
      %dma_wait3A_317 = tpu.memref_slice %arg4[%dma_wait3A_315, %dma_wait3A_316] : memref<1015808x16xf32, #tpu.memory_space<hbm>> -> memref<1015808x16xf32, #tpu.memory_space<hbm>>
      tpu.wait_indirect_dma semaphore(%arg11 : memref<!tpu.dma_semaphore, #tpu.memory_space<semaphore_mem>>) src(%dma_wait3A_317 : memref<1015808x16xf32, #tpu.memory_space<hbm>>) dst(%dma_wait3A_313 : memref<128x16xf32, #tpu.memory_space<vmem>>)
      %dma_wait3A_318 = arith.constant 1536 : i32
      %dma_wait3A_319 = arith.constant 0 : i32
      %dma_wait3A_320 = tpu.memref_slice %arg9[%dma_wait3A_318, %dma_wait3A_319] : memref<2048x16xf32, #tpu.memory_space<vmem>> -> memref<128x16xf32, #tpu.memory_space<vmem>>
      %dma_wait3A_321 = tpu.memref_slice %arg7[%add3A_199] : memref<8192xi32, #tpu.memory_space<vmem>> -> memref<128xi32, #tpu.memory_space<vmem>>
      %dma_wait3A_322 = arith.constant 0 : i32
      %dma_wait3A_323 = arith.constant 0 : i32
      %dma_wait3A_324 = tpu.memref_slice %arg4[%dma_wait3A_322, %dma_wait3A_323] : memref<1015808x16xf32, #tpu.memory_space<hbm>> -> memref<1015808x16xf32, #tpu.memory_space<hbm>>
      tpu.wait_indirect_dma semaphore(%arg11 : memref<!tpu.dma_semaphore, #tpu.memory_space<semaphore_mem>>) src(%dma_wait3A_324 : memref<1015808x16xf32, #tpu.memory_space<hbm>>) dst(%dma_wait3A_320 : memref<128x16xf32, #tpu.memory_space<vmem>>)
      %dma_wait3A_325 = arith.constant 1664 : i32
      %dma_wait3A_326 = arith.constant 0 : i32
      %dma_wait3A_327 = tpu.memref_slice %arg9[%dma_wait3A_325, %dma_wait3A_326] : memref<2048x16xf32, #tpu.memory_space<vmem>> -> memref<128x16xf32, #tpu.memory_space<vmem>>
      %dma_wait3A_328 = tpu.memref_slice %arg7[%add3A_208] : memref<8192xi32, #tpu.memory_space<vmem>> -> memref<128xi32, #tpu.memory_space<vmem>>
      %dma_wait3A_329 = arith.constant 0 : i32
      %dma_wait3A_330 = arith.constant 0 : i32
      %dma_wait3A_331 = tpu.memref_slice %arg4[%dma_wait3A_329, %dma_wait3A_330] : memref<1015808x16xf32, #tpu.memory_space<hbm>> -> memref<1015808x16xf32, #tpu.memory_space<hbm>>
      tpu.wait_indirect_dma semaphore(%arg11 : memref<!tpu.dma_semaphore, #tpu.memory_space<semaphore_mem>>) src(%dma_wait3A_331 : memref<1015808x16xf32, #tpu.memory_space<hbm>>) dst(%dma_wait3A_327 : memref<128x16xf32, #tpu.memory_space<vmem>>)
      %dma_wait3A_332 = arith.constant 1792 : i32
      %dma_wait3A_333 = arith.constant 0 : i32
      %dma_wait3A_334 = tpu.memref_slice %arg9[%dma_wait3A_332, %dma_wait3A_333] : memref<2048x16xf32, #tpu.memory_space<vmem>> -> memref<128x16xf32, #tpu.memory_space<vmem>>
      %dma_wait3A_335 = tpu.memref_slice %arg7[%add3A_217] : memref<8192xi32, #tpu.memory_space<vmem>> -> memref<128xi32, #tpu.memory_space<vmem>>
      %dma_wait3A_336 = arith.constant 0 : i32
      %dma_wait3A_337 = arith.constant 0 : i32
      %dma_wait3A_338 = tpu.memref_slice %arg4[%dma_wait3A_336, %dma_wait3A_337] : memref<1015808x16xf32, #tpu.memory_space<hbm>> -> memref<1015808x16xf32, #tpu.memory_space<hbm>>
      tpu.wait_indirect_dma semaphore(%arg11 : memref<!tpu.dma_semaphore, #tpu.memory_space<semaphore_mem>>) src(%dma_wait3A_338 : memref<1015808x16xf32, #tpu.memory_space<hbm>>) dst(%dma_wait3A_334 : memref<128x16xf32, #tpu.memory_space<vmem>>)
      %dma_wait3A_339 = arith.constant 1920 : i32
      %dma_wait3A_340 = arith.constant 0 : i32
      %dma_wait3A_341 = tpu.memref_slice %arg9[%dma_wait3A_339, %dma_wait3A_340] : memref<2048x16xf32, #tpu.memory_space<vmem>> -> memref<128x16xf32, #tpu.memory_space<vmem>>
      %dma_wait3A_342 = tpu.memref_slice %arg7[%add3A_226] : memref<8192xi32, #tpu.memory_space<vmem>> -> memref<128xi32, #tpu.memory_space<vmem>>
      %dma_wait3A_343 = arith.constant 0 : i32
      %dma_wait3A_344 = arith.constant 0 : i32
      %dma_wait3A_345 = tpu.memref_slice %arg4[%dma_wait3A_343, %dma_wait3A_344] : memref<1015808x16xf32, #tpu.memory_space<hbm>> -> memref<1015808x16xf32, #tpu.memory_space<hbm>>
      tpu.wait_indirect_dma semaphore(%arg11 : memref<!tpu.dma_semaphore, #tpu.memory_space<semaphore_mem>>) src(%dma_wait3A_345 : memref<1015808x16xf32, #tpu.memory_space<hbm>>) dst(%dma_wait3A_341 : memref<128x16xf32, #tpu.memory_space<vmem>>)
      %add3A_346 = arith.addi %multiple_of3A, %multiple_of3A_89 : i32
      "tpu.region"() ({
        %run_scoped3A = tpu.sem_alloc : memref<!tpu.dma_semaphore, #tpu.memory_space<semaphore_mem>>
        %dma_start3A_347 = arith.constant 0 : i32
        %dma_start3A_348 = tpu.memref_slice %arg5[%add3A_346, %dma_start3A_347] : memref<262144x16xf32, #tpu.memory_space<hbm>> -> memref<2048x16xf32, #tpu.memory_space<hbm>>
        %dma_start3A_349 = arith.constant 0 : i32
        %dma_start3A_350 = tpu.memref_slice %arg5[%add3A_346, %dma_start3A_349] : memref<262144x16xf32, #tpu.memory_space<hbm>> -> memref<2048x16xf32, #tpu.memory_space<hbm>>
        tpu.enqueue_dma source(%arg9 : memref<2048x16xf32, #tpu.memory_space<vmem>>) target(%dma_start3A_350 : memref<2048x16xf32, #tpu.memory_space<hbm>>) target_semaphore(%run_scoped3A : memref<!tpu.dma_semaphore, #tpu.memory_space<semaphore_mem>>)
        %dma_wait3A_351 = arith.constant 0 : i32
        %dma_wait3A_352 = tpu.memref_slice %arg5[%add3A_346, %dma_wait3A_351] : memref<262144x16xf32, #tpu.memory_space<hbm>> -> memref<2048x16xf32, #tpu.memory_space<hbm>>
        %dma_wait3A_353 = arith.constant 0 : i32
        %dma_wait3A_354 = tpu.memref_slice %arg5[%add3A_346, %dma_wait3A_353] : memref<262144x16xf32, #tpu.memory_space<hbm>> -> memref<2048x16xf32, #tpu.memory_space<hbm>>
        tpu.wait_dma2 semaphore(%run_scoped3A : memref<!tpu.dma_semaphore, #tpu.memory_space<semaphore_mem>>) src(%arg9 : memref<2048x16xf32, #tpu.memory_space<vmem>>) dst(%dma_wait3A_354 : memref<2048x16xf32, #tpu.memory_space<hbm>>)
        tpu.yield
      }) : () -> ()
    }
    %scan3A_50 = arith.constant 4 : i32
    %dma_wait3A = arith.constant 0 : i32
    %dma_wait3A_51 = arith.constant 0 : i32
    %dma_wait3A_52 = tpu.memref_slice %arg10[%dma_wait3A, %dma_wait3A_51] : memref<512x16xf32, #tpu.memory_space<vmem>> -> memref<128x16xf32, #tpu.memory_space<vmem>>
    %dma_wait3A_53 = arith.constant 0 : i32
    %dma_wait3A_54 = tpu.memref_slice %arg8[%dma_wait3A_53] : memref<512xi32, #tpu.memory_space<vmem>> -> memref<128xi32, #tpu.memory_space<vmem>>
    %dma_wait3A_55 = arith.constant 0 : i32
    %dma_wait3A_56 = arith.constant 0 : i32
    %dma_wait3A_57 = tpu.memref_slice %arg4[%dma_wait3A_55, %dma_wait3A_56] : memref<1015808x16xf32, #tpu.memory_space<hbm>> -> memref<1015808x16xf32, #tpu.memory_space<hbm>>
    tpu.wait_indirect_dma semaphore(%arg12 : memref<!tpu.dma_semaphore, #tpu.memory_space<semaphore_mem>>) src(%dma_wait3A_57 : memref<1015808x16xf32, #tpu.memory_space<hbm>>) dst(%dma_wait3A_52 : memref<128x16xf32, #tpu.memory_space<vmem>>)
    %dma_wait3A_58 = arith.constant 128 : i32
    %dma_wait3A_59 = arith.constant 0 : i32
    %dma_wait3A_60 = tpu.memref_slice %arg10[%dma_wait3A_58, %dma_wait3A_59] : memref<512x16xf32, #tpu.memory_space<vmem>> -> memref<128x16xf32, #tpu.memory_space<vmem>>
    %dma_wait3A_61 = arith.constant 128 : i32
    %dma_wait3A_62 = tpu.memref_slice %arg8[%dma_wait3A_61] : memref<512xi32, #tpu.memory_space<vmem>> -> memref<128xi32, #tpu.memory_space<vmem>>
    %dma_wait3A_63 = arith.constant 0 : i32
    %dma_wait3A_64 = arith.constant 0 : i32
    %dma_wait3A_65 = tpu.memref_slice %arg4[%dma_wait3A_63, %dma_wait3A_64] : memref<1015808x16xf32, #tpu.memory_space<hbm>> -> memref<1015808x16xf32, #tpu.memory_space<hbm>>
    tpu.wait_indirect_dma semaphore(%arg12 : memref<!tpu.dma_semaphore, #tpu.memory_space<semaphore_mem>>) src(%dma_wait3A_65 : memref<1015808x16xf32, #tpu.memory_space<hbm>>) dst(%dma_wait3A_60 : memref<128x16xf32, #tpu.memory_space<vmem>>)
    %dma_wait3A_66 = arith.constant 256 : i32
    %dma_wait3A_67 = arith.constant 0 : i32
    %dma_wait3A_68 = tpu.memref_slice %arg10[%dma_wait3A_66, %dma_wait3A_67] : memref<512x16xf32, #tpu.memory_space<vmem>> -> memref<128x16xf32, #tpu.memory_space<vmem>>
    %dma_wait3A_69 = arith.constant 256 : i32
    %dma_wait3A_70 = tpu.memref_slice %arg8[%dma_wait3A_69] : memref<512xi32, #tpu.memory_space<vmem>> -> memref<128xi32, #tpu.memory_space<vmem>>
    %dma_wait3A_71 = arith.constant 0 : i32
    %dma_wait3A_72 = arith.constant 0 : i32
    %dma_wait3A_73 = tpu.memref_slice %arg4[%dma_wait3A_71, %dma_wait3A_72] : memref<1015808x16xf32, #tpu.memory_space<hbm>> -> memref<1015808x16xf32, #tpu.memory_space<hbm>>
    tpu.wait_indirect_dma semaphore(%arg12 : memref<!tpu.dma_semaphore, #tpu.memory_space<semaphore_mem>>) src(%dma_wait3A_73 : memref<1015808x16xf32, #tpu.memory_space<hbm>>) dst(%dma_wait3A_68 : memref<128x16xf32, #tpu.memory_space<vmem>>)
    %dma_wait3A_74 = arith.constant 384 : i32
    %dma_wait3A_75 = arith.constant 0 : i32
    %dma_wait3A_76 = tpu.memref_slice %arg10[%dma_wait3A_74, %dma_wait3A_75] : memref<512x16xf32, #tpu.memory_space<vmem>> -> memref<128x16xf32, #tpu.memory_space<vmem>>
    %dma_wait3A_77 = arith.constant 384 : i32
    %dma_wait3A_78 = tpu.memref_slice %arg8[%dma_wait3A_77] : memref<512xi32, #tpu.memory_space<vmem>> -> memref<128xi32, #tpu.memory_space<vmem>>
    %dma_wait3A_79 = arith.constant 0 : i32
    %dma_wait3A_80 = arith.constant 0 : i32
    %dma_wait3A_81 = tpu.memref_slice %arg4[%dma_wait3A_79, %dma_wait3A_80] : memref<1015808x16xf32, #tpu.memory_space<hbm>> -> memref<1015808x16xf32, #tpu.memory_space<hbm>>
    tpu.wait_indirect_dma semaphore(%arg12 : memref<!tpu.dma_semaphore, #tpu.memory_space<semaphore_mem>>) src(%dma_wait3A_81 : memref<1015808x16xf32, #tpu.memory_space<hbm>>) dst(%dma_wait3A_76 : memref<128x16xf32, #tpu.memory_space<vmem>>)
    "tpu.region"() ({
      %run_scoped3A = tpu.sem_alloc : memref<!tpu.dma_semaphore, #tpu.memory_space<semaphore_mem>>
      %dma_start3A_82 = arith.constant 0 : i32
      %dma_start3A_83 = tpu.memref_slice %arg6[%multiple_of3A_5, %dma_start3A_82] : memref<16384x16xf32, #tpu.memory_space<hbm>> -> memref<512x16xf32, #tpu.memory_space<hbm>>
      %dma_start3A_84 = arith.constant 0 : i32
      %dma_start3A_85 = tpu.memref_slice %arg6[%multiple_of3A_5, %dma_start3A_84] : memref<16384x16xf32, #tpu.memory_space<hbm>> -> memref<512x16xf32, #tpu.memory_space<hbm>>
      tpu.enqueue_dma source(%arg10 : memref<512x16xf32, #tpu.memory_space<vmem>>) target(%dma_start3A_85 : memref<512x16xf32, #tpu.memory_space<hbm>>) target_semaphore(%run_scoped3A : memref<!tpu.dma_semaphore, #tpu.memory_space<semaphore_mem>>)
      %dma_wait3A_86 = arith.constant 0 : i32
      %dma_wait3A_87 = tpu.memref_slice %arg6[%multiple_of3A_5, %dma_wait3A_86] : memref<16384x16xf32, #tpu.memory_space<hbm>> -> memref<512x16xf32, #tpu.memory_space<hbm>>
      %dma_wait3A_88 = arith.constant 0 : i32
      %dma_wait3A_89 = tpu.memref_slice %arg6[%multiple_of3A_5, %dma_wait3A_88] : memref<16384x16xf32, #tpu.memory_space<hbm>> -> memref<512x16xf32, #tpu.memory_space<hbm>>
      tpu.wait_dma2 semaphore(%run_scoped3A : memref<!tpu.dma_semaphore, #tpu.memory_space<semaphore_mem>>) src(%arg10 : memref<512x16xf32, #tpu.memory_space<vmem>>) dst(%dma_wait3A_89 : memref<512x16xf32, #tpu.memory_space<hbm>>)
      tpu.yield
    }) : () -> ()
    return
  }
}

module attributes {stable_mosaic.version = 14 : i64} {
  func.func @body(%arg0: i32, %arg1: memref<16x32768xi32, #tpu.memory_space<vmem>>, %arg2: memref<16x32768xi32, #tpu.memory_space<vmem>>, %arg3: memref<16x32768xf32, #tpu.memory_space<vmem>>, %arg4: memref<4096x128xi32, #tpu.memory_space<vmem>>, %arg5: memref<4096x128xf32, #tpu.memory_space<vmem>>) attributes {dimension_semantics = [#tpu.dimension_semantics<arbitrary>], iteration_bounds = array<i64: 31>, scalar_prefetch = 0 : i64, scratch_operands = 0 : i64, tpu.core_type = #tpu.core_type<tc>, window_params = [{transform_indices = @transform_0, window_bounds = array<i64: 16, 32768>}, {transform_indices = @transform_1, window_bounds = array<i64: 16, 32768>}, {transform_indices = @transform_2, window_bounds = array<i64: 16, 32768>}, {transform_indices = @transform_3, window_bounds = array<i64: 4096, 128>}, {transform_indices = @transform_4, window_bounds = array<i64: 4096, 128>}]} {
    %get3A = arith.constant 0 : index
    %get3A_0 = arith.constant 0 : index
    %get3A_1 = vector.load %arg1[%get3A, %get3A_0] : memref<16x32768xi32, #tpu.memory_space<vmem>>, vector<16x32768xi32>
    %get3A_2 = arith.constant 0 : index
    %get3A_3 = arith.constant 0 : index
    %get3A_4 = vector.load %arg2[%get3A_2, %get3A_3] : memref<16x32768xi32, #tpu.memory_space<vmem>>, vector<16x32768xi32>
    %shift_left3A = arith.constant 20 : i32
    %shift_left3A_5 = vector.broadcast %shift_left3A : i32 to vector<16x32768xi32>
    %shift_left3A_6 = arith.shli %get3A_4, %shift_left3A_5 : vector<16x32768xi32>
    %or3A = arith.ori %get3A_1, %shift_left3A_6 : vector<16x32768xi32>
    %slice3A = vector.extract_strided_slice %or3A {offsets = [0, 0], sizes = [16, 128], strides = [1, 1]} : vector<16x32768xi32> to vector<16x128xi32>
    %slice3A_7 = vector.extract_strided_slice %or3A {offsets = [0, 128], sizes = [16, 128], strides = [1, 1]} : vector<16x32768xi32> to vector<16x128xi32>
    %slice3A_8 = vector.extract_strided_slice %or3A {offsets = [0, 256], sizes = [16, 128], strides = [1, 1]} : vector<16x32768xi32> to vector<16x128xi32>
    %slice3A_9 = vector.extract_strided_slice %or3A {offsets = [0, 384], sizes = [16, 128], strides = [1, 1]} : vector<16x32768xi32> to vector<16x128xi32>
    %slice3A_10 = vector.extract_strided_slice %or3A {offsets = [0, 512], sizes = [16, 128], strides = [1, 1]} : vector<16x32768xi32> to vector<16x128xi32>
    %slice3A_11 = vector.extract_strided_slice %or3A {offsets = [0, 640], sizes = [16, 128], strides = [1, 1]} : vector<16x32768xi32> to vector<16x128xi32>
    %slice3A_12 = vector.extract_strided_slice %or3A {offsets = [0, 768], sizes = [16, 128], strides = [1, 1]} : vector<16x32768xi32> to vector<16x128xi32>
    %slice3A_13 = vector.extract_strided_slice %or3A {offsets = [0, 896], sizes = [16, 128], strides = [1, 1]} : vector<16x32768xi32> to vector<16x128xi32>
    %concatenate3A = tpu.concatenate %slice3A, %slice3A_7, %slice3A_8, %slice3A_9, %slice3A_10, %slice3A_11, %slice3A_12, %slice3A_13 in 0 : vector<16x128xi32>, vector<16x128xi32>, vector<16x128xi32>, vector<16x128xi32>, vector<16x128xi32>, vector<16x128xi32>, vector<16x128xi32>, vector<16x128xi32> -> vector<128x128xi32>
    %transpose3A = tpu.transpose %concatenate3A, [1, 0] : vector<128x128xi32> -> vector<128x128xi32>
    %slice3A_14 = vector.extract_strided_slice %or3A {offsets = [0, 1024], sizes = [16, 128], strides = [1, 1]} : vector<16x32768xi32> to vector<16x128xi32>
    %slice3A_15 = vector.extract_strided_slice %or3A {offsets = [0, 1152], sizes = [16, 128], strides = [1, 1]} : vector<16x32768xi32> to vector<16x128xi32>
    %slice3A_16 = vector.extract_strided_slice %or3A {offsets = [0, 1280], sizes = [16, 128], strides = [1, 1]} : vector<16x32768xi32> to vector<16x128xi32>
    %slice3A_17 = vector.extract_strided_slice %or3A {offsets = [0, 1408], sizes = [16, 128], strides = [1, 1]} : vector<16x32768xi32> to vector<16x128xi32>
    %slice3A_18 = vector.extract_strided_slice %or3A {offsets = [0, 1536], sizes = [16, 128], strides = [1, 1]} : vector<16x32768xi32> to vector<16x128xi32>
    %slice3A_19 = vector.extract_strided_slice %or3A {offsets = [0, 1664], sizes = [16, 128], strides = [1, 1]} : vector<16x32768xi32> to vector<16x128xi32>
    %slice3A_20 = vector.extract_strided_slice %or3A {offsets = [0, 1792], sizes = [16, 128], strides = [1, 1]} : vector<16x32768xi32> to vector<16x128xi32>
    %slice3A_21 = vector.extract_strided_slice %or3A {offsets = [0, 1920], sizes = [16, 128], strides = [1, 1]} : vector<16x32768xi32> to vector<16x128xi32>
    %concatenate3A_22 = tpu.concatenate %slice3A_14, %slice3A_15, %slice3A_16, %slice3A_17, %slice3A_18, %slice3A_19, %slice3A_20, %slice3A_21 in 0 : vector<16x128xi32>, vector<16x128xi32>, vector<16x128xi32>, vector<16x128xi32>, vector<16x128xi32>, vector<16x128xi32>, vector<16x128xi32>, vector<16x128xi32> -> vector<128x128xi32>
    %transpose3A_23 = tpu.transpose %concatenate3A_22, [1, 0] : vector<128x128xi32> -> vector<128x128xi32>
    %slice3A_24 = vector.extract_strided_slice %or3A {offsets = [0, 2048], sizes = [16, 128], strides = [1, 1]} : vector<16x32768xi32> to vector<16x128xi32>
    %slice3A_25 = vector.extract_strided_slice %or3A {offsets = [0, 2176], sizes = [16, 128], strides = [1, 1]} : vector<16x32768xi32> to vector<16x128xi32>
    %slice3A_26 = vector.extract_strided_slice %or3A {offsets = [0, 2304], sizes = [16, 128], strides = [1, 1]} : vector<16x32768xi32> to vector<16x128xi32>
    %slice3A_27 = vector.extract_strided_slice %or3A {offsets = [0, 2432], sizes = [16, 128], strides = [1, 1]} : vector<16x32768xi32> to vector<16x128xi32>
    %slice3A_28 = vector.extract_strided_slice %or3A {offsets = [0, 2560], sizes = [16, 128], strides = [1, 1]} : vector<16x32768xi32> to vector<16x128xi32>
    %slice3A_29 = vector.extract_strided_slice %or3A {offsets = [0, 2688], sizes = [16, 128], strides = [1, 1]} : vector<16x32768xi32> to vector<16x128xi32>
    %slice3A_30 = vector.extract_strided_slice %or3A {offsets = [0, 2816], sizes = [16, 128], strides = [1, 1]} : vector<16x32768xi32> to vector<16x128xi32>
    %slice3A_31 = vector.extract_strided_slice %or3A {offsets = [0, 2944], sizes = [16, 128], strides = [1, 1]} : vector<16x32768xi32> to vector<16x128xi32>
    %concatenate3A_32 = tpu.concatenate %slice3A_24, %slice3A_25, %slice3A_26, %slice3A_27, %slice3A_28, %slice3A_29, %slice3A_30, %slice3A_31 in 0 : vector<16x128xi32>, vector<16x128xi32>, vector<16x128xi32>, vector<16x128xi32>, vector<16x128xi32>, vector<16x128xi32>, vector<16x128xi32>, vector<16x128xi32> -> vector<128x128xi32>
    %transpose3A_33 = tpu.transpose %concatenate3A_32, [1, 0] : vector<128x128xi32> -> vector<128x128xi32>
    %slice3A_34 = vector.extract_strided_slice %or3A {offsets = [0, 3072], sizes = [16, 128], strides = [1, 1]} : vector<16x32768xi32> to vector<16x128xi32>
    %slice3A_35 = vector.extract_strided_slice %or3A {offsets = [0, 3200], sizes = [16, 128], strides = [1, 1]} : vector<16x32768xi32> to vector<16x128xi32>
    %slice3A_36 = vector.extract_strided_slice %or3A {offsets = [0, 3328], sizes = [16, 128], strides = [1, 1]} : vector<16x32768xi32> to vector<16x128xi32>
    %slice3A_37 = vector.extract_strided_slice %or3A {offsets = [0, 3456], sizes = [16, 128], strides = [1, 1]} : vector<16x32768xi32> to vector<16x128xi32>
    %slice3A_38 = vector.extract_strided_slice %or3A {offsets = [0, 3584], sizes = [16, 128], strides = [1, 1]} : vector<16x32768xi32> to vector<16x128xi32>
    %slice3A_39 = vector.extract_strided_slice %or3A {offsets = [0, 3712], sizes = [16, 128], strides = [1, 1]} : vector<16x32768xi32> to vector<16x128xi32>
    %slice3A_40 = vector.extract_strided_slice %or3A {offsets = [0, 3840], sizes = [16, 128], strides = [1, 1]} : vector<16x32768xi32> to vector<16x128xi32>
    %slice3A_41 = vector.extract_strided_slice %or3A {offsets = [0, 3968], sizes = [16, 128], strides = [1, 1]} : vector<16x32768xi32> to vector<16x128xi32>
    %concatenate3A_42 = tpu.concatenate %slice3A_34, %slice3A_35, %slice3A_36, %slice3A_37, %slice3A_38, %slice3A_39, %slice3A_40, %slice3A_41 in 0 : vector<16x128xi32>, vector<16x128xi32>, vector<16x128xi32>, vector<16x128xi32>, vector<16x128xi32>, vector<16x128xi32>, vector<16x128xi32>, vector<16x128xi32> -> vector<128x128xi32>
    %transpose3A_43 = tpu.transpose %concatenate3A_42, [1, 0] : vector<128x128xi32> -> vector<128x128xi32>
    %slice3A_44 = vector.extract_strided_slice %or3A {offsets = [0, 4096], sizes = [16, 128], strides = [1, 1]} : vector<16x32768xi32> to vector<16x128xi32>
    %slice3A_45 = vector.extract_strided_slice %or3A {offsets = [0, 4224], sizes = [16, 128], strides = [1, 1]} : vector<16x32768xi32> to vector<16x128xi32>
    %slice3A_46 = vector.extract_strided_slice %or3A {offsets = [0, 4352], sizes = [16, 128], strides = [1, 1]} : vector<16x32768xi32> to vector<16x128xi32>
    %slice3A_47 = vector.extract_strided_slice %or3A {offsets = [0, 4480], sizes = [16, 128], strides = [1, 1]} : vector<16x32768xi32> to vector<16x128xi32>
    %slice3A_48 = vector.extract_strided_slice %or3A {offsets = [0, 4608], sizes = [16, 128], strides = [1, 1]} : vector<16x32768xi32> to vector<16x128xi32>
    %slice3A_49 = vector.extract_strided_slice %or3A {offsets = [0, 4736], sizes = [16, 128], strides = [1, 1]} : vector<16x32768xi32> to vector<16x128xi32>
    %slice3A_50 = vector.extract_strided_slice %or3A {offsets = [0, 4864], sizes = [16, 128], strides = [1, 1]} : vector<16x32768xi32> to vector<16x128xi32>
    %slice3A_51 = vector.extract_strided_slice %or3A {offsets = [0, 4992], sizes = [16, 128], strides = [1, 1]} : vector<16x32768xi32> to vector<16x128xi32>
    %concatenate3A_52 = tpu.concatenate %slice3A_44, %slice3A_45, %slice3A_46, %slice3A_47, %slice3A_48, %slice3A_49, %slice3A_50, %slice3A_51 in 0 : vector<16x128xi32>, vector<16x128xi32>, vector<16x128xi32>, vector<16x128xi32>, vector<16x128xi32>, vector<16x128xi32>, vector<16x128xi32>, vector<16x128xi32> -> vector<128x128xi32>
    %transpose3A_53 = tpu.transpose %concatenate3A_52, [1, 0] : vector<128x128xi32> -> vector<128x128xi32>
    %slice3A_54 = vector.extract_strided_slice %or3A {offsets = [0, 5120], sizes = [16, 128], strides = [1, 1]} : vector<16x32768xi32> to vector<16x128xi32>
    %slice3A_55 = vector.extract_strided_slice %or3A {offsets = [0, 5248], sizes = [16, 128], strides = [1, 1]} : vector<16x32768xi32> to vector<16x128xi32>
    %slice3A_56 = vector.extract_strided_slice %or3A {offsets = [0, 5376], sizes = [16, 128], strides = [1, 1]} : vector<16x32768xi32> to vector<16x128xi32>
    %slice3A_57 = vector.extract_strided_slice %or3A {offsets = [0, 5504], sizes = [16, 128], strides = [1, 1]} : vector<16x32768xi32> to vector<16x128xi32>
    %slice3A_58 = vector.extract_strided_slice %or3A {offsets = [0, 5632], sizes = [16, 128], strides = [1, 1]} : vector<16x32768xi32> to vector<16x128xi32>
    %slice3A_59 = vector.extract_strided_slice %or3A {offsets = [0, 5760], sizes = [16, 128], strides = [1, 1]} : vector<16x32768xi32> to vector<16x128xi32>
    %slice3A_60 = vector.extract_strided_slice %or3A {offsets = [0, 5888], sizes = [16, 128], strides = [1, 1]} : vector<16x32768xi32> to vector<16x128xi32>
    %slice3A_61 = vector.extract_strided_slice %or3A {offsets = [0, 6016], sizes = [16, 128], strides = [1, 1]} : vector<16x32768xi32> to vector<16x128xi32>
    %concatenate3A_62 = tpu.concatenate %slice3A_54, %slice3A_55, %slice3A_56, %slice3A_57, %slice3A_58, %slice3A_59, %slice3A_60, %slice3A_61 in 0 : vector<16x128xi32>, vector<16x128xi32>, vector<16x128xi32>, vector<16x128xi32>, vector<16x128xi32>, vector<16x128xi32>, vector<16x128xi32>, vector<16x128xi32> -> vector<128x128xi32>
    %transpose3A_63 = tpu.transpose %concatenate3A_62, [1, 0] : vector<128x128xi32> -> vector<128x128xi32>
    %slice3A_64 = vector.extract_strided_slice %or3A {offsets = [0, 6144], sizes = [16, 128], strides = [1, 1]} : vector<16x32768xi32> to vector<16x128xi32>
    %slice3A_65 = vector.extract_strided_slice %or3A {offsets = [0, 6272], sizes = [16, 128], strides = [1, 1]} : vector<16x32768xi32> to vector<16x128xi32>
    %slice3A_66 = vector.extract_strided_slice %or3A {offsets = [0, 6400], sizes = [16, 128], strides = [1, 1]} : vector<16x32768xi32> to vector<16x128xi32>
    %slice3A_67 = vector.extract_strided_slice %or3A {offsets = [0, 6528], sizes = [16, 128], strides = [1, 1]} : vector<16x32768xi32> to vector<16x128xi32>
    %slice3A_68 = vector.extract_strided_slice %or3A {offsets = [0, 6656], sizes = [16, 128], strides = [1, 1]} : vector<16x32768xi32> to vector<16x128xi32>
    %slice3A_69 = vector.extract_strided_slice %or3A {offsets = [0, 6784], sizes = [16, 128], strides = [1, 1]} : vector<16x32768xi32> to vector<16x128xi32>
    %slice3A_70 = vector.extract_strided_slice %or3A {offsets = [0, 6912], sizes = [16, 128], strides = [1, 1]} : vector<16x32768xi32> to vector<16x128xi32>
    %slice3A_71 = vector.extract_strided_slice %or3A {offsets = [0, 7040], sizes = [16, 128], strides = [1, 1]} : vector<16x32768xi32> to vector<16x128xi32>
    %concatenate3A_72 = tpu.concatenate %slice3A_64, %slice3A_65, %slice3A_66, %slice3A_67, %slice3A_68, %slice3A_69, %slice3A_70, %slice3A_71 in 0 : vector<16x128xi32>, vector<16x128xi32>, vector<16x128xi32>, vector<16x128xi32>, vector<16x128xi32>, vector<16x128xi32>, vector<16x128xi32>, vector<16x128xi32> -> vector<128x128xi32>
    %transpose3A_73 = tpu.transpose %concatenate3A_72, [1, 0] : vector<128x128xi32> -> vector<128x128xi32>
    %slice3A_74 = vector.extract_strided_slice %or3A {offsets = [0, 7168], sizes = [16, 128], strides = [1, 1]} : vector<16x32768xi32> to vector<16x128xi32>
    %slice3A_75 = vector.extract_strided_slice %or3A {offsets = [0, 7296], sizes = [16, 128], strides = [1, 1]} : vector<16x32768xi32> to vector<16x128xi32>
    %slice3A_76 = vector.extract_strided_slice %or3A {offsets = [0, 7424], sizes = [16, 128], strides = [1, 1]} : vector<16x32768xi32> to vector<16x128xi32>
    %slice3A_77 = vector.extract_strided_slice %or3A {offsets = [0, 7552], sizes = [16, 128], strides = [1, 1]} : vector<16x32768xi32> to vector<16x128xi32>
    %slice3A_78 = vector.extract_strided_slice %or3A {offsets = [0, 7680], sizes = [16, 128], strides = [1, 1]} : vector<16x32768xi32> to vector<16x128xi32>
    %slice3A_79 = vector.extract_strided_slice %or3A {offsets = [0, 7808], sizes = [16, 128], strides = [1, 1]} : vector<16x32768xi32> to vector<16x128xi32>
    %slice3A_80 = vector.extract_strided_slice %or3A {offsets = [0, 7936], sizes = [16, 128], strides = [1, 1]} : vector<16x32768xi32> to vector<16x128xi32>
    %slice3A_81 = vector.extract_strided_slice %or3A {offsets = [0, 8064], sizes = [16, 128], strides = [1, 1]} : vector<16x32768xi32> to vector<16x128xi32>
    %concatenate3A_82 = tpu.concatenate %slice3A_74, %slice3A_75, %slice3A_76, %slice3A_77, %slice3A_78, %slice3A_79, %slice3A_80, %slice3A_81 in 0 : vector<16x128xi32>, vector<16x128xi32>, vector<16x128xi32>, vector<16x128xi32>, vector<16x128xi32>, vector<16x128xi32>, vector<16x128xi32>, vector<16x128xi32> -> vector<128x128xi32>
    %transpose3A_83 = tpu.transpose %concatenate3A_82, [1, 0] : vector<128x128xi32> -> vector<128x128xi32>
    %slice3A_84 = vector.extract_strided_slice %or3A {offsets = [0, 8192], sizes = [16, 128], strides = [1, 1]} : vector<16x32768xi32> to vector<16x128xi32>
    %slice3A_85 = vector.extract_strided_slice %or3A {offsets = [0, 8320], sizes = [16, 128], strides = [1, 1]} : vector<16x32768xi32> to vector<16x128xi32>
    %slice3A_86 = vector.extract_strided_slice %or3A {offsets = [0, 8448], sizes = [16, 128], strides = [1, 1]} : vector<16x32768xi32> to vector<16x128xi32>
    %slice3A_87 = vector.extract_strided_slice %or3A {offsets = [0, 8576], sizes = [16, 128], strides = [1, 1]} : vector<16x32768xi32> to vector<16x128xi32>
    %slice3A_88 = vector.extract_strided_slice %or3A {offsets = [0, 8704], sizes = [16, 128], strides = [1, 1]} : vector<16x32768xi32> to vector<16x128xi32>
    %slice3A_89 = vector.extract_strided_slice %or3A {offsets = [0, 8832], sizes = [16, 128], strides = [1, 1]} : vector<16x32768xi32> to vector<16x128xi32>
    %slice3A_90 = vector.extract_strided_slice %or3A {offsets = [0, 8960], sizes = [16, 128], strides = [1, 1]} : vector<16x32768xi32> to vector<16x128xi32>
    %slice3A_91 = vector.extract_strided_slice %or3A {offsets = [0, 9088], sizes = [16, 128], strides = [1, 1]} : vector<16x32768xi32> to vector<16x128xi32>
    %concatenate3A_92 = tpu.concatenate %slice3A_84, %slice3A_85, %slice3A_86, %slice3A_87, %slice3A_88, %slice3A_89, %slice3A_90, %slice3A_91 in 0 : vector<16x128xi32>, vector<16x128xi32>, vector<16x128xi32>, vector<16x128xi32>, vector<16x128xi32>, vector<16x128xi32>, vector<16x128xi32>, vector<16x128xi32> -> vector<128x128xi32>
    %transpose3A_93 = tpu.transpose %concatenate3A_92, [1, 0] : vector<128x128xi32> -> vector<128x128xi32>
    %slice3A_94 = vector.extract_strided_slice %or3A {offsets = [0, 9216], sizes = [16, 128], strides = [1, 1]} : vector<16x32768xi32> to vector<16x128xi32>
    %slice3A_95 = vector.extract_strided_slice %or3A {offsets = [0, 9344], sizes = [16, 128], strides = [1, 1]} : vector<16x32768xi32> to vector<16x128xi32>
    %slice3A_96 = vector.extract_strided_slice %or3A {offsets = [0, 9472], sizes = [16, 128], strides = [1, 1]} : vector<16x32768xi32> to vector<16x128xi32>
    %slice3A_97 = vector.extract_strided_slice %or3A {offsets = [0, 9600], sizes = [16, 128], strides = [1, 1]} : vector<16x32768xi32> to vector<16x128xi32>
    %slice3A_98 = vector.extract_strided_slice %or3A {offsets = [0, 9728], sizes = [16, 128], strides = [1, 1]} : vector<16x32768xi32> to vector<16x128xi32>
    %slice3A_99 = vector.extract_strided_slice %or3A {offsets = [0, 9856], sizes = [16, 128], strides = [1, 1]} : vector<16x32768xi32> to vector<16x128xi32>
    %slice3A_100 = vector.extract_strided_slice %or3A {offsets = [0, 9984], sizes = [16, 128], strides = [1, 1]} : vector<16x32768xi32> to vector<16x128xi32>
    %slice3A_101 = vector.extract_strided_slice %or3A {offsets = [0, 10112], sizes = [16, 128], strides = [1, 1]} : vector<16x32768xi32> to vector<16x128xi32>
    %concatenate3A_102 = tpu.concatenate %slice3A_94, %slice3A_95, %slice3A_96, %slice3A_97, %slice3A_98, %slice3A_99, %slice3A_100, %slice3A_101 in 0 : vector<16x128xi32>, vector<16x128xi32>, vector<16x128xi32>, vector<16x128xi32>, vector<16x128xi32>, vector<16x128xi32>, vector<16x128xi32>, vector<16x128xi32> -> vector<128x128xi32>
    %transpose3A_103 = tpu.transpose %concatenate3A_102, [1, 0] : vector<128x128xi32> -> vector<128x128xi32>
    %slice3A_104 = vector.extract_strided_slice %or3A {offsets = [0, 10240], sizes = [16, 128], strides = [1, 1]} : vector<16x32768xi32> to vector<16x128xi32>
    %slice3A_105 = vector.extract_strided_slice %or3A {offsets = [0, 10368], sizes = [16, 128], strides = [1, 1]} : vector<16x32768xi32> to vector<16x128xi32>
    %slice3A_106 = vector.extract_strided_slice %or3A {offsets = [0, 10496], sizes = [16, 128], strides = [1, 1]} : vector<16x32768xi32> to vector<16x128xi32>
    %slice3A_107 = vector.extract_strided_slice %or3A {offsets = [0, 10624], sizes = [16, 128], strides = [1, 1]} : vector<16x32768xi32> to vector<16x128xi32>
    %slice3A_108 = vector.extract_strided_slice %or3A {offsets = [0, 10752], sizes = [16, 128], strides = [1, 1]} : vector<16x32768xi32> to vector<16x128xi32>
    %slice3A_109 = vector.extract_strided_slice %or3A {offsets = [0, 10880], sizes = [16, 128], strides = [1, 1]} : vector<16x32768xi32> to vector<16x128xi32>
    %slice3A_110 = vector.extract_strided_slice %or3A {offsets = [0, 11008], sizes = [16, 128], strides = [1, 1]} : vector<16x32768xi32> to vector<16x128xi32>
    %slice3A_111 = vector.extract_strided_slice %or3A {offsets = [0, 11136], sizes = [16, 128], strides = [1, 1]} : vector<16x32768xi32> to vector<16x128xi32>
    %concatenate3A_112 = tpu.concatenate %slice3A_104, %slice3A_105, %slice3A_106, %slice3A_107, %slice3A_108, %slice3A_109, %slice3A_110, %slice3A_111 in 0 : vector<16x128xi32>, vector<16x128xi32>, vector<16x128xi32>, vector<16x128xi32>, vector<16x128xi32>, vector<16x128xi32>, vector<16x128xi32>, vector<16x128xi32> -> vector<128x128xi32>
    %transpose3A_113 = tpu.transpose %concatenate3A_112, [1, 0] : vector<128x128xi32> -> vector<128x128xi32>
    %slice3A_114 = vector.extract_strided_slice %or3A {offsets = [0, 11264], sizes = [16, 128], strides = [1, 1]} : vector<16x32768xi32> to vector<16x128xi32>
    %slice3A_115 = vector.extract_strided_slice %or3A {offsets = [0, 11392], sizes = [16, 128], strides = [1, 1]} : vector<16x32768xi32> to vector<16x128xi32>
    %slice3A_116 = vector.extract_strided_slice %or3A {offsets = [0, 11520], sizes = [16, 128], strides = [1, 1]} : vector<16x32768xi32> to vector<16x128xi32>
    %slice3A_117 = vector.extract_strided_slice %or3A {offsets = [0, 11648], sizes = [16, 128], strides = [1, 1]} : vector<16x32768xi32> to vector<16x128xi32>
    %slice3A_118 = vector.extract_strided_slice %or3A {offsets = [0, 11776], sizes = [16, 128], strides = [1, 1]} : vector<16x32768xi32> to vector<16x128xi32>
    %slice3A_119 = vector.extract_strided_slice %or3A {offsets = [0, 11904], sizes = [16, 128], strides = [1, 1]} : vector<16x32768xi32> to vector<16x128xi32>
    %slice3A_120 = vector.extract_strided_slice %or3A {offsets = [0, 12032], sizes = [16, 128], strides = [1, 1]} : vector<16x32768xi32> to vector<16x128xi32>
    %slice3A_121 = vector.extract_strided_slice %or3A {offsets = [0, 12160], sizes = [16, 128], strides = [1, 1]} : vector<16x32768xi32> to vector<16x128xi32>
    %concatenate3A_122 = tpu.concatenate %slice3A_114, %slice3A_115, %slice3A_116, %slice3A_117, %slice3A_118, %slice3A_119, %slice3A_120, %slice3A_121 in 0 : vector<16x128xi32>, vector<16x128xi32>, vector<16x128xi32>, vector<16x128xi32>, vector<16x128xi32>, vector<16x128xi32>, vector<16x128xi32>, vector<16x128xi32> -> vector<128x128xi32>
    %transpose3A_123 = tpu.transpose %concatenate3A_122, [1, 0] : vector<128x128xi32> -> vector<128x128xi32>
    %slice3A_124 = vector.extract_strided_slice %or3A {offsets = [0, 12288], sizes = [16, 128], strides = [1, 1]} : vector<16x32768xi32> to vector<16x128xi32>
    %slice3A_125 = vector.extract_strided_slice %or3A {offsets = [0, 12416], sizes = [16, 128], strides = [1, 1]} : vector<16x32768xi32> to vector<16x128xi32>
    %slice3A_126 = vector.extract_strided_slice %or3A {offsets = [0, 12544], sizes = [16, 128], strides = [1, 1]} : vector<16x32768xi32> to vector<16x128xi32>
    %slice3A_127 = vector.extract_strided_slice %or3A {offsets = [0, 12672], sizes = [16, 128], strides = [1, 1]} : vector<16x32768xi32> to vector<16x128xi32>
    %slice3A_128 = vector.extract_strided_slice %or3A {offsets = [0, 12800], sizes = [16, 128], strides = [1, 1]} : vector<16x32768xi32> to vector<16x128xi32>
    %slice3A_129 = vector.extract_strided_slice %or3A {offsets = [0, 12928], sizes = [16, 128], strides = [1, 1]} : vector<16x32768xi32> to vector<16x128xi32>
    %slice3A_130 = vector.extract_strided_slice %or3A {offsets = [0, 13056], sizes = [16, 128], strides = [1, 1]} : vector<16x32768xi32> to vector<16x128xi32>
    %slice3A_131 = vector.extract_strided_slice %or3A {offsets = [0, 13184], sizes = [16, 128], strides = [1, 1]} : vector<16x32768xi32> to vector<16x128xi32>
    %concatenate3A_132 = tpu.concatenate %slice3A_124, %slice3A_125, %slice3A_126, %slice3A_127, %slice3A_128, %slice3A_129, %slice3A_130, %slice3A_131 in 0 : vector<16x128xi32>, vector<16x128xi32>, vector<16x128xi32>, vector<16x128xi32>, vector<16x128xi32>, vector<16x128xi32>, vector<16x128xi32>, vector<16x128xi32> -> vector<128x128xi32>
    %transpose3A_133 = tpu.transpose %concatenate3A_132, [1, 0] : vector<128x128xi32> -> vector<128x128xi32>
    %slice3A_134 = vector.extract_strided_slice %or3A {offsets = [0, 13312], sizes = [16, 128], strides = [1, 1]} : vector<16x32768xi32> to vector<16x128xi32>
    %slice3A_135 = vector.extract_strided_slice %or3A {offsets = [0, 13440], sizes = [16, 128], strides = [1, 1]} : vector<16x32768xi32> to vector<16x128xi32>
    %slice3A_136 = vector.extract_strided_slice %or3A {offsets = [0, 13568], sizes = [16, 128], strides = [1, 1]} : vector<16x32768xi32> to vector<16x128xi32>
    %slice3A_137 = vector.extract_strided_slice %or3A {offsets = [0, 13696], sizes = [16, 128], strides = [1, 1]} : vector<16x32768xi32> to vector<16x128xi32>
    %slice3A_138 = vector.extract_strided_slice %or3A {offsets = [0, 13824], sizes = [16, 128], strides = [1, 1]} : vector<16x32768xi32> to vector<16x128xi32>
    %slice3A_139 = vector.extract_strided_slice %or3A {offsets = [0, 13952], sizes = [16, 128], strides = [1, 1]} : vector<16x32768xi32> to vector<16x128xi32>
    %slice3A_140 = vector.extract_strided_slice %or3A {offsets = [0, 14080], sizes = [16, 128], strides = [1, 1]} : vector<16x32768xi32> to vector<16x128xi32>
    %slice3A_141 = vector.extract_strided_slice %or3A {offsets = [0, 14208], sizes = [16, 128], strides = [1, 1]} : vector<16x32768xi32> to vector<16x128xi32>
    %concatenate3A_142 = tpu.concatenate %slice3A_134, %slice3A_135, %slice3A_136, %slice3A_137, %slice3A_138, %slice3A_139, %slice3A_140, %slice3A_141 in 0 : vector<16x128xi32>, vector<16x128xi32>, vector<16x128xi32>, vector<16x128xi32>, vector<16x128xi32>, vector<16x128xi32>, vector<16x128xi32>, vector<16x128xi32> -> vector<128x128xi32>
    %transpose3A_143 = tpu.transpose %concatenate3A_142, [1, 0] : vector<128x128xi32> -> vector<128x128xi32>
    %slice3A_144 = vector.extract_strided_slice %or3A {offsets = [0, 14336], sizes = [16, 128], strides = [1, 1]} : vector<16x32768xi32> to vector<16x128xi32>
    %slice3A_145 = vector.extract_strided_slice %or3A {offsets = [0, 14464], sizes = [16, 128], strides = [1, 1]} : vector<16x32768xi32> to vector<16x128xi32>
    %slice3A_146 = vector.extract_strided_slice %or3A {offsets = [0, 14592], sizes = [16, 128], strides = [1, 1]} : vector<16x32768xi32> to vector<16x128xi32>
    %slice3A_147 = vector.extract_strided_slice %or3A {offsets = [0, 14720], sizes = [16, 128], strides = [1, 1]} : vector<16x32768xi32> to vector<16x128xi32>
    %slice3A_148 = vector.extract_strided_slice %or3A {offsets = [0, 14848], sizes = [16, 128], strides = [1, 1]} : vector<16x32768xi32> to vector<16x128xi32>
    %slice3A_149 = vector.extract_strided_slice %or3A {offsets = [0, 14976], sizes = [16, 128], strides = [1, 1]} : vector<16x32768xi32> to vector<16x128xi32>
    %slice3A_150 = vector.extract_strided_slice %or3A {offsets = [0, 15104], sizes = [16, 128], strides = [1, 1]} : vector<16x32768xi32> to vector<16x128xi32>
    %slice3A_151 = vector.extract_strided_slice %or3A {offsets = [0, 15232], sizes = [16, 128], strides = [1, 1]} : vector<16x32768xi32> to vector<16x128xi32>
    %concatenate3A_152 = tpu.concatenate %slice3A_144, %slice3A_145, %slice3A_146, %slice3A_147, %slice3A_148, %slice3A_149, %slice3A_150, %slice3A_151 in 0 : vector<16x128xi32>, vector<16x128xi32>, vector<16x128xi32>, vector<16x128xi32>, vector<16x128xi32>, vector<16x128xi32>, vector<16x128xi32>, vector<16x128xi32> -> vector<128x128xi32>
    %transpose3A_153 = tpu.transpose %concatenate3A_152, [1, 0] : vector<128x128xi32> -> vector<128x128xi32>
    %slice3A_154 = vector.extract_strided_slice %or3A {offsets = [0, 15360], sizes = [16, 128], strides = [1, 1]} : vector<16x32768xi32> to vector<16x128xi32>
    %slice3A_155 = vector.extract_strided_slice %or3A {offsets = [0, 15488], sizes = [16, 128], strides = [1, 1]} : vector<16x32768xi32> to vector<16x128xi32>
    %slice3A_156 = vector.extract_strided_slice %or3A {offsets = [0, 15616], sizes = [16, 128], strides = [1, 1]} : vector<16x32768xi32> to vector<16x128xi32>
    %slice3A_157 = vector.extract_strided_slice %or3A {offsets = [0, 15744], sizes = [16, 128], strides = [1, 1]} : vector<16x32768xi32> to vector<16x128xi32>
    %slice3A_158 = vector.extract_strided_slice %or3A {offsets = [0, 15872], sizes = [16, 128], strides = [1, 1]} : vector<16x32768xi32> to vector<16x128xi32>
    %slice3A_159 = vector.extract_strided_slice %or3A {offsets = [0, 16000], sizes = [16, 128], strides = [1, 1]} : vector<16x32768xi32> to vector<16x128xi32>
    %slice3A_160 = vector.extract_strided_slice %or3A {offsets = [0, 16128], sizes = [16, 128], strides = [1, 1]} : vector<16x32768xi32> to vector<16x128xi32>
    %slice3A_161 = vector.extract_strided_slice %or3A {offsets = [0, 16256], sizes = [16, 128], strides = [1, 1]} : vector<16x32768xi32> to vector<16x128xi32>
    %concatenate3A_162 = tpu.concatenate %slice3A_154, %slice3A_155, %slice3A_156, %slice3A_157, %slice3A_158, %slice3A_159, %slice3A_160, %slice3A_161 in 0 : vector<16x128xi32>, vector<16x128xi32>, vector<16x128xi32>, vector<16x128xi32>, vector<16x128xi32>, vector<16x128xi32>, vector<16x128xi32>, vector<16x128xi32> -> vector<128x128xi32>
    %transpose3A_163 = tpu.transpose %concatenate3A_162, [1, 0] : vector<128x128xi32> -> vector<128x128xi32>
    %slice3A_164 = vector.extract_strided_slice %or3A {offsets = [0, 16384], sizes = [16, 128], strides = [1, 1]} : vector<16x32768xi32> to vector<16x128xi32>
    %slice3A_165 = vector.extract_strided_slice %or3A {offsets = [0, 16512], sizes = [16, 128], strides = [1, 1]} : vector<16x32768xi32> to vector<16x128xi32>
    %slice3A_166 = vector.extract_strided_slice %or3A {offsets = [0, 16640], sizes = [16, 128], strides = [1, 1]} : vector<16x32768xi32> to vector<16x128xi32>
    %slice3A_167 = vector.extract_strided_slice %or3A {offsets = [0, 16768], sizes = [16, 128], strides = [1, 1]} : vector<16x32768xi32> to vector<16x128xi32>
    %slice3A_168 = vector.extract_strided_slice %or3A {offsets = [0, 16896], sizes = [16, 128], strides = [1, 1]} : vector<16x32768xi32> to vector<16x128xi32>
    %slice3A_169 = vector.extract_strided_slice %or3A {offsets = [0, 17024], sizes = [16, 128], strides = [1, 1]} : vector<16x32768xi32> to vector<16x128xi32>
    %slice3A_170 = vector.extract_strided_slice %or3A {offsets = [0, 17152], sizes = [16, 128], strides = [1, 1]} : vector<16x32768xi32> to vector<16x128xi32>
    %slice3A_171 = vector.extract_strided_slice %or3A {offsets = [0, 17280], sizes = [16, 128], strides = [1, 1]} : vector<16x32768xi32> to vector<16x128xi32>
    %concatenate3A_172 = tpu.concatenate %slice3A_164, %slice3A_165, %slice3A_166, %slice3A_167, %slice3A_168, %slice3A_169, %slice3A_170, %slice3A_171 in 0 : vector<16x128xi32>, vector<16x128xi32>, vector<16x128xi32>, vector<16x128xi32>, vector<16x128xi32>, vector<16x128xi32>, vector<16x128xi32>, vector<16x128xi32> -> vector<128x128xi32>
    %transpose3A_173 = tpu.transpose %concatenate3A_172, [1, 0] : vector<128x128xi32> -> vector<128x128xi32>
    %slice3A_174 = vector.extract_strided_slice %or3A {offsets = [0, 17408], sizes = [16, 128], strides = [1, 1]} : vector<16x32768xi32> to vector<16x128xi32>
    %slice3A_175 = vector.extract_strided_slice %or3A {offsets = [0, 17536], sizes = [16, 128], strides = [1, 1]} : vector<16x32768xi32> to vector<16x128xi32>
    %slice3A_176 = vector.extract_strided_slice %or3A {offsets = [0, 17664], sizes = [16, 128], strides = [1, 1]} : vector<16x32768xi32> to vector<16x128xi32>
    %slice3A_177 = vector.extract_strided_slice %or3A {offsets = [0, 17792], sizes = [16, 128], strides = [1, 1]} : vector<16x32768xi32> to vector<16x128xi32>
    %slice3A_178 = vector.extract_strided_slice %or3A {offsets = [0, 17920], sizes = [16, 128], strides = [1, 1]} : vector<16x32768xi32> to vector<16x128xi32>
    %slice3A_179 = vector.extract_strided_slice %or3A {offsets = [0, 18048], sizes = [16, 128], strides = [1, 1]} : vector<16x32768xi32> to vector<16x128xi32>
    %slice3A_180 = vector.extract_strided_slice %or3A {offsets = [0, 18176], sizes = [16, 128], strides = [1, 1]} : vector<16x32768xi32> to vector<16x128xi32>
    %slice3A_181 = vector.extract_strided_slice %or3A {offsets = [0, 18304], sizes = [16, 128], strides = [1, 1]} : vector<16x32768xi32> to vector<16x128xi32>
    %concatenate3A_182 = tpu.concatenate %slice3A_174, %slice3A_175, %slice3A_176, %slice3A_177, %slice3A_178, %slice3A_179, %slice3A_180, %slice3A_181 in 0 : vector<16x128xi32>, vector<16x128xi32>, vector<16x128xi32>, vector<16x128xi32>, vector<16x128xi32>, vector<16x128xi32>, vector<16x128xi32>, vector<16x128xi32> -> vector<128x128xi32>
    %transpose3A_183 = tpu.transpose %concatenate3A_182, [1, 0] : vector<128x128xi32> -> vector<128x128xi32>
    %slice3A_184 = vector.extract_strided_slice %or3A {offsets = [0, 18432], sizes = [16, 128], strides = [1, 1]} : vector<16x32768xi32> to vector<16x128xi32>
    %slice3A_185 = vector.extract_strided_slice %or3A {offsets = [0, 18560], sizes = [16, 128], strides = [1, 1]} : vector<16x32768xi32> to vector<16x128xi32>
    %slice3A_186 = vector.extract_strided_slice %or3A {offsets = [0, 18688], sizes = [16, 128], strides = [1, 1]} : vector<16x32768xi32> to vector<16x128xi32>
    %slice3A_187 = vector.extract_strided_slice %or3A {offsets = [0, 18816], sizes = [16, 128], strides = [1, 1]} : vector<16x32768xi32> to vector<16x128xi32>
    %slice3A_188 = vector.extract_strided_slice %or3A {offsets = [0, 18944], sizes = [16, 128], strides = [1, 1]} : vector<16x32768xi32> to vector<16x128xi32>
    %slice3A_189 = vector.extract_strided_slice %or3A {offsets = [0, 19072], sizes = [16, 128], strides = [1, 1]} : vector<16x32768xi32> to vector<16x128xi32>
    %slice3A_190 = vector.extract_strided_slice %or3A {offsets = [0, 19200], sizes = [16, 128], strides = [1, 1]} : vector<16x32768xi32> to vector<16x128xi32>
    %slice3A_191 = vector.extract_strided_slice %or3A {offsets = [0, 19328], sizes = [16, 128], strides = [1, 1]} : vector<16x32768xi32> to vector<16x128xi32>
    %concatenate3A_192 = tpu.concatenate %slice3A_184, %slice3A_185, %slice3A_186, %slice3A_187, %slice3A_188, %slice3A_189, %slice3A_190, %slice3A_191 in 0 : vector<16x128xi32>, vector<16x128xi32>, vector<16x128xi32>, vector<16x128xi32>, vector<16x128xi32>, vector<16x128xi32>, vector<16x128xi32>, vector<16x128xi32> -> vector<128x128xi32>
    %transpose3A_193 = tpu.transpose %concatenate3A_192, [1, 0] : vector<128x128xi32> -> vector<128x128xi32>
    %slice3A_194 = vector.extract_strided_slice %or3A {offsets = [0, 19456], sizes = [16, 128], strides = [1, 1]} : vector<16x32768xi32> to vector<16x128xi32>
    %slice3A_195 = vector.extract_strided_slice %or3A {offsets = [0, 19584], sizes = [16, 128], strides = [1, 1]} : vector<16x32768xi32> to vector<16x128xi32>
    %slice3A_196 = vector.extract_strided_slice %or3A {offsets = [0, 19712], sizes = [16, 128], strides = [1, 1]} : vector<16x32768xi32> to vector<16x128xi32>
    %slice3A_197 = vector.extract_strided_slice %or3A {offsets = [0, 19840], sizes = [16, 128], strides = [1, 1]} : vector<16x32768xi32> to vector<16x128xi32>
    %slice3A_198 = vector.extract_strided_slice %or3A {offsets = [0, 19968], sizes = [16, 128], strides = [1, 1]} : vector<16x32768xi32> to vector<16x128xi32>
    %slice3A_199 = vector.extract_strided_slice %or3A {offsets = [0, 20096], sizes = [16, 128], strides = [1, 1]} : vector<16x32768xi32> to vector<16x128xi32>
    %slice3A_200 = vector.extract_strided_slice %or3A {offsets = [0, 20224], sizes = [16, 128], strides = [1, 1]} : vector<16x32768xi32> to vector<16x128xi32>
    %slice3A_201 = vector.extract_strided_slice %or3A {offsets = [0, 20352], sizes = [16, 128], strides = [1, 1]} : vector<16x32768xi32> to vector<16x128xi32>
    %concatenate3A_202 = tpu.concatenate %slice3A_194, %slice3A_195, %slice3A_196, %slice3A_197, %slice3A_198, %slice3A_199, %slice3A_200, %slice3A_201 in 0 : vector<16x128xi32>, vector<16x128xi32>, vector<16x128xi32>, vector<16x128xi32>, vector<16x128xi32>, vector<16x128xi32>, vector<16x128xi32>, vector<16x128xi32> -> vector<128x128xi32>
    %transpose3A_203 = tpu.transpose %concatenate3A_202, [1, 0] : vector<128x128xi32> -> vector<128x128xi32>
    %slice3A_204 = vector.extract_strided_slice %or3A {offsets = [0, 20480], sizes = [16, 128], strides = [1, 1]} : vector<16x32768xi32> to vector<16x128xi32>
    %slice3A_205 = vector.extract_strided_slice %or3A {offsets = [0, 20608], sizes = [16, 128], strides = [1, 1]} : vector<16x32768xi32> to vector<16x128xi32>
    %slice3A_206 = vector.extract_strided_slice %or3A {offsets = [0, 20736], sizes = [16, 128], strides = [1, 1]} : vector<16x32768xi32> to vector<16x128xi32>
    %slice3A_207 = vector.extract_strided_slice %or3A {offsets = [0, 20864], sizes = [16, 128], strides = [1, 1]} : vector<16x32768xi32> to vector<16x128xi32>
    %slice3A_208 = vector.extract_strided_slice %or3A {offsets = [0, 20992], sizes = [16, 128], strides = [1, 1]} : vector<16x32768xi32> to vector<16x128xi32>
    %slice3A_209 = vector.extract_strided_slice %or3A {offsets = [0, 21120], sizes = [16, 128], strides = [1, 1]} : vector<16x32768xi32> to vector<16x128xi32>
    %slice3A_210 = vector.extract_strided_slice %or3A {offsets = [0, 21248], sizes = [16, 128], strides = [1, 1]} : vector<16x32768xi32> to vector<16x128xi32>
    %slice3A_211 = vector.extract_strided_slice %or3A {offsets = [0, 21376], sizes = [16, 128], strides = [1, 1]} : vector<16x32768xi32> to vector<16x128xi32>
    %concatenate3A_212 = tpu.concatenate %slice3A_204, %slice3A_205, %slice3A_206, %slice3A_207, %slice3A_208, %slice3A_209, %slice3A_210, %slice3A_211 in 0 : vector<16x128xi32>, vector<16x128xi32>, vector<16x128xi32>, vector<16x128xi32>, vector<16x128xi32>, vector<16x128xi32>, vector<16x128xi32>, vector<16x128xi32> -> vector<128x128xi32>
    %transpose3A_213 = tpu.transpose %concatenate3A_212, [1, 0] : vector<128x128xi32> -> vector<128x128xi32>
    %slice3A_214 = vector.extract_strided_slice %or3A {offsets = [0, 21504], sizes = [16, 128], strides = [1, 1]} : vector<16x32768xi32> to vector<16x128xi32>
    %slice3A_215 = vector.extract_strided_slice %or3A {offsets = [0, 21632], sizes = [16, 128], strides = [1, 1]} : vector<16x32768xi32> to vector<16x128xi32>
    %slice3A_216 = vector.extract_strided_slice %or3A {offsets = [0, 21760], sizes = [16, 128], strides = [1, 1]} : vector<16x32768xi32> to vector<16x128xi32>
    %slice3A_217 = vector.extract_strided_slice %or3A {offsets = [0, 21888], sizes = [16, 128], strides = [1, 1]} : vector<16x32768xi32> to vector<16x128xi32>
    %slice3A_218 = vector.extract_strided_slice %or3A {offsets = [0, 22016], sizes = [16, 128], strides = [1, 1]} : vector<16x32768xi32> to vector<16x128xi32>
    %slice3A_219 = vector.extract_strided_slice %or3A {offsets = [0, 22144], sizes = [16, 128], strides = [1, 1]} : vector<16x32768xi32> to vector<16x128xi32>
    %slice3A_220 = vector.extract_strided_slice %or3A {offsets = [0, 22272], sizes = [16, 128], strides = [1, 1]} : vector<16x32768xi32> to vector<16x128xi32>
    %slice3A_221 = vector.extract_strided_slice %or3A {offsets = [0, 22400], sizes = [16, 128], strides = [1, 1]} : vector<16x32768xi32> to vector<16x128xi32>
    %concatenate3A_222 = tpu.concatenate %slice3A_214, %slice3A_215, %slice3A_216, %slice3A_217, %slice3A_218, %slice3A_219, %slice3A_220, %slice3A_221 in 0 : vector<16x128xi32>, vector<16x128xi32>, vector<16x128xi32>, vector<16x128xi32>, vector<16x128xi32>, vector<16x128xi32>, vector<16x128xi32>, vector<16x128xi32> -> vector<128x128xi32>
    %transpose3A_223 = tpu.transpose %concatenate3A_222, [1, 0] : vector<128x128xi32> -> vector<128x128xi32>
    %slice3A_224 = vector.extract_strided_slice %or3A {offsets = [0, 22528], sizes = [16, 128], strides = [1, 1]} : vector<16x32768xi32> to vector<16x128xi32>
    %slice3A_225 = vector.extract_strided_slice %or3A {offsets = [0, 22656], sizes = [16, 128], strides = [1, 1]} : vector<16x32768xi32> to vector<16x128xi32>
    %slice3A_226 = vector.extract_strided_slice %or3A {offsets = [0, 22784], sizes = [16, 128], strides = [1, 1]} : vector<16x32768xi32> to vector<16x128xi32>
    %slice3A_227 = vector.extract_strided_slice %or3A {offsets = [0, 22912], sizes = [16, 128], strides = [1, 1]} : vector<16x32768xi32> to vector<16x128xi32>
    %slice3A_228 = vector.extract_strided_slice %or3A {offsets = [0, 23040], sizes = [16, 128], strides = [1, 1]} : vector<16x32768xi32> to vector<16x128xi32>
    %slice3A_229 = vector.extract_strided_slice %or3A {offsets = [0, 23168], sizes = [16, 128], strides = [1, 1]} : vector<16x32768xi32> to vector<16x128xi32>
    %slice3A_230 = vector.extract_strided_slice %or3A {offsets = [0, 23296], sizes = [16, 128], strides = [1, 1]} : vector<16x32768xi32> to vector<16x128xi32>
    %slice3A_231 = vector.extract_strided_slice %or3A {offsets = [0, 23424], sizes = [16, 128], strides = [1, 1]} : vector<16x32768xi32> to vector<16x128xi32>
    %concatenate3A_232 = tpu.concatenate %slice3A_224, %slice3A_225, %slice3A_226, %slice3A_227, %slice3A_228, %slice3A_229, %slice3A_230, %slice3A_231 in 0 : vector<16x128xi32>, vector<16x128xi32>, vector<16x128xi32>, vector<16x128xi32>, vector<16x128xi32>, vector<16x128xi32>, vector<16x128xi32>, vector<16x128xi32> -> vector<128x128xi32>
    %transpose3A_233 = tpu.transpose %concatenate3A_232, [1, 0] : vector<128x128xi32> -> vector<128x128xi32>
    %slice3A_234 = vector.extract_strided_slice %or3A {offsets = [0, 23552], sizes = [16, 128], strides = [1, 1]} : vector<16x32768xi32> to vector<16x128xi32>
    %slice3A_235 = vector.extract_strided_slice %or3A {offsets = [0, 23680], sizes = [16, 128], strides = [1, 1]} : vector<16x32768xi32> to vector<16x128xi32>
    %slice3A_236 = vector.extract_strided_slice %or3A {offsets = [0, 23808], sizes = [16, 128], strides = [1, 1]} : vector<16x32768xi32> to vector<16x128xi32>
    %slice3A_237 = vector.extract_strided_slice %or3A {offsets = [0, 23936], sizes = [16, 128], strides = [1, 1]} : vector<16x32768xi32> to vector<16x128xi32>
    %slice3A_238 = vector.extract_strided_slice %or3A {offsets = [0, 24064], sizes = [16, 128], strides = [1, 1]} : vector<16x32768xi32> to vector<16x128xi32>
    %slice3A_239 = vector.extract_strided_slice %or3A {offsets = [0, 24192], sizes = [16, 128], strides = [1, 1]} : vector<16x32768xi32> to vector<16x128xi32>
    %slice3A_240 = vector.extract_strided_slice %or3A {offsets = [0, 24320], sizes = [16, 128], strides = [1, 1]} : vector<16x32768xi32> to vector<16x128xi32>
    %slice3A_241 = vector.extract_strided_slice %or3A {offsets = [0, 24448], sizes = [16, 128], strides = [1, 1]} : vector<16x32768xi32> to vector<16x128xi32>
    %concatenate3A_242 = tpu.concatenate %slice3A_234, %slice3A_235, %slice3A_236, %slice3A_237, %slice3A_238, %slice3A_239, %slice3A_240, %slice3A_241 in 0 : vector<16x128xi32>, vector<16x128xi32>, vector<16x128xi32>, vector<16x128xi32>, vector<16x128xi32>, vector<16x128xi32>, vector<16x128xi32>, vector<16x128xi32> -> vector<128x128xi32>
    %transpose3A_243 = tpu.transpose %concatenate3A_242, [1, 0] : vector<128x128xi32> -> vector<128x128xi32>
    %slice3A_244 = vector.extract_strided_slice %or3A {offsets = [0, 24576], sizes = [16, 128], strides = [1, 1]} : vector<16x32768xi32> to vector<16x128xi32>
    %slice3A_245 = vector.extract_strided_slice %or3A {offsets = [0, 24704], sizes = [16, 128], strides = [1, 1]} : vector<16x32768xi32> to vector<16x128xi32>
    %slice3A_246 = vector.extract_strided_slice %or3A {offsets = [0, 24832], sizes = [16, 128], strides = [1, 1]} : vector<16x32768xi32> to vector<16x128xi32>
    %slice3A_247 = vector.extract_strided_slice %or3A {offsets = [0, 24960], sizes = [16, 128], strides = [1, 1]} : vector<16x32768xi32> to vector<16x128xi32>
    %slice3A_248 = vector.extract_strided_slice %or3A {offsets = [0, 25088], sizes = [16, 128], strides = [1, 1]} : vector<16x32768xi32> to vector<16x128xi32>
    %slice3A_249 = vector.extract_strided_slice %or3A {offsets = [0, 25216], sizes = [16, 128], strides = [1, 1]} : vector<16x32768xi32> to vector<16x128xi32>
    %slice3A_250 = vector.extract_strided_slice %or3A {offsets = [0, 25344], sizes = [16, 128], strides = [1, 1]} : vector<16x32768xi32> to vector<16x128xi32>
    %slice3A_251 = vector.extract_strided_slice %or3A {offsets = [0, 25472], sizes = [16, 128], strides = [1, 1]} : vector<16x32768xi32> to vector<16x128xi32>
    %concatenate3A_252 = tpu.concatenate %slice3A_244, %slice3A_245, %slice3A_246, %slice3A_247, %slice3A_248, %slice3A_249, %slice3A_250, %slice3A_251 in 0 : vector<16x128xi32>, vector<16x128xi32>, vector<16x128xi32>, vector<16x128xi32>, vector<16x128xi32>, vector<16x128xi32>, vector<16x128xi32>, vector<16x128xi32> -> vector<128x128xi32>
    %transpose3A_253 = tpu.transpose %concatenate3A_252, [1, 0] : vector<128x128xi32> -> vector<128x128xi32>
    %slice3A_254 = vector.extract_strided_slice %or3A {offsets = [0, 25600], sizes = [16, 128], strides = [1, 1]} : vector<16x32768xi32> to vector<16x128xi32>
    %slice3A_255 = vector.extract_strided_slice %or3A {offsets = [0, 25728], sizes = [16, 128], strides = [1, 1]} : vector<16x32768xi32> to vector<16x128xi32>
    %slice3A_256 = vector.extract_strided_slice %or3A {offsets = [0, 25856], sizes = [16, 128], strides = [1, 1]} : vector<16x32768xi32> to vector<16x128xi32>
    %slice3A_257 = vector.extract_strided_slice %or3A {offsets = [0, 25984], sizes = [16, 128], strides = [1, 1]} : vector<16x32768xi32> to vector<16x128xi32>
    %slice3A_258 = vector.extract_strided_slice %or3A {offsets = [0, 26112], sizes = [16, 128], strides = [1, 1]} : vector<16x32768xi32> to vector<16x128xi32>
    %slice3A_259 = vector.extract_strided_slice %or3A {offsets = [0, 26240], sizes = [16, 128], strides = [1, 1]} : vector<16x32768xi32> to vector<16x128xi32>
    %slice3A_260 = vector.extract_strided_slice %or3A {offsets = [0, 26368], sizes = [16, 128], strides = [1, 1]} : vector<16x32768xi32> to vector<16x128xi32>
    %slice3A_261 = vector.extract_strided_slice %or3A {offsets = [0, 26496], sizes = [16, 128], strides = [1, 1]} : vector<16x32768xi32> to vector<16x128xi32>
    %concatenate3A_262 = tpu.concatenate %slice3A_254, %slice3A_255, %slice3A_256, %slice3A_257, %slice3A_258, %slice3A_259, %slice3A_260, %slice3A_261 in 0 : vector<16x128xi32>, vector<16x128xi32>, vector<16x128xi32>, vector<16x128xi32>, vector<16x128xi32>, vector<16x128xi32>, vector<16x128xi32>, vector<16x128xi32> -> vector<128x128xi32>
    %transpose3A_263 = tpu.transpose %concatenate3A_262, [1, 0] : vector<128x128xi32> -> vector<128x128xi32>
    %slice3A_264 = vector.extract_strided_slice %or3A {offsets = [0, 26624], sizes = [16, 128], strides = [1, 1]} : vector<16x32768xi32> to vector<16x128xi32>
    %slice3A_265 = vector.extract_strided_slice %or3A {offsets = [0, 26752], sizes = [16, 128], strides = [1, 1]} : vector<16x32768xi32> to vector<16x128xi32>
    %slice3A_266 = vector.extract_strided_slice %or3A {offsets = [0, 26880], sizes = [16, 128], strides = [1, 1]} : vector<16x32768xi32> to vector<16x128xi32>
    %slice3A_267 = vector.extract_strided_slice %or3A {offsets = [0, 27008], sizes = [16, 128], strides = [1, 1]} : vector<16x32768xi32> to vector<16x128xi32>
    %slice3A_268 = vector.extract_strided_slice %or3A {offsets = [0, 27136], sizes = [16, 128], strides = [1, 1]} : vector<16x32768xi32> to vector<16x128xi32>
    %slice3A_269 = vector.extract_strided_slice %or3A {offsets = [0, 27264], sizes = [16, 128], strides = [1, 1]} : vector<16x32768xi32> to vector<16x128xi32>
    %slice3A_270 = vector.extract_strided_slice %or3A {offsets = [0, 27392], sizes = [16, 128], strides = [1, 1]} : vector<16x32768xi32> to vector<16x128xi32>
    %slice3A_271 = vector.extract_strided_slice %or3A {offsets = [0, 27520], sizes = [16, 128], strides = [1, 1]} : vector<16x32768xi32> to vector<16x128xi32>
    %concatenate3A_272 = tpu.concatenate %slice3A_264, %slice3A_265, %slice3A_266, %slice3A_267, %slice3A_268, %slice3A_269, %slice3A_270, %slice3A_271 in 0 : vector<16x128xi32>, vector<16x128xi32>, vector<16x128xi32>, vector<16x128xi32>, vector<16x128xi32>, vector<16x128xi32>, vector<16x128xi32>, vector<16x128xi32> -> vector<128x128xi32>
    %transpose3A_273 = tpu.transpose %concatenate3A_272, [1, 0] : vector<128x128xi32> -> vector<128x128xi32>
    %slice3A_274 = vector.extract_strided_slice %or3A {offsets = [0, 27648], sizes = [16, 128], strides = [1, 1]} : vector<16x32768xi32> to vector<16x128xi32>
    %slice3A_275 = vector.extract_strided_slice %or3A {offsets = [0, 27776], sizes = [16, 128], strides = [1, 1]} : vector<16x32768xi32> to vector<16x128xi32>
    %slice3A_276 = vector.extract_strided_slice %or3A {offsets = [0, 27904], sizes = [16, 128], strides = [1, 1]} : vector<16x32768xi32> to vector<16x128xi32>
    %slice3A_277 = vector.extract_strided_slice %or3A {offsets = [0, 28032], sizes = [16, 128], strides = [1, 1]} : vector<16x32768xi32> to vector<16x128xi32>
    %slice3A_278 = vector.extract_strided_slice %or3A {offsets = [0, 28160], sizes = [16, 128], strides = [1, 1]} : vector<16x32768xi32> to vector<16x128xi32>
    %slice3A_279 = vector.extract_strided_slice %or3A {offsets = [0, 28288], sizes = [16, 128], strides = [1, 1]} : vector<16x32768xi32> to vector<16x128xi32>
    %slice3A_280 = vector.extract_strided_slice %or3A {offsets = [0, 28416], sizes = [16, 128], strides = [1, 1]} : vector<16x32768xi32> to vector<16x128xi32>
    %slice3A_281 = vector.extract_strided_slice %or3A {offsets = [0, 28544], sizes = [16, 128], strides = [1, 1]} : vector<16x32768xi32> to vector<16x128xi32>
    %concatenate3A_282 = tpu.concatenate %slice3A_274, %slice3A_275, %slice3A_276, %slice3A_277, %slice3A_278, %slice3A_279, %slice3A_280, %slice3A_281 in 0 : vector<16x128xi32>, vector<16x128xi32>, vector<16x128xi32>, vector<16x128xi32>, vector<16x128xi32>, vector<16x128xi32>, vector<16x128xi32>, vector<16x128xi32> -> vector<128x128xi32>
    %transpose3A_283 = tpu.transpose %concatenate3A_282, [1, 0] : vector<128x128xi32> -> vector<128x128xi32>
    %slice3A_284 = vector.extract_strided_slice %or3A {offsets = [0, 28672], sizes = [16, 128], strides = [1, 1]} : vector<16x32768xi32> to vector<16x128xi32>
    %slice3A_285 = vector.extract_strided_slice %or3A {offsets = [0, 28800], sizes = [16, 128], strides = [1, 1]} : vector<16x32768xi32> to vector<16x128xi32>
    %slice3A_286 = vector.extract_strided_slice %or3A {offsets = [0, 28928], sizes = [16, 128], strides = [1, 1]} : vector<16x32768xi32> to vector<16x128xi32>
    %slice3A_287 = vector.extract_strided_slice %or3A {offsets = [0, 29056], sizes = [16, 128], strides = [1, 1]} : vector<16x32768xi32> to vector<16x128xi32>
    %slice3A_288 = vector.extract_strided_slice %or3A {offsets = [0, 29184], sizes = [16, 128], strides = [1, 1]} : vector<16x32768xi32> to vector<16x128xi32>
    %slice3A_289 = vector.extract_strided_slice %or3A {offsets = [0, 29312], sizes = [16, 128], strides = [1, 1]} : vector<16x32768xi32> to vector<16x128xi32>
    %slice3A_290 = vector.extract_strided_slice %or3A {offsets = [0, 29440], sizes = [16, 128], strides = [1, 1]} : vector<16x32768xi32> to vector<16x128xi32>
    %slice3A_291 = vector.extract_strided_slice %or3A {offsets = [0, 29568], sizes = [16, 128], strides = [1, 1]} : vector<16x32768xi32> to vector<16x128xi32>
    %concatenate3A_292 = tpu.concatenate %slice3A_284, %slice3A_285, %slice3A_286, %slice3A_287, %slice3A_288, %slice3A_289, %slice3A_290, %slice3A_291 in 0 : vector<16x128xi32>, vector<16x128xi32>, vector<16x128xi32>, vector<16x128xi32>, vector<16x128xi32>, vector<16x128xi32>, vector<16x128xi32>, vector<16x128xi32> -> vector<128x128xi32>
    %transpose3A_293 = tpu.transpose %concatenate3A_292, [1, 0] : vector<128x128xi32> -> vector<128x128xi32>
    %slice3A_294 = vector.extract_strided_slice %or3A {offsets = [0, 29696], sizes = [16, 128], strides = [1, 1]} : vector<16x32768xi32> to vector<16x128xi32>
    %slice3A_295 = vector.extract_strided_slice %or3A {offsets = [0, 29824], sizes = [16, 128], strides = [1, 1]} : vector<16x32768xi32> to vector<16x128xi32>
    %slice3A_296 = vector.extract_strided_slice %or3A {offsets = [0, 29952], sizes = [16, 128], strides = [1, 1]} : vector<16x32768xi32> to vector<16x128xi32>
    %slice3A_297 = vector.extract_strided_slice %or3A {offsets = [0, 30080], sizes = [16, 128], strides = [1, 1]} : vector<16x32768xi32> to vector<16x128xi32>
    %slice3A_298 = vector.extract_strided_slice %or3A {offsets = [0, 30208], sizes = [16, 128], strides = [1, 1]} : vector<16x32768xi32> to vector<16x128xi32>
    %slice3A_299 = vector.extract_strided_slice %or3A {offsets = [0, 30336], sizes = [16, 128], strides = [1, 1]} : vector<16x32768xi32> to vector<16x128xi32>
    %slice3A_300 = vector.extract_strided_slice %or3A {offsets = [0, 30464], sizes = [16, 128], strides = [1, 1]} : vector<16x32768xi32> to vector<16x128xi32>
    %slice3A_301 = vector.extract_strided_slice %or3A {offsets = [0, 30592], sizes = [16, 128], strides = [1, 1]} : vector<16x32768xi32> to vector<16x128xi32>
    %concatenate3A_302 = tpu.concatenate %slice3A_294, %slice3A_295, %slice3A_296, %slice3A_297, %slice3A_298, %slice3A_299, %slice3A_300, %slice3A_301 in 0 : vector<16x128xi32>, vector<16x128xi32>, vector<16x128xi32>, vector<16x128xi32>, vector<16x128xi32>, vector<16x128xi32>, vector<16x128xi32>, vector<16x128xi32> -> vector<128x128xi32>
    %transpose3A_303 = tpu.transpose %concatenate3A_302, [1, 0] : vector<128x128xi32> -> vector<128x128xi32>
    %slice3A_304 = vector.extract_strided_slice %or3A {offsets = [0, 30720], sizes = [16, 128], strides = [1, 1]} : vector<16x32768xi32> to vector<16x128xi32>
    %slice3A_305 = vector.extract_strided_slice %or3A {offsets = [0, 30848], sizes = [16, 128], strides = [1, 1]} : vector<16x32768xi32> to vector<16x128xi32>
    %slice3A_306 = vector.extract_strided_slice %or3A {offsets = [0, 30976], sizes = [16, 128], strides = [1, 1]} : vector<16x32768xi32> to vector<16x128xi32>
    %slice3A_307 = vector.extract_strided_slice %or3A {offsets = [0, 31104], sizes = [16, 128], strides = [1, 1]} : vector<16x32768xi32> to vector<16x128xi32>
    %slice3A_308 = vector.extract_strided_slice %or3A {offsets = [0, 31232], sizes = [16, 128], strides = [1, 1]} : vector<16x32768xi32> to vector<16x128xi32>
    %slice3A_309 = vector.extract_strided_slice %or3A {offsets = [0, 31360], sizes = [16, 128], strides = [1, 1]} : vector<16x32768xi32> to vector<16x128xi32>
    %slice3A_310 = vector.extract_strided_slice %or3A {offsets = [0, 31488], sizes = [16, 128], strides = [1, 1]} : vector<16x32768xi32> to vector<16x128xi32>
    %slice3A_311 = vector.extract_strided_slice %or3A {offsets = [0, 31616], sizes = [16, 128], strides = [1, 1]} : vector<16x32768xi32> to vector<16x128xi32>
    %concatenate3A_312 = tpu.concatenate %slice3A_304, %slice3A_305, %slice3A_306, %slice3A_307, %slice3A_308, %slice3A_309, %slice3A_310, %slice3A_311 in 0 : vector<16x128xi32>, vector<16x128xi32>, vector<16x128xi32>, vector<16x128xi32>, vector<16x128xi32>, vector<16x128xi32>, vector<16x128xi32>, vector<16x128xi32> -> vector<128x128xi32>
    %transpose3A_313 = tpu.transpose %concatenate3A_312, [1, 0] : vector<128x128xi32> -> vector<128x128xi32>
    %slice3A_314 = vector.extract_strided_slice %or3A {offsets = [0, 31744], sizes = [16, 128], strides = [1, 1]} : vector<16x32768xi32> to vector<16x128xi32>
    %slice3A_315 = vector.extract_strided_slice %or3A {offsets = [0, 31872], sizes = [16, 128], strides = [1, 1]} : vector<16x32768xi32> to vector<16x128xi32>
    %slice3A_316 = vector.extract_strided_slice %or3A {offsets = [0, 32000], sizes = [16, 128], strides = [1, 1]} : vector<16x32768xi32> to vector<16x128xi32>
    %slice3A_317 = vector.extract_strided_slice %or3A {offsets = [0, 32128], sizes = [16, 128], strides = [1, 1]} : vector<16x32768xi32> to vector<16x128xi32>
    %slice3A_318 = vector.extract_strided_slice %or3A {offsets = [0, 32256], sizes = [16, 128], strides = [1, 1]} : vector<16x32768xi32> to vector<16x128xi32>
    %slice3A_319 = vector.extract_strided_slice %or3A {offsets = [0, 32384], sizes = [16, 128], strides = [1, 1]} : vector<16x32768xi32> to vector<16x128xi32>
    %slice3A_320 = vector.extract_strided_slice %or3A {offsets = [0, 32512], sizes = [16, 128], strides = [1, 1]} : vector<16x32768xi32> to vector<16x128xi32>
    %slice3A_321 = vector.extract_strided_slice %or3A {offsets = [0, 32640], sizes = [16, 128], strides = [1, 1]} : vector<16x32768xi32> to vector<16x128xi32>
    %concatenate3A_322 = tpu.concatenate %slice3A_314, %slice3A_315, %slice3A_316, %slice3A_317, %slice3A_318, %slice3A_319, %slice3A_320, %slice3A_321 in 0 : vector<16x128xi32>, vector<16x128xi32>, vector<16x128xi32>, vector<16x128xi32>, vector<16x128xi32>, vector<16x128xi32>, vector<16x128xi32>, vector<16x128xi32> -> vector<128x128xi32>
    %transpose3A_323 = tpu.transpose %concatenate3A_322, [1, 0] : vector<128x128xi32> -> vector<128x128xi32>
    %concatenate3A_324 = tpu.concatenate %transpose3A, %transpose3A_23, %transpose3A_33, %transpose3A_43, %transpose3A_53, %transpose3A_63, %transpose3A_73, %transpose3A_83, %transpose3A_93, %transpose3A_103, %transpose3A_113, %transpose3A_123, %transpose3A_133, %transpose3A_143, %transpose3A_153, %transpose3A_163, %transpose3A_173, %transpose3A_183, %transpose3A_193, %transpose3A_203, %transpose3A_213, %transpose3A_223, %transpose3A_233, %transpose3A_243, %transpose3A_253, %transpose3A_263, %transpose3A_273, %transpose3A_283, %transpose3A_293, %transpose3A_303, %transpose3A_313, %transpose3A_323 in 0 : vector<128x128xi32>, vector<128x128xi32>, vector<128x128xi32>, vector<128x128xi32>, vector<128x128xi32>, vector<128x128xi32>, vector<128x128xi32>, vector<128x128xi32>, vector<128x128xi32>, vector<128x128xi32>, vector<128x128xi32>, vector<128x128xi32>, vector<128x128xi32>, vector<128x128xi32>, vector<128x128xi32>, vector<128x128xi32>, vector<128x128xi32>, vector<128x128xi32>, vector<128x128xi32>, vector<128x128xi32>, vector<128x128xi32>, vector<128x128xi32>, vector<128x128xi32>, vector<128x128xi32>, vector<128x128xi32>, vector<128x128xi32>, vector<128x128xi32>, vector<128x128xi32>, vector<128x128xi32>, vector<128x128xi32>, vector<128x128xi32>, vector<128x128xi32> -> vector<4096x128xi32>
    %swap3A = arith.constant 0 : index
    %swap3A_325 = arith.constant 0 : index
    %swap3A_326 = vector.load %arg4[%swap3A, %swap3A_325] : memref<4096x128xi32, #tpu.memory_space<vmem>>, vector<4096x128xi32>
    tpu.vector_store %arg4[%swap3A, %swap3A_325], %concatenate3A_324 {strides = array<i32>} : memref<4096x128xi32, #tpu.memory_space<vmem>>, vector<4096x128xi32>,
    %get3A_327 = arith.constant 0 : index
    %get3A_328 = arith.constant 0 : index
    %get3A_329 = vector.load %arg3[%get3A_327, %get3A_328] : memref<16x32768xf32, #tpu.memory_space<vmem>>, vector<16x32768xf32>
    %slice3A_330 = vector.extract_strided_slice %get3A_329 {offsets = [0, 0], sizes = [16, 128], strides = [1, 1]} : vector<16x32768xf32> to vector<16x128xf32>
    %slice3A_331 = vector.extract_strided_slice %get3A_329 {offsets = [0, 128], sizes = [16, 128], strides = [1, 1]} : vector<16x32768xf32> to vector<16x128xf32>
    %slice3A_332 = vector.extract_strided_slice %get3A_329 {offsets = [0, 256], sizes = [16, 128], strides = [1, 1]} : vector<16x32768xf32> to vector<16x128xf32>
    %slice3A_333 = vector.extract_strided_slice %get3A_329 {offsets = [0, 384], sizes = [16, 128], strides = [1, 1]} : vector<16x32768xf32> to vector<16x128xf32>
    %slice3A_334 = vector.extract_strided_slice %get3A_329 {offsets = [0, 512], sizes = [16, 128], strides = [1, 1]} : vector<16x32768xf32> to vector<16x128xf32>
    %slice3A_335 = vector.extract_strided_slice %get3A_329 {offsets = [0, 640], sizes = [16, 128], strides = [1, 1]} : vector<16x32768xf32> to vector<16x128xf32>
    %slice3A_336 = vector.extract_strided_slice %get3A_329 {offsets = [0, 768], sizes = [16, 128], strides = [1, 1]} : vector<16x32768xf32> to vector<16x128xf32>
    %slice3A_337 = vector.extract_strided_slice %get3A_329 {offsets = [0, 896], sizes = [16, 128], strides = [1, 1]} : vector<16x32768xf32> to vector<16x128xf32>
    %concatenate3A_338 = tpu.concatenate %slice3A_330, %slice3A_331, %slice3A_332, %slice3A_333, %slice3A_334, %slice3A_335, %slice3A_336, %slice3A_337 in 0 : vector<16x128xf32>, vector<16x128xf32>, vector<16x128xf32>, vector<16x128xf32>, vector<16x128xf32>, vector<16x128xf32>, vector<16x128xf32>, vector<16x128xf32> -> vector<128x128xf32>
    %transpose3A_339 = tpu.transpose %concatenate3A_338, [1, 0] : vector<128x128xf32> -> vector<128x128xf32>
    %slice3A_340 = vector.extract_strided_slice %get3A_329 {offsets = [0, 1024], sizes = [16, 128], strides = [1, 1]} : vector<16x32768xf32> to vector<16x128xf32>
    %slice3A_341 = vector.extract_strided_slice %get3A_329 {offsets = [0, 1152], sizes = [16, 128], strides = [1, 1]} : vector<16x32768xf32> to vector<16x128xf32>
    %slice3A_342 = vector.extract_strided_slice %get3A_329 {offsets = [0, 1280], sizes = [16, 128], strides = [1, 1]} : vector<16x32768xf32> to vector<16x128xf32>
    %slice3A_343 = vector.extract_strided_slice %get3A_329 {offsets = [0, 1408], sizes = [16, 128], strides = [1, 1]} : vector<16x32768xf32> to vector<16x128xf32>
    %slice3A_344 = vector.extract_strided_slice %get3A_329 {offsets = [0, 1536], sizes = [16, 128], strides = [1, 1]} : vector<16x32768xf32> to vector<16x128xf32>
    %slice3A_345 = vector.extract_strided_slice %get3A_329 {offsets = [0, 1664], sizes = [16, 128], strides = [1, 1]} : vector<16x32768xf32> to vector<16x128xf32>
    %slice3A_346 = vector.extract_strided_slice %get3A_329 {offsets = [0, 1792], sizes = [16, 128], strides = [1, 1]} : vector<16x32768xf32> to vector<16x128xf32>
    %slice3A_347 = vector.extract_strided_slice %get3A_329 {offsets = [0, 1920], sizes = [16, 128], strides = [1, 1]} : vector<16x32768xf32> to vector<16x128xf32>
    %concatenate3A_348 = tpu.concatenate %slice3A_340, %slice3A_341, %slice3A_342, %slice3A_343, %slice3A_344, %slice3A_345, %slice3A_346, %slice3A_347 in 0 : vector<16x128xf32>, vector<16x128xf32>, vector<16x128xf32>, vector<16x128xf32>, vector<16x128xf32>, vector<16x128xf32>, vector<16x128xf32>, vector<16x128xf32> -> vector<128x128xf32>
    %transpose3A_349 = tpu.transpose %concatenate3A_348, [1, 0] : vector<128x128xf32> -> vector<128x128xf32>
    %slice3A_350 = vector.extract_strided_slice %get3A_329 {offsets = [0, 2048], sizes = [16, 128], strides = [1, 1]} : vector<16x32768xf32> to vector<16x128xf32>
    %slice3A_351 = vector.extract_strided_slice %get3A_329 {offsets = [0, 2176], sizes = [16, 128], strides = [1, 1]} : vector<16x32768xf32> to vector<16x128xf32>
    %slice3A_352 = vector.extract_strided_slice %get3A_329 {offsets = [0, 2304], sizes = [16, 128], strides = [1, 1]} : vector<16x32768xf32> to vector<16x128xf32>
    %slice3A_353 = vector.extract_strided_slice %get3A_329 {offsets = [0, 2432], sizes = [16, 128], strides = [1, 1]} : vector<16x32768xf32> to vector<16x128xf32>
    %slice3A_354 = vector.extract_strided_slice %get3A_329 {offsets = [0, 2560], sizes = [16, 128], strides = [1, 1]} : vector<16x32768xf32> to vector<16x128xf32>
    %slice3A_355 = vector.extract_strided_slice %get3A_329 {offsets = [0, 2688], sizes = [16, 128], strides = [1, 1]} : vector<16x32768xf32> to vector<16x128xf32>
    %slice3A_356 = vector.extract_strided_slice %get3A_329 {offsets = [0, 2816], sizes = [16, 128], strides = [1, 1]} : vector<16x32768xf32> to vector<16x128xf32>
    %slice3A_357 = vector.extract_strided_slice %get3A_329 {offsets = [0, 2944], sizes = [16, 128], strides = [1, 1]} : vector<16x32768xf32> to vector<16x128xf32>
    %concatenate3A_358 = tpu.concatenate %slice3A_350, %slice3A_351, %slice3A_352, %slice3A_353, %slice3A_354, %slice3A_355, %slice3A_356, %slice3A_357 in 0 : vector<16x128xf32>, vector<16x128xf32>, vector<16x128xf32>, vector<16x128xf32>, vector<16x128xf32>, vector<16x128xf32>, vector<16x128xf32>, vector<16x128xf32> -> vector<128x128xf32>
    %transpose3A_359 = tpu.transpose %concatenate3A_358, [1, 0] : vector<128x128xf32> -> vector<128x128xf32>
    %slice3A_360 = vector.extract_strided_slice %get3A_329 {offsets = [0, 3072], sizes = [16, 128], strides = [1, 1]} : vector<16x32768xf32> to vector<16x128xf32>
    %slice3A_361 = vector.extract_strided_slice %get3A_329 {offsets = [0, 3200], sizes = [16, 128], strides = [1, 1]} : vector<16x32768xf32> to vector<16x128xf32>
    %slice3A_362 = vector.extract_strided_slice %get3A_329 {offsets = [0, 3328], sizes = [16, 128], strides = [1, 1]} : vector<16x32768xf32> to vector<16x128xf32>
    %slice3A_363 = vector.extract_strided_slice %get3A_329 {offsets = [0, 3456], sizes = [16, 128], strides = [1, 1]} : vector<16x32768xf32> to vector<16x128xf32>
    %slice3A_364 = vector.extract_strided_slice %get3A_329 {offsets = [0, 3584], sizes = [16, 128], strides = [1, 1]} : vector<16x32768xf32> to vector<16x128xf32>
    %slice3A_365 = vector.extract_strided_slice %get3A_329 {offsets = [0, 3712], sizes = [16, 128], strides = [1, 1]} : vector<16x32768xf32> to vector<16x128xf32>
    %slice3A_366 = vector.extract_strided_slice %get3A_329 {offsets = [0, 3840], sizes = [16, 128], strides = [1, 1]} : vector<16x32768xf32> to vector<16x128xf32>
    %slice3A_367 = vector.extract_strided_slice %get3A_329 {offsets = [0, 3968], sizes = [16, 128], strides = [1, 1]} : vector<16x32768xf32> to vector<16x128xf32>
    %concatenate3A_368 = tpu.concatenate %slice3A_360, %slice3A_361, %slice3A_362, %slice3A_363, %slice3A_364, %slice3A_365, %slice3A_366, %slice3A_367 in 0 : vector<16x128xf32>, vector<16x128xf32>, vector<16x128xf32>, vector<16x128xf32>, vector<16x128xf32>, vector<16x128xf32>, vector<16x128xf32>, vector<16x128xf32> -> vector<128x128xf32>
    %transpose3A_369 = tpu.transpose %concatenate3A_368, [1, 0] : vector<128x128xf32> -> vector<128x128xf32>
    %slice3A_370 = vector.extract_strided_slice %get3A_329 {offsets = [0, 4096], sizes = [16, 128], strides = [1, 1]} : vector<16x32768xf32> to vector<16x128xf32>
    %slice3A_371 = vector.extract_strided_slice %get3A_329 {offsets = [0, 4224], sizes = [16, 128], strides = [1, 1]} : vector<16x32768xf32> to vector<16x128xf32>
    %slice3A_372 = vector.extract_strided_slice %get3A_329 {offsets = [0, 4352], sizes = [16, 128], strides = [1, 1]} : vector<16x32768xf32> to vector<16x128xf32>
    %slice3A_373 = vector.extract_strided_slice %get3A_329 {offsets = [0, 4480], sizes = [16, 128], strides = [1, 1]} : vector<16x32768xf32> to vector<16x128xf32>
    %slice3A_374 = vector.extract_strided_slice %get3A_329 {offsets = [0, 4608], sizes = [16, 128], strides = [1, 1]} : vector<16x32768xf32> to vector<16x128xf32>
    %slice3A_375 = vector.extract_strided_slice %get3A_329 {offsets = [0, 4736], sizes = [16, 128], strides = [1, 1]} : vector<16x32768xf32> to vector<16x128xf32>
    %slice3A_376 = vector.extract_strided_slice %get3A_329 {offsets = [0, 4864], sizes = [16, 128], strides = [1, 1]} : vector<16x32768xf32> to vector<16x128xf32>
    %slice3A_377 = vector.extract_strided_slice %get3A_329 {offsets = [0, 4992], sizes = [16, 128], strides = [1, 1]} : vector<16x32768xf32> to vector<16x128xf32>
    %concatenate3A_378 = tpu.concatenate %slice3A_370, %slice3A_371, %slice3A_372, %slice3A_373, %slice3A_374, %slice3A_375, %slice3A_376, %slice3A_377 in 0 : vector<16x128xf32>, vector<16x128xf32>, vector<16x128xf32>, vector<16x128xf32>, vector<16x128xf32>, vector<16x128xf32>, vector<16x128xf32>, vector<16x128xf32> -> vector<128x128xf32>
    %transpose3A_379 = tpu.transpose %concatenate3A_378, [1, 0] : vector<128x128xf32> -> vector<128x128xf32>
    %slice3A_380 = vector.extract_strided_slice %get3A_329 {offsets = [0, 5120], sizes = [16, 128], strides = [1, 1]} : vector<16x32768xf32> to vector<16x128xf32>
    %slice3A_381 = vector.extract_strided_slice %get3A_329 {offsets = [0, 5248], sizes = [16, 128], strides = [1, 1]} : vector<16x32768xf32> to vector<16x128xf32>
    %slice3A_382 = vector.extract_strided_slice %get3A_329 {offsets = [0, 5376], sizes = [16, 128], strides = [1, 1]} : vector<16x32768xf32> to vector<16x128xf32>
    %slice3A_383 = vector.extract_strided_slice %get3A_329 {offsets = [0, 5504], sizes = [16, 128], strides = [1, 1]} : vector<16x32768xf32> to vector<16x128xf32>
    %slice3A_384 = vector.extract_strided_slice %get3A_329 {offsets = [0, 5632], sizes = [16, 128], strides = [1, 1]} : vector<16x32768xf32> to vector<16x128xf32>
    %slice3A_385 = vector.extract_strided_slice %get3A_329 {offsets = [0, 5760], sizes = [16, 128], strides = [1, 1]} : vector<16x32768xf32> to vector<16x128xf32>
    %slice3A_386 = vector.extract_strided_slice %get3A_329 {offsets = [0, 5888], sizes = [16, 128], strides = [1, 1]} : vector<16x32768xf32> to vector<16x128xf32>
    %slice3A_387 = vector.extract_strided_slice %get3A_329 {offsets = [0, 6016], sizes = [16, 128], strides = [1, 1]} : vector<16x32768xf32> to vector<16x128xf32>
    %concatenate3A_388 = tpu.concatenate %slice3A_380, %slice3A_381, %slice3A_382, %slice3A_383, %slice3A_384, %slice3A_385, %slice3A_386, %slice3A_387 in 0 : vector<16x128xf32>, vector<16x128xf32>, vector<16x128xf32>, vector<16x128xf32>, vector<16x128xf32>, vector<16x128xf32>, vector<16x128xf32>, vector<16x128xf32> -> vector<128x128xf32>
    %transpose3A_389 = tpu.transpose %concatenate3A_388, [1, 0] : vector<128x128xf32> -> vector<128x128xf32>
    %slice3A_390 = vector.extract_strided_slice %get3A_329 {offsets = [0, 6144], sizes = [16, 128], strides = [1, 1]} : vector<16x32768xf32> to vector<16x128xf32>
    %slice3A_391 = vector.extract_strided_slice %get3A_329 {offsets = [0, 6272], sizes = [16, 128], strides = [1, 1]} : vector<16x32768xf32> to vector<16x128xf32>
    %slice3A_392 = vector.extract_strided_slice %get3A_329 {offsets = [0, 6400], sizes = [16, 128], strides = [1, 1]} : vector<16x32768xf32> to vector<16x128xf32>
    %slice3A_393 = vector.extract_strided_slice %get3A_329 {offsets = [0, 6528], sizes = [16, 128], strides = [1, 1]} : vector<16x32768xf32> to vector<16x128xf32>
    %slice3A_394 = vector.extract_strided_slice %get3A_329 {offsets = [0, 6656], sizes = [16, 128], strides = [1, 1]} : vector<16x32768xf32> to vector<16x128xf32>
    %slice3A_395 = vector.extract_strided_slice %get3A_329 {offsets = [0, 6784], sizes = [16, 128], strides = [1, 1]} : vector<16x32768xf32> to vector<16x128xf32>
    %slice3A_396 = vector.extract_strided_slice %get3A_329 {offsets = [0, 6912], sizes = [16, 128], strides = [1, 1]} : vector<16x32768xf32> to vector<16x128xf32>
    %slice3A_397 = vector.extract_strided_slice %get3A_329 {offsets = [0, 7040], sizes = [16, 128], strides = [1, 1]} : vector<16x32768xf32> to vector<16x128xf32>
    %concatenate3A_398 = tpu.concatenate %slice3A_390, %slice3A_391, %slice3A_392, %slice3A_393, %slice3A_394, %slice3A_395, %slice3A_396, %slice3A_397 in 0 : vector<16x128xf32>, vector<16x128xf32>, vector<16x128xf32>, vector<16x128xf32>, vector<16x128xf32>, vector<16x128xf32>, vector<16x128xf32>, vector<16x128xf32> -> vector<128x128xf32>
    %transpose3A_399 = tpu.transpose %concatenate3A_398, [1, 0] : vector<128x128xf32> -> vector<128x128xf32>
    %slice3A_400 = vector.extract_strided_slice %get3A_329 {offsets = [0, 7168], sizes = [16, 128], strides = [1, 1]} : vector<16x32768xf32> to vector<16x128xf32>
    %slice3A_401 = vector.extract_strided_slice %get3A_329 {offsets = [0, 7296], sizes = [16, 128], strides = [1, 1]} : vector<16x32768xf32> to vector<16x128xf32>
    %slice3A_402 = vector.extract_strided_slice %get3A_329 {offsets = [0, 7424], sizes = [16, 128], strides = [1, 1]} : vector<16x32768xf32> to vector<16x128xf32>
    %slice3A_403 = vector.extract_strided_slice %get3A_329 {offsets = [0, 7552], sizes = [16, 128], strides = [1, 1]} : vector<16x32768xf32> to vector<16x128xf32>
    %slice3A_404 = vector.extract_strided_slice %get3A_329 {offsets = [0, 7680], sizes = [16, 128], strides = [1, 1]} : vector<16x32768xf32> to vector<16x128xf32>
    %slice3A_405 = vector.extract_strided_slice %get3A_329 {offsets = [0, 7808], sizes = [16, 128], strides = [1, 1]} : vector<16x32768xf32> to vector<16x128xf32>
    %slice3A_406 = vector.extract_strided_slice %get3A_329 {offsets = [0, 7936], sizes = [16, 128], strides = [1, 1]} : vector<16x32768xf32> to vector<16x128xf32>
    %slice3A_407 = vector.extract_strided_slice %get3A_329 {offsets = [0, 8064], sizes = [16, 128], strides = [1, 1]} : vector<16x32768xf32> to vector<16x128xf32>
    %concatenate3A_408 = tpu.concatenate %slice3A_400, %slice3A_401, %slice3A_402, %slice3A_403, %slice3A_404, %slice3A_405, %slice3A_406, %slice3A_407 in 0 : vector<16x128xf32>, vector<16x128xf32>, vector<16x128xf32>, vector<16x128xf32>, vector<16x128xf32>, vector<16x128xf32>, vector<16x128xf32>, vector<16x128xf32> -> vector<128x128xf32>
    %transpose3A_409 = tpu.transpose %concatenate3A_408, [1, 0] : vector<128x128xf32> -> vector<128x128xf32>
    %slice3A_410 = vector.extract_strided_slice %get3A_329 {offsets = [0, 8192], sizes = [16, 128], strides = [1, 1]} : vector<16x32768xf32> to vector<16x128xf32>
    %slice3A_411 = vector.extract_strided_slice %get3A_329 {offsets = [0, 8320], sizes = [16, 128], strides = [1, 1]} : vector<16x32768xf32> to vector<16x128xf32>
    %slice3A_412 = vector.extract_strided_slice %get3A_329 {offsets = [0, 8448], sizes = [16, 128], strides = [1, 1]} : vector<16x32768xf32> to vector<16x128xf32>
    %slice3A_413 = vector.extract_strided_slice %get3A_329 {offsets = [0, 8576], sizes = [16, 128], strides = [1, 1]} : vector<16x32768xf32> to vector<16x128xf32>
    %slice3A_414 = vector.extract_strided_slice %get3A_329 {offsets = [0, 8704], sizes = [16, 128], strides = [1, 1]} : vector<16x32768xf32> to vector<16x128xf32>
    %slice3A_415 = vector.extract_strided_slice %get3A_329 {offsets = [0, 8832], sizes = [16, 128], strides = [1, 1]} : vector<16x32768xf32> to vector<16x128xf32>
    %slice3A_416 = vector.extract_strided_slice %get3A_329 {offsets = [0, 8960], sizes = [16, 128], strides = [1, 1]} : vector<16x32768xf32> to vector<16x128xf32>
    %slice3A_417 = vector.extract_strided_slice %get3A_329 {offsets = [0, 9088], sizes = [16, 128], strides = [1, 1]} : vector<16x32768xf32> to vector<16x128xf32>
    %concatenate3A_418 = tpu.concatenate %slice3A_410, %slice3A_411, %slice3A_412, %slice3A_413, %slice3A_414, %slice3A_415, %slice3A_416, %slice3A_417 in 0 : vector<16x128xf32>, vector<16x128xf32>, vector<16x128xf32>, vector<16x128xf32>, vector<16x128xf32>, vector<16x128xf32>, vector<16x128xf32>, vector<16x128xf32> -> vector<128x128xf32>
    %transpose3A_419 = tpu.transpose %concatenate3A_418, [1, 0] : vector<128x128xf32> -> vector<128x128xf32>
    %slice3A_420 = vector.extract_strided_slice %get3A_329 {offsets = [0, 9216], sizes = [16, 128], strides = [1, 1]} : vector<16x32768xf32> to vector<16x128xf32>
    %slice3A_421 = vector.extract_strided_slice %get3A_329 {offsets = [0, 9344], sizes = [16, 128], strides = [1, 1]} : vector<16x32768xf32> to vector<16x128xf32>
    %slice3A_422 = vector.extract_strided_slice %get3A_329 {offsets = [0, 9472], sizes = [16, 128], strides = [1, 1]} : vector<16x32768xf32> to vector<16x128xf32>
    %slice3A_423 = vector.extract_strided_slice %get3A_329 {offsets = [0, 9600], sizes = [16, 128], strides = [1, 1]} : vector<16x32768xf32> to vector<16x128xf32>
    %slice3A_424 = vector.extract_strided_slice %get3A_329 {offsets = [0, 9728], sizes = [16, 128], strides = [1, 1]} : vector<16x32768xf32> to vector<16x128xf32>
    %slice3A_425 = vector.extract_strided_slice %get3A_329 {offsets = [0, 9856], sizes = [16, 128], strides = [1, 1]} : vector<16x32768xf32> to vector<16x128xf32>
    %slice3A_426 = vector.extract_strided_slice %get3A_329 {offsets = [0, 9984], sizes = [16, 128], strides = [1, 1]} : vector<16x32768xf32> to vector<16x128xf32>
    %slice3A_427 = vector.extract_strided_slice %get3A_329 {offsets = [0, 10112], sizes = [16, 128], strides = [1, 1]} : vector<16x32768xf32> to vector<16x128xf32>
    %concatenate3A_428 = tpu.concatenate %slice3A_420, %slice3A_421, %slice3A_422, %slice3A_423, %slice3A_424, %slice3A_425, %slice3A_426, %slice3A_427 in 0 : vector<16x128xf32>, vector<16x128xf32>, vector<16x128xf32>, vector<16x128xf32>, vector<16x128xf32>, vector<16x128xf32>, vector<16x128xf32>, vector<16x128xf32> -> vector<128x128xf32>
    %transpose3A_429 = tpu.transpose %concatenate3A_428, [1, 0] : vector<128x128xf32> -> vector<128x128xf32>
    %slice3A_430 = vector.extract_strided_slice %get3A_329 {offsets = [0, 10240], sizes = [16, 128], strides = [1, 1]} : vector<16x32768xf32> to vector<16x128xf32>
    %slice3A_431 = vector.extract_strided_slice %get3A_329 {offsets = [0, 10368], sizes = [16, 128], strides = [1, 1]} : vector<16x32768xf32> to vector<16x128xf32>
    %slice3A_432 = vector.extract_strided_slice %get3A_329 {offsets = [0, 10496], sizes = [16, 128], strides = [1, 1]} : vector<16x32768xf32> to vector<16x128xf32>
    %slice3A_433 = vector.extract_strided_slice %get3A_329 {offsets = [0, 10624], sizes = [16, 128], strides = [1, 1]} : vector<16x32768xf32> to vector<16x128xf32>
    %slice3A_434 = vector.extract_strided_slice %get3A_329 {offsets = [0, 10752], sizes = [16, 128], strides = [1, 1]} : vector<16x32768xf32> to vector<16x128xf32>
    %slice3A_435 = vector.extract_strided_slice %get3A_329 {offsets = [0, 10880], sizes = [16, 128], strides = [1, 1]} : vector<16x32768xf32> to vector<16x128xf32>
    %slice3A_436 = vector.extract_strided_slice %get3A_329 {offsets = [0, 11008], sizes = [16, 128], strides = [1, 1]} : vector<16x32768xf32> to vector<16x128xf32>
    %slice3A_437 = vector.extract_strided_slice %get3A_329 {offsets = [0, 11136], sizes = [16, 128], strides = [1, 1]} : vector<16x32768xf32> to vector<16x128xf32>
    %concatenate3A_438 = tpu.concatenate %slice3A_430, %slice3A_431, %slice3A_432, %slice3A_433, %slice3A_434, %slice3A_435, %slice3A_436, %slice3A_437 in 0 : vector<16x128xf32>, vector<16x128xf32>, vector<16x128xf32>, vector<16x128xf32>, vector<16x128xf32>, vector<16x128xf32>, vector<16x128xf32>, vector<16x128xf32> -> vector<128x128xf32>
    %transpose3A_439 = tpu.transpose %concatenate3A_438, [1, 0] : vector<128x128xf32> -> vector<128x128xf32>
    %slice3A_440 = vector.extract_strided_slice %get3A_329 {offsets = [0, 11264], sizes = [16, 128], strides = [1, 1]} : vector<16x32768xf32> to vector<16x128xf32>
    %slice3A_441 = vector.extract_strided_slice %get3A_329 {offsets = [0, 11392], sizes = [16, 128], strides = [1, 1]} : vector<16x32768xf32> to vector<16x128xf32>
    %slice3A_442 = vector.extract_strided_slice %get3A_329 {offsets = [0, 11520], sizes = [16, 128], strides = [1, 1]} : vector<16x32768xf32> to vector<16x128xf32>
    %slice3A_443 = vector.extract_strided_slice %get3A_329 {offsets = [0, 11648], sizes = [16, 128], strides = [1, 1]} : vector<16x32768xf32> to vector<16x128xf32>
    %slice3A_444 = vector.extract_strided_slice %get3A_329 {offsets = [0, 11776], sizes = [16, 128], strides = [1, 1]} : vector<16x32768xf32> to vector<16x128xf32>
    %slice3A_445 = vector.extract_strided_slice %get3A_329 {offsets = [0, 11904], sizes = [16, 128], strides = [1, 1]} : vector<16x32768xf32> to vector<16x128xf32>
    %slice3A_446 = vector.extract_strided_slice %get3A_329 {offsets = [0, 12032], sizes = [16, 128], strides = [1, 1]} : vector<16x32768xf32> to vector<16x128xf32>
    %slice3A_447 = vector.extract_strided_slice %get3A_329 {offsets = [0, 12160], sizes = [16, 128], strides = [1, 1]} : vector<16x32768xf32> to vector<16x128xf32>
    %concatenate3A_448 = tpu.concatenate %slice3A_440, %slice3A_441, %slice3A_442, %slice3A_443, %slice3A_444, %slice3A_445, %slice3A_446, %slice3A_447 in 0 : vector<16x128xf32>, vector<16x128xf32>, vector<16x128xf32>, vector<16x128xf32>, vector<16x128xf32>, vector<16x128xf32>, vector<16x128xf32>, vector<16x128xf32> -> vector<128x128xf32>
    %transpose3A_449 = tpu.transpose %concatenate3A_448, [1, 0] : vector<128x128xf32> -> vector<128x128xf32>
    %slice3A_450 = vector.extract_strided_slice %get3A_329 {offsets = [0, 12288], sizes = [16, 128], strides = [1, 1]} : vector<16x32768xf32> to vector<16x128xf32>
    %slice3A_451 = vector.extract_strided_slice %get3A_329 {offsets = [0, 12416], sizes = [16, 128], strides = [1, 1]} : vector<16x32768xf32> to vector<16x128xf32>
    %slice3A_452 = vector.extract_strided_slice %get3A_329 {offsets = [0, 12544], sizes = [16, 128], strides = [1, 1]} : vector<16x32768xf32> to vector<16x128xf32>
    %slice3A_453 = vector.extract_strided_slice %get3A_329 {offsets = [0, 12672], sizes = [16, 128], strides = [1, 1]} : vector<16x32768xf32> to vector<16x128xf32>
    %slice3A_454 = vector.extract_strided_slice %get3A_329 {offsets = [0, 12800], sizes = [16, 128], strides = [1, 1]} : vector<16x32768xf32> to vector<16x128xf32>
    %slice3A_455 = vector.extract_strided_slice %get3A_329 {offsets = [0, 12928], sizes = [16, 128], strides = [1, 1]} : vector<16x32768xf32> to vector<16x128xf32>
    %slice3A_456 = vector.extract_strided_slice %get3A_329 {offsets = [0, 13056], sizes = [16, 128], strides = [1, 1]} : vector<16x32768xf32> to vector<16x128xf32>
    %slice3A_457 = vector.extract_strided_slice %get3A_329 {offsets = [0, 13184], sizes = [16, 128], strides = [1, 1]} : vector<16x32768xf32> to vector<16x128xf32>
    %concatenate3A_458 = tpu.concatenate %slice3A_450, %slice3A_451, %slice3A_452, %slice3A_453, %slice3A_454, %slice3A_455, %slice3A_456, %slice3A_457 in 0 : vector<16x128xf32>, vector<16x128xf32>, vector<16x128xf32>, vector<16x128xf32>, vector<16x128xf32>, vector<16x128xf32>, vector<16x128xf32>, vector<16x128xf32> -> vector<128x128xf32>
    %transpose3A_459 = tpu.transpose %concatenate3A_458, [1, 0] : vector<128x128xf32> -> vector<128x128xf32>
    %slice3A_460 = vector.extract_strided_slice %get3A_329 {offsets = [0, 13312], sizes = [16, 128], strides = [1, 1]} : vector<16x32768xf32> to vector<16x128xf32>
    %slice3A_461 = vector.extract_strided_slice %get3A_329 {offsets = [0, 13440], sizes = [16, 128], strides = [1, 1]} : vector<16x32768xf32> to vector<16x128xf32>
    %slice3A_462 = vector.extract_strided_slice %get3A_329 {offsets = [0, 13568], sizes = [16, 128], strides = [1, 1]} : vector<16x32768xf32> to vector<16x128xf32>
    %slice3A_463 = vector.extract_strided_slice %get3A_329 {offsets = [0, 13696], sizes = [16, 128], strides = [1, 1]} : vector<16x32768xf32> to vector<16x128xf32>
    %slice3A_464 = vector.extract_strided_slice %get3A_329 {offsets = [0, 13824], sizes = [16, 128], strides = [1, 1]} : vector<16x32768xf32> to vector<16x128xf32>
    %slice3A_465 = vector.extract_strided_slice %get3A_329 {offsets = [0, 13952], sizes = [16, 128], strides = [1, 1]} : vector<16x32768xf32> to vector<16x128xf32>
    %slice3A_466 = vector.extract_strided_slice %get3A_329 {offsets = [0, 14080], sizes = [16, 128], strides = [1, 1]} : vector<16x32768xf32> to vector<16x128xf32>
    %slice3A_467 = vector.extract_strided_slice %get3A_329 {offsets = [0, 14208], sizes = [16, 128], strides = [1, 1]} : vector<16x32768xf32> to vector<16x128xf32>
    %concatenate3A_468 = tpu.concatenate %slice3A_460, %slice3A_461, %slice3A_462, %slice3A_463, %slice3A_464, %slice3A_465, %slice3A_466, %slice3A_467 in 0 : vector<16x128xf32>, vector<16x128xf32>, vector<16x128xf32>, vector<16x128xf32>, vector<16x128xf32>, vector<16x128xf32>, vector<16x128xf32>, vector<16x128xf32> -> vector<128x128xf32>
    %transpose3A_469 = tpu.transpose %concatenate3A_468, [1, 0] : vector<128x128xf32> -> vector<128x128xf32>
    %slice3A_470 = vector.extract_strided_slice %get3A_329 {offsets = [0, 14336], sizes = [16, 128], strides = [1, 1]} : vector<16x32768xf32> to vector<16x128xf32>
    %slice3A_471 = vector.extract_strided_slice %get3A_329 {offsets = [0, 14464], sizes = [16, 128], strides = [1, 1]} : vector<16x32768xf32> to vector<16x128xf32>
    %slice3A_472 = vector.extract_strided_slice %get3A_329 {offsets = [0, 14592], sizes = [16, 128], strides = [1, 1]} : vector<16x32768xf32> to vector<16x128xf32>
    %slice3A_473 = vector.extract_strided_slice %get3A_329 {offsets = [0, 14720], sizes = [16, 128], strides = [1, 1]} : vector<16x32768xf32> to vector<16x128xf32>
    %slice3A_474 = vector.extract_strided_slice %get3A_329 {offsets = [0, 14848], sizes = [16, 128], strides = [1, 1]} : vector<16x32768xf32> to vector<16x128xf32>
    %slice3A_475 = vector.extract_strided_slice %get3A_329 {offsets = [0, 14976], sizes = [16, 128], strides = [1, 1]} : vector<16x32768xf32> to vector<16x128xf32>
    %slice3A_476 = vector.extract_strided_slice %get3A_329 {offsets = [0, 15104], sizes = [16, 128], strides = [1, 1]} : vector<16x32768xf32> to vector<16x128xf32>
    %slice3A_477 = vector.extract_strided_slice %get3A_329 {offsets = [0, 15232], sizes = [16, 128], strides = [1, 1]} : vector<16x32768xf32> to vector<16x128xf32>
    %concatenate3A_478 = tpu.concatenate %slice3A_470, %slice3A_471, %slice3A_472, %slice3A_473, %slice3A_474, %slice3A_475, %slice3A_476, %slice3A_477 in 0 : vector<16x128xf32>, vector<16x128xf32>, vector<16x128xf32>, vector<16x128xf32>, vector<16x128xf32>, vector<16x128xf32>, vector<16x128xf32>, vector<16x128xf32> -> vector<128x128xf32>
    %transpose3A_479 = tpu.transpose %concatenate3A_478, [1, 0] : vector<128x128xf32> -> vector<128x128xf32>
    %slice3A_480 = vector.extract_strided_slice %get3A_329 {offsets = [0, 15360], sizes = [16, 128], strides = [1, 1]} : vector<16x32768xf32> to vector<16x128xf32>
    %slice3A_481 = vector.extract_strided_slice %get3A_329 {offsets = [0, 15488], sizes = [16, 128], strides = [1, 1]} : vector<16x32768xf32> to vector<16x128xf32>
    %slice3A_482 = vector.extract_strided_slice %get3A_329 {offsets = [0, 15616], sizes = [16, 128], strides = [1, 1]} : vector<16x32768xf32> to vector<16x128xf32>
    %slice3A_483 = vector.extract_strided_slice %get3A_329 {offsets = [0, 15744], sizes = [16, 128], strides = [1, 1]} : vector<16x32768xf32> to vector<16x128xf32>
    %slice3A_484 = vector.extract_strided_slice %get3A_329 {offsets = [0, 15872], sizes = [16, 128], strides = [1, 1]} : vector<16x32768xf32> to vector<16x128xf32>
    %slice3A_485 = vector.extract_strided_slice %get3A_329 {offsets = [0, 16000], sizes = [16, 128], strides = [1, 1]} : vector<16x32768xf32> to vector<16x128xf32>
    %slice3A_486 = vector.extract_strided_slice %get3A_329 {offsets = [0, 16128], sizes = [16, 128], strides = [1, 1]} : vector<16x32768xf32> to vector<16x128xf32>
    %slice3A_487 = vector.extract_strided_slice %get3A_329 {offsets = [0, 16256], sizes = [16, 128], strides = [1, 1]} : vector<16x32768xf32> to vector<16x128xf32>
    %concatenate3A_488 = tpu.concatenate %slice3A_480, %slice3A_481, %slice3A_482, %slice3A_483, %slice3A_484, %slice3A_485, %slice3A_486, %slice3A_487 in 0 : vector<16x128xf32>, vector<16x128xf32>, vector<16x128xf32>, vector<16x128xf32>, vector<16x128xf32>, vector<16x128xf32>, vector<16x128xf32>, vector<16x128xf32> -> vector<128x128xf32>
    %transpose3A_489 = tpu.transpose %concatenate3A_488, [1, 0] : vector<128x128xf32> -> vector<128x128xf32>
    %slice3A_490 = vector.extract_strided_slice %get3A_329 {offsets = [0, 16384], sizes = [16, 128], strides = [1, 1]} : vector<16x32768xf32> to vector<16x128xf32>
    %slice3A_491 = vector.extract_strided_slice %get3A_329 {offsets = [0, 16512], sizes = [16, 128], strides = [1, 1]} : vector<16x32768xf32> to vector<16x128xf32>
    %slice3A_492 = vector.extract_strided_slice %get3A_329 {offsets = [0, 16640], sizes = [16, 128], strides = [1, 1]} : vector<16x32768xf32> to vector<16x128xf32>
    %slice3A_493 = vector.extract_strided_slice %get3A_329 {offsets = [0, 16768], sizes = [16, 128], strides = [1, 1]} : vector<16x32768xf32> to vector<16x128xf32>
    %slice3A_494 = vector.extract_strided_slice %get3A_329 {offsets = [0, 16896], sizes = [16, 128], strides = [1, 1]} : vector<16x32768xf32> to vector<16x128xf32>
    %slice3A_495 = vector.extract_strided_slice %get3A_329 {offsets = [0, 17024], sizes = [16, 128], strides = [1, 1]} : vector<16x32768xf32> to vector<16x128xf32>
    %slice3A_496 = vector.extract_strided_slice %get3A_329 {offsets = [0, 17152], sizes = [16, 128], strides = [1, 1]} : vector<16x32768xf32> to vector<16x128xf32>
    %slice3A_497 = vector.extract_strided_slice %get3A_329 {offsets = [0, 17280], sizes = [16, 128], strides = [1, 1]} : vector<16x32768xf32> to vector<16x128xf32>
    %concatenate3A_498 = tpu.concatenate %slice3A_490, %slice3A_491, %slice3A_492, %slice3A_493, %slice3A_494, %slice3A_495, %slice3A_496, %slice3A_497 in 0 : vector<16x128xf32>, vector<16x128xf32>, vector<16x128xf32>, vector<16x128xf32>, vector<16x128xf32>, vector<16x128xf32>, vector<16x128xf32>, vector<16x128xf32> -> vector<128x128xf32>
    %transpose3A_499 = tpu.transpose %concatenate3A_498, [1, 0] : vector<128x128xf32> -> vector<128x128xf32>
    %slice3A_500 = vector.extract_strided_slice %get3A_329 {offsets = [0, 17408], sizes = [16, 128], strides = [1, 1]} : vector<16x32768xf32> to vector<16x128xf32>
    %slice3A_501 = vector.extract_strided_slice %get3A_329 {offsets = [0, 17536], sizes = [16, 128], strides = [1, 1]} : vector<16x32768xf32> to vector<16x128xf32>
    %slice3A_502 = vector.extract_strided_slice %get3A_329 {offsets = [0, 17664], sizes = [16, 128], strides = [1, 1]} : vector<16x32768xf32> to vector<16x128xf32>
    %slice3A_503 = vector.extract_strided_slice %get3A_329 {offsets = [0, 17792], sizes = [16, 128], strides = [1, 1]} : vector<16x32768xf32> to vector<16x128xf32>
    %slice3A_504 = vector.extract_strided_slice %get3A_329 {offsets = [0, 17920], sizes = [16, 128], strides = [1, 1]} : vector<16x32768xf32> to vector<16x128xf32>
    %slice3A_505 = vector.extract_strided_slice %get3A_329 {offsets = [0, 18048], sizes = [16, 128], strides = [1, 1]} : vector<16x32768xf32> to vector<16x128xf32>
    %slice3A_506 = vector.extract_strided_slice %get3A_329 {offsets = [0, 18176], sizes = [16, 128], strides = [1, 1]} : vector<16x32768xf32> to vector<16x128xf32>
    %slice3A_507 = vector.extract_strided_slice %get3A_329 {offsets = [0, 18304], sizes = [16, 128], strides = [1, 1]} : vector<16x32768xf32> to vector<16x128xf32>
    %concatenate3A_508 = tpu.concatenate %slice3A_500, %slice3A_501, %slice3A_502, %slice3A_503, %slice3A_504, %slice3A_505, %slice3A_506, %slice3A_507 in 0 : vector<16x128xf32>, vector<16x128xf32>, vector<16x128xf32>, vector<16x128xf32>, vector<16x128xf32>, vector<16x128xf32>, vector<16x128xf32>, vector<16x128xf32> -> vector<128x128xf32>
    %transpose3A_509 = tpu.transpose %concatenate3A_508, [1, 0] : vector<128x128xf32> -> vector<128x128xf32>
    %slice3A_510 = vector.extract_strided_slice %get3A_329 {offsets = [0, 18432], sizes = [16, 128], strides = [1, 1]} : vector<16x32768xf32> to vector<16x128xf32>
    %slice3A_511 = vector.extract_strided_slice %get3A_329 {offsets = [0, 18560], sizes = [16, 128], strides = [1, 1]} : vector<16x32768xf32> to vector<16x128xf32>
    %slice3A_512 = vector.extract_strided_slice %get3A_329 {offsets = [0, 18688], sizes = [16, 128], strides = [1, 1]} : vector<16x32768xf32> to vector<16x128xf32>
    %slice3A_513 = vector.extract_strided_slice %get3A_329 {offsets = [0, 18816], sizes = [16, 128], strides = [1, 1]} : vector<16x32768xf32> to vector<16x128xf32>
    %slice3A_514 = vector.extract_strided_slice %get3A_329 {offsets = [0, 18944], sizes = [16, 128], strides = [1, 1]} : vector<16x32768xf32> to vector<16x128xf32>
    %slice3A_515 = vector.extract_strided_slice %get3A_329 {offsets = [0, 19072], sizes = [16, 128], strides = [1, 1]} : vector<16x32768xf32> to vector<16x128xf32>
    %slice3A_516 = vector.extract_strided_slice %get3A_329 {offsets = [0, 19200], sizes = [16, 128], strides = [1, 1]} : vector<16x32768xf32> to vector<16x128xf32>
    %slice3A_517 = vector.extract_strided_slice %get3A_329 {offsets = [0, 19328], sizes = [16, 128], strides = [1, 1]} : vector<16x32768xf32> to vector<16x128xf32>
    %concatenate3A_518 = tpu.concatenate %slice3A_510, %slice3A_511, %slice3A_512, %slice3A_513, %slice3A_514, %slice3A_515, %slice3A_516, %slice3A_517 in 0 : vector<16x128xf32>, vector<16x128xf32>, vector<16x128xf32>, vector<16x128xf32>, vector<16x128xf32>, vector<16x128xf32>, vector<16x128xf32>, vector<16x128xf32> -> vector<128x128xf32>
    %transpose3A_519 = tpu.transpose %concatenate3A_518, [1, 0] : vector<128x128xf32> -> vector<128x128xf32>
    %slice3A_520 = vector.extract_strided_slice %get3A_329 {offsets = [0, 19456], sizes = [16, 128], strides = [1, 1]} : vector<16x32768xf32> to vector<16x128xf32>
    %slice3A_521 = vector.extract_strided_slice %get3A_329 {offsets = [0, 19584], sizes = [16, 128], strides = [1, 1]} : vector<16x32768xf32> to vector<16x128xf32>
    %slice3A_522 = vector.extract_strided_slice %get3A_329 {offsets = [0, 19712], sizes = [16, 128], strides = [1, 1]} : vector<16x32768xf32> to vector<16x128xf32>
    %slice3A_523 = vector.extract_strided_slice %get3A_329 {offsets = [0, 19840], sizes = [16, 128], strides = [1, 1]} : vector<16x32768xf32> to vector<16x128xf32>
    %slice3A_524 = vector.extract_strided_slice %get3A_329 {offsets = [0, 19968], sizes = [16, 128], strides = [1, 1]} : vector<16x32768xf32> to vector<16x128xf32>
    %slice3A_525 = vector.extract_strided_slice %get3A_329 {offsets = [0, 20096], sizes = [16, 128], strides = [1, 1]} : vector<16x32768xf32> to vector<16x128xf32>
    %slice3A_526 = vector.extract_strided_slice %get3A_329 {offsets = [0, 20224], sizes = [16, 128], strides = [1, 1]} : vector<16x32768xf32> to vector<16x128xf32>
    %slice3A_527 = vector.extract_strided_slice %get3A_329 {offsets = [0, 20352], sizes = [16, 128], strides = [1, 1]} : vector<16x32768xf32> to vector<16x128xf32>
    %concatenate3A_528 = tpu.concatenate %slice3A_520, %slice3A_521, %slice3A_522, %slice3A_523, %slice3A_524, %slice3A_525, %slice3A_526, %slice3A_527 in 0 : vector<16x128xf32>, vector<16x128xf32>, vector<16x128xf32>, vector<16x128xf32>, vector<16x128xf32>, vector<16x128xf32>, vector<16x128xf32>, vector<16x128xf32> -> vector<128x128xf32>
    %transpose3A_529 = tpu.transpose %concatenate3A_528, [1, 0] : vector<128x128xf32> -> vector<128x128xf32>
    %slice3A_530 = vector.extract_strided_slice %get3A_329 {offsets = [0, 20480], sizes = [16, 128], strides = [1, 1]} : vector<16x32768xf32> to vector<16x128xf32>
    %slice3A_531 = vector.extract_strided_slice %get3A_329 {offsets = [0, 20608], sizes = [16, 128], strides = [1, 1]} : vector<16x32768xf32> to vector<16x128xf32>
    %slice3A_532 = vector.extract_strided_slice %get3A_329 {offsets = [0, 20736], sizes = [16, 128], strides = [1, 1]} : vector<16x32768xf32> to vector<16x128xf32>
    %slice3A_533 = vector.extract_strided_slice %get3A_329 {offsets = [0, 20864], sizes = [16, 128], strides = [1, 1]} : vector<16x32768xf32> to vector<16x128xf32>
    %slice3A_534 = vector.extract_strided_slice %get3A_329 {offsets = [0, 20992], sizes = [16, 128], strides = [1, 1]} : vector<16x32768xf32> to vector<16x128xf32>
    %slice3A_535 = vector.extract_strided_slice %get3A_329 {offsets = [0, 21120], sizes = [16, 128], strides = [1, 1]} : vector<16x32768xf32> to vector<16x128xf32>
    %slice3A_536 = vector.extract_strided_slice %get3A_329 {offsets = [0, 21248], sizes = [16, 128], strides = [1, 1]} : vector<16x32768xf32> to vector<16x128xf32>
    %slice3A_537 = vector.extract_strided_slice %get3A_329 {offsets = [0, 21376], sizes = [16, 128], strides = [1, 1]} : vector<16x32768xf32> to vector<16x128xf32>
    %concatenate3A_538 = tpu.concatenate %slice3A_530, %slice3A_531, %slice3A_532, %slice3A_533, %slice3A_534, %slice3A_535, %slice3A_536, %slice3A_537 in 0 : vector<16x128xf32>, vector<16x128xf32>, vector<16x128xf32>, vector<16x128xf32>, vector<16x128xf32>, vector<16x128xf32>, vector<16x128xf32>, vector<16x128xf32> -> vector<128x128xf32>
    %transpose3A_539 = tpu.transpose %concatenate3A_538, [1, 0] : vector<128x128xf32> -> vector<128x128xf32>
    %slice3A_540 = vector.extract_strided_slice %get3A_329 {offsets = [0, 21504], sizes = [16, 128], strides = [1, 1]} : vector<16x32768xf32> to vector<16x128xf32>
    %slice3A_541 = vector.extract_strided_slice %get3A_329 {offsets = [0, 21632], sizes = [16, 128], strides = [1, 1]} : vector<16x32768xf32> to vector<16x128xf32>
    %slice3A_542 = vector.extract_strided_slice %get3A_329 {offsets = [0, 21760], sizes = [16, 128], strides = [1, 1]} : vector<16x32768xf32> to vector<16x128xf32>
    %slice3A_543 = vector.extract_strided_slice %get3A_329 {offsets = [0, 21888], sizes = [16, 128], strides = [1, 1]} : vector<16x32768xf32> to vector<16x128xf32>
    %slice3A_544 = vector.extract_strided_slice %get3A_329 {offsets = [0, 22016], sizes = [16, 128], strides = [1, 1]} : vector<16x32768xf32> to vector<16x128xf32>
    %slice3A_545 = vector.extract_strided_slice %get3A_329 {offsets = [0, 22144], sizes = [16, 128], strides = [1, 1]} : vector<16x32768xf32> to vector<16x128xf32>
    %slice3A_546 = vector.extract_strided_slice %get3A_329 {offsets = [0, 22272], sizes = [16, 128], strides = [1, 1]} : vector<16x32768xf32> to vector<16x128xf32>
    %slice3A_547 = vector.extract_strided_slice %get3A_329 {offsets = [0, 22400], sizes = [16, 128], strides = [1, 1]} : vector<16x32768xf32> to vector<16x128xf32>
    %concatenate3A_548 = tpu.concatenate %slice3A_540, %slice3A_541, %slice3A_542, %slice3A_543, %slice3A_544, %slice3A_545, %slice3A_546, %slice3A_547 in 0 : vector<16x128xf32>, vector<16x128xf32>, vector<16x128xf32>, vector<16x128xf32>, vector<16x128xf32>, vector<16x128xf32>, vector<16x128xf32>, vector<16x128xf32> -> vector<128x128xf32>
    %transpose3A_549 = tpu.transpose %concatenate3A_548, [1, 0] : vector<128x128xf32> -> vector<128x128xf32>
    %slice3A_550 = vector.extract_strided_slice %get3A_329 {offsets = [0, 22528], sizes = [16, 128], strides = [1, 1]} : vector<16x32768xf32> to vector<16x128xf32>
    %slice3A_551 = vector.extract_strided_slice %get3A_329 {offsets = [0, 22656], sizes = [16, 128], strides = [1, 1]} : vector<16x32768xf32> to vector<16x128xf32>
    %slice3A_552 = vector.extract_strided_slice %get3A_329 {offsets = [0, 22784], sizes = [16, 128], strides = [1, 1]} : vector<16x32768xf32> to vector<16x128xf32>
    %slice3A_553 = vector.extract_strided_slice %get3A_329 {offsets = [0, 22912], sizes = [16, 128], strides = [1, 1]} : vector<16x32768xf32> to vector<16x128xf32>
    %slice3A_554 = vector.extract_strided_slice %get3A_329 {offsets = [0, 23040], sizes = [16, 128], strides = [1, 1]} : vector<16x32768xf32> to vector<16x128xf32>
    %slice3A_555 = vector.extract_strided_slice %get3A_329 {offsets = [0, 23168], sizes = [16, 128], strides = [1, 1]} : vector<16x32768xf32> to vector<16x128xf32>
    %slice3A_556 = vector.extract_strided_slice %get3A_329 {offsets = [0, 23296], sizes = [16, 128], strides = [1, 1]} : vector<16x32768xf32> to vector<16x128xf32>
    %slice3A_557 = vector.extract_strided_slice %get3A_329 {offsets = [0, 23424], sizes = [16, 128], strides = [1, 1]} : vector<16x32768xf32> to vector<16x128xf32>
    %concatenate3A_558 = tpu.concatenate %slice3A_550, %slice3A_551, %slice3A_552, %slice3A_553, %slice3A_554, %slice3A_555, %slice3A_556, %slice3A_557 in 0 : vector<16x128xf32>, vector<16x128xf32>, vector<16x128xf32>, vector<16x128xf32>, vector<16x128xf32>, vector<16x128xf32>, vector<16x128xf32>, vector<16x128xf32> -> vector<128x128xf32>
    %transpose3A_559 = tpu.transpose %concatenate3A_558, [1, 0] : vector<128x128xf32> -> vector<128x128xf32>
    %slice3A_560 = vector.extract_strided_slice %get3A_329 {offsets = [0, 23552], sizes = [16, 128], strides = [1, 1]} : vector<16x32768xf32> to vector<16x128xf32>
    %slice3A_561 = vector.extract_strided_slice %get3A_329 {offsets = [0, 23680], sizes = [16, 128], strides = [1, 1]} : vector<16x32768xf32> to vector<16x128xf32>
    %slice3A_562 = vector.extract_strided_slice %get3A_329 {offsets = [0, 23808], sizes = [16, 128], strides = [1, 1]} : vector<16x32768xf32> to vector<16x128xf32>
    %slice3A_563 = vector.extract_strided_slice %get3A_329 {offsets = [0, 23936], sizes = [16, 128], strides = [1, 1]} : vector<16x32768xf32> to vector<16x128xf32>
    %slice3A_564 = vector.extract_strided_slice %get3A_329 {offsets = [0, 24064], sizes = [16, 128], strides = [1, 1]} : vector<16x32768xf32> to vector<16x128xf32>
    %slice3A_565 = vector.extract_strided_slice %get3A_329 {offsets = [0, 24192], sizes = [16, 128], strides = [1, 1]} : vector<16x32768xf32> to vector<16x128xf32>
    %slice3A_566 = vector.extract_strided_slice %get3A_329 {offsets = [0, 24320], sizes = [16, 128], strides = [1, 1]} : vector<16x32768xf32> to vector<16x128xf32>
    %slice3A_567 = vector.extract_strided_slice %get3A_329 {offsets = [0, 24448], sizes = [16, 128], strides = [1, 1]} : vector<16x32768xf32> to vector<16x128xf32>
    %concatenate3A_568 = tpu.concatenate %slice3A_560, %slice3A_561, %slice3A_562, %slice3A_563, %slice3A_564, %slice3A_565, %slice3A_566, %slice3A_567 in 0 : vector<16x128xf32>, vector<16x128xf32>, vector<16x128xf32>, vector<16x128xf32>, vector<16x128xf32>, vector<16x128xf32>, vector<16x128xf32>, vector<16x128xf32> -> vector<128x128xf32>
    %transpose3A_569 = tpu.transpose %concatenate3A_568, [1, 0] : vector<128x128xf32> -> vector<128x128xf32>
    %slice3A_570 = vector.extract_strided_slice %get3A_329 {offsets = [0, 24576], sizes = [16, 128], strides = [1, 1]} : vector<16x32768xf32> to vector<16x128xf32>
    %slice3A_571 = vector.extract_strided_slice %get3A_329 {offsets = [0, 24704], sizes = [16, 128], strides = [1, 1]} : vector<16x32768xf32> to vector<16x128xf32>
    %slice3A_572 = vector.extract_strided_slice %get3A_329 {offsets = [0, 24832], sizes = [16, 128], strides = [1, 1]} : vector<16x32768xf32> to vector<16x128xf32>
    %slice3A_573 = vector.extract_strided_slice %get3A_329 {offsets = [0, 24960], sizes = [16, 128], strides = [1, 1]} : vector<16x32768xf32> to vector<16x128xf32>
    %slice3A_574 = vector.extract_strided_slice %get3A_329 {offsets = [0, 25088], sizes = [16, 128], strides = [1, 1]} : vector<16x32768xf32> to vector<16x128xf32>
    %slice3A_575 = vector.extract_strided_slice %get3A_329 {offsets = [0, 25216], sizes = [16, 128], strides = [1, 1]} : vector<16x32768xf32> to vector<16x128xf32>
    %slice3A_576 = vector.extract_strided_slice %get3A_329 {offsets = [0, 25344], sizes = [16, 128], strides = [1, 1]} : vector<16x32768xf32> to vector<16x128xf32>
    %slice3A_577 = vector.extract_strided_slice %get3A_329 {offsets = [0, 25472], sizes = [16, 128], strides = [1, 1]} : vector<16x32768xf32> to vector<16x128xf32>
    %concatenate3A_578 = tpu.concatenate %slice3A_570, %slice3A_571, %slice3A_572, %slice3A_573, %slice3A_574, %slice3A_575, %slice3A_576, %slice3A_577 in 0 : vector<16x128xf32>, vector<16x128xf32>, vector<16x128xf32>, vector<16x128xf32>, vector<16x128xf32>, vector<16x128xf32>, vector<16x128xf32>, vector<16x128xf32> -> vector<128x128xf32>
    %transpose3A_579 = tpu.transpose %concatenate3A_578, [1, 0] : vector<128x128xf32> -> vector<128x128xf32>
    %slice3A_580 = vector.extract_strided_slice %get3A_329 {offsets = [0, 25600], sizes = [16, 128], strides = [1, 1]} : vector<16x32768xf32> to vector<16x128xf32>
    %slice3A_581 = vector.extract_strided_slice %get3A_329 {offsets = [0, 25728], sizes = [16, 128], strides = [1, 1]} : vector<16x32768xf32> to vector<16x128xf32>
    %slice3A_582 = vector.extract_strided_slice %get3A_329 {offsets = [0, 25856], sizes = [16, 128], strides = [1, 1]} : vector<16x32768xf32> to vector<16x128xf32>
    %slice3A_583 = vector.extract_strided_slice %get3A_329 {offsets = [0, 25984], sizes = [16, 128], strides = [1, 1]} : vector<16x32768xf32> to vector<16x128xf32>
    %slice3A_584 = vector.extract_strided_slice %get3A_329 {offsets = [0, 26112], sizes = [16, 128], strides = [1, 1]} : vector<16x32768xf32> to vector<16x128xf32>
    %slice3A_585 = vector.extract_strided_slice %get3A_329 {offsets = [0, 26240], sizes = [16, 128], strides = [1, 1]} : vector<16x32768xf32> to vector<16x128xf32>
    %slice3A_586 = vector.extract_strided_slice %get3A_329 {offsets = [0, 26368], sizes = [16, 128], strides = [1, 1]} : vector<16x32768xf32> to vector<16x128xf32>
    %slice3A_587 = vector.extract_strided_slice %get3A_329 {offsets = [0, 26496], sizes = [16, 128], strides = [1, 1]} : vector<16x32768xf32> to vector<16x128xf32>
    %concatenate3A_588 = tpu.concatenate %slice3A_580, %slice3A_581, %slice3A_582, %slice3A_583, %slice3A_584, %slice3A_585, %slice3A_586, %slice3A_587 in 0 : vector<16x128xf32>, vector<16x128xf32>, vector<16x128xf32>, vector<16x128xf32>, vector<16x128xf32>, vector<16x128xf32>, vector<16x128xf32>, vector<16x128xf32> -> vector<128x128xf32>
    %transpose3A_589 = tpu.transpose %concatenate3A_588, [1, 0] : vector<128x128xf32> -> vector<128x128xf32>
    %slice3A_590 = vector.extract_strided_slice %get3A_329 {offsets = [0, 26624], sizes = [16, 128], strides = [1, 1]} : vector<16x32768xf32> to vector<16x128xf32>
    %slice3A_591 = vector.extract_strided_slice %get3A_329 {offsets = [0, 26752], sizes = [16, 128], strides = [1, 1]} : vector<16x32768xf32> to vector<16x128xf32>
    %slice3A_592 = vector.extract_strided_slice %get3A_329 {offsets = [0, 26880], sizes = [16, 128], strides = [1, 1]} : vector<16x32768xf32> to vector<16x128xf32>
    %slice3A_593 = vector.extract_strided_slice %get3A_329 {offsets = [0, 27008], sizes = [16, 128], strides = [1, 1]} : vector<16x32768xf32> to vector<16x128xf32>
    %slice3A_594 = vector.extract_strided_slice %get3A_329 {offsets = [0, 27136], sizes = [16, 128], strides = [1, 1]} : vector<16x32768xf32> to vector<16x128xf32>
    %slice3A_595 = vector.extract_strided_slice %get3A_329 {offsets = [0, 27264], sizes = [16, 128], strides = [1, 1]} : vector<16x32768xf32> to vector<16x128xf32>
    %slice3A_596 = vector.extract_strided_slice %get3A_329 {offsets = [0, 27392], sizes = [16, 128], strides = [1, 1]} : vector<16x32768xf32> to vector<16x128xf32>
    %slice3A_597 = vector.extract_strided_slice %get3A_329 {offsets = [0, 27520], sizes = [16, 128], strides = [1, 1]} : vector<16x32768xf32> to vector<16x128xf32>
    %concatenate3A_598 = tpu.concatenate %slice3A_590, %slice3A_591, %slice3A_592, %slice3A_593, %slice3A_594, %slice3A_595, %slice3A_596, %slice3A_597 in 0 : vector<16x128xf32>, vector<16x128xf32>, vector<16x128xf32>, vector<16x128xf32>, vector<16x128xf32>, vector<16x128xf32>, vector<16x128xf32>, vector<16x128xf32> -> vector<128x128xf32>
    %transpose3A_599 = tpu.transpose %concatenate3A_598, [1, 0] : vector<128x128xf32> -> vector<128x128xf32>
    %slice3A_600 = vector.extract_strided_slice %get3A_329 {offsets = [0, 27648], sizes = [16, 128], strides = [1, 1]} : vector<16x32768xf32> to vector<16x128xf32>
    %slice3A_601 = vector.extract_strided_slice %get3A_329 {offsets = [0, 27776], sizes = [16, 128], strides = [1, 1]} : vector<16x32768xf32> to vector<16x128xf32>
    %slice3A_602 = vector.extract_strided_slice %get3A_329 {offsets = [0, 27904], sizes = [16, 128], strides = [1, 1]} : vector<16x32768xf32> to vector<16x128xf32>
    %slice3A_603 = vector.extract_strided_slice %get3A_329 {offsets = [0, 28032], sizes = [16, 128], strides = [1, 1]} : vector<16x32768xf32> to vector<16x128xf32>
    %slice3A_604 = vector.extract_strided_slice %get3A_329 {offsets = [0, 28160], sizes = [16, 128], strides = [1, 1]} : vector<16x32768xf32> to vector<16x128xf32>
    %slice3A_605 = vector.extract_strided_slice %get3A_329 {offsets = [0, 28288], sizes = [16, 128], strides = [1, 1]} : vector<16x32768xf32> to vector<16x128xf32>
    %slice3A_606 = vector.extract_strided_slice %get3A_329 {offsets = [0, 28416], sizes = [16, 128], strides = [1, 1]} : vector<16x32768xf32> to vector<16x128xf32>
    %slice3A_607 = vector.extract_strided_slice %get3A_329 {offsets = [0, 28544], sizes = [16, 128], strides = [1, 1]} : vector<16x32768xf32> to vector<16x128xf32>
    %concatenate3A_608 = tpu.concatenate %slice3A_600, %slice3A_601, %slice3A_602, %slice3A_603, %slice3A_604, %slice3A_605, %slice3A_606, %slice3A_607 in 0 : vector<16x128xf32>, vector<16x128xf32>, vector<16x128xf32>, vector<16x128xf32>, vector<16x128xf32>, vector<16x128xf32>, vector<16x128xf32>, vector<16x128xf32> -> vector<128x128xf32>
    %transpose3A_609 = tpu.transpose %concatenate3A_608, [1, 0] : vector<128x128xf32> -> vector<128x128xf32>
    %slice3A_610 = vector.extract_strided_slice %get3A_329 {offsets = [0, 28672], sizes = [16, 128], strides = [1, 1]} : vector<16x32768xf32> to vector<16x128xf32>
    %slice3A_611 = vector.extract_strided_slice %get3A_329 {offsets = [0, 28800], sizes = [16, 128], strides = [1, 1]} : vector<16x32768xf32> to vector<16x128xf32>
    %slice3A_612 = vector.extract_strided_slice %get3A_329 {offsets = [0, 28928], sizes = [16, 128], strides = [1, 1]} : vector<16x32768xf32> to vector<16x128xf32>
    %slice3A_613 = vector.extract_strided_slice %get3A_329 {offsets = [0, 29056], sizes = [16, 128], strides = [1, 1]} : vector<16x32768xf32> to vector<16x128xf32>
    %slice3A_614 = vector.extract_strided_slice %get3A_329 {offsets = [0, 29184], sizes = [16, 128], strides = [1, 1]} : vector<16x32768xf32> to vector<16x128xf32>
    %slice3A_615 = vector.extract_strided_slice %get3A_329 {offsets = [0, 29312], sizes = [16, 128], strides = [1, 1]} : vector<16x32768xf32> to vector<16x128xf32>
    %slice3A_616 = vector.extract_strided_slice %get3A_329 {offsets = [0, 29440], sizes = [16, 128], strides = [1, 1]} : vector<16x32768xf32> to vector<16x128xf32>
    %slice3A_617 = vector.extract_strided_slice %get3A_329 {offsets = [0, 29568], sizes = [16, 128], strides = [1, 1]} : vector<16x32768xf32> to vector<16x128xf32>
    %concatenate3A_618 = tpu.concatenate %slice3A_610, %slice3A_611, %slice3A_612, %slice3A_613, %slice3A_614, %slice3A_615, %slice3A_616, %slice3A_617 in 0 : vector<16x128xf32>, vector<16x128xf32>, vector<16x128xf32>, vector<16x128xf32>, vector<16x128xf32>, vector<16x128xf32>, vector<16x128xf32>, vector<16x128xf32> -> vector<128x128xf32>
    %transpose3A_619 = tpu.transpose %concatenate3A_618, [1, 0] : vector<128x128xf32> -> vector<128x128xf32>
    %slice3A_620 = vector.extract_strided_slice %get3A_329 {offsets = [0, 29696], sizes = [16, 128], strides = [1, 1]} : vector<16x32768xf32> to vector<16x128xf32>
    %slice3A_621 = vector.extract_strided_slice %get3A_329 {offsets = [0, 29824], sizes = [16, 128], strides = [1, 1]} : vector<16x32768xf32> to vector<16x128xf32>
    %slice3A_622 = vector.extract_strided_slice %get3A_329 {offsets = [0, 29952], sizes = [16, 128], strides = [1, 1]} : vector<16x32768xf32> to vector<16x128xf32>
    %slice3A_623 = vector.extract_strided_slice %get3A_329 {offsets = [0, 30080], sizes = [16, 128], strides = [1, 1]} : vector<16x32768xf32> to vector<16x128xf32>
    %slice3A_624 = vector.extract_strided_slice %get3A_329 {offsets = [0, 30208], sizes = [16, 128], strides = [1, 1]} : vector<16x32768xf32> to vector<16x128xf32>
    %slice3A_625 = vector.extract_strided_slice %get3A_329 {offsets = [0, 30336], sizes = [16, 128], strides = [1, 1]} : vector<16x32768xf32> to vector<16x128xf32>
    %slice3A_626 = vector.extract_strided_slice %get3A_329 {offsets = [0, 30464], sizes = [16, 128], strides = [1, 1]} : vector<16x32768xf32> to vector<16x128xf32>
    %slice3A_627 = vector.extract_strided_slice %get3A_329 {offsets = [0, 30592], sizes = [16, 128], strides = [1, 1]} : vector<16x32768xf32> to vector<16x128xf32>
    %concatenate3A_628 = tpu.concatenate %slice3A_620, %slice3A_621, %slice3A_622, %slice3A_623, %slice3A_624, %slice3A_625, %slice3A_626, %slice3A_627 in 0 : vector<16x128xf32>, vector<16x128xf32>, vector<16x128xf32>, vector<16x128xf32>, vector<16x128xf32>, vector<16x128xf32>, vector<16x128xf32>, vector<16x128xf32> -> vector<128x128xf32>
    %transpose3A_629 = tpu.transpose %concatenate3A_628, [1, 0] : vector<128x128xf32> -> vector<128x128xf32>
    %slice3A_630 = vector.extract_strided_slice %get3A_329 {offsets = [0, 30720], sizes = [16, 128], strides = [1, 1]} : vector<16x32768xf32> to vector<16x128xf32>
    %slice3A_631 = vector.extract_strided_slice %get3A_329 {offsets = [0, 30848], sizes = [16, 128], strides = [1, 1]} : vector<16x32768xf32> to vector<16x128xf32>
    %slice3A_632 = vector.extract_strided_slice %get3A_329 {offsets = [0, 30976], sizes = [16, 128], strides = [1, 1]} : vector<16x32768xf32> to vector<16x128xf32>
    %slice3A_633 = vector.extract_strided_slice %get3A_329 {offsets = [0, 31104], sizes = [16, 128], strides = [1, 1]} : vector<16x32768xf32> to vector<16x128xf32>
    %slice3A_634 = vector.extract_strided_slice %get3A_329 {offsets = [0, 31232], sizes = [16, 128], strides = [1, 1]} : vector<16x32768xf32> to vector<16x128xf32>
    %slice3A_635 = vector.extract_strided_slice %get3A_329 {offsets = [0, 31360], sizes = [16, 128], strides = [1, 1]} : vector<16x32768xf32> to vector<16x128xf32>
    %slice3A_636 = vector.extract_strided_slice %get3A_329 {offsets = [0, 31488], sizes = [16, 128], strides = [1, 1]} : vector<16x32768xf32> to vector<16x128xf32>
    %slice3A_637 = vector.extract_strided_slice %get3A_329 {offsets = [0, 31616], sizes = [16, 128], strides = [1, 1]} : vector<16x32768xf32> to vector<16x128xf32>
    %concatenate3A_638 = tpu.concatenate %slice3A_630, %slice3A_631, %slice3A_632, %slice3A_633, %slice3A_634, %slice3A_635, %slice3A_636, %slice3A_637 in 0 : vector<16x128xf32>, vector<16x128xf32>, vector<16x128xf32>, vector<16x128xf32>, vector<16x128xf32>, vector<16x128xf32>, vector<16x128xf32>, vector<16x128xf32> -> vector<128x128xf32>
    %transpose3A_639 = tpu.transpose %concatenate3A_638, [1, 0] : vector<128x128xf32> -> vector<128x128xf32>
    %slice3A_640 = vector.extract_strided_slice %get3A_329 {offsets = [0, 31744], sizes = [16, 128], strides = [1, 1]} : vector<16x32768xf32> to vector<16x128xf32>
    %slice3A_641 = vector.extract_strided_slice %get3A_329 {offsets = [0, 31872], sizes = [16, 128], strides = [1, 1]} : vector<16x32768xf32> to vector<16x128xf32>
    %slice3A_642 = vector.extract_strided_slice %get3A_329 {offsets = [0, 32000], sizes = [16, 128], strides = [1, 1]} : vector<16x32768xf32> to vector<16x128xf32>
    %slice3A_643 = vector.extract_strided_slice %get3A_329 {offsets = [0, 32128], sizes = [16, 128], strides = [1, 1]} : vector<16x32768xf32> to vector<16x128xf32>
    %slice3A_644 = vector.extract_strided_slice %get3A_329 {offsets = [0, 32256], sizes = [16, 128], strides = [1, 1]} : vector<16x32768xf32> to vector<16x128xf32>
    %slice3A_645 = vector.extract_strided_slice %get3A_329 {offsets = [0, 32384], sizes = [16, 128], strides = [1, 1]} : vector<16x32768xf32> to vector<16x128xf32>
    %slice3A_646 = vector.extract_strided_slice %get3A_329 {offsets = [0, 32512], sizes = [16, 128], strides = [1, 1]} : vector<16x32768xf32> to vector<16x128xf32>
    %slice3A_647 = vector.extract_strided_slice %get3A_329 {offsets = [0, 32640], sizes = [16, 128], strides = [1, 1]} : vector<16x32768xf32> to vector<16x128xf32>
    %concatenate3A_648 = tpu.concatenate %slice3A_640, %slice3A_641, %slice3A_642, %slice3A_643, %slice3A_644, %slice3A_645, %slice3A_646, %slice3A_647 in 0 : vector<16x128xf32>, vector<16x128xf32>, vector<16x128xf32>, vector<16x128xf32>, vector<16x128xf32>, vector<16x128xf32>, vector<16x128xf32>, vector<16x128xf32> -> vector<128x128xf32>
    %transpose3A_649 = tpu.transpose %concatenate3A_648, [1, 0] : vector<128x128xf32> -> vector<128x128xf32>
    %concatenate3A_650 = tpu.concatenate %transpose3A_339, %transpose3A_349, %transpose3A_359, %transpose3A_369, %transpose3A_379, %transpose3A_389, %transpose3A_399, %transpose3A_409, %transpose3A_419, %transpose3A_429, %transpose3A_439, %transpose3A_449, %transpose3A_459, %transpose3A_469, %transpose3A_479, %transpose3A_489, %transpose3A_499, %transpose3A_509, %transpose3A_519, %transpose3A_529, %transpose3A_539, %transpose3A_549, %transpose3A_559, %transpose3A_569, %transpose3A_579, %transpose3A_589, %transpose3A_599, %transpose3A_609, %transpose3A_619, %transpose3A_629, %transpose3A_639, %transpose3A_649 in 0 : vector<128x128xf32>, vector<128x128xf32>, vector<128x128xf32>, vector<128x128xf32>, vector<128x128xf32>, vector<128x128xf32>, vector<128x128xf32>, vector<128x128xf32>, vector<128x128xf32>, vector<128x128xf32>, vector<128x128xf32>, vector<128x128xf32>, vector<128x128xf32>, vector<128x128xf32>, vector<128x128xf32>, vector<128x128xf32>, vector<128x128xf32>, vector<128x128xf32>, vector<128x128xf32>, vector<128x128xf32>, vector<128x128xf32>, vector<128x128xf32>, vector<128x128xf32>, vector<128x128xf32>, vector<128x128xf32>, vector<128x128xf32>, vector<128x128xf32>, vector<128x128xf32>, vector<128x128xf32>, vector<128x128xf32>, vector<128x128xf32>, vector<128x128xf32> -> vector<4096x128xf32>
    %swap3A_651 = arith.constant 0 : index
    %swap3A_652 = arith.constant 0 : index
    %swap3A_653 = vector.load %arg5[%swap3A_651, %swap3A_652] : memref<4096x128xf32, #tpu.memory_space<vmem>>, vector<4096x128xf32>
    tpu.vector_store %arg5[%swap3A_651, %swap3A_652], %concatenate3A_650 {strides = array<i32>} : memref<4096x128xf32, #tpu.memory_space<vmem>>, vector<4096x128xf32>,
    return
  }
  func.func @transform_0(%arg0: i32) -> (i32, i32) {
    %c0_i32 = arith.constant 0 : i32
    %c0_i32_0 = arith.constant 0 : i32
    return %c0_i32, %arg0 : i32, i32
  }
  func.func @transform_1(%arg0: i32) -> (i32, i32) {
    %c0_i32 = arith.constant 0 : i32
    %c0_i32_0 = arith.constant 0 : i32
    return %c0_i32, %arg0 : i32, i32
  }
  func.func @transform_2(%arg0: i32) -> (i32, i32) {
    %c0_i32 = arith.constant 0 : i32
    %c0_i32_0 = arith.constant 0 : i32
    return %c0_i32, %arg0 : i32, i32
  }
  func.func @transform_3(%arg0: i32) -> (i32, i32) {
    %c0_i32 = arith.constant 0 : i32
    %c0_i32_0 = arith.constant 0 : i32
    return %arg0, %c0_i32 : i32, i32
  }
  func.func @transform_4(%arg0: i32) -> (i32, i32) {
    %c0_i32 = arith.constant 0 : i32
    %c0_i32_0 = arith.constant 0 : i32
    return %arg0, %c0_i32 : i32, i32
  }
}

module attributes {stable_mosaic.version = 14 : i64} {
  func.func @body(%arg0: i32, %arg1: memref<16x32768xf32, #tpu.memory_space<vmem>>, %arg2: memref<4096x128xf32, #tpu.memory_space<vmem>>) attributes {dimension_semantics = [#tpu.dimension_semantics<arbitrary>], iteration_bounds = array<i64: 31>, scalar_prefetch = 0 : i64, scratch_operands = 0 : i64, tpu.core_type = #tpu.core_type<tc>, window_params = [{transform_indices = @transform_0, window_bounds = array<i64: 16, 32768>}, {transform_indices = @transform_1, window_bounds = array<i64: 4096, 128>}]} {
    %get3A = arith.constant 0 : index
    %get3A_0 = arith.constant 0 : index
    %get3A_1 = vector.load %arg1[%get3A, %get3A_0] : memref<16x32768xf32, #tpu.memory_space<vmem>>, vector<16x32768xf32>
    %slice3A = vector.extract_strided_slice %get3A_1 {offsets = [0, 0], sizes = [16, 128], strides = [1, 1]} : vector<16x32768xf32> to vector<16x128xf32>
    %slice3A_2 = vector.extract_strided_slice %get3A_1 {offsets = [0, 128], sizes = [16, 128], strides = [1, 1]} : vector<16x32768xf32> to vector<16x128xf32>
    %slice3A_3 = vector.extract_strided_slice %get3A_1 {offsets = [0, 256], sizes = [16, 128], strides = [1, 1]} : vector<16x32768xf32> to vector<16x128xf32>
    %slice3A_4 = vector.extract_strided_slice %get3A_1 {offsets = [0, 384], sizes = [16, 128], strides = [1, 1]} : vector<16x32768xf32> to vector<16x128xf32>
    %slice3A_5 = vector.extract_strided_slice %get3A_1 {offsets = [0, 512], sizes = [16, 128], strides = [1, 1]} : vector<16x32768xf32> to vector<16x128xf32>
    %slice3A_6 = vector.extract_strided_slice %get3A_1 {offsets = [0, 640], sizes = [16, 128], strides = [1, 1]} : vector<16x32768xf32> to vector<16x128xf32>
    %slice3A_7 = vector.extract_strided_slice %get3A_1 {offsets = [0, 768], sizes = [16, 128], strides = [1, 1]} : vector<16x32768xf32> to vector<16x128xf32>
    %slice3A_8 = vector.extract_strided_slice %get3A_1 {offsets = [0, 896], sizes = [16, 128], strides = [1, 1]} : vector<16x32768xf32> to vector<16x128xf32>
    %concatenate3A = tpu.concatenate %slice3A, %slice3A_2, %slice3A_3, %slice3A_4, %slice3A_5, %slice3A_6, %slice3A_7, %slice3A_8 in 0 : vector<16x128xf32>, vector<16x128xf32>, vector<16x128xf32>, vector<16x128xf32>, vector<16x128xf32>, vector<16x128xf32>, vector<16x128xf32>, vector<16x128xf32> -> vector<128x128xf32>
    %transpose3A = tpu.transpose %concatenate3A, [1, 0] : vector<128x128xf32> -> vector<128x128xf32>
    %slice3A_9 = vector.extract_strided_slice %get3A_1 {offsets = [0, 1024], sizes = [16, 128], strides = [1, 1]} : vector<16x32768xf32> to vector<16x128xf32>
    %slice3A_10 = vector.extract_strided_slice %get3A_1 {offsets = [0, 1152], sizes = [16, 128], strides = [1, 1]} : vector<16x32768xf32> to vector<16x128xf32>
    %slice3A_11 = vector.extract_strided_slice %get3A_1 {offsets = [0, 1280], sizes = [16, 128], strides = [1, 1]} : vector<16x32768xf32> to vector<16x128xf32>
    %slice3A_12 = vector.extract_strided_slice %get3A_1 {offsets = [0, 1408], sizes = [16, 128], strides = [1, 1]} : vector<16x32768xf32> to vector<16x128xf32>
    %slice3A_13 = vector.extract_strided_slice %get3A_1 {offsets = [0, 1536], sizes = [16, 128], strides = [1, 1]} : vector<16x32768xf32> to vector<16x128xf32>
    %slice3A_14 = vector.extract_strided_slice %get3A_1 {offsets = [0, 1664], sizes = [16, 128], strides = [1, 1]} : vector<16x32768xf32> to vector<16x128xf32>
    %slice3A_15 = vector.extract_strided_slice %get3A_1 {offsets = [0, 1792], sizes = [16, 128], strides = [1, 1]} : vector<16x32768xf32> to vector<16x128xf32>
    %slice3A_16 = vector.extract_strided_slice %get3A_1 {offsets = [0, 1920], sizes = [16, 128], strides = [1, 1]} : vector<16x32768xf32> to vector<16x128xf32>
    %concatenate3A_17 = tpu.concatenate %slice3A_9, %slice3A_10, %slice3A_11, %slice3A_12, %slice3A_13, %slice3A_14, %slice3A_15, %slice3A_16 in 0 : vector<16x128xf32>, vector<16x128xf32>, vector<16x128xf32>, vector<16x128xf32>, vector<16x128xf32>, vector<16x128xf32>, vector<16x128xf32>, vector<16x128xf32> -> vector<128x128xf32>
    %transpose3A_18 = tpu.transpose %concatenate3A_17, [1, 0] : vector<128x128xf32> -> vector<128x128xf32>
    %slice3A_19 = vector.extract_strided_slice %get3A_1 {offsets = [0, 2048], sizes = [16, 128], strides = [1, 1]} : vector<16x32768xf32> to vector<16x128xf32>
    %slice3A_20 = vector.extract_strided_slice %get3A_1 {offsets = [0, 2176], sizes = [16, 128], strides = [1, 1]} : vector<16x32768xf32> to vector<16x128xf32>
    %slice3A_21 = vector.extract_strided_slice %get3A_1 {offsets = [0, 2304], sizes = [16, 128], strides = [1, 1]} : vector<16x32768xf32> to vector<16x128xf32>
    %slice3A_22 = vector.extract_strided_slice %get3A_1 {offsets = [0, 2432], sizes = [16, 128], strides = [1, 1]} : vector<16x32768xf32> to vector<16x128xf32>
    %slice3A_23 = vector.extract_strided_slice %get3A_1 {offsets = [0, 2560], sizes = [16, 128], strides = [1, 1]} : vector<16x32768xf32> to vector<16x128xf32>
    %slice3A_24 = vector.extract_strided_slice %get3A_1 {offsets = [0, 2688], sizes = [16, 128], strides = [1, 1]} : vector<16x32768xf32> to vector<16x128xf32>
    %slice3A_25 = vector.extract_strided_slice %get3A_1 {offsets = [0, 2816], sizes = [16, 128], strides = [1, 1]} : vector<16x32768xf32> to vector<16x128xf32>
    %slice3A_26 = vector.extract_strided_slice %get3A_1 {offsets = [0, 2944], sizes = [16, 128], strides = [1, 1]} : vector<16x32768xf32> to vector<16x128xf32>
    %concatenate3A_27 = tpu.concatenate %slice3A_19, %slice3A_20, %slice3A_21, %slice3A_22, %slice3A_23, %slice3A_24, %slice3A_25, %slice3A_26 in 0 : vector<16x128xf32>, vector<16x128xf32>, vector<16x128xf32>, vector<16x128xf32>, vector<16x128xf32>, vector<16x128xf32>, vector<16x128xf32>, vector<16x128xf32> -> vector<128x128xf32>
    %transpose3A_28 = tpu.transpose %concatenate3A_27, [1, 0] : vector<128x128xf32> -> vector<128x128xf32>
    %slice3A_29 = vector.extract_strided_slice %get3A_1 {offsets = [0, 3072], sizes = [16, 128], strides = [1, 1]} : vector<16x32768xf32> to vector<16x128xf32>
    %slice3A_30 = vector.extract_strided_slice %get3A_1 {offsets = [0, 3200], sizes = [16, 128], strides = [1, 1]} : vector<16x32768xf32> to vector<16x128xf32>
    %slice3A_31 = vector.extract_strided_slice %get3A_1 {offsets = [0, 3328], sizes = [16, 128], strides = [1, 1]} : vector<16x32768xf32> to vector<16x128xf32>
    %slice3A_32 = vector.extract_strided_slice %get3A_1 {offsets = [0, 3456], sizes = [16, 128], strides = [1, 1]} : vector<16x32768xf32> to vector<16x128xf32>
    %slice3A_33 = vector.extract_strided_slice %get3A_1 {offsets = [0, 3584], sizes = [16, 128], strides = [1, 1]} : vector<16x32768xf32> to vector<16x128xf32>
    %slice3A_34 = vector.extract_strided_slice %get3A_1 {offsets = [0, 3712], sizes = [16, 128], strides = [1, 1]} : vector<16x32768xf32> to vector<16x128xf32>
    %slice3A_35 = vector.extract_strided_slice %get3A_1 {offsets = [0, 3840], sizes = [16, 128], strides = [1, 1]} : vector<16x32768xf32> to vector<16x128xf32>
    %slice3A_36 = vector.extract_strided_slice %get3A_1 {offsets = [0, 3968], sizes = [16, 128], strides = [1, 1]} : vector<16x32768xf32> to vector<16x128xf32>
    %concatenate3A_37 = tpu.concatenate %slice3A_29, %slice3A_30, %slice3A_31, %slice3A_32, %slice3A_33, %slice3A_34, %slice3A_35, %slice3A_36 in 0 : vector<16x128xf32>, vector<16x128xf32>, vector<16x128xf32>, vector<16x128xf32>, vector<16x128xf32>, vector<16x128xf32>, vector<16x128xf32>, vector<16x128xf32> -> vector<128x128xf32>
    %transpose3A_38 = tpu.transpose %concatenate3A_37, [1, 0] : vector<128x128xf32> -> vector<128x128xf32>
    %slice3A_39 = vector.extract_strided_slice %get3A_1 {offsets = [0, 4096], sizes = [16, 128], strides = [1, 1]} : vector<16x32768xf32> to vector<16x128xf32>
    %slice3A_40 = vector.extract_strided_slice %get3A_1 {offsets = [0, 4224], sizes = [16, 128], strides = [1, 1]} : vector<16x32768xf32> to vector<16x128xf32>
    %slice3A_41 = vector.extract_strided_slice %get3A_1 {offsets = [0, 4352], sizes = [16, 128], strides = [1, 1]} : vector<16x32768xf32> to vector<16x128xf32>
    %slice3A_42 = vector.extract_strided_slice %get3A_1 {offsets = [0, 4480], sizes = [16, 128], strides = [1, 1]} : vector<16x32768xf32> to vector<16x128xf32>
    %slice3A_43 = vector.extract_strided_slice %get3A_1 {offsets = [0, 4608], sizes = [16, 128], strides = [1, 1]} : vector<16x32768xf32> to vector<16x128xf32>
    %slice3A_44 = vector.extract_strided_slice %get3A_1 {offsets = [0, 4736], sizes = [16, 128], strides = [1, 1]} : vector<16x32768xf32> to vector<16x128xf32>
    %slice3A_45 = vector.extract_strided_slice %get3A_1 {offsets = [0, 4864], sizes = [16, 128], strides = [1, 1]} : vector<16x32768xf32> to vector<16x128xf32>
    %slice3A_46 = vector.extract_strided_slice %get3A_1 {offsets = [0, 4992], sizes = [16, 128], strides = [1, 1]} : vector<16x32768xf32> to vector<16x128xf32>
    %concatenate3A_47 = tpu.concatenate %slice3A_39, %slice3A_40, %slice3A_41, %slice3A_42, %slice3A_43, %slice3A_44, %slice3A_45, %slice3A_46 in 0 : vector<16x128xf32>, vector<16x128xf32>, vector<16x128xf32>, vector<16x128xf32>, vector<16x128xf32>, vector<16x128xf32>, vector<16x128xf32>, vector<16x128xf32> -> vector<128x128xf32>
    %transpose3A_48 = tpu.transpose %concatenate3A_47, [1, 0] : vector<128x128xf32> -> vector<128x128xf32>
    %slice3A_49 = vector.extract_strided_slice %get3A_1 {offsets = [0, 5120], sizes = [16, 128], strides = [1, 1]} : vector<16x32768xf32> to vector<16x128xf32>
    %slice3A_50 = vector.extract_strided_slice %get3A_1 {offsets = [0, 5248], sizes = [16, 128], strides = [1, 1]} : vector<16x32768xf32> to vector<16x128xf32>
    %slice3A_51 = vector.extract_strided_slice %get3A_1 {offsets = [0, 5376], sizes = [16, 128], strides = [1, 1]} : vector<16x32768xf32> to vector<16x128xf32>
    %slice3A_52 = vector.extract_strided_slice %get3A_1 {offsets = [0, 5504], sizes = [16, 128], strides = [1, 1]} : vector<16x32768xf32> to vector<16x128xf32>
    %slice3A_53 = vector.extract_strided_slice %get3A_1 {offsets = [0, 5632], sizes = [16, 128], strides = [1, 1]} : vector<16x32768xf32> to vector<16x128xf32>
    %slice3A_54 = vector.extract_strided_slice %get3A_1 {offsets = [0, 5760], sizes = [16, 128], strides = [1, 1]} : vector<16x32768xf32> to vector<16x128xf32>
    %slice3A_55 = vector.extract_strided_slice %get3A_1 {offsets = [0, 5888], sizes = [16, 128], strides = [1, 1]} : vector<16x32768xf32> to vector<16x128xf32>
    %slice3A_56 = vector.extract_strided_slice %get3A_1 {offsets = [0, 6016], sizes = [16, 128], strides = [1, 1]} : vector<16x32768xf32> to vector<16x128xf32>
    %concatenate3A_57 = tpu.concatenate %slice3A_49, %slice3A_50, %slice3A_51, %slice3A_52, %slice3A_53, %slice3A_54, %slice3A_55, %slice3A_56 in 0 : vector<16x128xf32>, vector<16x128xf32>, vector<16x128xf32>, vector<16x128xf32>, vector<16x128xf32>, vector<16x128xf32>, vector<16x128xf32>, vector<16x128xf32> -> vector<128x128xf32>
    %transpose3A_58 = tpu.transpose %concatenate3A_57, [1, 0] : vector<128x128xf32> -> vector<128x128xf32>
    %slice3A_59 = vector.extract_strided_slice %get3A_1 {offsets = [0, 6144], sizes = [16, 128], strides = [1, 1]} : vector<16x32768xf32> to vector<16x128xf32>
    %slice3A_60 = vector.extract_strided_slice %get3A_1 {offsets = [0, 6272], sizes = [16, 128], strides = [1, 1]} : vector<16x32768xf32> to vector<16x128xf32>
    %slice3A_61 = vector.extract_strided_slice %get3A_1 {offsets = [0, 6400], sizes = [16, 128], strides = [1, 1]} : vector<16x32768xf32> to vector<16x128xf32>
    %slice3A_62 = vector.extract_strided_slice %get3A_1 {offsets = [0, 6528], sizes = [16, 128], strides = [1, 1]} : vector<16x32768xf32> to vector<16x128xf32>
    %slice3A_63 = vector.extract_strided_slice %get3A_1 {offsets = [0, 6656], sizes = [16, 128], strides = [1, 1]} : vector<16x32768xf32> to vector<16x128xf32>
    %slice3A_64 = vector.extract_strided_slice %get3A_1 {offsets = [0, 6784], sizes = [16, 128], strides = [1, 1]} : vector<16x32768xf32> to vector<16x128xf32>
    %slice3A_65 = vector.extract_strided_slice %get3A_1 {offsets = [0, 6912], sizes = [16, 128], strides = [1, 1]} : vector<16x32768xf32> to vector<16x128xf32>
    %slice3A_66 = vector.extract_strided_slice %get3A_1 {offsets = [0, 7040], sizes = [16, 128], strides = [1, 1]} : vector<16x32768xf32> to vector<16x128xf32>
    %concatenate3A_67 = tpu.concatenate %slice3A_59, %slice3A_60, %slice3A_61, %slice3A_62, %slice3A_63, %slice3A_64, %slice3A_65, %slice3A_66 in 0 : vector<16x128xf32>, vector<16x128xf32>, vector<16x128xf32>, vector<16x128xf32>, vector<16x128xf32>, vector<16x128xf32>, vector<16x128xf32>, vector<16x128xf32> -> vector<128x128xf32>
    %transpose3A_68 = tpu.transpose %concatenate3A_67, [1, 0] : vector<128x128xf32> -> vector<128x128xf32>
    %slice3A_69 = vector.extract_strided_slice %get3A_1 {offsets = [0, 7168], sizes = [16, 128], strides = [1, 1]} : vector<16x32768xf32> to vector<16x128xf32>
    %slice3A_70 = vector.extract_strided_slice %get3A_1 {offsets = [0, 7296], sizes = [16, 128], strides = [1, 1]} : vector<16x32768xf32> to vector<16x128xf32>
    %slice3A_71 = vector.extract_strided_slice %get3A_1 {offsets = [0, 7424], sizes = [16, 128], strides = [1, 1]} : vector<16x32768xf32> to vector<16x128xf32>
    %slice3A_72 = vector.extract_strided_slice %get3A_1 {offsets = [0, 7552], sizes = [16, 128], strides = [1, 1]} : vector<16x32768xf32> to vector<16x128xf32>
    %slice3A_73 = vector.extract_strided_slice %get3A_1 {offsets = [0, 7680], sizes = [16, 128], strides = [1, 1]} : vector<16x32768xf32> to vector<16x128xf32>
    %slice3A_74 = vector.extract_strided_slice %get3A_1 {offsets = [0, 7808], sizes = [16, 128], strides = [1, 1]} : vector<16x32768xf32> to vector<16x128xf32>
    %slice3A_75 = vector.extract_strided_slice %get3A_1 {offsets = [0, 7936], sizes = [16, 128], strides = [1, 1]} : vector<16x32768xf32> to vector<16x128xf32>
    %slice3A_76 = vector.extract_strided_slice %get3A_1 {offsets = [0, 8064], sizes = [16, 128], strides = [1, 1]} : vector<16x32768xf32> to vector<16x128xf32>
    %concatenate3A_77 = tpu.concatenate %slice3A_69, %slice3A_70, %slice3A_71, %slice3A_72, %slice3A_73, %slice3A_74, %slice3A_75, %slice3A_76 in 0 : vector<16x128xf32>, vector<16x128xf32>, vector<16x128xf32>, vector<16x128xf32>, vector<16x128xf32>, vector<16x128xf32>, vector<16x128xf32>, vector<16x128xf32> -> vector<128x128xf32>
    %transpose3A_78 = tpu.transpose %concatenate3A_77, [1, 0] : vector<128x128xf32> -> vector<128x128xf32>
    %slice3A_79 = vector.extract_strided_slice %get3A_1 {offsets = [0, 8192], sizes = [16, 128], strides = [1, 1]} : vector<16x32768xf32> to vector<16x128xf32>
    %slice3A_80 = vector.extract_strided_slice %get3A_1 {offsets = [0, 8320], sizes = [16, 128], strides = [1, 1]} : vector<16x32768xf32> to vector<16x128xf32>
    %slice3A_81 = vector.extract_strided_slice %get3A_1 {offsets = [0, 8448], sizes = [16, 128], strides = [1, 1]} : vector<16x32768xf32> to vector<16x128xf32>
    %slice3A_82 = vector.extract_strided_slice %get3A_1 {offsets = [0, 8576], sizes = [16, 128], strides = [1, 1]} : vector<16x32768xf32> to vector<16x128xf32>
    %slice3A_83 = vector.extract_strided_slice %get3A_1 {offsets = [0, 8704], sizes = [16, 128], strides = [1, 1]} : vector<16x32768xf32> to vector<16x128xf32>
    %slice3A_84 = vector.extract_strided_slice %get3A_1 {offsets = [0, 8832], sizes = [16, 128], strides = [1, 1]} : vector<16x32768xf32> to vector<16x128xf32>
    %slice3A_85 = vector.extract_strided_slice %get3A_1 {offsets = [0, 8960], sizes = [16, 128], strides = [1, 1]} : vector<16x32768xf32> to vector<16x128xf32>
    %slice3A_86 = vector.extract_strided_slice %get3A_1 {offsets = [0, 9088], sizes = [16, 128], strides = [1, 1]} : vector<16x32768xf32> to vector<16x128xf32>
    %concatenate3A_87 = tpu.concatenate %slice3A_79, %slice3A_80, %slice3A_81, %slice3A_82, %slice3A_83, %slice3A_84, %slice3A_85, %slice3A_86 in 0 : vector<16x128xf32>, vector<16x128xf32>, vector<16x128xf32>, vector<16x128xf32>, vector<16x128xf32>, vector<16x128xf32>, vector<16x128xf32>, vector<16x128xf32> -> vector<128x128xf32>
    %transpose3A_88 = tpu.transpose %concatenate3A_87, [1, 0] : vector<128x128xf32> -> vector<128x128xf32>
    %slice3A_89 = vector.extract_strided_slice %get3A_1 {offsets = [0, 9216], sizes = [16, 128], strides = [1, 1]} : vector<16x32768xf32> to vector<16x128xf32>
    %slice3A_90 = vector.extract_strided_slice %get3A_1 {offsets = [0, 9344], sizes = [16, 128], strides = [1, 1]} : vector<16x32768xf32> to vector<16x128xf32>
    %slice3A_91 = vector.extract_strided_slice %get3A_1 {offsets = [0, 9472], sizes = [16, 128], strides = [1, 1]} : vector<16x32768xf32> to vector<16x128xf32>
    %slice3A_92 = vector.extract_strided_slice %get3A_1 {offsets = [0, 9600], sizes = [16, 128], strides = [1, 1]} : vector<16x32768xf32> to vector<16x128xf32>
    %slice3A_93 = vector.extract_strided_slice %get3A_1 {offsets = [0, 9728], sizes = [16, 128], strides = [1, 1]} : vector<16x32768xf32> to vector<16x128xf32>
    %slice3A_94 = vector.extract_strided_slice %get3A_1 {offsets = [0, 9856], sizes = [16, 128], strides = [1, 1]} : vector<16x32768xf32> to vector<16x128xf32>
    %slice3A_95 = vector.extract_strided_slice %get3A_1 {offsets = [0, 9984], sizes = [16, 128], strides = [1, 1]} : vector<16x32768xf32> to vector<16x128xf32>
    %slice3A_96 = vector.extract_strided_slice %get3A_1 {offsets = [0, 10112], sizes = [16, 128], strides = [1, 1]} : vector<16x32768xf32> to vector<16x128xf32>
    %concatenate3A_97 = tpu.concatenate %slice3A_89, %slice3A_90, %slice3A_91, %slice3A_92, %slice3A_93, %slice3A_94, %slice3A_95, %slice3A_96 in 0 : vector<16x128xf32>, vector<16x128xf32>, vector<16x128xf32>, vector<16x128xf32>, vector<16x128xf32>, vector<16x128xf32>, vector<16x128xf32>, vector<16x128xf32> -> vector<128x128xf32>
    %transpose3A_98 = tpu.transpose %concatenate3A_97, [1, 0] : vector<128x128xf32> -> vector<128x128xf32>
    %slice3A_99 = vector.extract_strided_slice %get3A_1 {offsets = [0, 10240], sizes = [16, 128], strides = [1, 1]} : vector<16x32768xf32> to vector<16x128xf32>
    %slice3A_100 = vector.extract_strided_slice %get3A_1 {offsets = [0, 10368], sizes = [16, 128], strides = [1, 1]} : vector<16x32768xf32> to vector<16x128xf32>
    %slice3A_101 = vector.extract_strided_slice %get3A_1 {offsets = [0, 10496], sizes = [16, 128], strides = [1, 1]} : vector<16x32768xf32> to vector<16x128xf32>
    %slice3A_102 = vector.extract_strided_slice %get3A_1 {offsets = [0, 10624], sizes = [16, 128], strides = [1, 1]} : vector<16x32768xf32> to vector<16x128xf32>
    %slice3A_103 = vector.extract_strided_slice %get3A_1 {offsets = [0, 10752], sizes = [16, 128], strides = [1, 1]} : vector<16x32768xf32> to vector<16x128xf32>
    %slice3A_104 = vector.extract_strided_slice %get3A_1 {offsets = [0, 10880], sizes = [16, 128], strides = [1, 1]} : vector<16x32768xf32> to vector<16x128xf32>
    %slice3A_105 = vector.extract_strided_slice %get3A_1 {offsets = [0, 11008], sizes = [16, 128], strides = [1, 1]} : vector<16x32768xf32> to vector<16x128xf32>
    %slice3A_106 = vector.extract_strided_slice %get3A_1 {offsets = [0, 11136], sizes = [16, 128], strides = [1, 1]} : vector<16x32768xf32> to vector<16x128xf32>
    %concatenate3A_107 = tpu.concatenate %slice3A_99, %slice3A_100, %slice3A_101, %slice3A_102, %slice3A_103, %slice3A_104, %slice3A_105, %slice3A_106 in 0 : vector<16x128xf32>, vector<16x128xf32>, vector<16x128xf32>, vector<16x128xf32>, vector<16x128xf32>, vector<16x128xf32>, vector<16x128xf32>, vector<16x128xf32> -> vector<128x128xf32>
    %transpose3A_108 = tpu.transpose %concatenate3A_107, [1, 0] : vector<128x128xf32> -> vector<128x128xf32>
    %slice3A_109 = vector.extract_strided_slice %get3A_1 {offsets = [0, 11264], sizes = [16, 128], strides = [1, 1]} : vector<16x32768xf32> to vector<16x128xf32>
    %slice3A_110 = vector.extract_strided_slice %get3A_1 {offsets = [0, 11392], sizes = [16, 128], strides = [1, 1]} : vector<16x32768xf32> to vector<16x128xf32>
    %slice3A_111 = vector.extract_strided_slice %get3A_1 {offsets = [0, 11520], sizes = [16, 128], strides = [1, 1]} : vector<16x32768xf32> to vector<16x128xf32>
    %slice3A_112 = vector.extract_strided_slice %get3A_1 {offsets = [0, 11648], sizes = [16, 128], strides = [1, 1]} : vector<16x32768xf32> to vector<16x128xf32>
    %slice3A_113 = vector.extract_strided_slice %get3A_1 {offsets = [0, 11776], sizes = [16, 128], strides = [1, 1]} : vector<16x32768xf32> to vector<16x128xf32>
    %slice3A_114 = vector.extract_strided_slice %get3A_1 {offsets = [0, 11904], sizes = [16, 128], strides = [1, 1]} : vector<16x32768xf32> to vector<16x128xf32>
    %slice3A_115 = vector.extract_strided_slice %get3A_1 {offsets = [0, 12032], sizes = [16, 128], strides = [1, 1]} : vector<16x32768xf32> to vector<16x128xf32>
    %slice3A_116 = vector.extract_strided_slice %get3A_1 {offsets = [0, 12160], sizes = [16, 128], strides = [1, 1]} : vector<16x32768xf32> to vector<16x128xf32>
    %concatenate3A_117 = tpu.concatenate %slice3A_109, %slice3A_110, %slice3A_111, %slice3A_112, %slice3A_113, %slice3A_114, %slice3A_115, %slice3A_116 in 0 : vector<16x128xf32>, vector<16x128xf32>, vector<16x128xf32>, vector<16x128xf32>, vector<16x128xf32>, vector<16x128xf32>, vector<16x128xf32>, vector<16x128xf32> -> vector<128x128xf32>
    %transpose3A_118 = tpu.transpose %concatenate3A_117, [1, 0] : vector<128x128xf32> -> vector<128x128xf32>
    %slice3A_119 = vector.extract_strided_slice %get3A_1 {offsets = [0, 12288], sizes = [16, 128], strides = [1, 1]} : vector<16x32768xf32> to vector<16x128xf32>
    %slice3A_120 = vector.extract_strided_slice %get3A_1 {offsets = [0, 12416], sizes = [16, 128], strides = [1, 1]} : vector<16x32768xf32> to vector<16x128xf32>
    %slice3A_121 = vector.extract_strided_slice %get3A_1 {offsets = [0, 12544], sizes = [16, 128], strides = [1, 1]} : vector<16x32768xf32> to vector<16x128xf32>
    %slice3A_122 = vector.extract_strided_slice %get3A_1 {offsets = [0, 12672], sizes = [16, 128], strides = [1, 1]} : vector<16x32768xf32> to vector<16x128xf32>
    %slice3A_123 = vector.extract_strided_slice %get3A_1 {offsets = [0, 12800], sizes = [16, 128], strides = [1, 1]} : vector<16x32768xf32> to vector<16x128xf32>
    %slice3A_124 = vector.extract_strided_slice %get3A_1 {offsets = [0, 12928], sizes = [16, 128], strides = [1, 1]} : vector<16x32768xf32> to vector<16x128xf32>
    %slice3A_125 = vector.extract_strided_slice %get3A_1 {offsets = [0, 13056], sizes = [16, 128], strides = [1, 1]} : vector<16x32768xf32> to vector<16x128xf32>
    %slice3A_126 = vector.extract_strided_slice %get3A_1 {offsets = [0, 13184], sizes = [16, 128], strides = [1, 1]} : vector<16x32768xf32> to vector<16x128xf32>
    %concatenate3A_127 = tpu.concatenate %slice3A_119, %slice3A_120, %slice3A_121, %slice3A_122, %slice3A_123, %slice3A_124, %slice3A_125, %slice3A_126 in 0 : vector<16x128xf32>, vector<16x128xf32>, vector<16x128xf32>, vector<16x128xf32>, vector<16x128xf32>, vector<16x128xf32>, vector<16x128xf32>, vector<16x128xf32> -> vector<128x128xf32>
    %transpose3A_128 = tpu.transpose %concatenate3A_127, [1, 0] : vector<128x128xf32> -> vector<128x128xf32>
    %slice3A_129 = vector.extract_strided_slice %get3A_1 {offsets = [0, 13312], sizes = [16, 128], strides = [1, 1]} : vector<16x32768xf32> to vector<16x128xf32>
    %slice3A_130 = vector.extract_strided_slice %get3A_1 {offsets = [0, 13440], sizes = [16, 128], strides = [1, 1]} : vector<16x32768xf32> to vector<16x128xf32>
    %slice3A_131 = vector.extract_strided_slice %get3A_1 {offsets = [0, 13568], sizes = [16, 128], strides = [1, 1]} : vector<16x32768xf32> to vector<16x128xf32>
    %slice3A_132 = vector.extract_strided_slice %get3A_1 {offsets = [0, 13696], sizes = [16, 128], strides = [1, 1]} : vector<16x32768xf32> to vector<16x128xf32>
    %slice3A_133 = vector.extract_strided_slice %get3A_1 {offsets = [0, 13824], sizes = [16, 128], strides = [1, 1]} : vector<16x32768xf32> to vector<16x128xf32>
    %slice3A_134 = vector.extract_strided_slice %get3A_1 {offsets = [0, 13952], sizes = [16, 128], strides = [1, 1]} : vector<16x32768xf32> to vector<16x128xf32>
    %slice3A_135 = vector.extract_strided_slice %get3A_1 {offsets = [0, 14080], sizes = [16, 128], strides = [1, 1]} : vector<16x32768xf32> to vector<16x128xf32>
    %slice3A_136 = vector.extract_strided_slice %get3A_1 {offsets = [0, 14208], sizes = [16, 128], strides = [1, 1]} : vector<16x32768xf32> to vector<16x128xf32>
    %concatenate3A_137 = tpu.concatenate %slice3A_129, %slice3A_130, %slice3A_131, %slice3A_132, %slice3A_133, %slice3A_134, %slice3A_135, %slice3A_136 in 0 : vector<16x128xf32>, vector<16x128xf32>, vector<16x128xf32>, vector<16x128xf32>, vector<16x128xf32>, vector<16x128xf32>, vector<16x128xf32>, vector<16x128xf32> -> vector<128x128xf32>
    %transpose3A_138 = tpu.transpose %concatenate3A_137, [1, 0] : vector<128x128xf32> -> vector<128x128xf32>
    %slice3A_139 = vector.extract_strided_slice %get3A_1 {offsets = [0, 14336], sizes = [16, 128], strides = [1, 1]} : vector<16x32768xf32> to vector<16x128xf32>
    %slice3A_140 = vector.extract_strided_slice %get3A_1 {offsets = [0, 14464], sizes = [16, 128], strides = [1, 1]} : vector<16x32768xf32> to vector<16x128xf32>
    %slice3A_141 = vector.extract_strided_slice %get3A_1 {offsets = [0, 14592], sizes = [16, 128], strides = [1, 1]} : vector<16x32768xf32> to vector<16x128xf32>
    %slice3A_142 = vector.extract_strided_slice %get3A_1 {offsets = [0, 14720], sizes = [16, 128], strides = [1, 1]} : vector<16x32768xf32> to vector<16x128xf32>
    %slice3A_143 = vector.extract_strided_slice %get3A_1 {offsets = [0, 14848], sizes = [16, 128], strides = [1, 1]} : vector<16x32768xf32> to vector<16x128xf32>
    %slice3A_144 = vector.extract_strided_slice %get3A_1 {offsets = [0, 14976], sizes = [16, 128], strides = [1, 1]} : vector<16x32768xf32> to vector<16x128xf32>
    %slice3A_145 = vector.extract_strided_slice %get3A_1 {offsets = [0, 15104], sizes = [16, 128], strides = [1, 1]} : vector<16x32768xf32> to vector<16x128xf32>
    %slice3A_146 = vector.extract_strided_slice %get3A_1 {offsets = [0, 15232], sizes = [16, 128], strides = [1, 1]} : vector<16x32768xf32> to vector<16x128xf32>
    %concatenate3A_147 = tpu.concatenate %slice3A_139, %slice3A_140, %slice3A_141, %slice3A_142, %slice3A_143, %slice3A_144, %slice3A_145, %slice3A_146 in 0 : vector<16x128xf32>, vector<16x128xf32>, vector<16x128xf32>, vector<16x128xf32>, vector<16x128xf32>, vector<16x128xf32>, vector<16x128xf32>, vector<16x128xf32> -> vector<128x128xf32>
    %transpose3A_148 = tpu.transpose %concatenate3A_147, [1, 0] : vector<128x128xf32> -> vector<128x128xf32>
    %slice3A_149 = vector.extract_strided_slice %get3A_1 {offsets = [0, 15360], sizes = [16, 128], strides = [1, 1]} : vector<16x32768xf32> to vector<16x128xf32>
    %slice3A_150 = vector.extract_strided_slice %get3A_1 {offsets = [0, 15488], sizes = [16, 128], strides = [1, 1]} : vector<16x32768xf32> to vector<16x128xf32>
    %slice3A_151 = vector.extract_strided_slice %get3A_1 {offsets = [0, 15616], sizes = [16, 128], strides = [1, 1]} : vector<16x32768xf32> to vector<16x128xf32>
    %slice3A_152 = vector.extract_strided_slice %get3A_1 {offsets = [0, 15744], sizes = [16, 128], strides = [1, 1]} : vector<16x32768xf32> to vector<16x128xf32>
    %slice3A_153 = vector.extract_strided_slice %get3A_1 {offsets = [0, 15872], sizes = [16, 128], strides = [1, 1]} : vector<16x32768xf32> to vector<16x128xf32>
    %slice3A_154 = vector.extract_strided_slice %get3A_1 {offsets = [0, 16000], sizes = [16, 128], strides = [1, 1]} : vector<16x32768xf32> to vector<16x128xf32>
    %slice3A_155 = vector.extract_strided_slice %get3A_1 {offsets = [0, 16128], sizes = [16, 128], strides = [1, 1]} : vector<16x32768xf32> to vector<16x128xf32>
    %slice3A_156 = vector.extract_strided_slice %get3A_1 {offsets = [0, 16256], sizes = [16, 128], strides = [1, 1]} : vector<16x32768xf32> to vector<16x128xf32>
    %concatenate3A_157 = tpu.concatenate %slice3A_149, %slice3A_150, %slice3A_151, %slice3A_152, %slice3A_153, %slice3A_154, %slice3A_155, %slice3A_156 in 0 : vector<16x128xf32>, vector<16x128xf32>, vector<16x128xf32>, vector<16x128xf32>, vector<16x128xf32>, vector<16x128xf32>, vector<16x128xf32>, vector<16x128xf32> -> vector<128x128xf32>
    %transpose3A_158 = tpu.transpose %concatenate3A_157, [1, 0] : vector<128x128xf32> -> vector<128x128xf32>
    %slice3A_159 = vector.extract_strided_slice %get3A_1 {offsets = [0, 16384], sizes = [16, 128], strides = [1, 1]} : vector<16x32768xf32> to vector<16x128xf32>
    %slice3A_160 = vector.extract_strided_slice %get3A_1 {offsets = [0, 16512], sizes = [16, 128], strides = [1, 1]} : vector<16x32768xf32> to vector<16x128xf32>
    %slice3A_161 = vector.extract_strided_slice %get3A_1 {offsets = [0, 16640], sizes = [16, 128], strides = [1, 1]} : vector<16x32768xf32> to vector<16x128xf32>
    %slice3A_162 = vector.extract_strided_slice %get3A_1 {offsets = [0, 16768], sizes = [16, 128], strides = [1, 1]} : vector<16x32768xf32> to vector<16x128xf32>
    %slice3A_163 = vector.extract_strided_slice %get3A_1 {offsets = [0, 16896], sizes = [16, 128], strides = [1, 1]} : vector<16x32768xf32> to vector<16x128xf32>
    %slice3A_164 = vector.extract_strided_slice %get3A_1 {offsets = [0, 17024], sizes = [16, 128], strides = [1, 1]} : vector<16x32768xf32> to vector<16x128xf32>
    %slice3A_165 = vector.extract_strided_slice %get3A_1 {offsets = [0, 17152], sizes = [16, 128], strides = [1, 1]} : vector<16x32768xf32> to vector<16x128xf32>
    %slice3A_166 = vector.extract_strided_slice %get3A_1 {offsets = [0, 17280], sizes = [16, 128], strides = [1, 1]} : vector<16x32768xf32> to vector<16x128xf32>
    %concatenate3A_167 = tpu.concatenate %slice3A_159, %slice3A_160, %slice3A_161, %slice3A_162, %slice3A_163, %slice3A_164, %slice3A_165, %slice3A_166 in 0 : vector<16x128xf32>, vector<16x128xf32>, vector<16x128xf32>, vector<16x128xf32>, vector<16x128xf32>, vector<16x128xf32>, vector<16x128xf32>, vector<16x128xf32> -> vector<128x128xf32>
    %transpose3A_168 = tpu.transpose %concatenate3A_167, [1, 0] : vector<128x128xf32> -> vector<128x128xf32>
    %slice3A_169 = vector.extract_strided_slice %get3A_1 {offsets = [0, 17408], sizes = [16, 128], strides = [1, 1]} : vector<16x32768xf32> to vector<16x128xf32>
    %slice3A_170 = vector.extract_strided_slice %get3A_1 {offsets = [0, 17536], sizes = [16, 128], strides = [1, 1]} : vector<16x32768xf32> to vector<16x128xf32>
    %slice3A_171 = vector.extract_strided_slice %get3A_1 {offsets = [0, 17664], sizes = [16, 128], strides = [1, 1]} : vector<16x32768xf32> to vector<16x128xf32>
    %slice3A_172 = vector.extract_strided_slice %get3A_1 {offsets = [0, 17792], sizes = [16, 128], strides = [1, 1]} : vector<16x32768xf32> to vector<16x128xf32>
    %slice3A_173 = vector.extract_strided_slice %get3A_1 {offsets = [0, 17920], sizes = [16, 128], strides = [1, 1]} : vector<16x32768xf32> to vector<16x128xf32>
    %slice3A_174 = vector.extract_strided_slice %get3A_1 {offsets = [0, 18048], sizes = [16, 128], strides = [1, 1]} : vector<16x32768xf32> to vector<16x128xf32>
    %slice3A_175 = vector.extract_strided_slice %get3A_1 {offsets = [0, 18176], sizes = [16, 128], strides = [1, 1]} : vector<16x32768xf32> to vector<16x128xf32>
    %slice3A_176 = vector.extract_strided_slice %get3A_1 {offsets = [0, 18304], sizes = [16, 128], strides = [1, 1]} : vector<16x32768xf32> to vector<16x128xf32>
    %concatenate3A_177 = tpu.concatenate %slice3A_169, %slice3A_170, %slice3A_171, %slice3A_172, %slice3A_173, %slice3A_174, %slice3A_175, %slice3A_176 in 0 : vector<16x128xf32>, vector<16x128xf32>, vector<16x128xf32>, vector<16x128xf32>, vector<16x128xf32>, vector<16x128xf32>, vector<16x128xf32>, vector<16x128xf32> -> vector<128x128xf32>
    %transpose3A_178 = tpu.transpose %concatenate3A_177, [1, 0] : vector<128x128xf32> -> vector<128x128xf32>
    %slice3A_179 = vector.extract_strided_slice %get3A_1 {offsets = [0, 18432], sizes = [16, 128], strides = [1, 1]} : vector<16x32768xf32> to vector<16x128xf32>
    %slice3A_180 = vector.extract_strided_slice %get3A_1 {offsets = [0, 18560], sizes = [16, 128], strides = [1, 1]} : vector<16x32768xf32> to vector<16x128xf32>
    %slice3A_181 = vector.extract_strided_slice %get3A_1 {offsets = [0, 18688], sizes = [16, 128], strides = [1, 1]} : vector<16x32768xf32> to vector<16x128xf32>
    %slice3A_182 = vector.extract_strided_slice %get3A_1 {offsets = [0, 18816], sizes = [16, 128], strides = [1, 1]} : vector<16x32768xf32> to vector<16x128xf32>
    %slice3A_183 = vector.extract_strided_slice %get3A_1 {offsets = [0, 18944], sizes = [16, 128], strides = [1, 1]} : vector<16x32768xf32> to vector<16x128xf32>
    %slice3A_184 = vector.extract_strided_slice %get3A_1 {offsets = [0, 19072], sizes = [16, 128], strides = [1, 1]} : vector<16x32768xf32> to vector<16x128xf32>
    %slice3A_185 = vector.extract_strided_slice %get3A_1 {offsets = [0, 19200], sizes = [16, 128], strides = [1, 1]} : vector<16x32768xf32> to vector<16x128xf32>
    %slice3A_186 = vector.extract_strided_slice %get3A_1 {offsets = [0, 19328], sizes = [16, 128], strides = [1, 1]} : vector<16x32768xf32> to vector<16x128xf32>
    %concatenate3A_187 = tpu.concatenate %slice3A_179, %slice3A_180, %slice3A_181, %slice3A_182, %slice3A_183, %slice3A_184, %slice3A_185, %slice3A_186 in 0 : vector<16x128xf32>, vector<16x128xf32>, vector<16x128xf32>, vector<16x128xf32>, vector<16x128xf32>, vector<16x128xf32>, vector<16x128xf32>, vector<16x128xf32> -> vector<128x128xf32>
    %transpose3A_188 = tpu.transpose %concatenate3A_187, [1, 0] : vector<128x128xf32> -> vector<128x128xf32>
    %slice3A_189 = vector.extract_strided_slice %get3A_1 {offsets = [0, 19456], sizes = [16, 128], strides = [1, 1]} : vector<16x32768xf32> to vector<16x128xf32>
    %slice3A_190 = vector.extract_strided_slice %get3A_1 {offsets = [0, 19584], sizes = [16, 128], strides = [1, 1]} : vector<16x32768xf32> to vector<16x128xf32>
    %slice3A_191 = vector.extract_strided_slice %get3A_1 {offsets = [0, 19712], sizes = [16, 128], strides = [1, 1]} : vector<16x32768xf32> to vector<16x128xf32>
    %slice3A_192 = vector.extract_strided_slice %get3A_1 {offsets = [0, 19840], sizes = [16, 128], strides = [1, 1]} : vector<16x32768xf32> to vector<16x128xf32>
    %slice3A_193 = vector.extract_strided_slice %get3A_1 {offsets = [0, 19968], sizes = [16, 128], strides = [1, 1]} : vector<16x32768xf32> to vector<16x128xf32>
    %slice3A_194 = vector.extract_strided_slice %get3A_1 {offsets = [0, 20096], sizes = [16, 128], strides = [1, 1]} : vector<16x32768xf32> to vector<16x128xf32>
    %slice3A_195 = vector.extract_strided_slice %get3A_1 {offsets = [0, 20224], sizes = [16, 128], strides = [1, 1]} : vector<16x32768xf32> to vector<16x128xf32>
    %slice3A_196 = vector.extract_strided_slice %get3A_1 {offsets = [0, 20352], sizes = [16, 128], strides = [1, 1]} : vector<16x32768xf32> to vector<16x128xf32>
    %concatenate3A_197 = tpu.concatenate %slice3A_189, %slice3A_190, %slice3A_191, %slice3A_192, %slice3A_193, %slice3A_194, %slice3A_195, %slice3A_196 in 0 : vector<16x128xf32>, vector<16x128xf32>, vector<16x128xf32>, vector<16x128xf32>, vector<16x128xf32>, vector<16x128xf32>, vector<16x128xf32>, vector<16x128xf32> -> vector<128x128xf32>
    %transpose3A_198 = tpu.transpose %concatenate3A_197, [1, 0] : vector<128x128xf32> -> vector<128x128xf32>
    %slice3A_199 = vector.extract_strided_slice %get3A_1 {offsets = [0, 20480], sizes = [16, 128], strides = [1, 1]} : vector<16x32768xf32> to vector<16x128xf32>
    %slice3A_200 = vector.extract_strided_slice %get3A_1 {offsets = [0, 20608], sizes = [16, 128], strides = [1, 1]} : vector<16x32768xf32> to vector<16x128xf32>
    %slice3A_201 = vector.extract_strided_slice %get3A_1 {offsets = [0, 20736], sizes = [16, 128], strides = [1, 1]} : vector<16x32768xf32> to vector<16x128xf32>
    %slice3A_202 = vector.extract_strided_slice %get3A_1 {offsets = [0, 20864], sizes = [16, 128], strides = [1, 1]} : vector<16x32768xf32> to vector<16x128xf32>
    %slice3A_203 = vector.extract_strided_slice %get3A_1 {offsets = [0, 20992], sizes = [16, 128], strides = [1, 1]} : vector<16x32768xf32> to vector<16x128xf32>
    %slice3A_204 = vector.extract_strided_slice %get3A_1 {offsets = [0, 21120], sizes = [16, 128], strides = [1, 1]} : vector<16x32768xf32> to vector<16x128xf32>
    %slice3A_205 = vector.extract_strided_slice %get3A_1 {offsets = [0, 21248], sizes = [16, 128], strides = [1, 1]} : vector<16x32768xf32> to vector<16x128xf32>
    %slice3A_206 = vector.extract_strided_slice %get3A_1 {offsets = [0, 21376], sizes = [16, 128], strides = [1, 1]} : vector<16x32768xf32> to vector<16x128xf32>
    %concatenate3A_207 = tpu.concatenate %slice3A_199, %slice3A_200, %slice3A_201, %slice3A_202, %slice3A_203, %slice3A_204, %slice3A_205, %slice3A_206 in 0 : vector<16x128xf32>, vector<16x128xf32>, vector<16x128xf32>, vector<16x128xf32>, vector<16x128xf32>, vector<16x128xf32>, vector<16x128xf32>, vector<16x128xf32> -> vector<128x128xf32>
    %transpose3A_208 = tpu.transpose %concatenate3A_207, [1, 0] : vector<128x128xf32> -> vector<128x128xf32>
    %slice3A_209 = vector.extract_strided_slice %get3A_1 {offsets = [0, 21504], sizes = [16, 128], strides = [1, 1]} : vector<16x32768xf32> to vector<16x128xf32>
    %slice3A_210 = vector.extract_strided_slice %get3A_1 {offsets = [0, 21632], sizes = [16, 128], strides = [1, 1]} : vector<16x32768xf32> to vector<16x128xf32>
    %slice3A_211 = vector.extract_strided_slice %get3A_1 {offsets = [0, 21760], sizes = [16, 128], strides = [1, 1]} : vector<16x32768xf32> to vector<16x128xf32>
    %slice3A_212 = vector.extract_strided_slice %get3A_1 {offsets = [0, 21888], sizes = [16, 128], strides = [1, 1]} : vector<16x32768xf32> to vector<16x128xf32>
    %slice3A_213 = vector.extract_strided_slice %get3A_1 {offsets = [0, 22016], sizes = [16, 128], strides = [1, 1]} : vector<16x32768xf32> to vector<16x128xf32>
    %slice3A_214 = vector.extract_strided_slice %get3A_1 {offsets = [0, 22144], sizes = [16, 128], strides = [1, 1]} : vector<16x32768xf32> to vector<16x128xf32>
    %slice3A_215 = vector.extract_strided_slice %get3A_1 {offsets = [0, 22272], sizes = [16, 128], strides = [1, 1]} : vector<16x32768xf32> to vector<16x128xf32>
    %slice3A_216 = vector.extract_strided_slice %get3A_1 {offsets = [0, 22400], sizes = [16, 128], strides = [1, 1]} : vector<16x32768xf32> to vector<16x128xf32>
    %concatenate3A_217 = tpu.concatenate %slice3A_209, %slice3A_210, %slice3A_211, %slice3A_212, %slice3A_213, %slice3A_214, %slice3A_215, %slice3A_216 in 0 : vector<16x128xf32>, vector<16x128xf32>, vector<16x128xf32>, vector<16x128xf32>, vector<16x128xf32>, vector<16x128xf32>, vector<16x128xf32>, vector<16x128xf32> -> vector<128x128xf32>
    %transpose3A_218 = tpu.transpose %concatenate3A_217, [1, 0] : vector<128x128xf32> -> vector<128x128xf32>
    %slice3A_219 = vector.extract_strided_slice %get3A_1 {offsets = [0, 22528], sizes = [16, 128], strides = [1, 1]} : vector<16x32768xf32> to vector<16x128xf32>
    %slice3A_220 = vector.extract_strided_slice %get3A_1 {offsets = [0, 22656], sizes = [16, 128], strides = [1, 1]} : vector<16x32768xf32> to vector<16x128xf32>
    %slice3A_221 = vector.extract_strided_slice %get3A_1 {offsets = [0, 22784], sizes = [16, 128], strides = [1, 1]} : vector<16x32768xf32> to vector<16x128xf32>
    %slice3A_222 = vector.extract_strided_slice %get3A_1 {offsets = [0, 22912], sizes = [16, 128], strides = [1, 1]} : vector<16x32768xf32> to vector<16x128xf32>
    %slice3A_223 = vector.extract_strided_slice %get3A_1 {offsets = [0, 23040], sizes = [16, 128], strides = [1, 1]} : vector<16x32768xf32> to vector<16x128xf32>
    %slice3A_224 = vector.extract_strided_slice %get3A_1 {offsets = [0, 23168], sizes = [16, 128], strides = [1, 1]} : vector<16x32768xf32> to vector<16x128xf32>
    %slice3A_225 = vector.extract_strided_slice %get3A_1 {offsets = [0, 23296], sizes = [16, 128], strides = [1, 1]} : vector<16x32768xf32> to vector<16x128xf32>
    %slice3A_226 = vector.extract_strided_slice %get3A_1 {offsets = [0, 23424], sizes = [16, 128], strides = [1, 1]} : vector<16x32768xf32> to vector<16x128xf32>
    %concatenate3A_227 = tpu.concatenate %slice3A_219, %slice3A_220, %slice3A_221, %slice3A_222, %slice3A_223, %slice3A_224, %slice3A_225, %slice3A_226 in 0 : vector<16x128xf32>, vector<16x128xf32>, vector<16x128xf32>, vector<16x128xf32>, vector<16x128xf32>, vector<16x128xf32>, vector<16x128xf32>, vector<16x128xf32> -> vector<128x128xf32>
    %transpose3A_228 = tpu.transpose %concatenate3A_227, [1, 0] : vector<128x128xf32> -> vector<128x128xf32>
    %slice3A_229 = vector.extract_strided_slice %get3A_1 {offsets = [0, 23552], sizes = [16, 128], strides = [1, 1]} : vector<16x32768xf32> to vector<16x128xf32>
    %slice3A_230 = vector.extract_strided_slice %get3A_1 {offsets = [0, 23680], sizes = [16, 128], strides = [1, 1]} : vector<16x32768xf32> to vector<16x128xf32>
    %slice3A_231 = vector.extract_strided_slice %get3A_1 {offsets = [0, 23808], sizes = [16, 128], strides = [1, 1]} : vector<16x32768xf32> to vector<16x128xf32>
    %slice3A_232 = vector.extract_strided_slice %get3A_1 {offsets = [0, 23936], sizes = [16, 128], strides = [1, 1]} : vector<16x32768xf32> to vector<16x128xf32>
    %slice3A_233 = vector.extract_strided_slice %get3A_1 {offsets = [0, 24064], sizes = [16, 128], strides = [1, 1]} : vector<16x32768xf32> to vector<16x128xf32>
    %slice3A_234 = vector.extract_strided_slice %get3A_1 {offsets = [0, 24192], sizes = [16, 128], strides = [1, 1]} : vector<16x32768xf32> to vector<16x128xf32>
    %slice3A_235 = vector.extract_strided_slice %get3A_1 {offsets = [0, 24320], sizes = [16, 128], strides = [1, 1]} : vector<16x32768xf32> to vector<16x128xf32>
    %slice3A_236 = vector.extract_strided_slice %get3A_1 {offsets = [0, 24448], sizes = [16, 128], strides = [1, 1]} : vector<16x32768xf32> to vector<16x128xf32>
    %concatenate3A_237 = tpu.concatenate %slice3A_229, %slice3A_230, %slice3A_231, %slice3A_232, %slice3A_233, %slice3A_234, %slice3A_235, %slice3A_236 in 0 : vector<16x128xf32>, vector<16x128xf32>, vector<16x128xf32>, vector<16x128xf32>, vector<16x128xf32>, vector<16x128xf32>, vector<16x128xf32>, vector<16x128xf32> -> vector<128x128xf32>
    %transpose3A_238 = tpu.transpose %concatenate3A_237, [1, 0] : vector<128x128xf32> -> vector<128x128xf32>
    %slice3A_239 = vector.extract_strided_slice %get3A_1 {offsets = [0, 24576], sizes = [16, 128], strides = [1, 1]} : vector<16x32768xf32> to vector<16x128xf32>
    %slice3A_240 = vector.extract_strided_slice %get3A_1 {offsets = [0, 24704], sizes = [16, 128], strides = [1, 1]} : vector<16x32768xf32> to vector<16x128xf32>
    %slice3A_241 = vector.extract_strided_slice %get3A_1 {offsets = [0, 24832], sizes = [16, 128], strides = [1, 1]} : vector<16x32768xf32> to vector<16x128xf32>
    %slice3A_242 = vector.extract_strided_slice %get3A_1 {offsets = [0, 24960], sizes = [16, 128], strides = [1, 1]} : vector<16x32768xf32> to vector<16x128xf32>
    %slice3A_243 = vector.extract_strided_slice %get3A_1 {offsets = [0, 25088], sizes = [16, 128], strides = [1, 1]} : vector<16x32768xf32> to vector<16x128xf32>
    %slice3A_244 = vector.extract_strided_slice %get3A_1 {offsets = [0, 25216], sizes = [16, 128], strides = [1, 1]} : vector<16x32768xf32> to vector<16x128xf32>
    %slice3A_245 = vector.extract_strided_slice %get3A_1 {offsets = [0, 25344], sizes = [16, 128], strides = [1, 1]} : vector<16x32768xf32> to vector<16x128xf32>
    %slice3A_246 = vector.extract_strided_slice %get3A_1 {offsets = [0, 25472], sizes = [16, 128], strides = [1, 1]} : vector<16x32768xf32> to vector<16x128xf32>
    %concatenate3A_247 = tpu.concatenate %slice3A_239, %slice3A_240, %slice3A_241, %slice3A_242, %slice3A_243, %slice3A_244, %slice3A_245, %slice3A_246 in 0 : vector<16x128xf32>, vector<16x128xf32>, vector<16x128xf32>, vector<16x128xf32>, vector<16x128xf32>, vector<16x128xf32>, vector<16x128xf32>, vector<16x128xf32> -> vector<128x128xf32>
    %transpose3A_248 = tpu.transpose %concatenate3A_247, [1, 0] : vector<128x128xf32> -> vector<128x128xf32>
    %slice3A_249 = vector.extract_strided_slice %get3A_1 {offsets = [0, 25600], sizes = [16, 128], strides = [1, 1]} : vector<16x32768xf32> to vector<16x128xf32>
    %slice3A_250 = vector.extract_strided_slice %get3A_1 {offsets = [0, 25728], sizes = [16, 128], strides = [1, 1]} : vector<16x32768xf32> to vector<16x128xf32>
    %slice3A_251 = vector.extract_strided_slice %get3A_1 {offsets = [0, 25856], sizes = [16, 128], strides = [1, 1]} : vector<16x32768xf32> to vector<16x128xf32>
    %slice3A_252 = vector.extract_strided_slice %get3A_1 {offsets = [0, 25984], sizes = [16, 128], strides = [1, 1]} : vector<16x32768xf32> to vector<16x128xf32>
    %slice3A_253 = vector.extract_strided_slice %get3A_1 {offsets = [0, 26112], sizes = [16, 128], strides = [1, 1]} : vector<16x32768xf32> to vector<16x128xf32>
    %slice3A_254 = vector.extract_strided_slice %get3A_1 {offsets = [0, 26240], sizes = [16, 128], strides = [1, 1]} : vector<16x32768xf32> to vector<16x128xf32>
    %slice3A_255 = vector.extract_strided_slice %get3A_1 {offsets = [0, 26368], sizes = [16, 128], strides = [1, 1]} : vector<16x32768xf32> to vector<16x128xf32>
    %slice3A_256 = vector.extract_strided_slice %get3A_1 {offsets = [0, 26496], sizes = [16, 128], strides = [1, 1]} : vector<16x32768xf32> to vector<16x128xf32>
    %concatenate3A_257 = tpu.concatenate %slice3A_249, %slice3A_250, %slice3A_251, %slice3A_252, %slice3A_253, %slice3A_254, %slice3A_255, %slice3A_256 in 0 : vector<16x128xf32>, vector<16x128xf32>, vector<16x128xf32>, vector<16x128xf32>, vector<16x128xf32>, vector<16x128xf32>, vector<16x128xf32>, vector<16x128xf32> -> vector<128x128xf32>
    %transpose3A_258 = tpu.transpose %concatenate3A_257, [1, 0] : vector<128x128xf32> -> vector<128x128xf32>
    %slice3A_259 = vector.extract_strided_slice %get3A_1 {offsets = [0, 26624], sizes = [16, 128], strides = [1, 1]} : vector<16x32768xf32> to vector<16x128xf32>
    %slice3A_260 = vector.extract_strided_slice %get3A_1 {offsets = [0, 26752], sizes = [16, 128], strides = [1, 1]} : vector<16x32768xf32> to vector<16x128xf32>
    %slice3A_261 = vector.extract_strided_slice %get3A_1 {offsets = [0, 26880], sizes = [16, 128], strides = [1, 1]} : vector<16x32768xf32> to vector<16x128xf32>
    %slice3A_262 = vector.extract_strided_slice %get3A_1 {offsets = [0, 27008], sizes = [16, 128], strides = [1, 1]} : vector<16x32768xf32> to vector<16x128xf32>
    %slice3A_263 = vector.extract_strided_slice %get3A_1 {offsets = [0, 27136], sizes = [16, 128], strides = [1, 1]} : vector<16x32768xf32> to vector<16x128xf32>
    %slice3A_264 = vector.extract_strided_slice %get3A_1 {offsets = [0, 27264], sizes = [16, 128], strides = [1, 1]} : vector<16x32768xf32> to vector<16x128xf32>
    %slice3A_265 = vector.extract_strided_slice %get3A_1 {offsets = [0, 27392], sizes = [16, 128], strides = [1, 1]} : vector<16x32768xf32> to vector<16x128xf32>
    %slice3A_266 = vector.extract_strided_slice %get3A_1 {offsets = [0, 27520], sizes = [16, 128], strides = [1, 1]} : vector<16x32768xf32> to vector<16x128xf32>
    %concatenate3A_267 = tpu.concatenate %slice3A_259, %slice3A_260, %slice3A_261, %slice3A_262, %slice3A_263, %slice3A_264, %slice3A_265, %slice3A_266 in 0 : vector<16x128xf32>, vector<16x128xf32>, vector<16x128xf32>, vector<16x128xf32>, vector<16x128xf32>, vector<16x128xf32>, vector<16x128xf32>, vector<16x128xf32> -> vector<128x128xf32>
    %transpose3A_268 = tpu.transpose %concatenate3A_267, [1, 0] : vector<128x128xf32> -> vector<128x128xf32>
    %slice3A_269 = vector.extract_strided_slice %get3A_1 {offsets = [0, 27648], sizes = [16, 128], strides = [1, 1]} : vector<16x32768xf32> to vector<16x128xf32>
    %slice3A_270 = vector.extract_strided_slice %get3A_1 {offsets = [0, 27776], sizes = [16, 128], strides = [1, 1]} : vector<16x32768xf32> to vector<16x128xf32>
    %slice3A_271 = vector.extract_strided_slice %get3A_1 {offsets = [0, 27904], sizes = [16, 128], strides = [1, 1]} : vector<16x32768xf32> to vector<16x128xf32>
    %slice3A_272 = vector.extract_strided_slice %get3A_1 {offsets = [0, 28032], sizes = [16, 128], strides = [1, 1]} : vector<16x32768xf32> to vector<16x128xf32>
    %slice3A_273 = vector.extract_strided_slice %get3A_1 {offsets = [0, 28160], sizes = [16, 128], strides = [1, 1]} : vector<16x32768xf32> to vector<16x128xf32>
    %slice3A_274 = vector.extract_strided_slice %get3A_1 {offsets = [0, 28288], sizes = [16, 128], strides = [1, 1]} : vector<16x32768xf32> to vector<16x128xf32>
    %slice3A_275 = vector.extract_strided_slice %get3A_1 {offsets = [0, 28416], sizes = [16, 128], strides = [1, 1]} : vector<16x32768xf32> to vector<16x128xf32>
    %slice3A_276 = vector.extract_strided_slice %get3A_1 {offsets = [0, 28544], sizes = [16, 128], strides = [1, 1]} : vector<16x32768xf32> to vector<16x128xf32>
    %concatenate3A_277 = tpu.concatenate %slice3A_269, %slice3A_270, %slice3A_271, %slice3A_272, %slice3A_273, %slice3A_274, %slice3A_275, %slice3A_276 in 0 : vector<16x128xf32>, vector<16x128xf32>, vector<16x128xf32>, vector<16x128xf32>, vector<16x128xf32>, vector<16x128xf32>, vector<16x128xf32>, vector<16x128xf32> -> vector<128x128xf32>
    %transpose3A_278 = tpu.transpose %concatenate3A_277, [1, 0] : vector<128x128xf32> -> vector<128x128xf32>
    %slice3A_279 = vector.extract_strided_slice %get3A_1 {offsets = [0, 28672], sizes = [16, 128], strides = [1, 1]} : vector<16x32768xf32> to vector<16x128xf32>
    %slice3A_280 = vector.extract_strided_slice %get3A_1 {offsets = [0, 28800], sizes = [16, 128], strides = [1, 1]} : vector<16x32768xf32> to vector<16x128xf32>
    %slice3A_281 = vector.extract_strided_slice %get3A_1 {offsets = [0, 28928], sizes = [16, 128], strides = [1, 1]} : vector<16x32768xf32> to vector<16x128xf32>
    %slice3A_282 = vector.extract_strided_slice %get3A_1 {offsets = [0, 29056], sizes = [16, 128], strides = [1, 1]} : vector<16x32768xf32> to vector<16x128xf32>
    %slice3A_283 = vector.extract_strided_slice %get3A_1 {offsets = [0, 29184], sizes = [16, 128], strides = [1, 1]} : vector<16x32768xf32> to vector<16x128xf32>
    %slice3A_284 = vector.extract_strided_slice %get3A_1 {offsets = [0, 29312], sizes = [16, 128], strides = [1, 1]} : vector<16x32768xf32> to vector<16x128xf32>
    %slice3A_285 = vector.extract_strided_slice %get3A_1 {offsets = [0, 29440], sizes = [16, 128], strides = [1, 1]} : vector<16x32768xf32> to vector<16x128xf32>
    %slice3A_286 = vector.extract_strided_slice %get3A_1 {offsets = [0, 29568], sizes = [16, 128], strides = [1, 1]} : vector<16x32768xf32> to vector<16x128xf32>
    %concatenate3A_287 = tpu.concatenate %slice3A_279, %slice3A_280, %slice3A_281, %slice3A_282, %slice3A_283, %slice3A_284, %slice3A_285, %slice3A_286 in 0 : vector<16x128xf32>, vector<16x128xf32>, vector<16x128xf32>, vector<16x128xf32>, vector<16x128xf32>, vector<16x128xf32>, vector<16x128xf32>, vector<16x128xf32> -> vector<128x128xf32>
    %transpose3A_288 = tpu.transpose %concatenate3A_287, [1, 0] : vector<128x128xf32> -> vector<128x128xf32>
    %slice3A_289 = vector.extract_strided_slice %get3A_1 {offsets = [0, 29696], sizes = [16, 128], strides = [1, 1]} : vector<16x32768xf32> to vector<16x128xf32>
    %slice3A_290 = vector.extract_strided_slice %get3A_1 {offsets = [0, 29824], sizes = [16, 128], strides = [1, 1]} : vector<16x32768xf32> to vector<16x128xf32>
    %slice3A_291 = vector.extract_strided_slice %get3A_1 {offsets = [0, 29952], sizes = [16, 128], strides = [1, 1]} : vector<16x32768xf32> to vector<16x128xf32>
    %slice3A_292 = vector.extract_strided_slice %get3A_1 {offsets = [0, 30080], sizes = [16, 128], strides = [1, 1]} : vector<16x32768xf32> to vector<16x128xf32>
    %slice3A_293 = vector.extract_strided_slice %get3A_1 {offsets = [0, 30208], sizes = [16, 128], strides = [1, 1]} : vector<16x32768xf32> to vector<16x128xf32>
    %slice3A_294 = vector.extract_strided_slice %get3A_1 {offsets = [0, 30336], sizes = [16, 128], strides = [1, 1]} : vector<16x32768xf32> to vector<16x128xf32>
    %slice3A_295 = vector.extract_strided_slice %get3A_1 {offsets = [0, 30464], sizes = [16, 128], strides = [1, 1]} : vector<16x32768xf32> to vector<16x128xf32>
    %slice3A_296 = vector.extract_strided_slice %get3A_1 {offsets = [0, 30592], sizes = [16, 128], strides = [1, 1]} : vector<16x32768xf32> to vector<16x128xf32>
    %concatenate3A_297 = tpu.concatenate %slice3A_289, %slice3A_290, %slice3A_291, %slice3A_292, %slice3A_293, %slice3A_294, %slice3A_295, %slice3A_296 in 0 : vector<16x128xf32>, vector<16x128xf32>, vector<16x128xf32>, vector<16x128xf32>, vector<16x128xf32>, vector<16x128xf32>, vector<16x128xf32>, vector<16x128xf32> -> vector<128x128xf32>
    %transpose3A_298 = tpu.transpose %concatenate3A_297, [1, 0] : vector<128x128xf32> -> vector<128x128xf32>
    %slice3A_299 = vector.extract_strided_slice %get3A_1 {offsets = [0, 30720], sizes = [16, 128], strides = [1, 1]} : vector<16x32768xf32> to vector<16x128xf32>
    %slice3A_300 = vector.extract_strided_slice %get3A_1 {offsets = [0, 30848], sizes = [16, 128], strides = [1, 1]} : vector<16x32768xf32> to vector<16x128xf32>
    %slice3A_301 = vector.extract_strided_slice %get3A_1 {offsets = [0, 30976], sizes = [16, 128], strides = [1, 1]} : vector<16x32768xf32> to vector<16x128xf32>
    %slice3A_302 = vector.extract_strided_slice %get3A_1 {offsets = [0, 31104], sizes = [16, 128], strides = [1, 1]} : vector<16x32768xf32> to vector<16x128xf32>
    %slice3A_303 = vector.extract_strided_slice %get3A_1 {offsets = [0, 31232], sizes = [16, 128], strides = [1, 1]} : vector<16x32768xf32> to vector<16x128xf32>
    %slice3A_304 = vector.extract_strided_slice %get3A_1 {offsets = [0, 31360], sizes = [16, 128], strides = [1, 1]} : vector<16x32768xf32> to vector<16x128xf32>
    %slice3A_305 = vector.extract_strided_slice %get3A_1 {offsets = [0, 31488], sizes = [16, 128], strides = [1, 1]} : vector<16x32768xf32> to vector<16x128xf32>
    %slice3A_306 = vector.extract_strided_slice %get3A_1 {offsets = [0, 31616], sizes = [16, 128], strides = [1, 1]} : vector<16x32768xf32> to vector<16x128xf32>
    %concatenate3A_307 = tpu.concatenate %slice3A_299, %slice3A_300, %slice3A_301, %slice3A_302, %slice3A_303, %slice3A_304, %slice3A_305, %slice3A_306 in 0 : vector<16x128xf32>, vector<16x128xf32>, vector<16x128xf32>, vector<16x128xf32>, vector<16x128xf32>, vector<16x128xf32>, vector<16x128xf32>, vector<16x128xf32> -> vector<128x128xf32>
    %transpose3A_308 = tpu.transpose %concatenate3A_307, [1, 0] : vector<128x128xf32> -> vector<128x128xf32>
    %slice3A_309 = vector.extract_strided_slice %get3A_1 {offsets = [0, 31744], sizes = [16, 128], strides = [1, 1]} : vector<16x32768xf32> to vector<16x128xf32>
    %slice3A_310 = vector.extract_strided_slice %get3A_1 {offsets = [0, 31872], sizes = [16, 128], strides = [1, 1]} : vector<16x32768xf32> to vector<16x128xf32>
    %slice3A_311 = vector.extract_strided_slice %get3A_1 {offsets = [0, 32000], sizes = [16, 128], strides = [1, 1]} : vector<16x32768xf32> to vector<16x128xf32>
    %slice3A_312 = vector.extract_strided_slice %get3A_1 {offsets = [0, 32128], sizes = [16, 128], strides = [1, 1]} : vector<16x32768xf32> to vector<16x128xf32>
    %slice3A_313 = vector.extract_strided_slice %get3A_1 {offsets = [0, 32256], sizes = [16, 128], strides = [1, 1]} : vector<16x32768xf32> to vector<16x128xf32>
    %slice3A_314 = vector.extract_strided_slice %get3A_1 {offsets = [0, 32384], sizes = [16, 128], strides = [1, 1]} : vector<16x32768xf32> to vector<16x128xf32>
    %slice3A_315 = vector.extract_strided_slice %get3A_1 {offsets = [0, 32512], sizes = [16, 128], strides = [1, 1]} : vector<16x32768xf32> to vector<16x128xf32>
    %slice3A_316 = vector.extract_strided_slice %get3A_1 {offsets = [0, 32640], sizes = [16, 128], strides = [1, 1]} : vector<16x32768xf32> to vector<16x128xf32>
    %concatenate3A_317 = tpu.concatenate %slice3A_309, %slice3A_310, %slice3A_311, %slice3A_312, %slice3A_313, %slice3A_314, %slice3A_315, %slice3A_316 in 0 : vector<16x128xf32>, vector<16x128xf32>, vector<16x128xf32>, vector<16x128xf32>, vector<16x128xf32>, vector<16x128xf32>, vector<16x128xf32>, vector<16x128xf32> -> vector<128x128xf32>
    %transpose3A_318 = tpu.transpose %concatenate3A_317, [1, 0] : vector<128x128xf32> -> vector<128x128xf32>
    %concatenate3A_319 = tpu.concatenate %transpose3A, %transpose3A_18, %transpose3A_28, %transpose3A_38, %transpose3A_48, %transpose3A_58, %transpose3A_68, %transpose3A_78, %transpose3A_88, %transpose3A_98, %transpose3A_108, %transpose3A_118, %transpose3A_128, %transpose3A_138, %transpose3A_148, %transpose3A_158, %transpose3A_168, %transpose3A_178, %transpose3A_188, %transpose3A_198, %transpose3A_208, %transpose3A_218, %transpose3A_228, %transpose3A_238, %transpose3A_248, %transpose3A_258, %transpose3A_268, %transpose3A_278, %transpose3A_288, %transpose3A_298, %transpose3A_308, %transpose3A_318 in 0 : vector<128x128xf32>, vector<128x128xf32>, vector<128x128xf32>, vector<128x128xf32>, vector<128x128xf32>, vector<128x128xf32>, vector<128x128xf32>, vector<128x128xf32>, vector<128x128xf32>, vector<128x128xf32>, vector<128x128xf32>, vector<128x128xf32>, vector<128x128xf32>, vector<128x128xf32>, vector<128x128xf32>, vector<128x128xf32>, vector<128x128xf32>, vector<128x128xf32>, vector<128x128xf32>, vector<128x128xf32>, vector<128x128xf32>, vector<128x128xf32>, vector<128x128xf32>, vector<128x128xf32>, vector<128x128xf32>, vector<128x128xf32>, vector<128x128xf32>, vector<128x128xf32>, vector<128x128xf32>, vector<128x128xf32>, vector<128x128xf32>, vector<128x128xf32> -> vector<4096x128xf32>
    %swap3A = arith.constant 0 : index
    %swap3A_320 = arith.constant 0 : index
    %swap3A_321 = vector.load %arg2[%swap3A, %swap3A_320] : memref<4096x128xf32, #tpu.memory_space<vmem>>, vector<4096x128xf32>
    tpu.vector_store %arg2[%swap3A, %swap3A_320], %concatenate3A_319 {strides = array<i32>} : memref<4096x128xf32, #tpu.memory_space<vmem>>, vector<4096x128xf32>,
    return
  }
  func.func @transform_0(%arg0: i32) -> (i32, i32) {
    %c0_i32 = arith.constant 0 : i32
    %c0_i32_0 = arith.constant 0 : i32
    return %c0_i32, %arg0 : i32, i32
  }
  func.func @transform_1(%arg0: i32) -> (i32, i32) {
    %c0_i32 = arith.constant 0 : i32
    %c0_i32_0 = arith.constant 0 : i32
    return %arg0, %c0_i32 : i32, i32
  }
}

module attributes {stable_mosaic.version = 14 : i64} {
  func.func @_tc_body(%arg0: i32, %arg1: memref<2048x16xf32, #tpu.memory_space<vmem>>, %arg2: memref<2048x16xf32, #tpu.memory_space<vmem>>, %arg3: memref<2048x256xf32, #tpu.memory_space<vmem>>, %arg4: memref<2048x16xi32, #tpu.memory_space<vmem>>, %arg5: memref<32x16xf32, #tpu.memory_space<vmem>>, %arg6: memref<16x16xf32, #tpu.memory_space<vmem>>, %arg7: memref<1x16xf32, #tpu.memory_space<vmem>>, %arg8: memref<256x16xf32, #tpu.memory_space<vmem>>, %arg9: memref<16x256xf32, #tpu.memory_space<vmem>>, %arg10: memref<256x16xf32, #tpu.memory_space<vmem>>, %arg11: memref<16x512xf32, #tpu.memory_space<vmem>>, %arg12: memref<32x512xf32, #tpu.memory_space<vmem>>, %arg13: memref<512x16xf32, #tpu.memory_space<vmem>>, %arg14: memref<2048x16xf32, #tpu.memory_space<vmem>>, %arg15: memref<2048x16xf32, #tpu.memory_space<vmem>>) attributes {dimension_semantics = [#tpu.dimension_semantics<arbitrary>], iteration_bounds = array<i64: 8>, scalar_prefetch = 0 : i64, scratch_operands = 0 : i64, tpu.core_type = #tpu.core_type<tc>, window_params = [{transform_indices = @transform_0, window_bounds = array<i64: 2048, 16>}, {transform_indices = @transform_1, window_bounds = array<i64: 2048, 16>}, {transform_indices = @transform_2, window_bounds = array<i64: 2048, 256>}, {transform_indices = @transform_3, window_bounds = array<i64: 2048, 16>}, {pipeline_mode = #tpu.pipeline_mode<synchronous>, transform_indices = @transform_4, window_bounds = array<i64: 32, 16>}, {pipeline_mode = #tpu.pipeline_mode<synchronous>, transform_indices = @transform_5, window_bounds = array<i64: 16, 16>}, {pipeline_mode = #tpu.pipeline_mode<synchronous>, transform_indices = @transform_6, window_bounds = array<i64: 1, 16>}, {pipeline_mode = #tpu.pipeline_mode<synchronous>, transform_indices = @transform_7, window_bounds = array<i64: 256, 16>}, {pipeline_mode = #tpu.pipeline_mode<synchronous>, transform_indices = @transform_8, window_bounds = array<i64: 16, 256>}, {pipeline_mode = #tpu.pipeline_mode<synchronous>, transform_indices = @transform_9, window_bounds = array<i64: 256, 16>}, {pipeline_mode = #tpu.pipeline_mode<synchronous>, transform_indices = @transform_10, window_bounds = array<i64: 16, 512>}, {pipeline_mode = #tpu.pipeline_mode<synchronous>, transform_indices = @transform_11, window_bounds = array<i64: 32, 512>}, {pipeline_mode = #tpu.pipeline_mode<synchronous>, transform_indices = @transform_12, window_bounds = array<i64: 512, 16>}, {transform_indices = @transform_13, window_bounds = array<i64: 2048, 16>}, {transform_indices = @transform_14, window_bounds = array<i64: 2048, 16>}]} {
    %get3A = arith.constant 0 : index
    %get3A_0 = arith.constant 0 : index
    %get3A_1 = vector.load %arg1[%get3A, %get3A_0] : memref<2048x16xf32, #tpu.memory_space<vmem>>, vector<2048x16xf32>
    %mul3A = arith.mulf %get3A_1, %get3A_1 : vector<2048x16xf32>
    %reduce_sum3A = arith.constant dense<0.000000e+00> : vector<2048xf32>
    %reduce_sum3A_2 = vector.multi_reduction <add>, %mul3A, %reduce_sum3A [1] : vector<2048x16xf32> to vector<2048xf32>
    %broadcast_in_dim3A = vector.shape_cast %reduce_sum3A_2 : vector<2048xf32> to vector<2048x1xf32>
    %sqrt3A = math.sqrt %broadcast_in_dim3A : vector<2048x1xf32>
    %max3A = arith.constant 1.000000e-07 : f32
    %max3A_3 = vector.broadcast %max3A : f32 to vector<2048x1xf32>
    %max3A_4 = arith.maximumf %sqrt3A, %max3A_3 : vector<2048x1xf32>
    %div3A = arith.constant 1.000000e+00 : f32
    %div3A_5 = vector.broadcast %div3A : f32 to vector<2048x1xf32>
    %div3A_6 = arith.divf %div3A_5, %max3A_4 : vector<2048x1xf32>
    %min3A = arith.constant 1.000000e+00 : f32
    %min3A_7 = vector.broadcast %min3A : f32 to vector<2048x1xf32>
    %min3A_8 = arith.minimumf %min3A_7, %div3A_6 : vector<2048x1xf32>
    %mul3A_9 = vector.broadcast %min3A_8 : vector<2048x1xf32> to vector<2048x16xf32>
    %mul3A_10 = arith.mulf %get3A_1, %mul3A_9 : vector<2048x16xf32>
    %swap3A = arith.constant 0 : index
    %swap3A_11 = arith.constant 0 : index
    %swap3A_12 = vector.load %arg14[%swap3A, %swap3A_11] : memref<2048x16xf32, #tpu.memory_space<vmem>>, vector<2048x16xf32>
    tpu.vector_store %arg14[%swap3A, %swap3A_11], %mul3A_10 {strides = array<i32>} : memref<2048x16xf32, #tpu.memory_space<vmem>>, vector<2048x16xf32>,
    %get3A_13 = arith.constant 0 : index
    %get3A_14 = arith.constant 0 : index
    %get3A_15 = vector.load %arg2[%get3A_13, %get3A_14] : memref<2048x16xf32, #tpu.memory_space<vmem>>, vector<2048x16xf32>
    %mul3A_16 = arith.mulf %get3A_15, %get3A_15 : vector<2048x16xf32>
    %reduce_sum3A_17 = arith.constant dense<0.000000e+00> : vector<2048xf32>
    %reduce_sum3A_18 = vector.multi_reduction <add>, %mul3A_16, %reduce_sum3A_17 [1] : vector<2048x16xf32> to vector<2048xf32>
    %broadcast_in_dim3A_19 = vector.shape_cast %reduce_sum3A_18 : vector<2048xf32> to vector<2048x1xf32>
    %sqrt3A_20 = math.sqrt %broadcast_in_dim3A_19 : vector<2048x1xf32>
    %max3A_21 = arith.constant 1.000000e-07 : f32
    %max3A_22 = vector.broadcast %max3A_21 : f32 to vector<2048x1xf32>
    %max3A_23 = arith.maximumf %sqrt3A_20, %max3A_22 : vector<2048x1xf32>
    %div3A_24 = arith.constant 1.000000e+00 : f32
    %div3A_25 = vector.broadcast %div3A_24 : f32 to vector<2048x1xf32>
    %div3A_26 = arith.divf %div3A_25, %max3A_23 : vector<2048x1xf32>
    %min3A_27 = arith.constant 1.000000e+00 : f32
    %min3A_28 = vector.broadcast %min3A_27 : f32 to vector<2048x1xf32>
    %min3A_29 = arith.minimumf %min3A_28, %div3A_26 : vector<2048x1xf32>
    %mul3A_30 = vector.broadcast %min3A_29 : vector<2048x1xf32> to vector<2048x16xf32>
    %mul3A_31 = arith.mulf %get3A_15, %mul3A_30 : vector<2048x16xf32>
    %get3A_32 = arith.constant 0 : index
    %get3A_33 = arith.constant 0 : index
    %get3A_34 = vector.load %arg5[%get3A_32, %get3A_33] : memref<32x16xf32, #tpu.memory_space<vmem>>, vector<32x16xf32>
    %mul3A_35 = arith.mulf %get3A_34, %get3A_34 : vector<32x16xf32>
    %reduce_sum3A_36 = arith.constant dense<0.000000e+00> : vector<32xf32>
    %reduce_sum3A_37 = vector.multi_reduction <add>, %mul3A_35, %reduce_sum3A_36 [1] : vector<32x16xf32> to vector<32xf32>
    %broadcast_in_dim3A_38 = vector.shape_cast %reduce_sum3A_37 : vector<32xf32> to vector<32x1xf32>
    %sqrt3A_39 = math.sqrt %broadcast_in_dim3A_38 : vector<32x1xf32>
    %max3A_40 = arith.constant 1.000000e-07 : f32
    %max3A_41 = vector.broadcast %max3A_40 : f32 to vector<32x1xf32>
    %max3A_42 = arith.maximumf %sqrt3A_39, %max3A_41 : vector<32x1xf32>
    %div3A_43 = arith.constant 1.000000e+00 : f32
    %div3A_44 = vector.broadcast %div3A_43 : f32 to vector<32x1xf32>
    %div3A_45 = arith.divf %div3A_44, %max3A_42 : vector<32x1xf32>
    %min3A_46 = arith.constant 1.000000e+00 : f32
    %min3A_47 = vector.broadcast %min3A_46 : f32 to vector<32x1xf32>
    %min3A_48 = arith.minimumf %min3A_47, %div3A_45 : vector<32x1xf32>
    %mul3A_49 = vector.broadcast %min3A_48 : vector<32x1xf32> to vector<32x16xf32>
    %mul3A_50 = arith.mulf %get3A_34, %mul3A_49 : vector<32x16xf32>
    %convert_element_type3A = arith.truncf %mul3A_10 : vector<2048x16xf32> to vector<2048x16xbf16>
    %convert_element_type3A_51 = arith.extf %convert_element_type3A : vector<2048x16xbf16> to vector<2048x16xf32>
    %sub3A = arith.subf %mul3A_10, %convert_element_type3A_51 : vector<2048x16xf32>
    %convert_element_type3A_52 = arith.truncf %mul3A_50 : vector<32x16xf32> to vector<32x16xbf16>
    %convert_element_type3A_53 = arith.extf %convert_element_type3A_52 : vector<32x16xbf16> to vector<32x16xf32>
    %sub3A_54 = arith.subf %mul3A_50, %convert_element_type3A_53 : vector<32x16xf32>
    %dot_general3A = arith.constant dense<0.000000e+00> : vector<2048x32xf32>
    %dot_general3A_55 = tpu.matmul %convert_element_type3A_51, %convert_element_type3A_53, %dot_general3A {dimension_numbers = #tpu.dot_dimension_numbers<[1], [1], [0], [0], [0, 0, 1, 0], [], []>, transpose_lhs_hint = false} : vector<2048x16xf32>, vector<32x16xf32>, vector<2048x32xf32> -> vector<2048x32xf32>
    %dot_general3A_56 = arith.constant dense<0.000000e+00> : vector<2048x32xf32>
    %dot_general3A_57 = tpu.matmul %convert_element_type3A_51, %sub3A_54, %dot_general3A_56 {dimension_numbers = #tpu.dot_dimension_numbers<[1], [1], [0], [0], [0, 0, 1, 0], [], []>, transpose_lhs_hint = false} : vector<2048x16xf32>, vector<32x16xf32>, vector<2048x32xf32> -> vector<2048x32xf32>
    %add3A = arith.addf %dot_general3A_55, %dot_general3A_57 : vector<2048x32xf32>
    %dot_general3A_58 = arith.constant dense<0.000000e+00> : vector<2048x32xf32>
    %dot_general3A_59 = tpu.matmul %sub3A, %convert_element_type3A_53, %dot_general3A_58 {dimension_numbers = #tpu.dot_dimension_numbers<[1], [1], [0], [0], [0, 0, 1, 0], [], []>, transpose_lhs_hint = false} : vector<2048x16xf32>, vector<32x16xf32>, vector<2048x32xf32> -> vector<2048x32xf32>
    %add3A_60 = arith.addf %add3A, %dot_general3A_59 : vector<2048x32xf32>
    %get3A_61 = arith.constant 0 : index
    %get3A_62 = arith.constant 0 : index
    %get3A_63 = vector.load %arg4[%get3A_61, %get3A_62] : memref<2048x16xi32, #tpu.memory_space<vmem>>, vector<2048x16xi32>
    %shift_right_arithmetic3A = arith.constant 20 : i32
    %shift_right_arithmetic3A_64 = vector.broadcast %shift_right_arithmetic3A : i32 to vector<2048x16xi32>
    %shift_right_arithmetic3A_65 = arith.shrsi %get3A_63, %shift_right_arithmetic3A_64 : vector<2048x16xi32>
    %convert_element_type3A_66 = arith.sitofp %shift_right_arithmetic3A_65 : vector<2048x16xi32> to vector<2048x16xf32>
    %get3A_67 = arith.constant 0 : index
    %get3A_68 = arith.constant 0 : index
    %get3A_69 = vector.load %arg11[%get3A_67, %get3A_68] : memref<16x512xf32, #tpu.memory_space<vmem>>, vector<16x512xf32>
    %dot_general3A_70 = arith.constant dense<0.000000e+00> : vector<2048x512xf32>
    %dot_general3A_71 = tpu.matmul %convert_element_type3A_66, %get3A_69, %dot_general3A_70 {dimension_numbers = #tpu.dot_dimension_numbers<[1], [0], [0], [1], [0, 0, 1, 1], [], []>, transpose_lhs_hint = false} : vector<2048x16xf32>, vector<16x512xf32>, vector<2048x512xf32> -> vector<2048x512xf32>
    %iota3A = tpu.iota {dimensions = array<i32: 1>} : vector<2048x512xi32>
    %jit3A = arith.constant 32 : i32
    %eq3A = arith.constant 0 : i32
    %eq3A_72 = arith.cmpi eq, %jit3A, %eq3A : i32
    %jit3A_73 = arith.constant 1 : i32
    %select_n3A = arith.select %eq3A_72, %jit3A_73, %jit3A : i32
    %rem3A = vector.broadcast %select_n3A : i32 to vector<2048x512xi32>
    %rem3A_74 = arith.remsi %iota3A, %rem3A : vector<2048x512xi32>
    %ne3A = arith.constant 0 : i32
    %ne3A_75 = vector.broadcast %ne3A : i32 to vector<2048x512xi32>
    %ne3A_76 = arith.cmpi ne, %rem3A_74, %ne3A_75 : vector<2048x512xi32>
    %lt3A = arith.constant 0 : i32
    %lt3A_77 = vector.broadcast %lt3A : i32 to vector<2048x512xi32>
    %lt3A_78 = arith.cmpi slt, %rem3A_74, %lt3A_77 : vector<2048x512xi32>
    %lt3A_79 = arith.constant 0 : i32
    %lt3A_80 = arith.cmpi slt, %select_n3A, %lt3A_79 : i32
    %ne3A_81 = vector.broadcast %lt3A_80 : i1 to vector<2048x512xi1>
    %ne3A_82 = vector.broadcast %ne3A_81 : vector<2048x512xi1> to vector<2048x512xi1>
    %ne3A_83 = arith.xori %lt3A_78, %ne3A_82 : vector<2048x512xi1>
    %and3A = arith.andi %ne3A_83, %ne3A_76 : vector<2048x512xi1>
    %add3A_84 = vector.broadcast %select_n3A : i32 to vector<2048x512xi32>
    %add3A_85 = arith.addi %rem3A_74, %add3A_84 : vector<2048x512xi32>
    %select_n3A_86 = arith.select %and3A, %add3A_85, %rem3A_74 : vector<2048x512xi1>, vector<2048x512xi32>
    %convert_element_type3A_87 = arith.sitofp %select_n3A_86 : vector<2048x512xi32> to vector<2048x512xf32>
    %eq3A_88 = arith.cmpf oeq, %dot_general3A_71, %convert_element_type3A_87 : vector<2048x512xf32>
    %convert_element_type3A_89 = arith.extui %eq3A_88 : vector<2048x512xi1> to vector<2048x512xi32>
    %convert_element_type3A_90 = arith.sitofp %convert_element_type3A_89 : vector<2048x512xi32> to vector<2048x512xf32>
    %get3A_91 = arith.constant 0 : index
    %get3A_92 = arith.constant 0 : index
    %get3A_93 = vector.load %arg12[%get3A_91, %get3A_92] : memref<32x512xf32, #tpu.memory_space<vmem>>, vector<32x512xf32>
    %convert_element_type3A_94 = arith.truncf %add3A_60 : vector<2048x32xf32> to vector<2048x32xbf16>
    %convert_element_type3A_95 = arith.extf %convert_element_type3A_94 : vector<2048x32xbf16> to vector<2048x32xf32>
    %sub3A_96 = arith.subf %add3A_60, %convert_element_type3A_95 : vector<2048x32xf32>
    %dot_general3A_97 = arith.constant dense<0.000000e+00> : vector<2048x512xf32>
    %dot_general3A_98 = tpu.matmul %convert_element_type3A_95, %get3A_93, %dot_general3A_97 {dimension_numbers = #tpu.dot_dimension_numbers<[1], [0], [0], [1], [0, 0, 1, 1], [], []>, transpose_lhs_hint = false} : vector<2048x32xf32>, vector<32x512xf32>, vector<2048x512xf32> -> vector<2048x512xf32>
    %dot_general3A_99 = arith.constant dense<0.000000e+00> : vector<2048x512xf32>
    %dot_general3A_100 = tpu.matmul %sub3A_96, %get3A_93, %dot_general3A_99 {dimension_numbers = #tpu.dot_dimension_numbers<[1], [0], [0], [1], [0, 0, 1, 1], [], []>, transpose_lhs_hint = false} : vector<2048x32xf32>, vector<32x512xf32>, vector<2048x512xf32> -> vector<2048x512xf32>
    %add3A_101 = arith.addf %dot_general3A_98, %dot_general3A_100 : vector<2048x512xf32>
    %mul3A_102 = arith.mulf %convert_element_type3A_90, %add3A_101 : vector<2048x512xf32>
    %get3A_103 = arith.constant 0 : index
    %get3A_104 = arith.constant 0 : index
    %get3A_105 = vector.load %arg13[%get3A_103, %get3A_104] : memref<512x16xf32, #tpu.memory_space<vmem>>, vector<512x16xf32>
    %convert_element_type3A_106 = arith.truncf %mul3A_102 : vector<2048x512xf32> to vector<2048x512xbf16>
    %convert_element_type3A_107 = arith.extf %convert_element_type3A_106 : vector<2048x512xbf16> to vector<2048x512xf32>
    %sub3A_108 = arith.subf %mul3A_102, %convert_element_type3A_107 : vector<2048x512xf32>
    %dot_general3A_109 = arith.constant dense<0.000000e+00> : vector<2048x16xf32>
    %dot_general3A_110 = tpu.matmul %convert_element_type3A_107, %get3A_105, %dot_general3A_109 {dimension_numbers = #tpu.dot_dimension_numbers<[1], [0], [0], [1], [0, 0, 1, 1], [], []>, transpose_lhs_hint = false} : vector<2048x512xf32>, vector<512x16xf32>, vector<2048x16xf32> -> vector<2048x16xf32>
    %dot_general3A_111 = arith.constant dense<0.000000e+00> : vector<2048x16xf32>
    %dot_general3A_112 = tpu.matmul %sub3A_108, %get3A_105, %dot_general3A_111 {dimension_numbers = #tpu.dot_dimension_numbers<[1], [0], [0], [1], [0, 0, 1, 1], [], []>, transpose_lhs_hint = false} : vector<2048x512xf32>, vector<512x16xf32>, vector<2048x16xf32> -> vector<2048x16xf32>
    %add3A_113 = arith.addf %dot_general3A_110, %dot_general3A_112 : vector<2048x16xf32>
    %reduce_max3A = arith.constant dense<0xFF800000> : vector<2048xf32>
    %reduce_max3A_114 = vector.multi_reduction <maximumf>, %add3A_113, %reduce_max3A [1] : vector<2048x16xf32> to vector<2048xf32>
    %broadcast_in_dim3A_115 = vector.shape_cast %reduce_max3A_114 : vector<2048xf32> to vector<2048x1xf32>
    %sub3A_116 = vector.broadcast %broadcast_in_dim3A_115 : vector<2048x1xf32> to vector<2048x16xf32>
    %sub3A_117 = arith.subf %add3A_113, %sub3A_116 : vector<2048x16xf32>
    %exp3A = math.exp %sub3A_117 : vector<2048x16xf32>
    %reduce_sum3A_118 = arith.constant dense<0.000000e+00> : vector<2048xf32>
    %reduce_sum3A_119 = vector.multi_reduction <add>, %exp3A, %reduce_sum3A_118 [1] : vector<2048x16xf32> to vector<2048xf32>
    %broadcast_in_dim3A_120 = vector.shape_cast %reduce_sum3A_119 : vector<2048xf32> to vector<2048x1xf32>
    %div3A_121 = vector.broadcast %broadcast_in_dim3A_120 : vector<2048x1xf32> to vector<2048x16xf32>
    %div3A_122 = arith.divf %exp3A, %div3A_121 : vector<2048x16xf32>
    %get3A_123 = arith.constant 0 : index
    %get3A_124 = arith.constant 0 : index
    %get3A_125 = vector.load %arg3[%get3A_123, %get3A_124] : memref<2048x256xf32, #tpu.memory_space<vmem>>, vector<2048x256xf32>
    %mul3A_126 = arith.mulf %get3A_125, %get3A_125 : vector<2048x256xf32>
    %get3A_127 = arith.constant 0 : index
    %get3A_128 = arith.constant 0 : index
    %get3A_129 = vector.load %arg8[%get3A_127, %get3A_128] : memref<256x16xf32, #tpu.memory_space<vmem>>, vector<256x16xf32>
    %convert_element_type3A_130 = arith.truncf %mul3A_126 : vector<2048x256xf32> to vector<2048x256xbf16>
    %convert_element_type3A_131 = arith.extf %convert_element_type3A_130 : vector<2048x256xbf16> to vector<2048x256xf32>
    %sub3A_132 = arith.subf %mul3A_126, %convert_element_type3A_131 : vector<2048x256xf32>
    %dot_general3A_133 = arith.constant dense<0.000000e+00> : vector<2048x16xf32>
    %dot_general3A_134 = tpu.matmul %convert_element_type3A_131, %get3A_129, %dot_general3A_133 {dimension_numbers = #tpu.dot_dimension_numbers<[1], [0], [0], [1], [0, 0, 1, 1], [], []>, transpose_lhs_hint = false} : vector<2048x256xf32>, vector<256x16xf32>, vector<2048x16xf32> -> vector<2048x16xf32>
    %dot_general3A_135 = arith.constant dense<0.000000e+00> : vector<2048x16xf32>
    %dot_general3A_136 = tpu.matmul %sub3A_132, %get3A_129, %dot_general3A_135 {dimension_numbers = #tpu.dot_dimension_numbers<[1], [0], [0], [1], [0, 0, 1, 1], [], []>, transpose_lhs_hint = false} : vector<2048x256xf32>, vector<256x16xf32>, vector<2048x16xf32> -> vector<2048x16xf32>
    %add3A_137 = arith.addf %dot_general3A_134, %dot_general3A_136 : vector<2048x16xf32>
    %sqrt3A_138 = math.sqrt %add3A_137 : vector<2048x16xf32>
    %max3A_139 = arith.constant 1.000000e-07 : f32
    %max3A_140 = vector.broadcast %max3A_139 : f32 to vector<2048x16xf32>
    %max3A_141 = arith.maximumf %sqrt3A_138, %max3A_140 : vector<2048x16xf32>
    %div3A_142 = arith.constant 1.000000e+00 : f32
    %div3A_143 = vector.broadcast %div3A_142 : f32 to vector<2048x16xf32>
    %div3A_144 = arith.divf %div3A_143, %max3A_141 : vector<2048x16xf32>
    %min3A_145 = arith.constant 1.000000e+00 : f32
    %min3A_146 = vector.broadcast %min3A_145 : f32 to vector<2048x16xf32>
    %min3A_147 = arith.minimumf %min3A_146, %div3A_144 : vector<2048x16xf32>
    %mul3A_148 = arith.mulf %min3A_147, %div3A_122 : vector<2048x16xf32>
    %get3A_149 = arith.constant 0 : index
    %get3A_150 = arith.constant 0 : index
    %get3A_151 = vector.load %arg9[%get3A_149, %get3A_150] : memref<16x256xf32, #tpu.memory_space<vmem>>, vector<16x256xf32>
    %convert_element_type3A_152 = arith.truncf %mul3A_148 : vector<2048x16xf32> to vector<2048x16xbf16>
    %convert_element_type3A_153 = arith.extf %convert_element_type3A_152 : vector<2048x16xbf16> to vector<2048x16xf32>
    %sub3A_154 = arith.subf %mul3A_148, %convert_element_type3A_153 : vector<2048x16xf32>
    %dot_general3A_155 = arith.constant dense<0.000000e+00> : vector<2048x256xf32>
    %dot_general3A_156 = tpu.matmul %convert_element_type3A_153, %get3A_151, %dot_general3A_155 {dimension_numbers = #tpu.dot_dimension_numbers<[1], [0], [0], [1], [0, 0, 1, 1], [], []>, transpose_lhs_hint = false} : vector<2048x16xf32>, vector<16x256xf32>, vector<2048x256xf32> -> vector<2048x256xf32>
    %dot_general3A_157 = arith.constant dense<0.000000e+00> : vector<2048x256xf32>
    %dot_general3A_158 = tpu.matmul %sub3A_154, %get3A_151, %dot_general3A_157 {dimension_numbers = #tpu.dot_dimension_numbers<[1], [0], [0], [1], [0, 0, 1, 1], [], []>, transpose_lhs_hint = false} : vector<2048x16xf32>, vector<16x256xf32>, vector<2048x256xf32> -> vector<2048x256xf32>
    %add3A_159 = arith.addf %dot_general3A_156, %dot_general3A_158 : vector<2048x256xf32>
    %mul3A_160 = arith.mulf %get3A_125, %add3A_159 : vector<2048x256xf32>
    %get3A_161 = arith.constant 0 : index
    %get3A_162 = arith.constant 0 : index
    %get3A_163 = vector.load %arg10[%get3A_161, %get3A_162] : memref<256x16xf32, #tpu.memory_space<vmem>>, vector<256x16xf32>
    %convert_element_type3A_164 = arith.truncf %mul3A_160 : vector<2048x256xf32> to vector<2048x256xbf16>
    %convert_element_type3A_165 = arith.extf %convert_element_type3A_164 : vector<2048x256xbf16> to vector<2048x256xf32>
    %sub3A_166 = arith.subf %mul3A_160, %convert_element_type3A_165 : vector<2048x256xf32>
    %dot_general3A_167 = arith.constant dense<0.000000e+00> : vector<2048x16xf32>
    %dot_general3A_168 = tpu.matmul %convert_element_type3A_165, %get3A_163, %dot_general3A_167 {dimension_numbers = #tpu.dot_dimension_numbers<[1], [0], [0], [1], [0, 0, 1, 1], [], []>, transpose_lhs_hint = false} : vector<2048x256xf32>, vector<256x16xf32>, vector<2048x16xf32> -> vector<2048x16xf32>
    %dot_general3A_169 = arith.constant dense<0.000000e+00> : vector<2048x16xf32>
    %dot_general3A_170 = tpu.matmul %sub3A_166, %get3A_163, %dot_general3A_169 {dimension_numbers = #tpu.dot_dimension_numbers<[1], [0], [0], [1], [0, 0, 1, 1], [], []>, transpose_lhs_hint = false} : vector<2048x256xf32>, vector<256x16xf32>, vector<2048x16xf32> -> vector<2048x16xf32>
    %add3A_171 = arith.addf %dot_general3A_168, %dot_general3A_170 : vector<2048x16xf32>
    %add3A_172 = arith.addf %mul3A_31, %add3A_171 : vector<2048x16xf32>
    %get3A_173 = arith.constant 0 : index
    %get3A_174 = arith.constant 0 : index
    %get3A_175 = vector.load %arg6[%get3A_173, %get3A_174] : memref<16x16xf32, #tpu.memory_space<vmem>>, vector<16x16xf32>
    %convert_element_type3A_176 = arith.truncf %add3A_172 : vector<2048x16xf32> to vector<2048x16xbf16>
    %convert_element_type3A_177 = arith.extf %convert_element_type3A_176 : vector<2048x16xbf16> to vector<2048x16xf32>
    %sub3A_178 = arith.subf %add3A_172, %convert_element_type3A_177 : vector<2048x16xf32>
    %convert_element_type3A_179 = arith.truncf %get3A_175 : vector<16x16xf32> to vector<16x16xbf16>
    %convert_element_type3A_180 = arith.extf %convert_element_type3A_179 : vector<16x16xbf16> to vector<16x16xf32>
    %sub3A_181 = arith.subf %get3A_175, %convert_element_type3A_180 : vector<16x16xf32>
    %dot_general3A_182 = arith.constant dense<0.000000e+00> : vector<2048x16xf32>
    %dot_general3A_183 = tpu.matmul %convert_element_type3A_177, %convert_element_type3A_180, %dot_general3A_182 {dimension_numbers = #tpu.dot_dimension_numbers<[1], [1], [0], [0], [0, 0, 1, 0], [], []>, transpose_lhs_hint = false} : vector<2048x16xf32>, vector<16x16xf32>, vector<2048x16xf32> -> vector<2048x16xf32>
    %dot_general3A_184 = arith.constant dense<0.000000e+00> : vector<2048x16xf32>
    %dot_general3A_185 = tpu.matmul %convert_element_type3A_177, %sub3A_181, %dot_general3A_184 {dimension_numbers = #tpu.dot_dimension_numbers<[1], [1], [0], [0], [0, 0, 1, 0], [], []>, transpose_lhs_hint = false} : vector<2048x16xf32>, vector<16x16xf32>, vector<2048x16xf32> -> vector<2048x16xf32>
    %add3A_186 = arith.addf %dot_general3A_183, %dot_general3A_185 : vector<2048x16xf32>
    %dot_general3A_187 = arith.constant dense<0.000000e+00> : vector<2048x16xf32>
    %dot_general3A_188 = tpu.matmul %sub3A_178, %convert_element_type3A_180, %dot_general3A_187 {dimension_numbers = #tpu.dot_dimension_numbers<[1], [1], [0], [0], [0, 0, 1, 0], [], []>, transpose_lhs_hint = false} : vector<2048x16xf32>, vector<16x16xf32>, vector<2048x16xf32> -> vector<2048x16xf32>
    %add3A_189 = arith.addf %add3A_186, %dot_general3A_188 : vector<2048x16xf32>
    %get3A_190 = arith.constant 0 : index
    %get3A_191 = arith.constant 0 : index
    %get3A_192 = vector.load %arg7[%get3A_190, %get3A_191] : memref<1x16xf32, #tpu.memory_space<vmem>>, vector<1x16xf32>
    %add3A_193 = vector.broadcast %get3A_192 : vector<1x16xf32> to vector<2048x16xf32>
    %add3A_194 = arith.addf %add3A_189, %add3A_193 : vector<2048x16xf32>
    %max3A_195 = arith.constant 0.000000e+00 : f32
    %max3A_196 = vector.broadcast %max3A_195 : f32 to vector<2048x16xf32>
    %max3A_197 = arith.maximumf %add3A_194, %max3A_196 : vector<2048x16xf32>
    %swap3A_198 = arith.constant 0 : index
    %swap3A_199 = arith.constant 0 : index
    %swap3A_200 = vector.load %arg15[%swap3A_198, %swap3A_199] : memref<2048x16xf32, #tpu.memory_space<vmem>>, vector<2048x16xf32>
    tpu.vector_store %arg15[%swap3A_198, %swap3A_199], %max3A_197 {strides = array<i32>} : memref<2048x16xf32, #tpu.memory_space<vmem>>, vector<2048x16xf32>,
    return
  }
  func.func @transform_0(%arg0: i32) -> (i32, i32) {
    %c0_i32 = arith.constant 0 : i32
    %c0_i32_0 = arith.constant 0 : i32
    return %arg0, %c0_i32 : i32, i32
  }
  func.func @transform_1(%arg0: i32) -> (i32, i32) {
    %c0_i32 = arith.constant 0 : i32
    %c0_i32_0 = arith.constant 0 : i32
    return %arg0, %c0_i32 : i32, i32
  }
  func.func @transform_2(%arg0: i32) -> (i32, i32) {
    %c0_i32 = arith.constant 0 : i32
    %c0_i32_0 = arith.constant 0 : i32
    return %arg0, %c0_i32 : i32, i32
  }
  func.func @transform_3(%arg0: i32) -> (i32, i32) {
    %c0_i32 = arith.constant 0 : i32
    %c0_i32_0 = arith.constant 0 : i32
    return %arg0, %c0_i32 : i32, i32
  }
  func.func @transform_4(%arg0: i32) -> (i32, i32) {
    %c0_i32 = arith.constant 0 : i32
    %c0_i32_0 = arith.constant 0 : i32
    %c0_i32_1 = arith.constant 0 : i32
    return %c0_i32, %c0_i32_0 : i32, i32
  }
  func.func @transform_5(%arg0: i32) -> (i32, i32) {
    %c0_i32 = arith.constant 0 : i32
    %c0_i32_0 = arith.constant 0 : i32
    %c0_i32_1 = arith.constant 0 : i32
    return %c0_i32, %c0_i32_0 : i32, i32
  }
  func.func @transform_6(%arg0: i32) -> (i32, i32) {
    %c0_i32 = arith.constant 0 : i32
    %c0_i32_0 = arith.constant 0 : i32
    %c0_i32_1 = arith.constant 0 : i32
    return %c0_i32, %c0_i32_0 : i32, i32
  }
  func.func @transform_7(%arg0: i32) -> (i32, i32) {
    %c0_i32 = arith.constant 0 : i32
    %c0_i32_0 = arith.constant 0 : i32
    %c0_i32_1 = arith.constant 0 : i32
    return %c0_i32, %c0_i32_0 : i32, i32
  }
  func.func @transform_8(%arg0: i32) -> (i32, i32) {
    %c0_i32 = arith.constant 0 : i32
    %c0_i32_0 = arith.constant 0 : i32
    %c0_i32_1 = arith.constant 0 : i32
    return %c0_i32, %c0_i32_0 : i32, i32
  }
  func.func @transform_9(%arg0: i32) -> (i32, i32) {
    %c0_i32 = arith.constant 0 : i32
    %c0_i32_0 = arith.constant 0 : i32
    %c0_i32_1 = arith.constant 0 : i32
    return %c0_i32, %c0_i32_0 : i32, i32
  }
  func.func @transform_10(%arg0: i32) -> (i32, i32) {
    %c0_i32 = arith.constant 0 : i32
    %c0_i32_0 = arith.constant 0 : i32
    %c0_i32_1 = arith.constant 0 : i32
    return %c0_i32, %c0_i32_0 : i32, i32
  }
  func.func @transform_11(%arg0: i32) -> (i32, i32) {
    %c0_i32 = arith.constant 0 : i32
    %c0_i32_0 = arith.constant 0 : i32
    %c0_i32_1 = arith.constant 0 : i32
    return %c0_i32, %c0_i32_0 : i32, i32
  }
  func.func @transform_12(%arg0: i32) -> (i32, i32) {
    %c0_i32 = arith.constant 0 : i32
    %c0_i32_0 = arith.constant 0 : i32
    %c0_i32_1 = arith.constant 0 : i32
    return %c0_i32, %c0_i32_0 : i32, i32
  }
  func.func @transform_13(%arg0: i32) -> (i32, i32) {
    %c0_i32 = arith.constant 0 : i32
    %c0_i32_0 = arith.constant 0 : i32
    return %arg0, %c0_i32 : i32, i32
  }
  func.func @transform_14(%arg0: i32) -> (i32, i32) {
    %c0_i32 = arith.constant 0 : i32
    %c0_i32_0 = arith.constant 0 : i32
    return %arg0, %c0_i32 : i32, i32
  }
}

</mosaic_0001>

<sc_bundles>
// kernel: kernel.10.cloned.1.call-start
scs
__scs_entry_jumppad:
0x0: {  	(pc) =	sbr.rel $0x88, $3  }
0x1: {  	(tag) =	ssettag $0x0;
	lr =	simm.s32 $0x1  }
0x2: {  	[smem:$0x3F98] =	sst lr;
	_ =	strace $0xD0000000  }
0x3: {  	_ = 	snop  }
0x4: {  	_ = 	snop  }
0x5: {  	_ = 	snop  }
0x6: {  	_ = 	snop  }
0x7: {  	_ = 	snop  }
__scs_overlays_trampoline_lowered:
0x8: {  	[smem:$0x3FA7] =	sst s0  }
0x9: {  	[smem:$0x3FA8] =	sst s1  }
0xa: {  	[smem:$0x3FA9] =	sst s2  }
0xb: {  	[smem:$0x3FAA] =	sst s3  }
0xc: {  	[smem:$0x3FAB] =	sst s4  }
0xd: {  	[smem:$0x3FAC] =	sst s5  }
0xe: {  	[smem:$0x3FAD] =	sst s6  }
0xf: {  	[smem:$0x3FAE] =	sst s7  }
0x10: {  	[smem:$0x3FAF] =	sst s8  }
0x11: {  	[smem:$0x3FB0] =	sst s9;
	s0 =	simm.s32 @!p0 $0x0  }
0x12: {  	s1 =	sld [smem:$0x3F96];
	s0 =	simm.s32 @p0 $0x1  }
0x13: {  	[smem:$0x3FB1] =	sst s0;
	s0 =	simm.s32 @!p1 $0x0  }
0x14: {  	s2 =	sld [smem:$0x3F95];
	s0 =	simm.s32 @p1 $0x1  }
0x15: {  	[smem:$0x3FB2] =	sst s0;
	s0 =	simm.s32 @!p2 $0x0  }
0x16: {  	s3 =	sld [smem:$0x3FDB];
	s0 =	simm.s32 @p2 $0x1  }
0x17: {  	s4 =	simm.s32 $0x1BF5;
	[smem:$0x3FB4] =	sst s0  }
0x18: {  	s0 =	sld [smem:$0x3F97];
	_ =	swait.ge [sflag:s4], $0x0  }
0x19: {  	s7 =	sld [smem:$0x3F98]  }
0x1a: {  	s8 =	sadd.s32 $0xFFFFE003, lr  }
0x1b: {  	s9 =	sadd.s32 $0xFFFFFEF7, lr;
	s5 =	simm.s32 $0xFFFFFFFF;
	p2 =	slt.u32 s8, $0xFFFFF086  }
0x1c: {  	p1 =	slt.u32 s9, $0xF7A;
	s5 =	simm.s32 @!p2 $0x0  }
0x1d: {  	s5 =	simm.s32 @p1 $0x1;
	p0 =	seq.s32 s7, s2  }
0x1e: {  	s7 =	smul.u32 @!p0 $0xF7A, s2;
	p2 =	seq.s32 @!p0 s5, $0x0  }
0x1f: {  	s9 =	smul.u32 $0xF7A, s1;
	s8 =	simm.s32 @!p0 $0x1BF5;
	p2 =	por !p2, p0  }
0x20: {  	[sflag:s8] =	ssyncset.s32 @!p0 $0xFFFFF086;
	s6 =	sadd.s32 @!p0 s3, s7;
	s7 =	simm.s32 @!p0 $0x108  }
0x21: {  	s3 =	sadd.s32 s3, s9;
	s6 =	sadd.s32 @!p0 $0x88, s6;
	s7 =	simm.s32 @p2 $0x1082  }
0x22: {  	[simem:s7], [sflag:s8] =	dma.local @!p0 [hbm:s6], $0xF7A  }
0x23: {  	s9 =	sor.u32 $0xD0000000, s2;
	s6 =	simm.s32 $0x108;
	_ =	swait.ge @!p0 [sflag:s8], $0x0  }
0x24: {  	s3 =	sadd.s32 $0x88, s3;
	s6 =	simm.s32 @!p1 $0x1082;
	[sflag:s4] =	ssyncset.s32 $0xFFFFF086  }
0x25: {  	[simem:s6], [sflag:s4] =	dma.local [hbm:s3], $0xF7A  }
0x26: {  	[smem:$0x3F98] =	sst s1;
	(tag) =	ssettag s2;
	_ =	strace s9  }
0x27: {  	s1 =	sld [smem:$0x3FA8]  }
0x28: {  	s2 =	sld [smem:$0x3FA9]  }
0x29: {  	s4 =	sld [smem:$0x3FAB]  }
0x2a: {  	p0 =	seq.s32 s5, $0x0;
	s5 =	sld [smem:$0x3FAC]  }
0x2b: {  	s6 =	sld [smem:$0x3FAD]  }
0x2c: {  	s7 =	sld [smem:$0x3FAE]  }
0x2d: {  	s3 =	simm.s32 $0x108;
	s8 =	sld [smem:$0x3FAF]  }
0x2e: {  	s3 =	simm.s32 @!p0 $0x1082;
	s9 =	sld [smem:$0x3FB0]  }
0x2f: {  	lr =	sadd.s32 s0, s3;
	s0 =	sld [smem:$0x3FA7]  }
0x30: {  	s3 =	sld [smem:$0x3FAA]  }
0x31: {  	[smem:$0x3FB3] =	sst s10  }
0x32: {  	s10 =	sld [smem:$0x3FB1];
	_ =	sdelay $0x3  }
0x33: {  	p0 =	seq.s32 s10, $0x1;
	s10 =	sld [smem:$0x3FB3];
	_ =	sdelay $0x3  }
0x34: {  	[smem:$0x3FB3] =	sst s10  }
0x35: {  	s10 =	sld [smem:$0x3FB2];
	_ =	sdelay $0x3  }
0x36: {  	p1 =	seq.s32 s10, $0x1;
	s10 =	sld [smem:$0x3FB3];
	_ =	sdelay $0x3  }
0x37: {  	[smem:$0x3FB3] =	sst s10  }
0x38: {  	s10 =	sld [smem:$0x3FB4]  }
0x39: {  	_ = 	snop;
	(pc) =	sbr.ind lr, $3  }
0x3a: {  	_ = 	snop  }
0x3b: {  	_ = 	snop  }
0x3c: {  	p2 =	seq.s32 s10, $0x1;
	s10 =	sld [smem:$0x3FB3]  }
0x3d: {  	_ =	shalt  }
0x3e: {  	_ =	shalt  }
0x3f: {  	_ =	shalt  }
0x40: {  	_ =	shalt  }
0x41: {  	_ =	shalt  }
0x42: {  	_ =	shalt  }
0x43: {  	_ =	shalt  }
0x44: {  	_ =	shalt  }
0x45: {  	_ =	shalt  }
0x46: {  	_ =	shalt  }
0x47: {  	_ =	shalt  }
0x48: {  	_ =	shalt  }
0x49: {  	_ =	shalt  }
0x4a: {  	_ =	shalt  }
0x4b: {  	_ =	shalt  }
0x4c: {  	_ =	shalt  }
0x4d: {  	_ =	shalt  }
0x4e: {  	_ =	shalt  }
0x4f: {  	_ =	shalt  }
0x50: {  	_ =	shalt  }
0x51: {  	_ =	shalt  }
0x52: {  	_ =	shalt  }
0x53: {  	_ =	shalt  }
0x54: {  	_ =	shalt  }
0x55: {  	_ =	shalt  }
0x56: {  	_ =	shalt  }
0x57: {  	_ =	shalt  }
0x58: {  	_ =	shalt  }
0x59: {  	_ =	shalt  }
0x5a: {  	_ =	shalt  }
0x5b: {  	_ =	shalt  }
0x5c: {  	_ =	shalt  }
0x5d: {  	_ =	shalt  }
0x5e: {  	_ =	shalt  }
0x5f: {  	_ =	shalt  }
0x60: {  	_ =	shalt  }
0x61: {  	_ =	shalt  }
0x62: {  	_ =	shalt  }
0x63: {  	_ =	shalt  }
0x64: {  	_ =	shalt  }
0x65: {  	_ =	shalt  }
0x66: {  	_ =	shalt  }
0x67: {  	_ =	shalt  }
0x68: {  	_ =	shalt  }
0x69: {  	_ =	shalt  }
0x6a: {  	_ =	shalt  }
0x6b: {  	_ =	shalt  }
0x6c: {  	_ =	shalt  }
0x6d: {  	_ =	shalt  }
0x6e: {  	_ =	shalt  }
0x6f: {  	_ =	shalt  }
0x70: {  	_ =	shalt  }
0x71: {  	_ =	shalt  }
0x72: {  	_ =	shalt  }
0x73: {  	_ =	shalt  }
0x74: {  	_ =	shalt  }
0x75: {  	_ =	shalt  }
0x76: {  	_ =	shalt  }
0x77: {  	_ =	shalt  }
0x78: {  	_ =	shalt  }
0x79: {  	_ =	shalt  }
0x7a: {  	_ =	shalt  }
0x7b: {  	_ =	shalt  }
0x7c: {  	_ =	shalt  }
0x7d: {  	_ =	shalt  }
0x7e: {  	_ =	shalt  }
0x7f: {  	_ =	shalt  }
0x80: {  	_ =	shalt  }
0x81: {  	_ =	shalt  }
0x82: {  	_ =	shalt  }
0x83: {  	_ =	shalt  }
0x84: {  	_ =	shalt  }
0x85: {  	_ =	shalt  }
0x86: {  	_ =	shalt  }
0x87: {  	_ =	shalt  }
.Lfunc_end0:
.L_simem_size_0:
called_computation.1_lowered:
.L_overlay_start_0:
0x88: {  	s2 =	sld [smem:$0x3FD9]  }
0x89: {  	s3 =	sld [smem:$0x3FFE];
	_ =	sdelay $0x1  }
0x8a: {  	s1 =	srdreg.scid  }
0x8b: {  	s0 =	sand.u32 $0x1, s1  }
0x8c: {  	s14 =	sshll.u32 s0, $0xA;
	s2 =	sadd.s32 s3, s2  }
0x8d: {  	s2 =	sadd.s32 s2, s14  }
0x8e: {  	[smem:$0x3FBF] =	sst s2  }
0x8f: {  	_ = 	snop  }
0x90: {  	s2 =	sld [smem:$0x3FD0];
	_ =	sdelay $0x2  }
0x91: {  	s4 =	simm.s32 $0xA;
	s5 =	simm.s32 $0x10;
	s15 =	sld [smem:$0x3FC8]  }
0x92: {  	[smem:s5], [sflag:s4] =	dma.local [hbm:s2], $0x1  }
0x93: {  	_ =	swait.eq [sflag:s4], $0x1  }
0x94: {  	[sflag:s4] =	ssyncset.done $0x0  }
0x95: {  	s16 =	sld [smem:$0x10];
	[sflag:s4] =	ssyncadd.s32 $0xFFFFFFFF  }
0x96: {  	s17 =	sld [smem:$0x11];
	(tm) =	ssettm $0x1  }
0x97: {  	s18 =	sld [smem:$0x3FFB];
	_ =	sdelay $0x3  }
0x98: {  	_ =	strace s18  }
0x99: {  	s5 =	sld [smem:$0x3FFC];
	_ =	sdelay $0x3  }
0x9a: {  	_ =	strace s5  }
0x9b: {  	s5 =	sld [smem:$0x3FFD];
	_ =	sdelay $0x3  }
0x9c: {  	_ =	strace s5  }
0x9d: {  	_ =	strace $0x8FFFFFFF  }
0x9e: {  	s19 =	sld [smem:$0x3FDB];
	_ =	sdelay $0x1  }
0x9f: {  	s6 =	simm.s32 $_scs_section_size  }
0xa0: {  	s7 =	simm.s32 $_size__tile_overlayer_lowered;
	s8 =	simm.s32 $_tile_overlayer_lowered  }
0xa1: {  	s22 =	simm.s32 $0x1BFF;
	s21 =	sshll.u32 s8, $0x1;
	s5 =	sadd.s32 s6, s19  }
0xa2: {  	s9 =	simm.s32 $0x0;
	s20 =	sshll.u32 s7, $0x1;
	s7 =	sadd.s32 s21, s5  }
0xa3: {  	[timem:s9], [sflag:s22] =	dma.local [hbm:s7], s20  }
0xa4: {  	_ =	swait.ge [sflag:s22], s20  }
0xa5: {  	s6 =	ssub.s32 $0x0, s20;
	[sflag:s22] =	ssyncset.done $0x0  }
0xa6: {  	[sflag:s22] =	ssyncadd.s32 s6;
	_ =	sdelay $0x1  }
0xa7: {  	s23 =	simm.s32 $0x1B8B  }
0xa8: {  	_ =	swait.ge [sflag:s23], $0x1  }
0xa9: {  	[sflag:s23] =	ssyncset.done $0x0  }
0xaa: {  	s25 =	simm.s32 $0x1B8E;
	s24 =	sld [smem:$0x3FFE];
	[sflag:s23] =	ssyncadd.s32 $0xFFFFFFFF  }
0xab: {  	s26 =	simm.s32 $execute0_lowered;
	[smem:$0x3FD2] =	sst s25  }
0xac: {  	s7 =	sshll.u32 s26, $0x1;
	_ =	strace $0x80000049;
	[dreg:$0x1] =	wrdreg $0xFFFFFFFF  }
0xad: {  	s28 =	simm.s32 $_size_execute0_lowered;
	s5 =	sadd.s32 s5, s7;
	[dreg:$0x0] =	wrdreg $0x0  }
0xae: {  	s7 =	sshll.u32 s28, $0x1;
	[dreg:$0x2] =	wrdreg s5  }
0xaf: {  	[dreg:$0x3] =	wrdreg s7  }
0xb0: {  	[dreg:$0x4] =	wrdreg $0xC0  }
0xb1: {  	_ =	task [dreg:s9], $0x5FFFF  }
0xb2: {  	[dreg:$0x1] =	wrdreg $0xFFFFFFFF  }
0xb3: {  	[dreg:$0x0] =	wrdreg $0x60  }
0xb4: {  	[dreg:$0x2] =	wrdreg s16  }
0xb5: {  	[dreg:$0x3] =	wrdreg s15  }
0xb6: {  	[dreg:$0x4] =	wrdreg s24  }
0xb7: {  	[dreg:$0x5] =	wrdreg s17  }
0xb8: {  	[dreg:$0x6] =	wrdreg $0x9  }
0xb9: {  	_ =	task.clear_ibuf [dreg:s9], $0x7FFFF;
	_ =	strace $0x90000049  }
0xba: {  	s29 =	simm.s32 $0x9;
	_ =	strace $0x8000004B  }
0xbb: {  	_ =	swait.ge [sflag:s29], $0x1  }
0xbc: {  	[sflag:s29] =	ssyncadd.s32 $0xFFFFFFFF  }
0xbd: {  	_ =	strace $0x9000004B  }
0xbe: {  	_ =	sfence  }
0xbf: {  	s30 =	sld [smem:$0x0];
	_ =	sdelay $0x2  }
0xc0: {  	s31 =	sshll.u32 s1, $0xD;
	s1 =	sshrl.u32 s1, $0x2  }
0xc1: {  	s3 =	sand.u32 $0x4000, s31;
	s1 =	sadd.s32 s1, s30  }
0xc2: {  	s0 =	sor.u32 s3, s0;
	s1 =	sshll.u32 s1, $0x11  }
0xc3: {  	s0 =	sor.u32 s1, s0  }
0xc4: {  	s0 =	sadd.s32 $0x8F2B, s0  }
0xc5: {  	[sflag:s0] =	ssyncadd.remote.s32 $0x1  }
0xc6: {  	_ =	sfence.sel $0xFFFF  }
0xc7: {  	[dreg:$0x0] =	wrdreg $0xFFFFFFFF;
	(pc) =	sbr.abs _section_cstart, $3  }
0xc8: {  	[dreg:$0x1] =	wrdreg $0xFFFFFFFF  }
0xc9: {  	_ =	task.clear_ibuf [dreg:s9], $0x2FFFF;
	_ =	strace $0x9FFFFFFF  }
0xca: {  	(tm) =	ssettm $0x7FFFFFFF  }
0xcb: {  	_ =	shalt  }
tec
execute0_lowered:
.L_overlay_start_1:
0x0: {  	(tag) =	ssettag $0x1  }
0x1: {  	s0 =	rddreg [dreg:$0x0]  }
0x2: {  	s2 =	rddreg [dreg:$0x1]  }
0x3: {  	s4 =	rddreg [dreg:$0x2]  }
0x4: {  	s6 =	rddreg [dreg:$0x3];
	s1 =	simm.s32 $0x0;
	s3 =	srdreg.scid  }
0x5: {  	s10 =	stileid.u32;
	s12 =	simm.s32 $0xA200;
	s20 =	simm.s32 $0x2A00  }
0x6: {  	s21 =	simm.s32 $0x3200;
	s22 =	simm.s32 $0x3A00;
	s23 =	simm.s32 $0x4200  }
0x7: {  	s24 =	simm.s32 $0x4A00;
	s25 =	simm.s32 $0x5200;
	[smem:$0x7FF] =	sst s1  }
0x8: {  	s26 =	simm.s32 $0x5A00;
	_ =	strace $0x8000004A;
	[dreg:$0x5] =	wrdreg s20  }
0x9: {  	s28 =	simm.s32 $0x9A00;
	s29 =	simm.s32 $0x1;
	[dreg:$0x6] =	wrdreg s21  }
0xa: {  	s30 =	simm.s32 $0x2;
	s31 =	simm.s32 $0x0;
	[dreg:$0x7] =	wrdreg s22  }
0xb: {  	s5 =	sand.u32 $0x1, s3;
	s3 =	sadd.s32 $0x3EAA00, s4;
	[dreg:$0x8] =	wrdreg s23  }
0xc: {  	s8 =	sshll.u32 s10, $0xF;
	s10 =	sshll.u32 s10, $0x1;
	[dreg:$0x9] =	wrdreg s24  }
0xd: {  	s7 =	ssub.s32 $0x2, s5;
	s8 =	sadd.s32 s8, s4;
	[dreg:$0xa] =	wrdreg s25  }
0xe: {  	s17 =	sor.u32 s5, s10;
	s11 =	sshll.u32 s5, $0xE;
	[dreg:$0xb] =	wrdreg s26  }
0xf: {  	s20 =	simm.s32 $0x6200;
	s21 =	simm.s32 $0x6A00;
	s22 =	simm.s32 $0x7200  }
0x10: {  	s23 =	simm.s32 $0x7A00;
	s24 =	simm.s32 $0x8200;
	s25 =	simm.s32 $0x8A00  }
0x11: {  	s26 =	simm.s32 $0x9200;
	s9 =	sshrl.u32 s7, $0x1;
	s18 =	sshll.u32 s17, $0xA  }
0x12: {  	s10 =	sshll.u32 s17, $0x6;
	s19 =	sadd.s32 s11, s8;
	s11 =	simm.s32 $0x80  }
0x13: {  	s7 =	ssub.s32 s7, s9;
	s4 =	sadd.s32 s0, s18;
	s5 =	sadd.s32 s2, s10  }
0x14: {  	s6 =	sadd.s32 s6, s18;
	s8 =	sadd.s32 $0x2A00, s19;
	s9 =	simm.s32 $0x3  }
0x15: {  	s10 =	simm.s32 $0x2000;
	s19 =	simm.s32 $0x2200;
	s7 =	smax.u32 s7, $0x1  }
.LBB2_1:
0x16: {  	[tilespmem:s1], [sflag:$0x3] =	stream.linear.gather [hbm4b:s4+s1], $0x2000, $0x38;
	[tilespmem:$0xC200] =	vst v63  }
0x17: {  	_ =	swait.ge [sflag:s9], $0x2000  }
0x18: {  	[sflag:s9] =	ssyncset.done $0x0  }
0x19: {  	[sflag:s9] =	ssyncadd.s32 $0xFFFFE000  }
0x1a: {  	[tilespmem:s10], [sflag:$0x3] =	stream.linear.gather [hbm4b:s5+s1], $0x200, $0x38;
	[tilespmem:$0xC200] =	vst v63  }
0x1b: {  	_ =	swait.ge [sflag:s9], $0x200  }
0x1c: {  	[sflag:s9] =	ssyncset.done $0x0  }
0x1d: {  	s0 =	simm.s32 $0x0;
	[sflag:s9] =	ssyncadd.s32 $0xFFFFFE00  }
0x1e: {  	v0 =	vld [tilespmem:s0+$0x0]  }
0x1f: {  	v1 =	vld [tilespmem:s0+$0x10]  }
0x20: {  	v5 =	vld [tilespmem:s0+$0x30];
	_ =	sdelay $0x2  }
0x21: {  	v2 =	vshll.u32 v0, $0x3  }
0x22: {  	v3 =	vld [tilespmem:s0+$0x20];
	v4 =	vand.u32 $0xFFC00, v0;
	v0 =	vshrl.u32 v0, $0x7;
	v6 =	vand.u32 $0xFFC00, v1  }
0x23: {  	v7 =	vshll.u32 v5, $0x3;
	v9 =	vand.u32 $0xFFC00, v5;
	v5 =	vshrl.u32 v5, $0x7  }
0x24: {  	v2 =	vand.u32 $0x3F8, v2;
	v0 =	vand.u32 $0x7, v0;
	v7 =	vand.u32 $0x3F8, v7  }
0x25: {  	v8 =	vld [tilespmem:s0+$0x40];
	v2 =	vor.u32 v4, v2;
	v4 =	vshll.u32 v1, $0x3;
	v1 =	vshrl.u32 v1, $0x7  }
0x26: {  	v7 =	vor.u32 v9, v7;
	v9 =	vand.u32 $0x7, v5;
	v4 =	vand.u32 $0x3F8, v4  }
0x27: {  	v5 =	vld [tilespmem:s0+$0x50];
	v0 =	vor.u32 v0, v2;
	v2 =	vor.u32 v6, v4;
	v6 =	vshll.u32 v3, $0x3  }
0x28: {  	v4 =	vand.u32 $0xFFC00, v3;
	v3 =	vshrl.u32 v3, $0x7;
	v6 =	vand.u32 $0x3F8, v6  }
0x29: {  	v1 =	vand.u32 $0x7, v1;
	v3 =	vand.u32 $0x7, v3;
	v6 =	vor.u32 v4, v6  }
0x2a: {  	v4 =	vor.u32 v1, v2;
	v1 =	vor.u32 v9, v7;
	v2 =	vld [tilespmem:s0+$0x60];
	v7 =	vshll.u32 v8, $0x3  }
0x2b: {  	s2 =	simm.s32 $0x200;
	v3 =	vor.u32 v3, v6;
	v6 =	vand.u32 $0xFFC00, v8;
	v8 =	vshrl.u32 v8, $0x7  }
.LBB2_2:
0x2c: {  	p0 =	sne.s32 s2, $0x7E00;
	v7 =	vand.u32 $0x3F8, v7;
	v8 =	vand.u32 $0x7, v8;
	v9 =	vshll.u32 v5, $0x3;
	v10 =	vld [tilespmem:s0+$0x70]  }
0x2d: {  	v11 =	vand.u32 $0xFFC00, v5;
	v5 =	vshrl.u32 v5, $0x7;
	v9 =	vand.u32 $0x3F8, v9  }
0x2e: {  	s13 =	sshra.s32 s2, $0x2;
	v5 =	vand.u32 $0x7, v5;
	[tilespmem:s0+$0x0] =	vst v0;
	v0 =	vor.u32 v6, v7;
	v6 =	vor.u32 v11, v9  }
0x2f: {  	v7 =	vld [tilespmem:s13+$0x0];
	[tilespmem:s0+$0x10] =	vst v4;
	v0 =	vor.u32 v8, v0;
	v4 =	vor.u32 v5, v6;
	v5 =	vshll.u32 v2, $0x3  }
0x30: {  	[tilespmem:s0+$0x20] =	vst v3;
	v3 =	vand.u32 $0xFFC00, v2;
	v5 =	vand.u32 $0x3F8, v5;
	v2 =	vshrl.u32 v2, $0x7  }
0x31: {  	v6 =	vld [tilespmem:s13+$0x10];
	[tilespmem:s0+$0x30] =	vst v1;
	v1 =	vor.u32 v3, v5;
	v2 =	vand.u32 $0x7, v2;
	v3 =	vshll.u32 v10, $0x3  }
0x32: {  	v5 =	vshrl.u32 v10, $0x7;
	[tilespmem:s0+$0x40] =	vst v0;
	v0 =	vand.u32 $0xFFC00, v10;
	v3 =	vand.u32 $0x3F8, v3  }
0x33: {  	v1 =	vor.u32 v2, v1;
	v2 =	vand.u32 $0x7, v5;
	[tilespmem:s0+$0x50] =	vst v4;
	v0 =	vor.u32 v0, v3  }
0x34: {  	v3 =	vshll.u32 v7, $0x3;
	v4 =	vld [tilespmem:s13+$0x20];
	[tilespmem:s0+$0x60] =	vst v1;
	v0 =	vor.u32 v2, v0  }
0x35: {  	v1 =	vand.u32 $0xFFC00, v7;
	v2 =	vand.u32 $0x3F8, v3;
	v3 =	vshrl.u32 v7, $0x7;
	v7 =	vld [tilespmem:s13+$0x30];
	[tilespmem:s0+$0x70] =	vst v0;
	s0 =	smov.u32 s13  }
0x36: {  	v0 =	vor.u32 v1, v2;
	v1 =	vand.u32 $0x7, v3;
	v2 =	vshll.u32 v6, $0x3  }
0x37: {  	v3 =	vand.u32 $0xFFC00, v6;
	v5 =	vshrl.u32 v6, $0x7;
	v2 =	vand.u32 $0x3F8, v2  }
0x38: {  	v0 =	vor.u32 v1, v0;
	v1 =	vor.u32 v3, v2;
	v2 =	vand.u32 $0x7, v5  }
0x39: {  	v3 =	vand.u32 $0xFFC00, v4;
	v5 =	vshll.u32 v4, $0x3;
	v4 =	vshrl.u32 v4, $0x7;
	v8 =	vld [tilespmem:s0+$0x40]  }
.Ltmp0:
0x3a: {  	v6 =	vand.u32 $0x3F8, v5;
	v9 =	vand.u32 $0x7, v4;
	v4 =	vshll.u32 v7, $0x3;
	v5 =	vld [tilespmem:s0+$0x50];
	(pc) =	sbr.rel @p0 .LBB2_2-.Ltmp0, $4  }
0x3b: {  	v10 =	vand.u32 $0xFFC00, v7;
	v7 =	vshrl.u32 v7, $0x7;
	v4 =	vand.u32 $0x3F8, v4  }
0x3c: {  	v3 =	vor.u32 v3, v6;
	v7 =	vand.u32 $0x7, v7;
	v6 =	vor.u32 v10, v4  }
0x3d: {  	v4 =	vor.u32 v2, v1;
	v3 =	vor.u32 v9, v3;
	v1 =	vor.u32 v7, v6;
	v2 =	vld [tilespmem:s0+$0x60]  }
0x3e: {  	s2 =	sadd.s32 $0x200, s2;
	v6 =	vand.u32 $0xFFC00, v8;
	v7 =	vshll.u32 v8, $0x3;
	v8 =	vshrl.u32 v8, $0x7  }
0x3f: {  	v7 =	vand.u32 $0x3F8, v7;
	v8 =	vand.u32 $0x7, v8;
	v9 =	vshll.u32 v5, $0x3;
	v10 =	vld [tilespmem:s0+$0x70]  }
0x40: {  	v11 =	vand.u32 $0xFFC00, v5;
	v5 =	vshrl.u32 v5, $0x7;
	v9 =	vand.u32 $0x3F8, v9  }
0x41: {  	[tilespmem:s0+$0x0] =	vst v0;
	v0 =	vor.u32 v6, v7;
	v5 =	vand.u32 $0x7, v5;
	v6 =	vor.u32 v11, v9  }
0x42: {  	[tilespmem:s0+$0x10] =	vst v4;
	v0 =	vor.u32 v8, v0;
	v4 =	vor.u32 v5, v6;
	v5 =	vshll.u32 v2, $0x3  }
0x43: {  	[tilespmem:s0+$0x20] =	vst v3;
	v3 =	vand.u32 $0xFFC00, v2;
	v2 =	vshrl.u32 v2, $0x7;
	v5 =	vand.u32 $0x3F8, v5  }
0x44: {  	[tilespmem:s0+$0x30] =	vst v1;
	v2 =	vand.u32 $0x7, v2;
	v1 =	vor.u32 v3, v5;
	v3 =	vshll.u32 v10, $0x3  }
0x45: {  	[tilespmem:s0+$0x40] =	vst v0;
	v0 =	vand.u32 $0xFFC00, v10;
	v5 =	vshrl.u32 v10, $0x7;
	v3 =	vand.u32 $0x3F8, v3  }
0x46: {  	[tilespmem:s0+$0x50] =	vst v4;
	v1 =	vor.u32 v2, v1;
	v2 =	vand.u32 $0x7, v5;
	v0 =	vor.u32 v0, v3  }
0x47: {  	[tilespmem:s0+$0x60] =	vst v1;
	v0 =	vor.u32 v2, v0  }
0x48: {  	[tilespmem:s0+$0x70] =	vst v0;
	s0 =	simm.s32 $0x0  }
0x49: {  	v0 =	vld [tilespmem:s0+$0x2000]  }
0x4a: {  	v1 =	vld [tilespmem:s0+$0x2010]  }
0x4b: {  	v5 =	vld [tilespmem:s0+$0x2030];
	_ =	sdelay $0x2  }
0x4c: {  	v2 =	vshll.u32 v0, $0x3  }
0x4d: {  	v3 =	vld [tilespmem:s0+$0x2020];
	v4 =	vand.u32 $0xFFFFFC00, v0;
	v0 =	vshrl.u32 v0, $0x7;
	v6 =	vand.u32 $0xFFFFFC00, v1  }
0x4e: {  	v7 =	vshll.u32 v5, $0x3;
	v9 =	vand.u32 $0xFFFFFC00, v5;
	v5 =	vshrl.u32 v5, $0x7  }
0x4f: {  	v2 =	vand.u32 $0x3F8, v2;
	v0 =	vand.u32 $0x7, v0;
	v7 =	vand.u32 $0x3F8, v7  }
0x50: {  	v8 =	vld [tilespmem:s0+$0x2040];
	v2 =	vor.u32 v4, v2;
	v4 =	vshll.u32 v1, $0x3;
	v1 =	vshrl.u32 v1, $0x7  }
0x51: {  	v7 =	vor.u32 v9, v7;
	v9 =	vand.u32 $0x7, v5;
	v4 =	vand.u32 $0x3F8, v4  }
0x52: {  	v5 =	vld [tilespmem:s0+$0x2050];
	v0 =	vor.u32 v0, v2;
	v2 =	vor.u32 v6, v4;
	v6 =	vshll.u32 v3, $0x3  }
0x53: {  	v4 =	vand.u32 $0xFFFFFC00, v3;
	v3 =	vshrl.u32 v3, $0x7;
	v6 =	vand.u32 $0x3F8, v6  }
0x54: {  	v1 =	vand.u32 $0x7, v1;
	v3 =	vand.u32 $0x7, v3;
	v6 =	vor.u32 v4, v6  }
0x55: {  	v4 =	vor.u32 v1, v2;
	v1 =	vor.u32 v9, v7;
	v2 =	vld [tilespmem:s0+$0x2060];
	v7 =	vshll.u32 v8, $0x3  }
0x56: {  	s2 =	simm.s32 $0x200;
	v3 =	vor.u32 v3, v6;
	v6 =	vand.u32 $0xFFFFFC00, v8;
	v8 =	vshrl.u32 v8, $0x7  }
.LBB2_4:
0x57: {  	p0 =	sne.s32 s2, $0x600;
	v7 =	vand.u32 $0x3F8, v7;
	v8 =	vand.u32 $0x7, v8;
	v9 =	vshll.u32 v5, $0x3;
	v10 =	vld [tilespmem:s0+$0x2070]  }
0x58: {  	v11 =	vand.u32 $0xFFFFFC00, v5;
	v5 =	vshrl.u32 v5, $0x7;
	v9 =	vand.u32 $0x3F8, v9  }
0x59: {  	s13 =	sshra.s32 s2, $0x2;
	v5 =	vand.u32 $0x7, v5;
	[tilespmem:s0+$0x2000] =	vst v0;
	v0 =	vor.u32 v6, v7;
	v6 =	vor.u32 v11, v9  }
0x5a: {  	v7 =	vld [tilespmem:s13+$0x2000];
	[tilespmem:s0+$0x2010] =	vst v4;
	v0 =	vor.u32 v8, v0;
	v4 =	vor.u32 v5, v6;
	v5 =	vshll.u32 v2, $0x3  }
0x5b: {  	[tilespmem:s0+$0x2020] =	vst v3;
	v3 =	vand.u32 $0xFFFFFC00, v2;
	v5 =	vand.u32 $0x3F8, v5;
	v2 =	vshrl.u32 v2, $0x7  }
0x5c: {  	v6 =	vld [tilespmem:s13+$0x2010];
	[tilespmem:s0+$0x2030] =	vst v1;
	v1 =	vor.u32 v3, v5;
	v2 =	vand.u32 $0x7, v2;
	v3 =	vshll.u32 v10, $0x3  }
0x5d: {  	v5 =	vshrl.u32 v10, $0x7;
	[tilespmem:s0+$0x2040] =	vst v0;
	v0 =	vand.u32 $0xFFFFFC00, v10;
	v3 =	vand.u32 $0x3F8, v3  }
0x5e: {  	v1 =	vor.u32 v2, v1;
	v2 =	vand.u32 $0x7, v5;
	[tilespmem:s0+$0x2050] =	vst v4;
	v0 =	vor.u32 v0, v3  }
0x5f: {  	v3 =	vshll.u32 v7, $0x3;
	v4 =	vld [tilespmem:s13+$0x2020];
	[tilespmem:s0+$0x2060] =	vst v1;
	v0 =	vor.u32 v2, v0  }
0x60: {  	v1 =	vand.u32 $0xFFFFFC00, v7;
	v2 =	vand.u32 $0x3F8, v3;
	v3 =	vshrl.u32 v7, $0x7;
	v7 =	vld [tilespmem:s13+$0x2030];
	[tilespmem:s0+$0x2070] =	vst v0;
	s0 =	smov.u32 s13  }
0x61: {  	v0 =	vor.u32 v1, v2;
	v1 =	vand.u32 $0x7, v3;
	v2 =	vshll.u32 v6, $0x3  }
0x62: {  	v3 =	vand.u32 $0xFFFFFC00, v6;
	v5 =	vshrl.u32 v6, $0x7;
	v2 =	vand.u32 $0x3F8, v2  }
0x63: {  	v0 =	vor.u32 v1, v0;
	v1 =	vor.u32 v3, v2;
	v2 =	vand.u32 $0x7, v5  }
0x64: {  	v3 =	vand.u32 $0xFFFFFC00, v4;
	v5 =	vshll.u32 v4, $0x3;
	v4 =	vshrl.u32 v4, $0x7;
	v8 =	vld [tilespmem:s0+$0x2040]  }
.Ltmp1:
0x65: {  	v6 =	vand.u32 $0x3F8, v5;
	v9 =	vand.u32 $0x7, v4;
	v4 =	vshll.u32 v7, $0x3;
	v5 =	vld [tilespmem:s0+$0x2050];
	(pc) =	sbr.rel @p0 .LBB2_4-.Ltmp1, $4  }
0x66: {  	v10 =	vand.u32 $0xFFFFFC00, v7;
	v7 =	vshrl.u32 v7, $0x7;
	v4 =	vand.u32 $0x3F8, v4  }
0x67: {  	v3 =	vor.u32 v3, v6;
	v7 =	vand.u32 $0x7, v7;
	v6 =	vor.u32 v10, v4  }
0x68: {  	v4 =	vor.u32 v2, v1;
	v3 =	vor.u32 v9, v3;
	v1 =	vor.u32 v7, v6;
	v2 =	vld [tilespmem:s0+$0x2060]  }
0x69: {  	s2 =	sadd.s32 $0x200, s2;
	v6 =	vand.u32 $0xFFFFFC00, v8;
	v7 =	vshll.u32 v8, $0x3;
	v8 =	vshrl.u32 v8, $0x7  }
0x6a: {  	v7 =	vand.u32 $0x3F8, v7;
	v8 =	vand.u32 $0x7, v8;
	v9 =	vshll.u32 v5, $0x3;
	v10 =	vld [tilespmem:s0+$0x2070]  }
0x6b: {  	v11 =	vand.u32 $0xFFFFFC00, v5;
	v52 =	vshrl.u32 v5, $0x7;
	v9 =	vand.u32 $0x3F8, v9  }
0x6c: {  	[tilespmem:s0+$0x2000] =	vst v0;
	v53 =	vor.u32 v6, v7;
	v5 =	vand.u32 $0x7, v52;
	v54 =	vor.u32 v11, v9  }
0x6d: {  	[tilespmem:s0+$0x2010] =	vst v4;
	v0 =	vor.u32 v8, v53;
	v55 =	vor.u32 v5, v54;
	v56 =	vshll.u32 v2, $0x3  }
0x6e: {  	[tilespmem:s0+$0x2020] =	vst v3;
	v57 =	vand.u32 $0xFFFFFC00, v2;
	v58 =	vshrl.u32 v2, $0x7;
	v5 =	vand.u32 $0x3F8, v56  }
0x6f: {  	[tilespmem:s0+$0x2030] =	vst v1;
	v2 =	vand.u32 $0x7, v58;
	v59 =	vor.u32 v57, v5;
	v60 =	vshll.u32 v10, $0x3  }
0x70: {  	[tilespmem:s0+$0x2040] =	vst v0;
	v61 =	vand.u32 $0xFFFFFC00, v10;
	v62 =	vshrl.u32 v10, $0x7;
	v3 =	vand.u32 $0x3F8, v60  }
0x71: {  	[tilespmem:s0+$0x2050] =	vst v55;
	v1 =	vor.u32 v2, v59;
	v63 =	vand.u32 $0x7, v62;
	v0 =	vor.u32 v61, v3  }
0x72: {  	[tilespmem:s0+$0x2060] =	vst v1;
	v0 =	vor.u32 v63, v0  }
0x73: {  	[tilespmem:s0+$0x2070] =	vst v0  }
0x74: {  	[tilespmem:s12], [sflag:$0x2] =	stream.indirect.gather [hbm4b:s3+s11], $0x10, s10, s11, $0xb8;
	[tilespmem:$0xC200] =	vst v63  }
0x75: {  	s2 =	simm.s32 $0xAA00;
	s10 =	simm.s32 $0x2080  }
0x76: {  	[tilespmem:s2], [sflag:$0x2] =	stream.indirect.gather [hbm4b:s3+s11], $0x10, s10, s11, $0xb8;
	[tilespmem:$0xC200] =	vst v63  }
0x77: {  	s13 =	simm.s32 $0x2100;
	s14 =	simm.s32 $0xB200  }
0x78: {  	[tilespmem:s14], [sflag:$0x2] =	stream.indirect.gather [hbm4b:s3+s11], $0x10, s13, s11, $0xb8;
	[tilespmem:$0xC200] =	vst v63  }
0x79: {  	s15 =	simm.s32 $0x2180;
	s16 =	simm.s32 $0xBA00  }
0x7a: {  	[tilespmem:s16], [sflag:$0x2] =	stream.indirect.gather [hbm4b:s3+s11], $0x10, s15, s11, $0xb8;
	[tilespmem:$0xC200] =	vst v63  }
0x7b: {  	s17 =	simm.s32 $0x0  }
0x7c: {  	[tilespmem:s19], [sflag:$0x1] =	stream.indirect.gather [hbm4b:s3+s11], $0x10, s17, s11, $0xb8;
	[tilespmem:$0xC200] =	vst v63  }
0x7d: {  	s18 =	rddreg [dreg:$0x5];
	s10 =	simm.s32 $0x80  }
0x7e: {  	[tilespmem:s18], [sflag:$0x1] =	stream.indirect.gather [hbm4b:s3+s11], $0x10, s10, s11, $0xb8;
	[tilespmem:$0xC200] =	vst v63  }
0x7f: {  	s13 =	rddreg [dreg:$0x6];
	s15 =	simm.s32 $0x100  }
0x80: {  	[tilespmem:s13], [sflag:$0x1] =	stream.indirect.gather [hbm4b:s3+s11], $0x10, s15, s11, $0xb8;
	[tilespmem:$0xC200] =	vst v63  }
0x81: {  	s14 =	rddreg [dreg:$0x7];
	s16 =	simm.s32 $0x180  }
0x82: {  	[tilespmem:s14], [sflag:$0x1] =	stream.indirect.gather [hbm4b:s3+s11], $0x10, s16, s11, $0xb8;
	[tilespmem:$0xC200] =	vst v63  }
0x83: {  	s17 =	rddreg [dreg:$0x8];
	s10 =	simm.s32 $0x200  }
0x84: {  	[tilespmem:s17], [sflag:$0x1] =	stream.indirect.gather [hbm4b:s3+s11], $0x10, s10, s11, $0xb8;
	[tilespmem:$0xC200] =	vst v63  }
0x85: {  	s18 =	rddreg [dreg:$0x9];
	s14 =	simm.s32 $0x280  }
0x86: {  	[tilespmem:s18], [sflag:$0x1] =	stream.indirect.gather [hbm4b:s3+s11], $0x10, s14, s11, $0xb8;
	[tilespmem:$0xC200] =	vst v63  }
0x87: {  	s15 =	rddreg [dreg:$0xa];
	s16 =	simm.s32 $0x300  }
0x88: {  	[tilespmem:s15], [sflag:$0x1] =	stream.indirect.gather [hbm4b:s3+s11], $0x10, s16, s11, $0xb8;
	[tilespmem:$0xC200] =	vst v63  }
0x89: {  	s17 =	rddreg [dreg:$0xb];
	s18 =	simm.s32 $0x380  }
0x8a: {  	[tilespmem:s17], [sflag:$0x1] =	stream.indirect.gather [hbm4b:s3+s11], $0x10, s18, s11, $0xb8;
	[tilespmem:$0xC200] =	vst v63  }
0x8b: {  	s2 =	simm.s32 $0x400  }
0x8c: {  	[tilespmem:s20], [sflag:$0x1] =	stream.indirect.gather [hbm4b:s3+s11], $0x10, s2, s11, $0xb8;
	[tilespmem:$0xC200] =	vst v63  }
0x8d: {  	s10 =	simm.s32 $0x480  }
0x8e: {  	[tilespmem:s21], [sflag:$0x1] =	stream.indirect.gather [hbm4b:s3+s11], $0x10, s10, s11, $0xb8;
	[tilespmem:$0xC200] =	vst v63  }
0x8f: {  	s13 =	simm.s32 $0x500  }
0x90: {  	[tilespmem:s22], [sflag:$0x1] =	stream.indirect.gather [hbm4b:s3+s11], $0x10, s13, s11, $0xb8;
	[tilespmem:$0xC200] =	vst v63  }
0x91: {  	s14 =	simm.s32 $0x580  }
0x92: {  	[tilespmem:s23], [sflag:$0x1] =	stream.indirect.gather [hbm4b:s3+s11], $0x10, s14, s11, $0xb8;
	[tilespmem:$0xC200] =	vst v63  }
0x93: {  	s15 =	simm.s32 $0x600  }
0x94: {  	[tilespmem:s24], [sflag:$0x1] =	stream.indirect.gather [hbm4b:s3+s11], $0x10, s15, s11, $0xb8;
	[tilespmem:$0xC200] =	vst v63  }
0x95: {  	s16 =	simm.s32 $0x680  }
0x96: {  	[tilespmem:s25], [sflag:$0x1] =	stream.indirect.gather [hbm4b:s3+s11], $0x10, s16, s11, $0xb8;
	[tilespmem:$0xC200] =	vst v63  }
0x97: {  	s17 =	simm.s32 $0x700  }
0x98: {  	[tilespmem:s26], [sflag:$0x1] =	stream.indirect.gather [hbm4b:s3+s11], $0x10, s17, s11, $0xb8;
	[tilespmem:$0xC200] =	vst v63  }
0x99: {  	s18 =	simm.s32 $0x780  }
0x9a: {  	[tilespmem:s28], [sflag:$0x1] =	stream.indirect.gather [hbm4b:s3+s11], $0x10, s18, s11, $0xb8;
	[tilespmem:$0xC200] =	vst v63  }
0x9b: {  	_ =	swait.ge [sflag:s29], $0x800  }
0x9c: {  	[sflag:s29] =	ssyncset.done $0x0  }
0x9d: {  	[sflag:s29] =	ssyncadd.s32 $0xFFFFF800  }
0x9e: {  	_ =	swait.ge [sflag:s29], $0x800  }
0x9f: {  	[sflag:s29] =	ssyncset.done $0x0  }
0xa0: {  	[sflag:s29] =	ssyncadd.s32 $0xFFFFF800  }
0xa1: {  	_ =	swait.ge [sflag:s29], $0x800  }
0xa2: {  	[sflag:s29] =	ssyncset.done $0x0  }
0xa3: {  	[sflag:s29] =	ssyncadd.s32 $0xFFFFF800  }
0xa4: {  	_ =	swait.ge [sflag:s29], $0x800  }
0xa5: {  	[sflag:s29] =	ssyncset.done $0x0  }
0xa6: {  	[sflag:s29] =	ssyncadd.s32 $0xFFFFF800  }
0xa7: {  	_ =	swait.ge [sflag:s29], $0x800  }
0xa8: {  	[sflag:s29] =	ssyncset.done $0x0  }
0xa9: {  	[sflag:s29] =	ssyncadd.s32 $0xFFFFF800  }
0xaa: {  	_ =	swait.ge [sflag:s29], $0x800  }
0xab: {  	[sflag:s29] =	ssyncset.done $0x0  }
0xac: {  	[sflag:s29] =	ssyncadd.s32 $0xFFFFF800  }
0xad: {  	_ =	swait.ge [sflag:s29], $0x800  }
0xae: {  	[sflag:s29] =	ssyncset.done $0x0  }
0xaf: {  	[sflag:s29] =	ssyncadd.s32 $0xFFFFF800  }
0xb0: {  	_ =	swait.ge [sflag:s29], $0x800  }
0xb1: {  	[sflag:s29] =	ssyncset.done $0x0  }
0xb2: {  	[sflag:s29] =	ssyncadd.s32 $0xFFFFF800  }
0xb3: {  	_ =	swait.ge [sflag:s29], $0x800  }
0xb4: {  	[sflag:s29] =	ssyncset.done $0x0  }
0xb5: {  	[sflag:s29] =	ssyncadd.s32 $0xFFFFF800  }
0xb6: {  	_ =	swait.ge [sflag:s29], $0x800  }
0xb7: {  	[sflag:s29] =	ssyncset.done $0x0  }
0xb8: {  	[sflag:s29] =	ssyncadd.s32 $0xFFFFF800  }
0xb9: {  	_ =	swait.ge [sflag:s29], $0x800  }
0xba: {  	[sflag:s29] =	ssyncset.done $0x0  }
0xbb: {  	[sflag:s29] =	ssyncadd.s32 $0xFFFFF800  }
0xbc: {  	_ =	swait.ge [sflag:s29], $0x800  }
0xbd: {  	[sflag:s29] =	ssyncset.done $0x0  }
0xbe: {  	[sflag:s29] =	ssyncadd.s32 $0xFFFFF800  }
0xbf: {  	_ =	swait.ge [sflag:s29], $0x800  }
0xc0: {  	[sflag:s29] =	ssyncset.done $0x0  }
0xc1: {  	[sflag:s29] =	ssyncadd.s32 $0xFFFFF800  }
0xc2: {  	_ =	swait.ge [sflag:s29], $0x800  }
0xc3: {  	[sflag:s29] =	ssyncset.done $0x0  }
0xc4: {  	[sflag:s29] =	ssyncadd.s32 $0xFFFFF800  }
0xc5: {  	_ =	swait.ge [sflag:s29], $0x800  }
0xc6: {  	[sflag:s29] =	ssyncset.done $0x0  }
0xc7: {  	[sflag:s29] =	ssyncadd.s32 $0xFFFFF800  }
0xc8: {  	_ =	swait.ge [sflag:s29], $0x800  }
0xc9: {  	[sflag:s29] =	ssyncset.done $0x0  }
0xca: {  	s0 =	sadd.s32 $0x1000, s8;
	[sflag:s29] =	ssyncadd.s32 $0xFFFFF800  }
0xcb: {  	[hbm4b:s8+s1] =	stream.linear.scatter [tilespmem:s19], [sflag:$0x3], $0x8000, $0x38;
	[tilespmem:$0xC200] =	vst v63  }
0xcc: {  	s2 =	simm.s32 $0x2000;
	s13 =	simm.s32 $0x4000;
	_ =	swait.ge [sflag:s9], $0x8000  }
.LBB2_6:
0xcd: {  	[sflag:s9] =	ssyncset.done $0x0  }
0xce: {  	s14 =	sshra.s32 s2, $0x2;
	[sflag:s9] =	ssyncadd.s32 $0xFFFF8000  }
0xcf: {  	[tilespmem:s19], [sflag:$0x1] =	stream.indirect.gather [hbm4b:s3+s11], $0x10, s14, s11, $0xb8;
	[tilespmem:$0xC200] =	vst v63  }
0xd0: {  	s15 =	rddreg [dreg:$0x5];
	s16 =	sadd.s32 $0x80, s14  }
0xd1: {  	[tilespmem:s15], [sflag:$0x1] =	stream.indirect.gather [hbm4b:s3+s11], $0x10, s16, s11, $0xb8;
	[tilespmem:$0xC200] =	vst v63  }
0xd2: {  	s18 =	rddreg [dreg:$0x6];
	s15 =	sadd.s32 $0x100, s14  }
0xd3: {  	[tilespmem:s18], [sflag:$0x1] =	stream.indirect.gather [hbm4b:s3+s11], $0x10, s15, s11, $0xb8;
	[tilespmem:$0xC200] =	vst v63  }
0xd4: {  	s17 =	rddreg [dreg:$0x7];
	s16 =	sadd.s32 $0x180, s14  }
0xd5: {  	[tilespmem:s17], [sflag:$0x1] =	stream.indirect.gather [hbm4b:s3+s11], $0x10, s16, s11, $0xb8;
	[tilespmem:$0xC200] =	vst v63  }
0xd6: {  	s15 =	sadd.s32 $0x200, s14;
	s18 =	rddreg [dreg:$0x8]  }
0xd7: {  	[tilespmem:s18], [sflag:$0x1] =	stream.indirect.gather [hbm4b:s3+s11], $0x10, s15, s11, $0xb8;
	[tilespmem:$0xC200] =	vst v63  }
0xd8: {  	s10 =	rddreg [dreg:$0x9];
	s16 =	sadd.s32 $0x280, s14  }
0xd9: {  	[tilespmem:s10], [sflag:$0x1] =	stream.indirect.gather [hbm4b:s3+s11], $0x10, s16, s11, $0xb8;
	[tilespmem:$0xC200] =	vst v63  }
0xda: {  	s17 =	rddreg [dreg:$0xa];
	s15 =	sadd.s32 $0x300, s14  }
0xdb: {  	[tilespmem:s17], [sflag:$0x1] =	stream.indirect.gather [hbm4b:s3+s11], $0x10, s15, s11, $0xb8;
	[tilespmem:$0xC200] =	vst v63  }
0xdc: {  	s18 =	rddreg [dreg:$0xb];
	s16 =	sadd.s32 $0x380, s14  }
0xdd: {  	[tilespmem:s18], [sflag:$0x1] =	stream.indirect.gather [hbm4b:s3+s11], $0x10, s16, s11, $0xb8;
	[tilespmem:$0xC200] =	vst v63  }
0xde: {  	s17 =	sadd.s32 $0x400, s14  }
0xdf: {  	[tilespmem:s20], [sflag:$0x1] =	stream.indirect.gather [hbm4b:s3+s11], $0x10, s17, s11, $0xb8;
	[tilespmem:$0xC200] =	vst v63  }
0xe0: {  	s18 =	sadd.s32 $0x480, s14  }
0xe1: {  	[tilespmem:s21], [sflag:$0x1] =	stream.indirect.gather [hbm4b:s3+s11], $0x10, s18, s11, $0xb8;
	[tilespmem:$0xC200] =	vst v63  }
0xe2: {  	s16 =	sadd.s32 $0x500, s14  }
0xe3: {  	[tilespmem:s22], [sflag:$0x1] =	stream.indirect.gather [hbm4b:s3+s11], $0x10, s16, s11, $0xb8;
	[tilespmem:$0xC200] =	vst v63  }
0xe4: {  	s17 =	sadd.s32 $0x580, s14  }
0xe5: {  	[tilespmem:s23], [sflag:$0x1] =	stream.indirect.gather [hbm4b:s3+s11], $0x10, s17, s11, $0xb8;
	[tilespmem:$0xC200] =	vst v63  }
0xe6: {  	s18 =	sadd.s32 $0x600, s14  }
0xe7: {  	[tilespmem:s24], [sflag:$0x1] =	stream.indirect.gather [hbm4b:s3+s11], $0x10, s18, s11, $0xb8;
	[tilespmem:$0xC200] =	vst v63  }
0xe8: {  	s16 =	sadd.s32 $0x680, s14  }
0xe9: {  	[tilespmem:s25], [sflag:$0x1] =	stream.indirect.gather [hbm4b:s3+s11], $0x10, s16, s11, $0xb8;
	[tilespmem:$0xC200] =	vst v63  }
0xea: {  	s17 =	sadd.s32 $0x700, s14  }
0xeb: {  	[tilespmem:s26], [sflag:$0x1] =	stream.indirect.gather [hbm4b:s3+s11], $0x10, s17, s11, $0xb8;
	[tilespmem:$0xC200] =	vst v63  }
0xec: {  	s18 =	sadd.s32 $0x780, s14  }
0xed: {  	[tilespmem:s28], [sflag:$0x1] =	stream.indirect.gather [hbm4b:s3+s11], $0x10, s18, s11, $0xb8;
	[tilespmem:$0xC200] =	vst v63  }
0xee: {  	_ =	swait.ge [sflag:s29], $0x800  }
0xef: {  	[sflag:s29] =	ssyncset.done $0x0  }
0xf0: {  	[sflag:s29] =	ssyncadd.s32 $0xFFFFF800  }
0xf1: {  	_ =	swait.ge [sflag:s29], $0x800  }
0xf2: {  	[sflag:s29] =	ssyncset.done $0x0  }
0xf3: {  	[sflag:s29] =	ssyncadd.s32 $0xFFFFF800  }
0xf4: {  	_ =	swait.ge [sflag:s29], $0x800  }
0xf5: {  	[sflag:s29] =	ssyncset.done $0x0  }
0xf6: {  	[sflag:s29] =	ssyncadd.s32 $0xFFFFF800  }
0xf7: {  	_ =	swait.ge [sflag:s29], $0x800  }
0xf8: {  	[sflag:s29] =	ssyncset.done $0x0  }
0xf9: {  	[sflag:s29] =	ssyncadd.s32 $0xFFFFF800  }
0xfa: {  	_ =	swait.ge [sflag:s29], $0x800  }
0xfb: {  	[sflag:s29] =	ssyncset.done $0x0  }
0xfc: {  	[sflag:s29] =	ssyncadd.s32 $0xFFFFF800  }
0xfd: {  	_ =	swait.ge [sflag:s29], $0x800  }
0xfe: {  	[sflag:s29] =	ssyncset.done $0x0  }
0xff: {  	[sflag:s29] =	ssyncadd.s32 $0xFFFFF800  }
0x100: {  	_ =	swait.ge [sflag:s29], $0x800  }
0x101: {  	[sflag:s29] =	ssyncset.done $0x0  }
0x102: {  	[sflag:s29] =	ssyncadd.s32 $0xFFFFF800  }
0x103: {  	_ =	swait.ge [sflag:s29], $0x800  }
0x104: {  	[sflag:s29] =	ssyncset.done $0x0  }
0x105: {  	[sflag:s29] =	ssyncadd.s32 $0xFFFFF800  }
0x106: {  	_ =	swait.ge [sflag:s29], $0x800  }
0x107: {  	[sflag:s29] =	ssyncset.done $0x0  }
0x108: {  	[sflag:s29] =	ssyncadd.s32 $0xFFFFF800  }
0x109: {  	_ =	swait.ge [sflag:s29], $0x800  }
0x10a: {  	[sflag:s29] =	ssyncset.done $0x0  }
0x10b: {  	[sflag:s29] =	ssyncadd.s32 $0xFFFFF800  }
0x10c: {  	_ =	swait.ge [sflag:s29], $0x800  }
0x10d: {  	[sflag:s29] =	ssyncset.done $0x0  }
0x10e: {  	[sflag:s29] =	ssyncadd.s32 $0xFFFFF800  }
0x10f: {  	_ =	swait.ge [sflag:s29], $0x800  }
0x110: {  	[sflag:s29] =	ssyncset.done $0x0  }
0x111: {  	[sflag:s29] =	ssyncadd.s32 $0xFFFFF800  }
0x112: {  	_ =	swait.ge [sflag:s29], $0x800  }
0x113: {  	[sflag:s29] =	ssyncset.done $0x0  }
0x114: {  	[sflag:s29] =	ssyncadd.s32 $0xFFFFF800  }
0x115: {  	_ =	swait.ge [sflag:s29], $0x800  }
0x116: {  	[sflag:s29] =	ssyncset.done $0x0  }
0x117: {  	[sflag:s29] =	ssyncadd.s32 $0xFFFFF800  }
0x118: {  	_ =	swait.ge [sflag:s29], $0x800  }
0x119: {  	[sflag:s29] =	ssyncset.done $0x0  }
0x11a: {  	p0 =	sne.s32 s13, $0x6000;
	[sflag:s29] =	ssyncadd.s32 $0xFFFFF800  }
.Ltmp2:
0x11b: {  	_ =	swait.ge [sflag:s29], $0x800;
	(pc) =	sbr.rel @p0 .LBB2_6-.Ltmp2, $4  }
0x11c: {  	[sflag:s29] =	ssyncset.done $0x0  }
0x11d: {  	s2 =	smov.u32 s13;
	[sflag:s29] =	ssyncadd.s32 $0xFFFFF800  }
0x11e: {  	[hbm4b:s0+s1] =	stream.linear.scatter [tilespmem:s19], [sflag:$0x3], $0x8000, $0x38;
	[tilespmem:$0xC200] =	vst v63  }
0x11f: {  	s13 =	sadd.s32 $0x2000, s13;
	s0 =	sadd.s32 $0x1000, s0;
	_ =	swait.ge [sflag:s9], $0x8000  }
0x120: {  	[sflag:s9] =	ssyncset.done $0x0  }
0x121: {  	s2 =	sshra.s32 s2, $0x2;
	[sflag:s9] =	ssyncadd.s32 $0xFFFF8000  }
0x122: {  	[tilespmem:s19], [sflag:$0x1] =	stream.indirect.gather [hbm4b:s3+s11], $0x10, s2, s11, $0xb8;
	[tilespmem:$0xC200] =	vst v63  }
0x123: {  	s10 =	rddreg [dreg:$0x5];
	s13 =	sadd.s32 $0x80, s2  }
0x124: {  	[tilespmem:s10], [sflag:$0x1] =	stream.indirect.gather [hbm4b:s3+s11], $0x10, s13, s11, $0xb8;
	[tilespmem:$0xC200] =	vst v63  }
0x125: {  	s14 =	rddreg [dreg:$0x6];
	s16 =	sadd.s32 $0x100, s2  }
0x126: {  	[tilespmem:s14], [sflag:$0x1] =	stream.indirect.gather [hbm4b:s3+s11], $0x10, s16, s11, $0xb8;
	[tilespmem:$0xC200] =	vst v63  }
0x127: {  	s15 =	rddreg [dreg:$0x7];
	s17 =	sadd.s32 $0x180, s2  }
0x128: {  	[tilespmem:s15], [sflag:$0x1] =	stream.indirect.gather [hbm4b:s3+s11], $0x10, s17, s11, $0xb8;
	[tilespmem:$0xC200] =	vst v63  }
0x129: {  	s18 =	rddreg [dreg:$0x8];
	s16 =	sadd.s32 $0x200, s2  }
0x12a: {  	[tilespmem:s18], [sflag:$0x1] =	stream.indirect.gather [hbm4b:s3+s11], $0x10, s16, s11, $0xb8;
	[tilespmem:$0xC200] =	vst v63  }
0x12b: {  	s15 =	rddreg [dreg:$0x9];
	s17 =	sadd.s32 $0x280, s2  }
0x12c: {  	[tilespmem:s15], [sflag:$0x1] =	stream.indirect.gather [hbm4b:s3+s11], $0x10, s17, s11, $0xb8;
	[tilespmem:$0xC200] =	vst v63  }
0x12d: {  	s18 =	rddreg [dreg:$0xa];
	s15 =	sadd.s32 $0x300, s2  }
0x12e: {  	[tilespmem:s18], [sflag:$0x1] =	stream.indirect.gather [hbm4b:s3+s11], $0x10, s15, s11, $0xb8;
	[tilespmem:$0xC200] =	vst v63  }
0x12f: {  	s16 =	rddreg [dreg:$0xb];
	s17 =	sadd.s32 $0x380, s2  }
0x130: {  	[tilespmem:s16], [sflag:$0x1] =	stream.indirect.gather [hbm4b:s3+s11], $0x10, s17, s11, $0xb8;
	[tilespmem:$0xC200] =	vst v63  }
0x131: {  	s18 =	sadd.s32 $0x400, s2  }
0x132: {  	[tilespmem:s20], [sflag:$0x1] =	stream.indirect.gather [hbm4b:s3+s11], $0x10, s18, s11, $0xb8;
	[tilespmem:$0xC200] =	vst v63  }
0x133: {  	s13 =	sadd.s32 $0x480, s2  }
0x134: {  	[tilespmem:s21], [sflag:$0x1] =	stream.indirect.gather [hbm4b:s3+s11], $0x10, s13, s11, $0xb8;
	[tilespmem:$0xC200] =	vst v63  }
0x135: {  	s14 =	sadd.s32 $0x500, s2  }
0x136: {  	[tilespmem:s22], [sflag:$0x1] =	stream.indirect.gather [hbm4b:s3+s11], $0x10, s14, s11, $0xb8;
	[tilespmem:$0xC200] =	vst v63  }
0x137: {  	s15 =	sadd.s32 $0x580, s2  }
0x138: {  	[tilespmem:s23], [sflag:$0x1] =	stream.indirect.gather [hbm4b:s3+s11], $0x10, s15, s11, $0xb8;
	[tilespmem:$0xC200] =	vst v63  }
0x139: {  	s16 =	sadd.s32 $0x600, s2  }
0x13a: {  	[tilespmem:s24], [sflag:$0x1] =	stream.indirect.gather [hbm4b:s3+s11], $0x10, s16, s11, $0xb8;
	[tilespmem:$0xC200] =	vst v63  }
0x13b: {  	s17 =	sadd.s32 $0x680, s2  }
0x13c: {  	[tilespmem:s25], [sflag:$0x1] =	stream.indirect.gather [hbm4b:s3+s11], $0x10, s17, s11, $0xb8;
	[tilespmem:$0xC200] =	vst v63  }
0x13d: {  	s18 =	sadd.s32 $0x700, s2  }
0x13e: {  	[tilespmem:s26], [sflag:$0x1] =	stream.indirect.gather [hbm4b:s3+s11], $0x10, s18, s11, $0xb8;
	[tilespmem:$0xC200] =	vst v63  }
0x13f: {  	s2 =	sadd.s32 $0x780, s2  }
0x140: {  	[tilespmem:s28], [sflag:$0x1] =	stream.indirect.gather [hbm4b:s3+s11], $0x10, s2, s11, $0xb8;
	[tilespmem:$0xC200] =	vst v63  }
0x141: {  	_ =	swait.ge [sflag:s29], $0x800  }
0x142: {  	[sflag:s29] =	ssyncset.done $0x0  }
0x143: {  	[sflag:s29] =	ssyncadd.s32 $0xFFFFF800  }
0x144: {  	_ =	swait.ge [sflag:s29], $0x800  }
0x145: {  	[sflag:s29] =	ssyncset.done $0x0  }
0x146: {  	[sflag:s29] =	ssyncadd.s32 $0xFFFFF800  }
0x147: {  	_ =	swait.ge [sflag:s29], $0x800  }
0x148: {  	[sflag:s29] =	ssyncset.done $0x0  }
0x149: {  	[sflag:s29] =	ssyncadd.s32 $0xFFFFF800  }
0x14a: {  	_ =	swait.ge [sflag:s29], $0x800  }
0x14b: {  	[sflag:s29] =	ssyncset.done $0x0  }
0x14c: {  	[sflag:s29] =	ssyncadd.s32 $0xFFFFF800  }
0x14d: {  	_ =	swait.ge [sflag:s29], $0x800  }
0x14e: {  	[sflag:s29] =	ssyncset.done $0x0  }
0x14f: {  	[sflag:s29] =	ssyncadd.s32 $0xFFFFF800  }
0x150: {  	_ =	swait.ge [sflag:s29], $0x800  }
0x151: {  	[sflag:s29] =	ssyncset.done $0x0  }
0x152: {  	[sflag:s29] =	ssyncadd.s32 $0xFFFFF800  }
0x153: {  	_ =	swait.ge [sflag:s29], $0x800  }
0x154: {  	[sflag:s29] =	ssyncset.done $0x0  }
0x155: {  	[sflag:s29] =	ssyncadd.s32 $0xFFFFF800  }
0x156: {  	_ =	swait.ge [sflag:s29], $0x800  }
0x157: {  	[sflag:s29] =	ssyncset.done $0x0  }
0x158: {  	[sflag:s29] =	ssyncadd.s32 $0xFFFFF800  }
0x159: {  	_ =	swait.ge [sflag:s29], $0x800  }
0x15a: {  	[sflag:s29] =	ssyncset.done $0x0  }
0x15b: {  	[sflag:s29] =	ssyncadd.s32 $0xFFFFF800  }
0x15c: {  	_ =	swait.ge [sflag:s29], $0x800  }
0x15d: {  	[sflag:s29] =	ssyncset.done $0x0  }
0x15e: {  	[sflag:s29] =	ssyncadd.s32 $0xFFFFF800  }
0x15f: {  	_ =	swait.ge [sflag:s29], $0x800  }
0x160: {  	[sflag:s29] =	ssyncset.done $0x0  }
0x161: {  	[sflag:s29] =	ssyncadd.s32 $0xFFFFF800  }
0x162: {  	_ =	swait.ge [sflag:s29], $0x800  }
0x163: {  	[sflag:s29] =	ssyncset.done $0x0  }
0x164: {  	[sflag:s29] =	ssyncadd.s32 $0xFFFFF800  }
0x165: {  	_ =	swait.ge [sflag:s29], $0x800  }
0x166: {  	[sflag:s29] =	ssyncset.done $0x0  }
0x167: {  	[sflag:s29] =	ssyncadd.s32 $0xFFFFF800  }
0x168: {  	_ =	swait.ge [sflag:s29], $0x800  }
0x169: {  	[sflag:s29] =	ssyncset.done $0x0  }
0x16a: {  	[sflag:s29] =	ssyncadd.s32 $0xFFFFF800  }
0x16b: {  	_ =	swait.ge [sflag:s29], $0x800  }
0x16c: {  	[sflag:s29] =	ssyncset.done $0x0  }
0x16d: {  	[sflag:s29] =	ssyncadd.s32 $0xFFFFF800  }
0x16e: {  	_ =	swait.ge [sflag:s29], $0x800  }
0x16f: {  	[sflag:s29] =	ssyncset.done $0x0  }
0x170: {  	[sflag:s29] =	ssyncadd.s32 $0xFFFFF800  }
0x171: {  	[hbm4b:s0+s1] =	stream.linear.scatter [tilespmem:s19], [sflag:$0x3], $0x8000, $0x38;
	[tilespmem:$0xC200] =	vst v63  }
0x172: {  	_ =	swait.ge [sflag:s9], $0x8000  }
0x173: {  	[sflag:s9] =	ssyncset.done $0x0  }
0x174: {  	[sflag:s9] =	ssyncadd.s32 $0xFFFF8000  }
0x175: {  	_ =	swait.ge [sflag:s30], $0x800  }
0x176: {  	[sflag:s30] =	ssyncset.done $0x0  }
0x177: {  	[sflag:s30] =	ssyncadd.s32 $0xFFFFF800  }
0x178: {  	_ =	swait.ge [sflag:s30], $0x800  }
0x179: {  	[sflag:s30] =	ssyncset.done $0x0  }
0x17a: {  	[sflag:s30] =	ssyncadd.s32 $0xFFFFF800  }
0x17b: {  	_ =	swait.ge [sflag:s30], $0x800  }
0x17c: {  	[sflag:s30] =	ssyncset.done $0x0  }
0x17d: {  	[sflag:s30] =	ssyncadd.s32 $0xFFFFF800  }
0x17e: {  	s31 =	sadd.s32 $0x1, s31;
	_ =	swait.ge [sflag:s30], $0x800  }
0x17f: {  	p0 =	sne.s32 s31, s7;
	[sflag:s30] =	ssyncset.done $0x0  }
.Ltmp3:
0x180: {  	[sflag:s30] =	ssyncadd.s32 $0xFFFFF800;
	(pc) =	sbr.rel @p0 .LBB2_1-.Ltmp3, $4  }
0x181: {  	[hbm4b:s6+s1] =	stream.linear.scatter [tilespmem:s12], [sflag:$0x3], $0x2000, $0x38;
	[tilespmem:$0xC200] =	vst v63  }
0x182: {  	_ =	swait.ge [sflag:s9], $0x2000  }
0x183: {  	[sflag:s9] =	ssyncset.done $0x0  }
0x184: {  	s10 =	simm.s32 $0x2000;
	[sflag:s9] =	ssyncadd.s32 $0xFFFFE000  }
0x185: {  	_ =	sfence.sel $0x180000  }
0x186: {  	[bflag:$0x0] =	sbarrier.arrive $0xFFFF  }
0x187: {  	_ =	strace $0x9000004A  }
0x188: {  	s0 =	stileid.u32;
	[bflag:$0x2] =	sbarrier.arrive $0xFFFF  }
0x189: {  	p0 =	sne.s32 s0, $0x0;
	s0 =	rddreg [dreg:$0x4]  }
0x18a: {  	s0 =	sadd.s32 @!p0 $0x100000, s0  }
0x18b: {  	[sflag:s0] =	ssyncadd.tile.s32 @!p0 $0x1;
	_ =	shalt  }
.Lfunc_end2:
_tile_overlayer_lowered:
.L_overlay_start_2:
0x18c: {  	(tag) =	ssettag $0x2  }
0x18d: {  	s0 =	rddreg [dreg:$0x0];
	s2 =	stileid.u32  }
0x18e: {  	s1 =	rddreg [dreg:$0x1];
	p0 =	sne.s32 s2, $0x0  }
0x18f: {  	s3 =	rddreg [dreg:$0x2];
	[bflag:$0x3] =	sbarrier.arrive $0xFFFF;
	s2 =	simm.s32 @!p0 $0x1C03  }
0x190: {  	[timem:s3], [sflag:s2] =	dma.local @!p0 [hbm:s0], s1  }
0x191: {  	s0 =	simm.s32 @!p0 $0x3  }
0x192: {  	_ =	swait.ge @!p0 [sflag:s0], s1  }
0x193: {  	s1 =	ssub.s32 @!p0 $0x0, s1;
	[sflag:s0] =	ssyncset.done @!p0 $0x0  }
0x194: {  	[sflag:s0] =	ssyncadd.s32 @!p0 s1  }
0x195: {  	[bflag:$0x3] =	sbarrier.arrive $0xFFFF  }
0x196: {  	_ =	shalt  }

// kernel: kernel.7.cloned.1.call-start
scs
__scs_entry_jumppad:
0x0: {  	(pc) =	sbr.rel $0x88, $3  }
0x1: {  	(tag) =	ssettag $0x0;
	lr =	simm.s32 $0x1  }
0x2: {  	[smem:$0x3F98] =	sst lr;
	_ =	strace $0xD0000000  }
0x3: {  	_ = 	snop  }
0x4: {  	_ = 	snop  }
0x5: {  	_ = 	snop  }
0x6: {  	_ = 	snop  }
0x7: {  	_ = 	snop  }
__scs_overlays_trampoline_lowered:
0x8: {  	[smem:$0x3FA7] =	sst s0  }
0x9: {  	[smem:$0x3FA8] =	sst s1  }
0xa: {  	[smem:$0x3FA9] =	sst s2  }
0xb: {  	[smem:$0x3FAA] =	sst s3  }
0xc: {  	[smem:$0x3FAB] =	sst s4  }
0xd: {  	[smem:$0x3FAC] =	sst s5  }
0xe: {  	[smem:$0x3FAD] =	sst s6  }
0xf: {  	[smem:$0x3FAE] =	sst s7  }
0x10: {  	[smem:$0x3FAF] =	sst s8  }
0x11: {  	[smem:$0x3FB0] =	sst s9;
	s0 =	simm.s32 @!p0 $0x0  }
0x12: {  	s1 =	sld [smem:$0x3F96];
	s0 =	simm.s32 @p0 $0x1  }
0x13: {  	[smem:$0x3FB1] =	sst s0;
	s0 =	simm.s32 @!p1 $0x0  }
0x14: {  	s2 =	sld [smem:$0x3F95];
	s0 =	simm.s32 @p1 $0x1  }
0x15: {  	[smem:$0x3FB2] =	sst s0;
	s0 =	simm.s32 @!p2 $0x0  }
0x16: {  	s3 =	sld [smem:$0x3FDB];
	s0 =	simm.s32 @p2 $0x1  }
0x17: {  	s4 =	simm.s32 $0x1BF5;
	[smem:$0x3FB4] =	sst s0  }
0x18: {  	s0 =	sld [smem:$0x3F97];
	_ =	swait.ge [sflag:s4], $0x0  }
0x19: {  	s7 =	sld [smem:$0x3F98]  }
0x1a: {  	s8 =	sadd.s32 $0xFFFFE003, lr  }
0x1b: {  	s9 =	sadd.s32 $0xFFFFFEF7, lr;
	s5 =	simm.s32 $0xFFFFFFFF;
	p2 =	slt.u32 s8, $0xFFFFF086  }
0x1c: {  	p1 =	slt.u32 s9, $0xF7A;
	s5 =	simm.s32 @!p2 $0x0  }
0x1d: {  	s5 =	simm.s32 @p1 $0x1;
	p0 =	seq.s32 s7, s2  }
0x1e: {  	s7 =	smul.u32 @!p0 $0xF7A, s2;
	p2 =	seq.s32 @!p0 s5, $0x0  }
0x1f: {  	s9 =	smul.u32 $0xF7A, s1;
	s8 =	simm.s32 @!p0 $0x1BF5;
	p2 =	por !p2, p0  }
0x20: {  	[sflag:s8] =	ssyncset.s32 @!p0 $0xFFFFF086;
	s6 =	sadd.s32 @!p0 s3, s7;
	s7 =	simm.s32 @!p0 $0x108  }
0x21: {  	s3 =	sadd.s32 s3, s9;
	s6 =	sadd.s32 @!p0 $0x88, s6;
	s7 =	simm.s32 @p2 $0x1082  }
0x22: {  	[simem:s7], [sflag:s8] =	dma.local @!p0 [hbm:s6], $0xF7A  }
0x23: {  	s9 =	sor.u32 $0xD0000000, s2;
	s6 =	simm.s32 $0x108;
	_ =	swait.ge @!p0 [sflag:s8], $0x0  }
0x24: {  	s3 =	sadd.s32 $0x88, s3;
	s6 =	simm.s32 @!p1 $0x1082;
	[sflag:s4] =	ssyncset.s32 $0xFFFFF086  }
0x25: {  	[simem:s6], [sflag:s4] =	dma.local [hbm:s3], $0xF7A  }
0x26: {  	[smem:$0x3F98] =	sst s1;
	(tag) =	ssettag s2;
	_ =	strace s9  }
0x27: {  	s1 =	sld [smem:$0x3FA8]  }
0x28: {  	s2 =	sld [smem:$0x3FA9]  }
0x29: {  	s4 =	sld [smem:$0x3FAB]  }
0x2a: {  	p0 =	seq.s32 s5, $0x0;
	s5 =	sld [smem:$0x3FAC]  }
0x2b: {  	s6 =	sld [smem:$0x3FAD]  }
0x2c: {  	s7 =	sld [smem:$0x3FAE]  }
0x2d: {  	s3 =	simm.s32 $0x108;
	s8 =	sld [smem:$0x3FAF]  }
0x2e: {  	s3 =	simm.s32 @!p0 $0x1082;
	s9 =	sld [smem:$0x3FB0]  }
0x2f: {  	lr =	sadd.s32 s0, s3;
	s0 =	sld [smem:$0x3FA7]  }
0x30: {  	s3 =	sld [smem:$0x3FAA]  }
0x31: {  	[smem:$0x3FB3] =	sst s10  }
0x32: {  	s10 =	sld [smem:$0x3FB1];
	_ =	sdelay $0x3  }
0x33: {  	p0 =	seq.s32 s10, $0x1;
	s10 =	sld [smem:$0x3FB3];
	_ =	sdelay $0x3  }
0x34: {  	[smem:$0x3FB3] =	sst s10  }
0x35: {  	s10 =	sld [smem:$0x3FB2];
	_ =	sdelay $0x3  }
0x36: {  	p1 =	seq.s32 s10, $0x1;
	s10 =	sld [smem:$0x3FB3];
	_ =	sdelay $0x3  }
0x37: {  	[smem:$0x3FB3] =	sst s10  }
0x38: {  	s10 =	sld [smem:$0x3FB4]  }
0x39: {  	_ = 	snop;
	(pc) =	sbr.ind lr, $3  }
0x3a: {  	_ = 	snop  }
0x3b: {  	_ = 	snop  }
0x3c: {  	p2 =	seq.s32 s10, $0x1;
	s10 =	sld [smem:$0x3FB3]  }
0x3d: {  	_ =	shalt  }
0x3e: {  	_ =	shalt  }
0x3f: {  	_ =	shalt  }
0x40: {  	_ =	shalt  }
0x41: {  	_ =	shalt  }
0x42: {  	_ =	shalt  }
0x43: {  	_ =	shalt  }
0x44: {  	_ =	shalt  }
0x45: {  	_ =	shalt  }
0x46: {  	_ =	shalt  }
0x47: {  	_ =	shalt  }
0x48: {  	_ =	shalt  }
0x49: {  	_ =	shalt  }
0x4a: {  	_ =	shalt  }
0x4b: {  	_ =	shalt  }
0x4c: {  	_ =	shalt  }
0x4d: {  	_ =	shalt  }
0x4e: {  	_ =	shalt  }
0x4f: {  	_ =	shalt  }
0x50: {  	_ =	shalt  }
0x51: {  	_ =	shalt  }
0x52: {  	_ =	shalt  }
0x53: {  	_ =	shalt  }
0x54: {  	_ =	shalt  }
0x55: {  	_ =	shalt  }
0x56: {  	_ =	shalt  }
0x57: {  	_ =	shalt  }
0x58: {  	_ =	shalt  }
0x59: {  	_ =	shalt  }
0x5a: {  	_ =	shalt  }
0x5b: {  	_ =	shalt  }
0x5c: {  	_ =	shalt  }
0x5d: {  	_ =	shalt  }
0x5e: {  	_ =	shalt  }
0x5f: {  	_ =	shalt  }
0x60: {  	_ =	shalt  }
0x61: {  	_ =	shalt  }
0x62: {  	_ =	shalt  }
0x63: {  	_ =	shalt  }
0x64: {  	_ =	shalt  }
0x65: {  	_ =	shalt  }
0x66: {  	_ =	shalt  }
0x67: {  	_ =	shalt  }
0x68: {  	_ =	shalt  }
0x69: {  	_ =	shalt  }
0x6a: {  	_ =	shalt  }
0x6b: {  	_ =	shalt  }
0x6c: {  	_ =	shalt  }
0x6d: {  	_ =	shalt  }
0x6e: {  	_ =	shalt  }
0x6f: {  	_ =	shalt  }
0x70: {  	_ =	shalt  }
0x71: {  	_ =	shalt  }
0x72: {  	_ =	shalt  }
0x73: {  	_ =	shalt  }
0x74: {  	_ =	shalt  }
0x75: {  	_ =	shalt  }
0x76: {  	_ =	shalt  }
0x77: {  	_ =	shalt  }
0x78: {  	_ =	shalt  }
0x79: {  	_ =	shalt  }
0x7a: {  	_ =	shalt  }
0x7b: {  	_ =	shalt  }
0x7c: {  	_ =	shalt  }
0x7d: {  	_ =	shalt  }
0x7e: {  	_ =	shalt  }
0x7f: {  	_ =	shalt  }
0x80: {  	_ =	shalt  }
0x81: {  	_ =	shalt  }
0x82: {  	_ =	shalt  }
0x83: {  	_ =	shalt  }
0x84: {  	_ =	shalt  }
0x85: {  	_ =	shalt  }
0x86: {  	_ =	shalt  }
0x87: {  	_ =	shalt  }
.Lfunc_end0:
.L_simem_size_0:
called_computation_lowered:
.L_overlay_start_0:
0x88: {  	s2 =	sld [smem:$0x3FD9]  }
0x89: {  	s3 =	sld [smem:$0x3FFE];
	_ =	sdelay $0x1  }
0x8a: {  	s1 =	srdreg.scid  }
0x8b: {  	s0 =	sand.u32 $0x1, s1  }
0x8c: {  	s14 =	sshll.u32 s0, $0xA;
	s2 =	sadd.s32 s3, s2  }
0x8d: {  	s2 =	sadd.s32 s2, s14  }
0x8e: {  	[smem:$0x3FBF] =	sst s2  }
0x8f: {  	_ = 	snop  }
0x90: {  	s2 =	sld [smem:$0x3FD0];
	_ =	sdelay $0x1  }
0x91: {  	s15 =	sld [smem:$0x3FC9]  }
0x92: {  	s5 =	simm.s32 $0xA;
	s6 =	simm.s32 $0x10;
	s4 =	sld [smem:$0x3FC8]  }
0x93: {  	[smem:s6], [sflag:s5] =	dma.local [hbm:s2], $0x1  }
0x94: {  	_ =	swait.eq [sflag:s5], $0x1  }
0x95: {  	[sflag:s5] =	ssyncset.done $0x0  }
0x96: {  	[sflag:s5] =	ssyncadd.s32 $0xFFFFFFFF  }
0x97: {  	s16 =	sld [smem:$0x10];
	(tm) =	ssettm $0x1  }
0x98: {  	s17 =	sld [smem:$0x3FFB];
	_ =	sdelay $0x3  }
0x99: {  	_ =	strace s17  }
0x9a: {  	s5 =	sld [smem:$0x3FFC];
	_ =	sdelay $0x3  }
0x9b: {  	_ =	strace s5  }
0x9c: {  	s5 =	sld [smem:$0x3FFD];
	_ =	sdelay $0x3  }
0x9d: {  	_ =	strace s5  }
0x9e: {  	_ =	strace $0x8FFFFFFF  }
0x9f: {  	s18 =	sld [smem:$0x3FDB];
	_ =	sdelay $0x1  }
0xa0: {  	s19 =	simm.s32 $_scs_section_size  }
0xa1: {  	s7 =	simm.s32 $_size__tile_overlayer_lowered;
	s8 =	simm.s32 $_tile_overlayer_lowered  }
0xa2: {  	s22 =	simm.s32 $0x1BFF;
	s21 =	sshll.u32 s8, $0x1;
	s5 =	sadd.s32 s19, s18  }
0xa3: {  	s9 =	simm.s32 $0x0;
	s20 =	sshll.u32 s7, $0x1;
	s7 =	sadd.s32 s21, s5  }
0xa4: {  	[timem:s9], [sflag:s22] =	dma.local [hbm:s7], s20  }
0xa5: {  	_ =	swait.ge [sflag:s22], s20  }
0xa6: {  	s6 =	ssub.s32 $0x0, s20;
	[sflag:s22] =	ssyncset.done $0x0  }
0xa7: {  	[sflag:s22] =	ssyncadd.s32 s6;
	_ =	sdelay $0x1  }
0xa8: {  	s23 =	simm.s32 $0x1B8B  }
0xa9: {  	_ =	swait.ge [sflag:s23], $0x1  }
0xaa: {  	[sflag:s23] =	ssyncset.done $0x0  }
0xab: {  	s25 =	simm.s32 $0x1B8E;
	s24 =	sld [smem:$0x3FFE];
	[sflag:s23] =	ssyncadd.s32 $0xFFFFFFFF  }
0xac: {  	s26 =	simm.s32 $execute0_lowered;
	[smem:$0x3FD2] =	sst s25  }
0xad: {  	s7 =	sshll.u32 s26, $0x1;
	_ =	strace $0x80000046;
	[dreg:$0x1] =	wrdreg $0xFFFFFFFF  }
0xae: {  	s28 =	simm.s32 $_size_execute0_lowered;
	s5 =	sadd.s32 s5, s7;
	[dreg:$0x0] =	wrdreg $0x0  }
0xaf: {  	s7 =	sshll.u32 s28, $0x1;
	[dreg:$0x2] =	wrdreg s5  }
0xb0: {  	[dreg:$0x3] =	wrdreg s7  }
0xb1: {  	[dreg:$0x4] =	wrdreg $0xC0  }
0xb2: {  	_ =	task [dreg:s9], $0x5FFFF  }
0xb3: {  	[dreg:$0x1] =	wrdreg $0xFFFFFFFF  }
0xb4: {  	[dreg:$0x0] =	wrdreg $0x60  }
0xb5: {  	[dreg:$0x2] =	wrdreg s15  }
0xb6: {  	[dreg:$0x3] =	wrdreg s4  }
0xb7: {  	[dreg:$0x4] =	wrdreg s24  }
0xb8: {  	[dreg:$0x5] =	wrdreg s16  }
0xb9: {  	[dreg:$0x6] =	wrdreg $0x9  }
0xba: {  	_ =	task.clear_ibuf [dreg:s9], $0x7FFFF;
	_ =	strace $0x90000046  }
0xbb: {  	s29 =	simm.s32 $0x9;
	_ =	strace $0x80000048  }
0xbc: {  	_ =	swait.ge [sflag:s29], $0x1  }
0xbd: {  	[sflag:s29] =	ssyncadd.s32 $0xFFFFFFFF  }
0xbe: {  	_ =	strace $0x90000048  }
0xbf: {  	_ =	sfence  }
0xc0: {  	s30 =	sld [smem:$0x0];
	_ =	sdelay $0x2  }
0xc1: {  	s31 =	sshll.u32 s1, $0xD;
	s1 =	sshrl.u32 s1, $0x2  }
0xc2: {  	s3 =	sand.u32 $0x4000, s31;
	s1 =	sadd.s32 s1, s30  }
0xc3: {  	s0 =	sor.u32 s3, s0;
	s1 =	sshll.u32 s1, $0x11  }
0xc4: {  	s0 =	sor.u32 s1, s0  }
0xc5: {  	s0 =	sadd.s32 $0x8F2B, s0  }
0xc6: {  	[sflag:s0] =	ssyncadd.remote.s32 $0x1  }
0xc7: {  	_ =	sfence.sel $0xFFFF  }
0xc8: {  	[dreg:$0x0] =	wrdreg $0xFFFFFFFF;
	(pc) =	sbr.abs _section_cstart, $3  }
0xc9: {  	[dreg:$0x1] =	wrdreg $0xFFFFFFFF  }
0xca: {  	_ =	task.clear_ibuf [dreg:s9], $0x2FFFF;
	_ =	strace $0x9FFFFFFF  }
0xcb: {  	(tm) =	ssettm $0x7FFFFFFF  }
tec
execute0_lowered:
.L_overlay_start_1:
0x0: {  	(tag) =	ssettag $0x1  }
0x1: {  	s5 =	rddreg [dreg:$0x0]  }
0x2: {  	s6 =	rddreg [dreg:$0x1]  }
0x3: {  	s7 =	rddreg [dreg:$0x2]  }
0x4: {  	s8 =	rddreg [dreg:$0x3]  }
0x5: {  	s0 =	rddreg [dreg:$0x4];
	s3 =	srdreg.scid  }
0x6: {  	s2 =	simm.s32 $0x0;
	s1 =	stileid.u32;
	s13 =	simm.s32 $0x400  }
0x7: {  	s14 =	simm.s32 $0x2400;
	s15 =	simm.s32 $0x280;
	s16 =	simm.s32 $0xC00  }
0x8: {  	s17 =	simm.s32 $0x2C00;
	s18 =	simm.s32 $0x300;
	s19 =	simm.s32 $0x1400  }
0x9: {  	s20 =	simm.s32 $0x100;
	s21 =	simm.s32 $0x3400;
	s22 =	simm.s32 $0x380  }
0xa: {  	s23 =	simm.s32 $0x1C00;
	s24 =	simm.s32 $0x180;
	s25 =	simm.s32 $0x3C00  }
0xb: {  	s26 =	simm.s32 $0x1;
	s28 =	simm.s32 $0x0;
	s9 =	sand.u32 $0x1, s3  }
0xc: {  	[smem:$0x7FF] =	sst s2;
	s4 =	sshll.u32 s1, $0xA;
	s3 =	sadd.s32 $0x2A00, s7  }
0xd: {  	s10 =	sshll.u32 s9, $0x9;
	_ =	strace $0x80000047;
	s9 =	ssub.s32 $0x2, s9  }
0xe: {  	s10 =	sor.u32 s10, s4;
	s4 =	sadd.s32 $0x1F2A00, s7;
	s31 =	sshrl.u32 s9, $0x1  }
0xf: {  	s11 =	sshll.u32 s10, $0x1;
	s10 =	sshrl.u32 s10, $0x3;
	s9 =	ssub.s32 s9, s31  }
0x10: {  	s12 =	sadd.s32 s11, s7;
	s5 =	sadd.s32 s5, s10;
	s6 =	sadd.s32 s6, s10  }
0x11: {  	s7 =	sadd.s32 s8, s11;
	s9 =	smax.u32 s9, $0x1;
	s10 =	simm.s32 $0x2  }
0x12: {  	s11 =	simm.s32 $0x200;
	s8 =	sadd.s32 $0x3E2A00, s12;
	s12 =	simm.s32 $0x80  }
.LBB2_1:
0x13: {  	[tilespmem:s2], [sflag:$0x2] =	stream.linear.gather [hbm4b:s5+s2], $0x200, $0x38;
	[tilespmem:$0x4400] =	vst v63  }
0x14: {  	_ =	swait.ge [sflag:s10], $0x200  }
0x15: {  	[sflag:s10] =	ssyncset.done $0x0  }
0x16: {  	[sflag:s10] =	ssyncadd.s32 $0xFFFFFE00  }
0x17: {  	[tilespmem:s11], [sflag:$0x2] =	stream.linear.gather [hbm4b:s6+s2], $0x200, $0x38;
	[tilespmem:$0x4400] =	vst v63  }
0x18: {  	_ =	swait.ge [sflag:s10], $0x200  }
0x19: {  	[sflag:s10] =	ssyncset.done $0x0  }
0x1a: {  	s29 =	simm.s32 $0x0;
	[sflag:s10] =	ssyncadd.s32 $0xFFFFFE00  }
0x1b: {  	v0 =	vld [tilespmem:s29+$0x0]  }
0x1c: {  	v1 =	vld [tilespmem:s29+$0x200]  }
0x1d: {  	v6 =	vld [tilespmem:s29+$0x210];
	_ =	sdelay $0x1  }
0x1e: {  	v2 =	vld [tilespmem:s29+$0x10]  }
0x1f: {  	v3 =	vand.u32 $0xFFFFFC00, v0;
	v4 =	vshll.u32 v0, $0x3;
	v0 =	vshrl.u32 v0, $0x7  }
0x20: {  	v11 =	vld [tilespmem:s29+$0x230];
	v5 =	vshll.u32 v1, $0x3;
	v7 =	vand.u32 $0xFFFFFC00, v1;
	v1 =	vshrl.u32 v1, $0x7  }
0x21: {  	v8 =	vand.u32 $0xFFFFFC00, v6;
	v4 =	vand.u32 $0x3F8, v4;
	v0 =	vand.u32 $0x7, v0  }
0x22: {  	v5 =	vand.u32 $0x3F8, v5;
	v1 =	vand.u32 $0x7, v1;
	v3 =	vor.u32 v3, v4  }
0x23: {  	v4 =	vor.u32 v7, v5;
	v5 =	vand.u32 $0xFFFFFC00, v2;
	v7 =	vld [tilespmem:s29+$0x220];
	v3 =	vor.u32 v0, v3  }
0x24: {  	v4 =	vor.u32 v1, v4;
	v0 =	vshll.u32 v2, $0x3;
	v1 =	vld [tilespmem:s29+$0x20];
	v2 =	vshrl.u32 v2, $0x7  }
0x25: {  	v13 =	vand.u32 $0xFFFFFC00, v11;
	v0 =	vand.u32 $0x3F8, v0;
	v2 =	vand.u32 $0x7, v2  }
0x26: {  	v0 =	vor.u32 v5, v0;
	v5 =	vshll.u32 v6, $0x3;
	v6 =	vshrl.u32 v6, $0x7  }
0x27: {  	v5 =	vand.u32 $0x3F8, v5;
	v9 =	vor.u32 v2, v0;
	v2 =	vand.u32 $0x7, v6  }
0x28: {  	v0 =	vor.u32 v8, v5;
	v10 =	vshll.u32 v7, $0x3;
	v12 =	vand.u32 $0xFFFFFC00, v7  }
0x29: {  	v8 =	vld [tilespmem:s29+$0x30];
	v7 =	vshrl.u32 v7, $0x7;
	v5 =	vand.u32 $0xFFFFFC00, v1;
	v6 =	vshll.u32 v1, $0x3  }
0x2a: {  	v1 =	vshrl.u32 v1, $0x7;
	v10 =	vand.u32 $0x3F8, v10;
	v6 =	vand.u32 $0x3F8, v6  }
0x2b: {  	v7 =	vand.u32 $0x7, v7;
	v1 =	vand.u32 $0x7, v1;
	v5 =	vor.u32 v5, v6  }
0x2c: {  	v6 =	vor.u32 v12, v10;
	v10 =	vor.u32 v2, v0;
	v2 =	vld [tilespmem:s29+$0x40];
	v5 =	vor.u32 v1, v5  }
0x2d: {  	v12 =	vor.u32 v7, v6;
	v7 =	vshll.u32 v11, $0x3;
	v11 =	vshrl.u32 v11, $0x7  }
0x2e: {  	v0 =	vand.u32 $0xFFFFFC00, v8;
	v1 =	vshll.u32 v8, $0x3;
	v6 =	vshrl.u32 v8, $0x7;
	v8 =	vld [tilespmem:s29+$0x240]  }
0x2f: {  	v7 =	vand.u32 $0x3F8, v7;
	v11 =	vand.u32 $0x7, v11;
	v1 =	vand.u32 $0x3F8, v1  }
0x30: {  	v6 =	vand.u32 $0x7, v6;
	v7 =	vor.u32 v13, v7;
	v0 =	vor.u32 v0, v1  }
0x31: {  	v1 =	vor.u32 v6, v0;
	v0 =	vor.u32 v11, v7;
	v6 =	vshll.u32 v2, $0x3;
	v7 =	vld [tilespmem:s29+$0x50]  }
0x32: {  	v63 =	vld [tilespmem:s29+$0x250];
	v11 =	vand.u32 $0xFFFFFC00, v2;
	v2 =	vshrl.u32 v2, $0x7;
	v6 =	vand.u32 $0x3F8, v6  }
0x33: {  	v2 =	vand.u32 $0x7, v2;
	v6 =	vor.u32 v11, v6;
	v11 =	vshll.u32 v8, $0x3  }
0x34: {  	[tilespmem:s29+$0x0] =	vst v3;
	v3 =	vand.u32 $0xFFFFFC00, v8;
	v8 =	vshrl.u32 v8, $0x7;
	v11 =	vand.u32 $0x3F8, v11  }
0x35: {  	v14 =	vld [tilespmem:s29+$0x60];
	v2 =	vor.u32 v2, v6;
	v6 =	vand.u32 $0x7, v8;
	v3 =	vor.u32 v3, v11  }
0x36: {  	[tilespmem:s29+$0x200] =	vst v4;
	v8 =	vand.u32 $0xFFFFFC00, v7;
	v11 =	vshll.u32 v7, $0x3;
	v7 =	vshrl.u32 v7, $0x7  }
0x37: {  	v4 =	vld [tilespmem:s29+$0x260];
	[tilespmem:s29+$0x10] =	vst v9;
	v9 =	vand.u32 $0xFFFFFC00, v63;
	v15 =	vand.u32 $0x7, v7;
	v7 =	vshll.u32 v63, $0x3  }
0x38: {  	v13 =	vshrl.u32 v63, $0x7;
	v11 =	vand.u32 $0x3F8, v11;
	v7 =	vand.u32 $0x3F8, v7  }
0x39: {  	[tilespmem:s29+$0x210] =	vst v10;
	v10 =	vand.u32 $0x7, v13;
	v8 =	vor.u32 v8, v11;
	v9 =	vor.u32 v9, v7  }
0x3a: {  	[tilespmem:s29+$0x20] =	vst v5;
	v5 =	vld [tilespmem:s29+$0x70];
	v7 =	vor.u32 v6, v3;
	v6 =	vor.u32 v15, v8;
	v8 =	vand.u32 $0xFFFFFC00, v14  }
0x3b: {  	s30 =	simm.s32 $0x200;
	[tilespmem:s29+$0x220] =	vst v12;
	v3 =	vor.u32 v10, v9;
	v9 =	vshll.u32 v14, $0x3;
	v10 =	vshrl.u32 v14, $0x7  }
.LBB2_2:
0x3c: {  	p0 =	sne.s32 s30, $0x600;
	[tilespmem:s29+$0x30] =	vst v1;
	v1 =	vand.u32 $0x3F8, v9;
	v9 =	vand.u32 $0x7, v10;
	v10 =	vshll.u32 v4, $0x3;
	v11 =	vld [tilespmem:s29+$0x270]  }
0x3d: {  	[tilespmem:s29+$0x230] =	vst v0;
	v0 =	vand.u32 $0xFFFFFC00, v4;
	v10 =	vand.u32 $0x3F8, v10;
	v4 =	vshrl.u32 v4, $0x7  }
0x3e: {  	v1 =	vor.u32 v8, v1;
	[tilespmem:s29+$0x40] =	vst v2;
	v0 =	vor.u32 v0, v10;
	v2 =	vand.u32 $0x7, v4  }
0x3f: {  	s31 =	sshra.s32 s30, $0x2;
	v1 =	vor.u32 v9, v1;
	[tilespmem:s29+$0x240] =	vst v7;
	v0 =	vor.u32 v2, v0;
	v2 =	vshll.u32 v5, $0x3  }
0x40: {  	v4 =	vld [tilespmem:s31+$0x0];
	[tilespmem:s29+$0x50] =	vst v6;
	v6 =	vand.u32 $0xFFFFFC00, v5;
	v2 =	vand.u32 $0x3F8, v2;
	v5 =	vshrl.u32 v5, $0x7  }
0x41: {  	v7 =	vld [tilespmem:s31+$0x200];
	[tilespmem:s29+$0x250] =	vst v3;
	v2 =	vor.u32 v6, v2;
	v3 =	vand.u32 $0x7, v5;
	v5 =	vshll.u32 v11, $0x3  }
0x42: {  	v6 =	vshrl.u32 v11, $0x7;
	[tilespmem:s29+$0x60] =	vst v1;
	v1 =	vand.u32 $0xFFFFFC00, v11;
	v5 =	vand.u32 $0x3F8, v5  }
0x43: {  	[tilespmem:s29+$0x260] =	vst v0;
	v0 =	vor.u32 v3, v2;
	v1 =	vor.u32 v1, v5;
	v2 =	vand.u32 $0x7, v6  }
0x44: {  	v3 =	vld [tilespmem:s31+$0x10];
	[tilespmem:s29+$0x70] =	vst v0;
	v0 =	vor.u32 v2, v1  }
0x45: {  	v1 =	vand.u32 $0xFFFFFC00, v4;
	v2 =	vshll.u32 v4, $0x3;
	v4 =	vshrl.u32 v4, $0x7;
	[tilespmem:s29+$0x270] =	vst v0;
	s29 =	smov.u32 s31  }
0x46: {  	v0 =	vand.u32 $0x3F8, v2;
	v2 =	vand.u32 $0x7, v4;
	v4 =	vshll.u32 v7, $0x3;
	v5 =	vld [tilespmem:s29+$0x210]  }
0x47: {  	v6 =	vand.u32 $0xFFFFFC00, v7;
	v7 =	vshrl.u32 v7, $0x7;
	v4 =	vand.u32 $0x3F8, v4  }
0x48: {  	v0 =	vor.u32 v1, v0;
	v1 =	vor.u32 v6, v4;
	v4 =	vand.u32 $0x7, v7  }
0x49: {  	v6 =	vor.u32 v2, v0;
	v4 =	vor.u32 v4, v1;
	v0 =	vshll.u32 v3, $0x3;
	v1 =	vld [tilespmem:s29+$0x20]  }
0x4a: {  	v2 =	vand.u32 $0xFFFFFC00, v3;
	v3 =	vshrl.u32 v3, $0x7;
	v0 =	vand.u32 $0x3F8, v0;
	v7 =	vld [tilespmem:s29+$0x220]  }
0x4b: {  	v0 =	vor.u32 v2, v0;
	v2 =	vand.u32 $0x7, v3;
	v3 =	vshll.u32 v5, $0x3  }
0x4c: {  	v8 =	vand.u32 $0xFFFFFC00, v5;
	v5 =	vshrl.u32 v5, $0x7;
	v3 =	vand.u32 $0x3F8, v3  }
0x4d: {  	v9 =	vor.u32 v2, v0;
	v2 =	vand.u32 $0x7, v5;
	v0 =	vor.u32 v8, v3  }
0x4e: {  	v3 =	vand.u32 $0xFFFFFC00, v1;
	v5 =	vshll.u32 v1, $0x3;
	v1 =	vshrl.u32 v1, $0x7;
	v8 =	vld [tilespmem:s29+$0x30]  }
0x4f: {  	v5 =	vand.u32 $0x3F8, v5;
	v1 =	vand.u32 $0x7, v1;
	v10 =	vshll.u32 v7, $0x3;
	v11 =	vld [tilespmem:s29+$0x230]  }
0x50: {  	v12 =	vand.u32 $0xFFFFFC00, v7;
	v7 =	vshrl.u32 v7, $0x7;
	v10 =	vand.u32 $0x3F8, v10  }
0x51: {  	v3 =	vor.u32 v3, v5;
	v7 =	vand.u32 $0x7, v7;
	v5 =	vor.u32 v12, v10  }
0x52: {  	v10 =	vor.u32 v2, v0;
	v3 =	vor.u32 v1, v3;
	v12 =	vor.u32 v7, v5;
	v2 =	vld [tilespmem:s29+$0x40]  }
0x53: {  	v0 =	vand.u32 $0xFFFFFC00, v8;
	v1 =	vshll.u32 v8, $0x3;
	v5 =	vshrl.u32 v8, $0x7  }
0x54: {  	v1 =	vand.u32 $0x3F8, v1;
	v5 =	vand.u32 $0x7, v5;
	v7 =	vshll.u32 v11, $0x3;
	v8 =	vld [tilespmem:s29+$0x240]  }
0x55: {  	v13 =	vand.u32 $0xFFFFFC00, v11;
	v11 =	vshrl.u32 v11, $0x7;
	v7 =	vand.u32 $0x3F8, v7  }
0x56: {  	v0 =	vor.u32 v0, v1;
	v11 =	vand.u32 $0x7, v11;
	v7 =	vor.u32 v13, v7  }
0x57: {  	v1 =	vor.u32 v5, v0;
	v0 =	vor.u32 v11, v7;
	v5 =	vshll.u32 v2, $0x3;
	v7 =	vld [tilespmem:s29+$0x50]  }
0x58: {  	v11 =	vand.u32 $0xFFFFFC00, v2;
	v2 =	vshrl.u32 v2, $0x7;
	v5 =	vand.u32 $0x3F8, v5;
	v13 =	vld [tilespmem:s29+$0x250]  }
0x59: {  	v2 =	vand.u32 $0x7, v2;
	v5 =	vor.u32 v11, v5;
	v11 =	vshll.u32 v8, $0x3  }
0x5a: {  	v14 =	vand.u32 $0xFFFFFC00, v8;
	v8 =	vshrl.u32 v8, $0x7;
	v11 =	vand.u32 $0x3F8, v11  }
0x5b: {  	v2 =	vor.u32 v2, v5;
	v8 =	vand.u32 $0x7, v8;
	v5 =	vor.u32 v14, v11  }
0x5c: {  	[tilespmem:s29+$0x0] =	vst v6;
	v6 =	vand.u32 $0xFFFFFC00, v7;
	v11 =	vshll.u32 v7, $0x3;
	v7 =	vshrl.u32 v7, $0x7;
	v14 =	vld [tilespmem:s29+$0x60]  }
.Ltmp0:
0x5d: {  	[tilespmem:s29+$0x200] =	vst v4;
	v11 =	vand.u32 $0x3F8, v11;
	v15 =	vand.u32 $0x7, v7;
	v7 =	vshll.u32 v13, $0x3;
	v4 =	vld [tilespmem:s29+$0x260];
	(pc) =	sbr.rel @p0 .LBB2_2-.Ltmp0, $4  }
0x5e: {  	[tilespmem:s29+$0x10] =	vst v9;
	v9 =	vand.u32 $0xFFFFFC00, v13;
	v7 =	vand.u32 $0x3F8, v7;
	v13 =	vshrl.u32 v13, $0x7  }
0x5f: {  	v6 =	vor.u32 v6, v11;
	[tilespmem:s29+$0x210] =	vst v10;
	v9 =	vor.u32 v9, v7;
	v10 =	vand.u32 $0x7, v13  }
0x60: {  	v7 =	vor.u32 v8, v5;
	v6 =	vor.u32 v15, v6;
	[tilespmem:s29+$0x20] =	vst v3;
	v3 =	vor.u32 v10, v9;
	v5 =	vld [tilespmem:s29+$0x70]  }
0x61: {  	s30 =	sadd.s32 $0x200, s30;
	[tilespmem:s29+$0x220] =	vst v12;
	v8 =	vand.u32 $0xFFFFFC00, v14;
	v9 =	vshll.u32 v14, $0x3;
	v10 =	vshrl.u32 v14, $0x7  }
0x62: {  	[tilespmem:s29+$0x30] =	vst v1;
	v48 =	vand.u32 $0x3F8, v9;
	v49 =	vand.u32 $0x7, v10;
	v50 =	vshll.u32 v4, $0x3;
	v11 =	vld [tilespmem:s29+$0x270]  }
0x63: {  	[tilespmem:s29+$0x230] =	vst v0;
	v51 =	vand.u32 $0xFFFFFC00, v4;
	v52 =	vshrl.u32 v4, $0x7;
	v10 =	vand.u32 $0x3F8, v50  }
0x64: {  	[tilespmem:s29+$0x40] =	vst v2;
	v1 =	vor.u32 v8, v48;
	v53 =	vand.u32 $0x7, v52;
	v0 =	vor.u32 v51, v10  }
0x65: {  	[tilespmem:s29+$0x240] =	vst v7;
	v1 =	vor.u32 v49, v1;
	v0 =	vor.u32 v53, v0;
	v54 =	vshll.u32 v5, $0x3  }
0x66: {  	[tilespmem:s29+$0x50] =	vst v6;
	v55 =	vand.u32 $0xFFFFFC00, v5;
	v56 =	vshrl.u32 v5, $0x7;
	v2 =	vand.u32 $0x3F8, v54  }
0x67: {  	[tilespmem:s29+$0x250] =	vst v3;
	v57 =	vand.u32 $0x7, v56;
	v2 =	vor.u32 v55, v2;
	v58 =	vshll.u32 v11, $0x3  }
0x68: {  	[tilespmem:s29+$0x60] =	vst v1;
	v59 =	vand.u32 $0xFFFFFC00, v11;
	v60 =	vshrl.u32 v11, $0x7;
	v4 =	vand.u32 $0x3F8, v58  }
0x69: {  	[tilespmem:s29+$0x260] =	vst v0;
	v61 =	vor.u32 v57, v2;
	v62 =	vand.u32 $0x7, v60;
	v1 =	vor.u32 v59, v4  }
0x6a: {  	[tilespmem:s29+$0x70] =	vst v61;
	v63 =	vor.u32 v62, v1  }
0x6b: {  	[tilespmem:s29+$0x270] =	vst v63  }
0x6c: {  	[tilespmem:s13], [sflag:$0x1] =	stream.indirect.gather [hbm4b:s3+s12], $0x10, s11, s12, $0xb8;
	[tilespmem:$0x4400] =	vst v63  }
0x6d: {  	_ = 	snop  }
0x6e: {  	[tilespmem:s14], [sflag:$0x1] =	stream.indirect.gather [hbm4b:s4+s12], $0x10, s2, s12, $0xb8;
	[tilespmem:$0x4400] =	vst v63  }
0x6f: {  	_ = 	snop  }
0x70: {  	[tilespmem:s16], [sflag:$0x1] =	stream.indirect.gather [hbm4b:s3+s12], $0x10, s15, s12, $0xb8;
	[tilespmem:$0x4400] =	vst v63  }
0x71: {  	_ = 	snop  }
0x72: {  	[tilespmem:s17], [sflag:$0x1] =	stream.indirect.gather [hbm4b:s4+s12], $0x10, s12, s12, $0xb8;
	[tilespmem:$0x4400] =	vst v63  }
0x73: {  	_ = 	snop  }
0x74: {  	[tilespmem:s19], [sflag:$0x1] =	stream.indirect.gather [hbm4b:s3+s12], $0x10, s18, s12, $0xb8;
	[tilespmem:$0x4400] =	vst v63  }
0x75: {  	_ = 	snop  }
0x76: {  	[tilespmem:s21], [sflag:$0x1] =	stream.indirect.gather [hbm4b:s4+s12], $0x10, s20, s12, $0xb8;
	[tilespmem:$0x4400] =	vst v63  }
0x77: {  	_ = 	snop  }
0x78: {  	[tilespmem:s23], [sflag:$0x1] =	stream.indirect.gather [hbm4b:s3+s12], $0x10, s22, s12, $0xb8;
	[tilespmem:$0x4400] =	vst v63  }
0x79: {  	_ = 	snop  }
0x7a: {  	[tilespmem:s25], [sflag:$0x1] =	stream.indirect.gather [hbm4b:s4+s12], $0x10, s24, s12, $0xb8;
	[tilespmem:$0x4400] =	vst v63  }
0x7b: {  	_ =	swait.ge [sflag:s26], $0x800  }
0x7c: {  	[sflag:s26] =	ssyncset.done $0x0  }
0x7d: {  	[sflag:s26] =	ssyncadd.s32 $0xFFFFF800  }
0x7e: {  	_ =	swait.ge [sflag:s26], $0x800  }
0x7f: {  	[sflag:s26] =	ssyncset.done $0x0  }
0x80: {  	[sflag:s26] =	ssyncadd.s32 $0xFFFFF800  }
0x81: {  	_ =	swait.ge [sflag:s26], $0x800  }
0x82: {  	[sflag:s26] =	ssyncset.done $0x0  }
0x83: {  	[sflag:s26] =	ssyncadd.s32 $0xFFFFF800  }
0x84: {  	_ =	swait.ge [sflag:s26], $0x800  }
0x85: {  	[sflag:s26] =	ssyncset.done $0x0  }
0x86: {  	[sflag:s26] =	ssyncadd.s32 $0xFFFFF800  }
0x87: {  	_ =	swait.ge [sflag:s26], $0x800  }
0x88: {  	[sflag:s26] =	ssyncset.done $0x0  }
0x89: {  	[sflag:s26] =	ssyncadd.s32 $0xFFFFF800  }
0x8a: {  	_ =	swait.ge [sflag:s26], $0x800  }
0x8b: {  	[sflag:s26] =	ssyncset.done $0x0  }
0x8c: {  	[sflag:s26] =	ssyncadd.s32 $0xFFFFF800  }
0x8d: {  	_ =	swait.ge [sflag:s26], $0x800  }
0x8e: {  	[sflag:s26] =	ssyncset.done $0x0  }
0x8f: {  	[sflag:s26] =	ssyncadd.s32 $0xFFFFF800  }
0x90: {  	_ =	swait.ge [sflag:s26], $0x800  }
0x91: {  	[sflag:s26] =	ssyncset.done $0x0  }
0x92: {  	[sflag:s26] =	ssyncadd.s32 $0xFFFFF800  }
0x93: {  	[hbm4b:s7+s2] =	stream.linear.scatter [tilespmem:s13], [sflag:$0x2], $0x2000, $0x38;
	[tilespmem:$0x4400] =	vst v63  }
0x94: {  	s28 =	sadd.s32 $0x1, s28;
	_ =	swait.ge [sflag:s10], $0x2000  }
0x95: {  	p0 =	sne.s32 s28, s9;
	[sflag:s10] =	ssyncset.done $0x0  }
.Ltmp1:
0x96: {  	[sflag:s10] =	ssyncadd.s32 $0xFFFFE000;
	(pc) =	sbr.rel @p0 .LBB2_1-.Ltmp1, $4  }
0x97: {  	[hbm4b:s8+s2] =	stream.linear.scatter [tilespmem:s14], [sflag:$0x2], $0x2000, $0x38;
	[tilespmem:$0x4400] =	vst v63  }
0x98: {  	_ =	swait.ge [sflag:s10], $0x2000  }
0x99: {  	[sflag:s10] =	ssyncset.done $0x0  }
0x9a: {  	[sflag:s10] =	ssyncadd.s32 $0xFFFFE000  }
0x9b: {  	_ =	sfence.sel $0x180000  }
0x9c: {  	[bflag:$0x0] =	sbarrier.arrive $0xFFFF  }
0x9d: {  	p0 =	sne.s32 s1, $0x0;
	_ =	strace $0x90000047  }
0x9e: {  	s0 =	sadd.s32 @!p0 $0x100000, s0;
	[bflag:$0x2] =	sbarrier.arrive $0xFFFF  }
0x9f: {  	[sflag:s0] =	ssyncadd.tile.s32 @!p0 $0x1;
	_ =	shalt  }
.Lfunc_end2:
_tile_overlayer_lowered:
.L_overlay_start_2:
0xa0: {  	(tag) =	ssettag $0x2  }
0xa1: {  	s0 =	rddreg [dreg:$0x0];
	s2 =	stileid.u32  }
0xa2: {  	s1 =	rddreg [dreg:$0x1];
	p0 =	sne.s32 s2, $0x0  }
0xa3: {  	s3 =	rddreg [dreg:$0x2];
	[bflag:$0x3] =	sbarrier.arrive $0xFFFF;
	s2 =	simm.s32 @!p0 $0x1C02  }
0xa4: {  	[timem:s3], [sflag:s2] =	dma.local @!p0 [hbm:s0], s1  }
0xa5: {  	s0 =	simm.s32 @!p0 $0x2  }
0xa6: {  	_ =	swait.ge @!p0 [sflag:s0], s1  }
0xa7: {  	s1 =	ssub.s32 @!p0 $0x0, s1;
	[sflag:s0] =	ssyncset.done @!p0 $0x0  }
0xa8: {  	[sflag:s0] =	ssyncadd.s32 @!p0 s1  }
0xa9: {  	[bflag:$0x3] =	sbarrier.arrive $0xFFFF  }
0xaa: {  	_ =	shalt  }

</sc_bundles>
